<compile_context>
chip_gen: v7x
topology: tpu7x:2x2x1
jax: 0.10.2.dev20260603
libtpu: 0.0.44.dev20260713+nightly
codegen_flags: <defaults>
</compile_context>

<pallas_src>
import functools

import jax
import jax.numpy as jnp
from jax import lax
from jax.experimental import pallas as pl
from jax.experimental.pallas import tpu as pltpu
from jax.experimental.pallas import tpu_sc as plsc

_N = 100000
_E = 3200000
_G = 1000
_D = 16

_NC = 2
_NS = 16
_NW = _NC * _NS

_CH = 128
_T1 = 4
_T2 = 6
_CPS = 792
_EPAD = _NW * _CPS * _CH
_NCHUNK = _EPAD // _CH
_NCHUNKP = _NCHUNK + 8

_R = 100096
_RPS = _R // _NS
_ZC = _RPS // 4
_ZW = 3136

_BN = 4000

_RP = 102400
_NPCH = _RP // _CH
_PPS = _NPCH // _NS
_GP = 1024
_GPS = _GP // _NS


def _mesh():
    return plsc.VectorSubcoreMesh(core_axis_name="c", subcore_axis_name="s")


def _make_edge_pass(with_cnt: bool, t: int, cps0: int, cps1: int):
    assert cps0 + cps1 == 2 * _CPS
    assert cps0 % (2 * t) == 0 and cps1 % (2 * t) == 0
    out_type = [jax.ShapeDtypeStruct((_NC, _R, _D), jnp.float32)]
    if with_cnt:
        out_type.append(jax.ShapeDtypeStruct((_NC, _R), jnp.float32))
    scratch = []
    for _ in range(2):
        scratch += [
            pltpu.VMEM((t, _CH), jnp.int32),
            pltpu.VMEM((t, _CH), jnp.int32),
            pltpu.VMEM((t * _CH, _D), jnp.float32),
        ]
    scratch.append(pltpu.VMEM_SHARED((_R, _D), jnp.float32))
    if with_cnt:
        scratch += [
            pltpu.VMEM((_CH,), jnp.float32),
            pltpu.VMEM((_ZW,), jnp.float32),
            pltpu.VMEM_SHARED((_R + 16,), jnp.float32),
        ]
    scratch += [pltpu.SemaphoreType.DMA] * (8 if with_cnt else 6)

    @functools.partial(
        pl.kernel, mesh=_mesh(), out_type=out_type, scratch_types=scratch,
        compiler_params=pltpu.CompilerParams(use_tc_tiling_on_sc=False))
    def edge_pass(table, srcg, dstg, *rest):
        rest = list(rest)
        acc_out = rest.pop(0)
        cnt_out = rest.pop(0) if with_cnt else None
        idx_s = [rest[0], rest[3]]
        idx_d = [rest[1], rest[4]]
        rows = [rest[2], rest[5]]
        acc_sh = rest[6]
        if with_cnt:
            ones, zbuf, cnt_sh = rest[7], rest[8], rest[9]
            isem = rest[10:12]
            gsem = rest[12:14]
            ssem = rest[14:16]
            csem = rest[16:18]
        else:
            isem = rest[7:9]
            gsem = rest[9:11]
            ssem = rest[11:13]
        c = lax.axis_index("c")
        s = lax.axis_index("s")
        w = c * _NS + s

        @pl.loop(0, _ZC)
        def _(i):
            rows[0][i, :] = jnp.zeros((_D,), jnp.float32)

        for k in range(4):
            pltpu.sync_copy(rows[0].at[pl.ds(0, _ZC)],
                            acc_sh.at[pl.ds(s * _RPS + k * _ZC, _ZC)])
        if with_cnt:
            @pl.loop(0, _ZW // 16)
            def _(i):
                zbuf[pl.ds(i * 16, 16)] = jnp.zeros((16,), jnp.float32)

            for k in range(2):
                pltpu.sync_copy(zbuf,
                                cnt_sh.at[pl.ds(s * _RPS + k * _ZW, _ZW)])

            @pl.loop(0, _CH // 16)
            def _(i):
                ones[pl.ds(i * 16, 16)] = jnp.ones((16,), jnp.float32)

        plsc.subcore_barrier()

        base = jnp.where(c == 0, s * cps0, _NS * cps0 + s * cps1)
        pairs = jnp.where(c == 0, cps0 // (2 * t), cps1 // (2 * t))

        def load_idx(b, it):
            c0 = base + it * t
            pltpu.async_copy(srcg.at[pl.ds(c0, t)], idx_s[b], isem[b])
            pltpu.async_copy(dstg.at[pl.ds(c0, t)], idx_d[b], isem[b])

        def wait_idx(b):
            pltpu.make_async_copy(srcg.at[pl.ds(0, t)], idx_s[b],
                                  isem[b]).wait()
            pltpu.make_async_copy(dstg.at[pl.ds(0, t)], idx_d[b],
                                  isem[b]).wait()

        def run_gathers(b):
            hs = [pltpu.async_copy(table.at[idx_s[b].at[j]],
                                   rows[b].at[pl.ds(j * _CH, _CH)], gsem[b])
                  for j in range(t)]
            for h in hs:
                h.wait()

        def fire_scatters(b):
            for j in range(t):
                pltpu.async_copy(rows[b].at[pl.ds(j * _CH, _CH)],
                                 acc_sh.at[idx_d[b].at[j]], ssem[b],
                                 add=True)
                if with_cnt:
                    pltpu.async_copy(ones, cnt_sh.at[idx_d[b].at[j]],
                                     csem[b], add=True)

        def drain_scatters(b):
            for j in range(t):
                pltpu.make_async_copy(rows[b].at[pl.ds(j * _CH, _CH)],
                                      acc_sh.at[idx_d[b].at[j]],
                                      ssem[b]).wait()
                if with_cnt:
                    pltpu.make_async_copy(ones, cnt_sh.at[idx_d[b].at[j]],
                                          csem[b]).wait()

        load_idx(0, 0)

        @pl.loop(0, pairs)
        def _(p):
            it0 = p * 2
            wait_idx(0)
            run_gathers(0)

            @pl.when(p > 0)
            def _():
                drain_scatters(1)

            load_idx(1, it0 + 1)
            fire_scatters(0)
            wait_idx(1)
            run_gathers(1)
            drain_scatters(0)
            load_idx(0, it0 + 2)
            fire_scatters(1)

        drain_scatters(1)
        wait_idx(0)
        plsc.subcore_barrier()

        r0 = s * _RPS
        pltpu.sync_copy(acc_sh.at[pl.ds(r0, _RPS)],
                        acc_out.at[c, pl.ds(r0, _RPS)])
        if with_cnt:
            pltpu.sync_copy(cnt_sh.at[pl.ds(r0, _RPS)],
                            cnt_out.at[c, pl.ds(r0, _RPS)])

    return edge_pass


_edge_pass_cnt = _make_edge_pass(True, _T1, 1080, 504)
_edge_pass = _make_edge_pass(False, _T2, 1188, 396)


@functools.partial(pl.kernel, mesh=_mesh(),
                   out_type=[jax.ShapeDtypeStruct((_GP, _D), jnp.float32),
                             jax.ShapeDtypeStruct((_GP,), jnp.float32)],
                   compiler_params=pltpu.CompilerParams(
                       use_tc_tiling_on_sc=False),
                   scratch_types=[
                       pltpu.VMEM((_CH, _D), jnp.float32),
                       pltpu.VMEM((1, _CH), jnp.int32),
                       pltpu.VMEM((_CH,), jnp.float32),
                       pltpu.VMEM((_GPS, _D), jnp.float32),
                       pltpu.VMEM((_GPS,), jnp.float32),
                       pltpu.VMEM_SHARED((_GP, _D), jnp.float32),
                       pltpu.VMEM_SHARED((_GP,), jnp.float32),
                   ])
def _pool_pass(hg, bg, psum_out, pcnt_out, hbuf, ibuf, ones, pbuf, cbuf,
               psum_sh, pcnt_sh):
    c = lax.axis_index("c")
    s = lax.axis_index("s")

    @pl.when(c == 0)
    def _():
        @pl.loop(0, _CH // 16)
        def _(i):
            ones[pl.ds(i * 16, 16)] = jnp.ones((16,), jnp.float32)

        @pl.loop(0, _GPS)
        def _(i):
            pbuf[i, :] = jnp.zeros((_D,), jnp.float32)

        @pl.loop(0, _GPS // 16)
        def _(i):
            cbuf[pl.ds(i * 16, 16)] = jnp.zeros((16,), jnp.float32)

        pltpu.sync_copy(pbuf, psum_sh.at[pl.ds(s * _GPS, _GPS)])
        pltpu.sync_copy(cbuf, pcnt_sh.at[pl.ds(s * _GPS, _GPS)])
        plsc.subcore_barrier()

        @pl.loop(0, _PPS)
        def _(it):
            ch = s * _PPS + it
            pltpu.sync_copy(hg.at[pl.ds(ch * _CH, _CH)], hbuf)
            pltpu.sync_copy(bg.at[ch], ibuf)
            pltpu.sync_copy(hbuf, psum_sh.at[ibuf.at[0]], add=True)
            pltpu.sync_copy(ones, pcnt_sh.at[ibuf.at[0]], add=True)

        plsc.subcore_barrier()

        pltpu.sync_copy(psum_sh.at[pl.ds(s * _GPS, _GPS)], pbuf)
        pltpu.sync_copy(pcnt_sh.at[pl.ds(s * _GPS, _GPS)], cbuf)
        pltpu.sync_copy(pbuf, psum_out.at[pl.ds(s * _GPS, _GPS)])
        pltpu.sync_copy(cbuf, pcnt_out.at[pl.ds(s * _GPS, _GPS)])


def _bdot(a, b):
    return jnp.dot(a.astype(jnp.bfloat16), b.astype(jnp.bfloat16),
                   preferred_element_type=jnp.float32)


def _qp_body(acc_ref, c0_ref, c1_ref, x_ref, w1lt_ref, b1_ref, w1rt_ref,
             h1_ref):
    cnt = jnp.maximum(c0_ref[:] + c1_ref[:], 1.0)
    mean = (acc_ref[0] + acc_ref[1]) / cnt
    h1 = _bdot(mean, w1lt_ref[:]) + b1_ref[:] + _bdot(x_ref[:], w1rt_ref[:])
    h1_ref[:] = jnp.maximum(h1, 0.0)


def _q2_body(acc_ref, c0_ref, c1_ref, h1_ref, w2lt_ref, b2_ref, w2rt_ref,
             h2_ref):
    cnt = jnp.maximum(c0_ref[:] + c1_ref[:], 1.0)
    mean = (acc_ref[0] + acc_ref[1]) / cnt
    h2_ref[:] = (_bdot(mean, w2lt_ref[:]) + b2_ref[:]
                 + _bdot(h1_ref[:], w2rt_ref[:]))


def _fin_body(psum_ref, pcnt_ref, wlint_ref, blin_ref, o_ref):
    cnt = jnp.maximum(pcnt_ref[:], 1.0)
    pooled = psum_ref[:] / cnt
    o_ref[:] = _bdot(pooled, wlint_ref[:]) + blin_ref[0, 0]


def _row_spec():
    return pl.BlockSpec((_BN, _D), lambda i: (i, 0))


def _vec_spec():
    return pl.BlockSpec((_BN, 1), lambda i: (i, 0))


def _w_spec():
    return pl.BlockSpec((_D, _D), lambda i: (0, 0))


def _b_spec():
    return pl.BlockSpec((1, _D), lambda i: (0, 0))


def _acc_spec():
    return pl.BlockSpec((_NC, _BN, _D), lambda i: (0, i, 0))


def kernel(matrix_encodings, edge_index, batch, W1l, b1l, W1r, W2l, b2l, W2r,
           Wlin, blin):
    x = matrix_encodings
    f32, i32 = jnp.float32, jnp.int32
    grid = (_N // _BN,)

    npad = _NCHUNKP * _CH - _E
    srcg = jnp.concatenate(
        [edge_index[0], jnp.zeros((npad,), i32)]).reshape(_NCHUNKP, _CH)
    dstg = jnp.concatenate(
        [edge_index[1], _N + (jnp.arange(npad, dtype=i32) % (_R - _N))]
    ).reshape(_NCHUNKP, _CH)

    acc1, cnt = _edge_pass_cnt(x, srcg, dstg)
    cnt0 = cnt[0].reshape(_R, 1)
    cnt1 = cnt[1].reshape(_R, 1)

    h1 = pl.pallas_call(
        _qp_body, grid=grid,
        in_specs=[_acc_spec(), _vec_spec(), _vec_spec(), _row_spec(),
                  _w_spec(), _b_spec(), _w_spec()],
        out_specs=_row_spec(),
        out_shape=jax.ShapeDtypeStruct((_N, _D), f32),
    )(acc1, cnt0, cnt1, x, W1l.T, b1l.reshape(1, _D), W1r.T)

    (acc2,) = _edge_pass(h1, srcg, dstg)

    h2 = pl.pallas_call(
        _q2_body, grid=grid,
        in_specs=[_acc_spec(), _vec_spec(), _vec_spec(), _row_spec(),
                  _w_spec(), _b_spec(), _w_spec()],
        out_specs=_row_spec(),
        out_shape=jax.ShapeDtypeStruct((_N, _D), f32),
    )(acc2, cnt0, cnt1, h1, W2l.T, b2l.reshape(1, _D), W2r.T)

    hg = jnp.concatenate([h2, jnp.zeros((_RP - _N, _D), f32)])
    bg = jnp.concatenate(
        [batch, jnp.full((_RP - _N,), _G, i32)]).reshape(_NPCH, 1, _CH)
    psum, pcnt = _pool_pass(hg, bg)
    out = pl.pallas_call(
        _fin_body, grid=(1,),
        in_specs=[pl.BlockSpec((_GP, _D), lambda i: (0, 0)),
                  pl.BlockSpec((_GP, 1), lambda i: (0, 0)),
                  pl.BlockSpec((_D, 1), lambda i: (0, 0)),
                  pl.BlockSpec((1, 1), lambda i: (0, 0))],
        out_specs=pl.BlockSpec((_GP, 1), lambda i: (0, 0)),
        out_shape=jax.ShapeDtypeStruct((_GP, 1), f32),
    )(psum, pcnt.reshape(_GP, 1), Wlin.T, blin.reshape(1, 1))
    return out[:_G]

# --- scband reference (transcript-rebuilt; emitter-appended) ---
"""Pipeline reference for scband-pathway-gnnencoder-15101105013418 (READ-ONLY COPY).

The authoritative reference and input builder live on the scoring server;
editing this copy changes nothing except your own understanding.
"""

import jax, jax.numpy as jnp
import numpy as np

N = 100000
E = 3200000
G = 1000
D = 16


def setup_inputs(seed: int = 0) -> dict:
    key = jax.random.key(seed)
    ks = jax.random.split(key, 12)
    x = jax.random.normal(ks[0], (N, D), dtype=jnp.float32)
    edge_index = jax.random.randint(ks[1], (2, E), 0, N, dtype=jnp.int32)
    batch = jnp.sort(jax.random.randint(ks[2], (N,), 0, G, dtype=jnp.int32))
    s = 1.0 / np.sqrt(D)
    W1l = jax.random.uniform(ks[3], (D, D), jnp.float32, -s, s)
    b1l = jax.random.uniform(ks[4], (D,), jnp.float32, -s, s)
    W1r = jax.random.uniform(ks[5], (D, D), jnp.float32, -s, s)
    W2l = jax.random.uniform(ks[6], (D, D), jnp.float32, -s, s)
    b2l = jax.random.uniform(ks[7], (D,), jnp.float32, -s, s)
    W2r = jax.random.uniform(ks[8], (D, D), jnp.float32, -s, s)
    Wlin = jax.random.uniform(ks[9], (1, D), jnp.float32, -s, s)
    blin = jax.random.uniform(ks[10], (1,), jnp.float32, -s, s)
    return {"matrix_encodings": x, "edge_index": edge_index, "batch": batch,
            "W1l": W1l, "b1l": b1l, "W1r": W1r,
            "W2l": W2l, "b2l": b2l, "W2r": W2r,
            "Wlin": Wlin, "blin": blin}


def reference(matrix_encodings, edge_index, batch, W1l, b1l, W1r, W2l, b2l, W2r, Wlin, blin):
    src = edge_index[0]
    dst = edge_index[1]

    def sage_conv(h, Wl, bl, Wr):
        # PyG SAGEConv (aggr='mean'): lin_l(mean_j h_j) + lin_r(h_i)
        msg = jax.ops.segment_sum(h[src], dst, num_segments=N)
        cnt = jax.ops.segment_sum(jnp.ones((E,), h.dtype), dst, num_segments=N)
        mean = msg / jnp.clip(cnt, 1.0)[:, None]
        return mean @ Wl.T + bl + h @ Wr.T

    h = jax.nn.relu(sage_conv(matrix_encodings, W1l, b1l, W1r))
    h = sage_conv(h, W2l, b2l, W2r)  # no activation after final GNN layer

    # MeanAggregation over graphs (equivalent to ptr-based pooling)
    gcnt = jax.ops.segment_sum(jnp.ones((N,), h.dtype), batch, num_segments=G)
    pooled = jax.ops.segment_sum(h, batch, num_segments=G) / jnp.clip(gcnt, 1.0)[:, None]

    return pooled @ Wlin.T + blin

if __name__ == "__main__":
    import jax
    _d = setup_inputs()
    print(jax.jit(kernel)(*tuple(_d.values())))

</pallas_src>

<mosaic_0001>
#map = affine_map<(d0, d1) -> (0, 0)>
#map1 = affine_map<(d0, d1) -> (0, 0, 0)>
module attributes {stable_mosaic.version = 14 : i64} {
  func.func @edge_pass(%arg0: i32, %arg1: i32, %arg2: memref<100000x16xf32, #tpu.memory_space<hbm>>, %arg3: memref<25352x128xi32, #tpu.memory_space<hbm>>, %arg4: memref<25352x128xi32, #tpu.memory_space<hbm>>, %arg5: memref<2x100096x16xf32, #tpu.memory_space<hbm>>, %arg6: memref<2x100096xf32, #tpu.memory_space<hbm>>, %arg7: memref<4x128xi32, #tpu.memory_space<vmem>>, %arg8: memref<4x128xi32, #tpu.memory_space<vmem>>, %arg9: memref<512x16xf32, #tpu.memory_space<vmem>>, %arg10: memref<4x128xi32, #tpu.memory_space<vmem>>, %arg11: memref<4x128xi32, #tpu.memory_space<vmem>>, %arg12: memref<512x16xf32, #tpu.memory_space<vmem>>, %arg13: memref<100096x16xf32, #tpu.memory_space<vmem_shared>>, %arg14: memref<128xf32, #tpu.memory_space<vmem>>, %arg15: memref<3136xf32, #tpu.memory_space<vmem>>, %arg16: memref<100112xf32, #tpu.memory_space<vmem_shared>>, %arg17: memref<!tpu.dma_semaphore, #tpu.memory_space<semaphore_mem>>, %arg18: memref<!tpu.dma_semaphore, #tpu.memory_space<semaphore_mem>>, %arg19: memref<!tpu.dma_semaphore, #tpu.memory_space<semaphore_mem>>, %arg20: memref<!tpu.dma_semaphore, #tpu.memory_space<semaphore_mem>>, %arg21: memref<!tpu.dma_semaphore, #tpu.memory_space<semaphore_mem>>, %arg22: memref<!tpu.dma_semaphore, #tpu.memory_space<semaphore_mem>>, %arg23: memref<!tpu.dma_semaphore, #tpu.memory_space<semaphore_mem>>, %arg24: memref<!tpu.dma_semaphore, #tpu.memory_space<semaphore_mem>>) attributes {dimension_semantics = [#tpu.dimension_semantics<core_parallel>, #tpu.dimension_semantics<subcore_parallel>], iteration_bounds = array<i64: 2, 16>, scalar_prefetch = 0 : i64, scratch_operands = 18 : i64, tpu.core_type = #tpu.core_type<sc_vector_subcore>, window_params = [{transform_indices = #map}, {transform_indices = #map}, {transform_indices = #map}, {transform_indices = #map1}, {transform_indices = #map}]} {
    %mul3A = arith.constant 16 : i32
    %mul3A_0 = arith.muli %arg0, %mul3A : i32
    %add3A = arith.addi %mul3A_0, %arg1 : i32
    %scan3A = arith.constant 0 : i32
    %scan3A_1 = arith.constant 1564 : i32
    %scan3A_2 = arith.addi %scan3A, %scan3A_1 : i32
    %scan3A_3 = arith.constant 1 : i32
    scf.for %scan3A_153 = %scan3A to %scan3A_2 step %scan3A_3  : i32 {
      %mul3A_154 = arith.constant 1 : i32
      %mul3A_155 = arith.muli %scan3A_153, %mul3A_154 : i32
      %add3A_156 = arith.constant 0 : i32
      %add3A_157 = arith.addi %add3A_156, %mul3A_155 : i32
      %broadcast_in_dim3A = arith.constant 0.000000e+00 : f32
      %broadcast_in_dim3A_158 = vector.broadcast %broadcast_in_dim3A : f32 to vector<16xf32>
      %swap3A = arith.index_cast %add3A_157 : i32 to index
      %swap3A_159 = arith.constant 0 : index
      %swap3A_160 = tpu.vector_load %arg9[%swap3A, %swap3A_159] {strides = array<i32>} : memref<512x16xf32, #tpu.memory_space<vmem>>, vector<1x16xf32>,
      %swap3A_161 = vector.shape_cast %swap3A_160 : vector<1x16xf32> to vector<16xf32>
      %swap3A_162 = vector.shape_cast %broadcast_in_dim3A_158 : vector<16xf32> to vector<1x16xf32>
      tpu.vector_store %arg9[%swap3A, %swap3A_159], %swap3A_162 {strides = array<i32>} : memref<512x16xf32, #tpu.memory_space<vmem>>, vector<1x16xf32>,
    }
    %scan3A_4 = arith.constant 1564 : i32
    %mul3A_5 = arith.constant 6256 : i32
    %mul3A_6 = arith.muli %arg1, %mul3A_5 : i32
    %add3A_7 = arith.constant 0 : i32
    %add3A_8 = arith.addi %mul3A_6, %add3A_7 : i32
    "tpu.region"() ({
      %run_scoped3A = tpu.sem_alloc : memref<!tpu.dma_semaphore, #tpu.memory_space<semaphore_mem>>
      %dma_start3A_153 = arith.constant 0 : i32
      %dma_start3A_154 = arith.constant 0 : i32
      %dma_start3A_155 = tpu.memref_slice %arg9[%dma_start3A_153, %dma_start3A_154] : memref<512x16xf32, #tpu.memory_space<vmem>> -> memref<1564x16xf32, #tpu.memory_space<vmem>>
      %dma_start3A_156 = arith.constant 0 : i32
      %dma_start3A_157 = tpu.memref_slice %arg13[%add3A_8, %dma_start3A_156] : memref<100096x16xf32, #tpu.memory_space<vmem_shared>> -> memref<1564x16xf32, #tpu.memory_space<vmem_shared>>
      %dma_start3A_158 = arith.constant 0 : i32
      %dma_start3A_159 = tpu.memref_slice %arg13[%add3A_8, %dma_start3A_158] : memref<100096x16xf32, #tpu.memory_space<vmem_shared>> -> memref<1564x16xf32, #tpu.memory_space<vmem_shared>>
      %dma_start3A_160 = arith.constant 0 : i32
      %dma_start3A_161 = arith.constant 0 : i32
      %dma_start3A_162 = tpu.memref_slice %arg9[%dma_start3A_160, %dma_start3A_161] : memref<512x16xf32, #tpu.memory_space<vmem>> -> memref<1564x16xf32, #tpu.memory_space<vmem>>
      tpu.enqueue_dma source(%dma_start3A_162 : memref<1564x16xf32, #tpu.memory_space<vmem>>) target(%dma_start3A_159 : memref<1564x16xf32, #tpu.memory_space<vmem_shared>>) target_semaphore(%run_scoped3A : memref<!tpu.dma_semaphore, #tpu.memory_space<semaphore_mem>>)
      %dma_wait3A_163 = arith.constant 0 : i32
      %dma_wait3A_164 = arith.constant 0 : i32
      %dma_wait3A_165 = tpu.memref_slice %arg9[%dma_wait3A_163, %dma_wait3A_164] : memref<512x16xf32, #tpu.memory_space<vmem>> -> memref<1564x16xf32, #tpu.memory_space<vmem>>
      %dma_wait3A_166 = arith.constant 0 : i32
      %dma_wait3A_167 = tpu.memref_slice %arg13[%add3A_8, %dma_wait3A_166] : memref<100096x16xf32, #tpu.memory_space<vmem_shared>> -> memref<1564x16xf32, #tpu.memory_space<vmem_shared>>
      %dma_wait3A_168 = arith.constant 0 : i32
      %dma_wait3A_169 = tpu.memref_slice %arg13[%add3A_8, %dma_wait3A_168] : memref<100096x16xf32, #tpu.memory_space<vmem_shared>> -> memref<1564x16xf32, #tpu.memory_space<vmem_shared>>
      %dma_wait3A_170 = arith.constant 0 : i32
      %dma_wait3A_171 = arith.constant 0 : i32
      %dma_wait3A_172 = tpu.memref_slice %arg9[%dma_wait3A_170, %dma_wait3A_171] : memref<512x16xf32, #tpu.memory_space<vmem>> -> memref<1564x16xf32, #tpu.memory_space<vmem>>
      tpu.wait_dma2 semaphore(%run_scoped3A : memref<!tpu.dma_semaphore, #tpu.memory_space<semaphore_mem>>) src(%dma_wait3A_172 : memref<1564x16xf32, #tpu.memory_space<vmem>>) dst(%dma_wait3A_169 : memref<1564x16xf32, #tpu.memory_space<vmem_shared>>)
      tpu.yield
    }) : () -> ()
    %mul3A_9 = arith.constant 6256 : i32
    %mul3A_10 = arith.muli %arg1, %mul3A_9 : i32
    %add3A_11 = arith.constant 1564 : i32
    %add3A_12 = arith.addi %mul3A_10, %add3A_11 : i32
    "tpu.region"() ({
      %run_scoped3A = tpu.sem_alloc : memref<!tpu.dma_semaphore, #tpu.memory_space<semaphore_mem>>
      %dma_start3A_153 = arith.constant 0 : i32
      %dma_start3A_154 = arith.constant 0 : i32
      %dma_start3A_155 = tpu.memref_slice %arg9[%dma_start3A_153, %dma_start3A_154] : memref<512x16xf32, #tpu.memory_space<vmem>> -> memref<1564x16xf32, #tpu.memory_space<vmem>>
      %dma_start3A_156 = arith.constant 0 : i32
      %dma_start3A_157 = tpu.memref_slice %arg13[%add3A_12, %dma_start3A_156] : memref<100096x16xf32, #tpu.memory_space<vmem_shared>> -> memref<1564x16xf32, #tpu.memory_space<vmem_shared>>
      %dma_start3A_158 = arith.constant 0 : i32
      %dma_start3A_159 = tpu.memref_slice %arg13[%add3A_12, %dma_start3A_158] : memref<100096x16xf32, #tpu.memory_space<vmem_shared>> -> memref<1564x16xf32, #tpu.memory_space<vmem_shared>>
      %dma_start3A_160 = arith.constant 0 : i32
      %dma_start3A_161 = arith.constant 0 : i32
      %dma_start3A_162 = tpu.memref_slice %arg9[%dma_start3A_160, %dma_start3A_161] : memref<512x16xf32, #tpu.memory_space<vmem>> -> memref<1564x16xf32, #tpu.memory_space<vmem>>
      tpu.enqueue_dma source(%dma_start3A_162 : memref<1564x16xf32, #tpu.memory_space<vmem>>) target(%dma_start3A_159 : memref<1564x16xf32, #tpu.memory_space<vmem_shared>>) target_semaphore(%run_scoped3A : memref<!tpu.dma_semaphore, #tpu.memory_space<semaphore_mem>>)
      %dma_wait3A_163 = arith.constant 0 : i32
      %dma_wait3A_164 = arith.constant 0 : i32
      %dma_wait3A_165 = tpu.memref_slice %arg9[%dma_wait3A_163, %dma_wait3A_164] : memref<512x16xf32, #tpu.memory_space<vmem>> -> memref<1564x16xf32, #tpu.memory_space<vmem>>
      %dma_wait3A_166 = arith.constant 0 : i32
      %dma_wait3A_167 = tpu.memref_slice %arg13[%add3A_12, %dma_wait3A_166] : memref<100096x16xf32, #tpu.memory_space<vmem_shared>> -> memref<1564x16xf32, #tpu.memory_space<vmem_shared>>
      %dma_wait3A_168 = arith.constant 0 : i32
      %dma_wait3A_169 = tpu.memref_slice %arg13[%add3A_12, %dma_wait3A_168] : memref<100096x16xf32, #tpu.memory_space<vmem_shared>> -> memref<1564x16xf32, #tpu.memory_space<vmem_shared>>
      %dma_wait3A_170 = arith.constant 0 : i32
      %dma_wait3A_171 = arith.constant 0 : i32
      %dma_wait3A_172 = tpu.memref_slice %arg9[%dma_wait3A_170, %dma_wait3A_171] : memref<512x16xf32, #tpu.memory_space<vmem>> -> memref<1564x16xf32, #tpu.memory_space<vmem>>
      tpu.wait_dma2 semaphore(%run_scoped3A : memref<!tpu.dma_semaphore, #tpu.memory_space<semaphore_mem>>) src(%dma_wait3A_172 : memref<1564x16xf32, #tpu.memory_space<vmem>>) dst(%dma_wait3A_169 : memref<1564x16xf32, #tpu.memory_space<vmem_shared>>)
      tpu.yield
    }) : () -> ()
    %mul3A_13 = arith.constant 6256 : i32
    %mul3A_14 = arith.muli %arg1, %mul3A_13 : i32
    %add3A_15 = arith.constant 3128 : i32
    %add3A_16 = arith.addi %mul3A_14, %add3A_15 : i32
    "tpu.region"() ({
      %run_scoped3A = tpu.sem_alloc : memref<!tpu.dma_semaphore, #tpu.memory_space<semaphore_mem>>
      %dma_start3A_153 = arith.constant 0 : i32
      %dma_start3A_154 = arith.constant 0 : i32
      %dma_start3A_155 = tpu.memref_slice %arg9[%dma_start3A_153, %dma_start3A_154] : memref<512x16xf32, #tpu.memory_space<vmem>> -> memref<1564x16xf32, #tpu.memory_space<vmem>>
      %dma_start3A_156 = arith.constant 0 : i32
      %dma_start3A_157 = tpu.memref_slice %arg13[%add3A_16, %dma_start3A_156] : memref<100096x16xf32, #tpu.memory_space<vmem_shared>> -> memref<1564x16xf32, #tpu.memory_space<vmem_shared>>
      %dma_start3A_158 = arith.constant 0 : i32
      %dma_start3A_159 = tpu.memref_slice %arg13[%add3A_16, %dma_start3A_158] : memref<100096x16xf32, #tpu.memory_space<vmem_shared>> -> memref<1564x16xf32, #tpu.memory_space<vmem_shared>>
      %dma_start3A_160 = arith.constant 0 : i32
      %dma_start3A_161 = arith.constant 0 : i32
      %dma_start3A_162 = tpu.memref_slice %arg9[%dma_start3A_160, %dma_start3A_161] : memref<512x16xf32, #tpu.memory_space<vmem>> -> memref<1564x16xf32, #tpu.memory_space<vmem>>
      tpu.enqueue_dma source(%dma_start3A_162 : memref<1564x16xf32, #tpu.memory_space<vmem>>) target(%dma_start3A_159 : memref<1564x16xf32, #tpu.memory_space<vmem_shared>>) target_semaphore(%run_scoped3A : memref<!tpu.dma_semaphore, #tpu.memory_space<semaphore_mem>>)
      %dma_wait3A_163 = arith.constant 0 : i32
      %dma_wait3A_164 = arith.constant 0 : i32
      %dma_wait3A_165 = tpu.memref_slice %arg9[%dma_wait3A_163, %dma_wait3A_164] : memref<512x16xf32, #tpu.memory_space<vmem>> -> memref<1564x16xf32, #tpu.memory_space<vmem>>
      %dma_wait3A_166 = arith.constant 0 : i32
      %dma_wait3A_167 = tpu.memref_slice %arg13[%add3A_16, %dma_wait3A_166] : memref<100096x16xf32, #tpu.memory_space<vmem_shared>> -> memref<1564x16xf32, #tpu.memory_space<vmem_shared>>
      %dma_wait3A_168 = arith.constant 0 : i32
      %dma_wait3A_169 = tpu.memref_slice %arg13[%add3A_16, %dma_wait3A_168] : memref<100096x16xf32, #tpu.memory_space<vmem_shared>> -> memref<1564x16xf32, #tpu.memory_space<vmem_shared>>
      %dma_wait3A_170 = arith.constant 0 : i32
      %dma_wait3A_171 = arith.constant 0 : i32
      %dma_wait3A_172 = tpu.memref_slice %arg9[%dma_wait3A_170, %dma_wait3A_171] : memref<512x16xf32, #tpu.memory_space<vmem>> -> memref<1564x16xf32, #tpu.memory_space<vmem>>
      tpu.wait_dma2 semaphore(%run_scoped3A : memref<!tpu.dma_semaphore, #tpu.memory_space<semaphore_mem>>) src(%dma_wait3A_172 : memref<1564x16xf32, #tpu.memory_space<vmem>>) dst(%dma_wait3A_169 : memref<1564x16xf32, #tpu.memory_space<vmem_shared>>)
      tpu.yield
    }) : () -> ()
    %mul3A_17 = arith.constant 6256 : i32
    %mul3A_18 = arith.muli %arg1, %mul3A_17 : i32
    %add3A_19 = arith.constant 4692 : i32
    %add3A_20 = arith.addi %mul3A_18, %add3A_19 : i32
    "tpu.region"() ({
      %run_scoped3A = tpu.sem_alloc : memref<!tpu.dma_semaphore, #tpu.memory_space<semaphore_mem>>
      %dma_start3A_153 = arith.constant 0 : i32
      %dma_start3A_154 = arith.constant 0 : i32
      %dma_start3A_155 = tpu.memref_slice %arg9[%dma_start3A_153, %dma_start3A_154] : memref<512x16xf32, #tpu.memory_space<vmem>> -> memref<1564x16xf32, #tpu.memory_space<vmem>>
      %dma_start3A_156 = arith.constant 0 : i32
      %dma_start3A_157 = tpu.memref_slice %arg13[%add3A_20, %dma_start3A_156] : memref<100096x16xf32, #tpu.memory_space<vmem_shared>> -> memref<1564x16xf32, #tpu.memory_space<vmem_shared>>
      %dma_start3A_158 = arith.constant 0 : i32
      %dma_start3A_159 = tpu.memref_slice %arg13[%add3A_20, %dma_start3A_158] : memref<100096x16xf32, #tpu.memory_space<vmem_shared>> -> memref<1564x16xf32, #tpu.memory_space<vmem_shared>>
      %dma_start3A_160 = arith.constant 0 : i32
      %dma_start3A_161 = arith.constant 0 : i32
      %dma_start3A_162 = tpu.memref_slice %arg9[%dma_start3A_160, %dma_start3A_161] : memref<512x16xf32, #tpu.memory_space<vmem>> -> memref<1564x16xf32, #tpu.memory_space<vmem>>
      tpu.enqueue_dma source(%dma_start3A_162 : memref<1564x16xf32, #tpu.memory_space<vmem>>) target(%dma_start3A_159 : memref<1564x16xf32, #tpu.memory_space<vmem_shared>>) target_semaphore(%run_scoped3A : memref<!tpu.dma_semaphore, #tpu.memory_space<semaphore_mem>>)
      %dma_wait3A_163 = arith.constant 0 : i32
      %dma_wait3A_164 = arith.constant 0 : i32
      %dma_wait3A_165 = tpu.memref_slice %arg9[%dma_wait3A_163, %dma_wait3A_164] : memref<512x16xf32, #tpu.memory_space<vmem>> -> memref<1564x16xf32, #tpu.memory_space<vmem>>
      %dma_wait3A_166 = arith.constant 0 : i32
      %dma_wait3A_167 = tpu.memref_slice %arg13[%add3A_20, %dma_wait3A_166] : memref<100096x16xf32, #tpu.memory_space<vmem_shared>> -> memref<1564x16xf32, #tpu.memory_space<vmem_shared>>
      %dma_wait3A_168 = arith.constant 0 : i32
      %dma_wait3A_169 = tpu.memref_slice %arg13[%add3A_20, %dma_wait3A_168] : memref<100096x16xf32, #tpu.memory_space<vmem_shared>> -> memref<1564x16xf32, #tpu.memory_space<vmem_shared>>
      %dma_wait3A_170 = arith.constant 0 : i32
      %dma_wait3A_171 = arith.constant 0 : i32
      %dma_wait3A_172 = tpu.memref_slice %arg9[%dma_wait3A_170, %dma_wait3A_171] : memref<512x16xf32, #tpu.memory_space<vmem>> -> memref<1564x16xf32, #tpu.memory_space<vmem>>
      tpu.wait_dma2 semaphore(%run_scoped3A : memref<!tpu.dma_semaphore, #tpu.memory_space<semaphore_mem>>) src(%dma_wait3A_172 : memref<1564x16xf32, #tpu.memory_space<vmem>>) dst(%dma_wait3A_169 : memref<1564x16xf32, #tpu.memory_space<vmem_shared>>)
      tpu.yield
    }) : () -> ()
    %scan3A_21 = arith.constant 0 : i32
    %scan3A_22 = arith.constant 196 : i32
    %scan3A_23 = arith.addi %scan3A_21, %scan3A_22 : i32
    %scan3A_24 = arith.constant 1 : i32
    scf.for %scan3A_153 = %scan3A_21 to %scan3A_23 step %scan3A_24  : i32 {
      %mul3A_154 = arith.constant 1 : i32
      %mul3A_155 = arith.muli %scan3A_153, %mul3A_154 : i32
      %add3A_156 = arith.constant 0 : i32
      %add3A_157 = arith.addi %add3A_156, %mul3A_155 : i32
      %broadcast_in_dim3A = arith.constant 0.000000e+00 : f32
      %broadcast_in_dim3A_158 = vector.broadcast %broadcast_in_dim3A : f32 to vector<16xf32>
      %mul3A_159 = arith.constant 16 : i32
      %mul3A_160 = arith.muli %add3A_157, %mul3A_159 : i32
      %swap3A = arith.index_cast %mul3A_160 : i32 to index
      %swap3A_161 = tpu.vector_load %arg15[%swap3A] {strides = array<i32>} : memref<3136xf32, #tpu.memory_space<vmem>>, vector<16xf32>,
      %swap3A_162 = vector.shape_cast %swap3A_161 : vector<16xf32> to vector<16xf32>
      %swap3A_163 = vector.shape_cast %broadcast_in_dim3A_158 : vector<16xf32> to vector<16xf32>
      tpu.vector_store %arg15[%swap3A], %swap3A_163 {strides = array<i32>} : memref<3136xf32, #tpu.memory_space<vmem>>, vector<16xf32>,
    }
    %scan3A_25 = arith.constant 196 : i32
    %mul3A_26 = arith.constant 6256 : i32
    %mul3A_27 = arith.muli %arg1, %mul3A_26 : i32
    %add3A_28 = arith.constant 0 : i32
    %add3A_29 = arith.addi %mul3A_27, %add3A_28 : i32
    "tpu.region"() ({
      %run_scoped3A = tpu.sem_alloc : memref<!tpu.dma_semaphore, #tpu.memory_space<semaphore_mem>>
      %dma_start3A_153 = tpu.memref_slice %arg16[%add3A_29] : memref<100112xf32, #tpu.memory_space<vmem_shared>> -> memref<3136xf32, #tpu.memory_space<vmem_shared>>
      %dma_start3A_154 = tpu.memref_slice %arg16[%add3A_29] : memref<100112xf32, #tpu.memory_space<vmem_shared>> -> memref<3136xf32, #tpu.memory_space<vmem_shared>>
      tpu.enqueue_dma source(%arg15 : memref<3136xf32, #tpu.memory_space<vmem>>) target(%dma_start3A_154 : memref<3136xf32, #tpu.memory_space<vmem_shared>>) target_semaphore(%run_scoped3A : memref<!tpu.dma_semaphore, #tpu.memory_space<semaphore_mem>>)
      %dma_wait3A_155 = tpu.memref_slice %arg16[%add3A_29] : memref<100112xf32, #tpu.memory_space<vmem_shared>> -> memref<3136xf32, #tpu.memory_space<vmem_shared>>
      %dma_wait3A_156 = tpu.memref_slice %arg16[%add3A_29] : memref<100112xf32, #tpu.memory_space<vmem_shared>> -> memref<3136xf32, #tpu.memory_space<vmem_shared>>
      tpu.wait_dma2 semaphore(%run_scoped3A : memref<!tpu.dma_semaphore, #tpu.memory_space<semaphore_mem>>) src(%arg15 : memref<3136xf32, #tpu.memory_space<vmem>>) dst(%dma_wait3A_156 : memref<3136xf32, #tpu.memory_space<vmem_shared>>)
      tpu.yield
    }) : () -> ()
    %mul3A_30 = arith.constant 6256 : i32
    %mul3A_31 = arith.muli %arg1, %mul3A_30 : i32
    %add3A_32 = arith.constant 3136 : i32
    %add3A_33 = arith.addi %mul3A_31, %add3A_32 : i32
    "tpu.region"() ({
      %run_scoped3A = tpu.sem_alloc : memref<!tpu.dma_semaphore, #tpu.memory_space<semaphore_mem>>
      %dma_start3A_153 = tpu.memref_slice %arg16[%add3A_33] : memref<100112xf32, #tpu.memory_space<vmem_shared>> -> memref<3136xf32, #tpu.memory_space<vmem_shared>>
      %dma_start3A_154 = tpu.memref_slice %arg16[%add3A_33] : memref<100112xf32, #tpu.memory_space<vmem_shared>> -> memref<3136xf32, #tpu.memory_space<vmem_shared>>
      tpu.enqueue_dma source(%arg15 : memref<3136xf32, #tpu.memory_space<vmem>>) target(%dma_start3A_154 : memref<3136xf32, #tpu.memory_space<vmem_shared>>) target_semaphore(%run_scoped3A : memref<!tpu.dma_semaphore, #tpu.memory_space<semaphore_mem>>)
      %dma_wait3A_155 = tpu.memref_slice %arg16[%add3A_33] : memref<100112xf32, #tpu.memory_space<vmem_shared>> -> memref<3136xf32, #tpu.memory_space<vmem_shared>>
      %dma_wait3A_156 = tpu.memref_slice %arg16[%add3A_33] : memref<100112xf32, #tpu.memory_space<vmem_shared>> -> memref<3136xf32, #tpu.memory_space<vmem_shared>>
      tpu.wait_dma2 semaphore(%run_scoped3A : memref<!tpu.dma_semaphore, #tpu.memory_space<semaphore_mem>>) src(%arg15 : memref<3136xf32, #tpu.memory_space<vmem>>) dst(%dma_wait3A_156 : memref<3136xf32, #tpu.memory_space<vmem_shared>>)
      tpu.yield
    }) : () -> ()
    %scan3A_34 = arith.constant 0 : i32
    %scan3A_35 = arith.constant 8 : i32
    %scan3A_36 = arith.addi %scan3A_34, %scan3A_35 : i32
    %scan3A_37 = arith.constant 1 : i32
    scf.for %scan3A_153 = %scan3A_34 to %scan3A_36 step %scan3A_37  : i32 {
      %mul3A_154 = arith.constant 1 : i32
      %mul3A_155 = arith.muli %scan3A_153, %mul3A_154 : i32
      %add3A_156 = arith.constant 0 : i32
      %add3A_157 = arith.addi %add3A_156, %mul3A_155 : i32
      %broadcast_in_dim3A = arith.constant 1.000000e+00 : f32
      %broadcast_in_dim3A_158 = vector.broadcast %broadcast_in_dim3A : f32 to vector<16xf32>
      %mul3A_159 = arith.constant 16 : i32
      %mul3A_160 = arith.muli %add3A_157, %mul3A_159 : i32
      %swap3A = arith.index_cast %mul3A_160 : i32 to index
      %swap3A_161 = tpu.vector_load %arg14[%swap3A] {strides = array<i32>} : memref<128xf32, #tpu.memory_space<vmem>>, vector<16xf32>,
      %swap3A_162 = vector.shape_cast %swap3A_161 : vector<16xf32> to vector<16xf32>
      %swap3A_163 = vector.shape_cast %broadcast_in_dim3A_158 : vector<16xf32> to vector<16xf32>
      tpu.vector_store %arg14[%swap3A], %swap3A_163 {strides = array<i32>} : memref<128xf32, #tpu.memory_space<vmem>>, vector<16xf32>,
    }
    %scan3A_38 = arith.constant 8 : i32
    %barrier3A = arith.constant 0 : index
    tpu.barrier barrier_id(%barrier3A)
    %eq3A = arith.constant 0 : i32
    %eq3A_39 = arith.cmpi eq, %arg0, %eq3A : i32
    %mul3A_40 = arith.constant 1080 : i32
    %mul3A_41 = arith.muli %arg1, %mul3A_40 : i32
    %mul3A_42 = arith.constant 504 : i32
    %mul3A_43 = arith.muli %arg1, %mul3A_42 : i32
    %add3A_44 = arith.constant 17280 : i32
    %add3A_45 = arith.addi %add3A_44, %mul3A_43 : i32
    %select_n3A = arith.select %eq3A_39, %mul3A_41, %add3A_45 : i32
    %eq3A_46 = arith.constant 0 : i32
    %eq3A_47 = arith.cmpi eq, %arg0, %eq3A_46 : i32
    %jit3A = arith.constant 135 : i32
    %jit3A_48 = arith.constant 63 : i32
    %select_n3A_49 = arith.select %eq3A_47, %jit3A, %jit3A_48 : i32
    %add3A_50 = arith.constant 0 : i32
    %add3A_51 = arith.addi %select_n3A, %add3A_50 : i32
    %dma_start3A = arith.constant 0 : i32
    %dma_start3A_52 = tpu.memref_slice %arg3[%add3A_51, %dma_start3A] : memref<25352x128xi32, #tpu.memory_space<hbm>> -> memref<4x128xi32, #tpu.memory_space<hbm>>
    %dma_start3A_53 = arith.constant 0 : i32
    %dma_start3A_54 = tpu.memref_slice %arg3[%add3A_51, %dma_start3A_53] : memref<25352x128xi32, #tpu.memory_space<hbm>> -> memref<4x128xi32, #tpu.memory_space<hbm>>
    tpu.enqueue_dma source(%dma_start3A_54 : memref<4x128xi32, #tpu.memory_space<hbm>>) target(%arg7 : memref<4x128xi32, #tpu.memory_space<vmem>>) target_semaphore(%arg17 : memref<!tpu.dma_semaphore, #tpu.memory_space<semaphore_mem>>)
    %dma_start3A_55 = arith.constant 0 : i32
    %dma_start3A_56 = tpu.memref_slice %arg4[%add3A_51, %dma_start3A_55] : memref<25352x128xi32, #tpu.memory_space<hbm>> -> memref<4x128xi32, #tpu.memory_space<hbm>>
    %dma_start3A_57 = arith.constant 0 : i32
    %dma_start3A_58 = tpu.memref_slice %arg4[%add3A_51, %dma_start3A_57] : memref<25352x128xi32, #tpu.memory_space<hbm>> -> memref<4x128xi32, #tpu.memory_space<hbm>>
    tpu.enqueue_dma source(%dma_start3A_58 : memref<4x128xi32, #tpu.memory_space<hbm>>) target(%arg8 : memref<4x128xi32, #tpu.memory_space<vmem>>) target_semaphore(%arg17 : memref<!tpu.dma_semaphore, #tpu.memory_space<semaphore_mem>>)
    %sub3A = arith.constant 0 : i32
    %sub3A_59 = arith.subi %select_n3A_49, %sub3A : i32
    %sub3A_60 = arith.constant 1 : i32
    %sub3A_61 = arith.constant 1 : i32
    %sub3A_62 = arith.subi %sub3A_60, %sub3A_61 : i32
    %add3A_63 = arith.addi %sub3A_59, %sub3A_62 : i32
    %div3A = arith.constant 1 : i32
    %div3A_64 = arith.divsi %add3A_63, %div3A : i32
    %while3A = arith.constant 1 : i32
    %while3A_65 = arith.constant 0 : i32
    %while3A_66 = arith.constant 0 : i32
    %while3A_67 = arith.subi %div3A_64, %while3A_66 : i32
    %while3A_68 = arith.addi %while3A_66, %while3A_67 : i32
    %while3A_69 = arith.constant 1 : i32
    %while3A_70 = arith.divsi %while3A_67, %while3A_69 : i32
    %while3A_71 = arith.muli %while3A_70, %while3A_69 : i32
    %while3A_72 = arith.addi %while3A_66, %while3A_71 : i32
    %while3A_73 = arith.constant 1 : i32
    scf.for %while3A_153 = %while3A_66 to %while3A_72 step %while3A_73  : i32 {
      %mul3A_154 = arith.muli %while3A_153, %while3A : i32
      %add3A_155 = arith.addi %while3A_65, %mul3A_154 : i32
      %mul3A_156 = arith.constant 2 : i32
      %mul3A_157 = arith.muli %add3A_155, %mul3A_156 : i32
      %dma_wait3A_158 = arith.constant 0 : i32
      %dma_wait3A_159 = arith.constant 0 : i32
      %dma_wait3A_160 = tpu.memref_slice %arg3[%dma_wait3A_158, %dma_wait3A_159] : memref<25352x128xi32, #tpu.memory_space<hbm>> -> memref<4x128xi32, #tpu.memory_space<hbm>>
      %dma_wait3A_161 = arith.constant 0 : i32
      %dma_wait3A_162 = arith.constant 0 : i32
      %dma_wait3A_163 = tpu.memref_slice %arg3[%dma_wait3A_161, %dma_wait3A_162] : memref<25352x128xi32, #tpu.memory_space<hbm>> -> memref<4x128xi32, #tpu.memory_space<hbm>>
      tpu.wait_dma2 semaphore(%arg17 : memref<!tpu.dma_semaphore, #tpu.memory_space<semaphore_mem>>) src(%dma_wait3A_163 : memref<4x128xi32, #tpu.memory_space<hbm>>) dst(%arg7 : memref<4x128xi32, #tpu.memory_space<vmem>>)
      %dma_wait3A_164 = arith.constant 0 : i32
      %dma_wait3A_165 = arith.constant 0 : i32
      %dma_wait3A_166 = tpu.memref_slice %arg4[%dma_wait3A_164, %dma_wait3A_165] : memref<25352x128xi32, #tpu.memory_space<hbm>> -> memref<4x128xi32, #tpu.memory_space<hbm>>
      %dma_wait3A_167 = arith.constant 0 : i32
      %dma_wait3A_168 = arith.constant 0 : i32
      %dma_wait3A_169 = tpu.memref_slice %arg4[%dma_wait3A_167, %dma_wait3A_168] : memref<25352x128xi32, #tpu.memory_space<hbm>> -> memref<4x128xi32, #tpu.memory_space<hbm>>
      tpu.wait_dma2 semaphore(%arg17 : memref<!tpu.dma_semaphore, #tpu.memory_space<semaphore_mem>>) src(%dma_wait3A_169 : memref<4x128xi32, #tpu.memory_space<hbm>>) dst(%arg8 : memref<4x128xi32, #tpu.memory_space<vmem>>)
      %dma_start3A_170 = arith.constant 0 : i32
      %dma_start3A_171 = arith.constant 0 : i32
      %dma_start3A_172 = arith.constant 0 : i32
      %dma_start3A_173 = tpu.memref_slice %arg9[%dma_start3A_171, %dma_start3A_172] : memref<512x16xf32, #tpu.memory_space<vmem>> -> memref<128x16xf32, #tpu.memory_space<vmem>>
      %dma_start3A_174 = arith.constant 0 : i32
      %dma_start3A_175 = tpu.memref_slice %arg7[%dma_start3A_170, %dma_start3A_174] : memref<4x128xi32, #tpu.memory_space<vmem>> -> memref<1x128xi32, #tpu.memory_space<vmem>>
      %dma_start3A_176 = tpu.memref_squeeze %dma_start3A_175 : memref<1x128xi32, #tpu.memory_space<vmem>> -> memref<128xi32, #tpu.memory_space<vmem>>
      %dma_start3A_177 = arith.constant 0 : i32
      %dma_start3A_178 = arith.constant 0 : i32
      %dma_start3A_179 = tpu.memref_slice %arg2[%dma_start3A_177, %dma_start3A_178] : memref<100000x16xf32, #tpu.memory_space<hbm>> -> memref<100000x16xf32, #tpu.memory_space<hbm>>
      tpu.enqueue_indirect_dma source(%dma_start3A_179 : memref<100000x16xf32, #tpu.memory_space<hbm>>) target(%dma_start3A_173 : memref<128x16xf32, #tpu.memory_space<vmem>>) offsets(%dma_start3A_176 : memref<128xi32, #tpu.memory_space<vmem>>) semaphore(%arg19 : memref<!tpu.dma_semaphore, #tpu.memory_space<semaphore_mem>>)
      %dma_start3A_180 = arith.constant 1 : i32
      %dma_start3A_181 = arith.constant 128 : i32
      %dma_start3A_182 = arith.constant 0 : i32
      %dma_start3A_183 = tpu.memref_slice %arg9[%dma_start3A_181, %dma_start3A_182] : memref<512x16xf32, #tpu.memory_space<vmem>> -> memref<128x16xf32, #tpu.memory_space<vmem>>
      %dma_start3A_184 = arith.constant 0 : i32
      %dma_start3A_185 = tpu.memref_slice %arg7[%dma_start3A_180, %dma_start3A_184] : memref<4x128xi32, #tpu.memory_space<vmem>> -> memref<1x128xi32, #tpu.memory_space<vmem>>
      %dma_start3A_186 = tpu.memref_squeeze %dma_start3A_185 : memref<1x128xi32, #tpu.memory_space<vmem>> -> memref<128xi32, #tpu.memory_space<vmem>>
      %dma_start3A_187 = arith.constant 0 : i32
      %dma_start3A_188 = arith.constant 0 : i32
      %dma_start3A_189 = tpu.memref_slice %arg2[%dma_start3A_187, %dma_start3A_188] : memref<100000x16xf32, #tpu.memory_space<hbm>> -> memref<100000x16xf32, #tpu.memory_space<hbm>>
      tpu.enqueue_indirect_dma source(%dma_start3A_189 : memref<100000x16xf32, #tpu.memory_space<hbm>>) target(%dma_start3A_183 : memref<128x16xf32, #tpu.memory_space<vmem>>) offsets(%dma_start3A_186 : memref<128xi32, #tpu.memory_space<vmem>>) semaphore(%arg19 : memref<!tpu.dma_semaphore, #tpu.memory_space<semaphore_mem>>)
      %dma_start3A_190 = arith.constant 2 : i32
      %dma_start3A_191 = arith.constant 256 : i32
      %dma_start3A_192 = arith.constant 0 : i32
      %dma_start3A_193 = tpu.memref_slice %arg9[%dma_start3A_191, %dma_start3A_192] : memref<512x16xf32, #tpu.memory_space<vmem>> -> memref<128x16xf32, #tpu.memory_space<vmem>>
      %dma_start3A_194 = arith.constant 0 : i32
      %dma_start3A_195 = tpu.memref_slice %arg7[%dma_start3A_190, %dma_start3A_194] : memref<4x128xi32, #tpu.memory_space<vmem>> -> memref<1x128xi32, #tpu.memory_space<vmem>>
      %dma_start3A_196 = tpu.memref_squeeze %dma_start3A_195 : memref<1x128xi32, #tpu.memory_space<vmem>> -> memref<128xi32, #tpu.memory_space<vmem>>
      %dma_start3A_197 = arith.constant 0 : i32
      %dma_start3A_198 = arith.constant 0 : i32
      %dma_start3A_199 = tpu.memref_slice %arg2[%dma_start3A_197, %dma_start3A_198] : memref<100000x16xf32, #tpu.memory_space<hbm>> -> memref<100000x16xf32, #tpu.memory_space<hbm>>
      tpu.enqueue_indirect_dma source(%dma_start3A_199 : memref<100000x16xf32, #tpu.memory_space<hbm>>) target(%dma_start3A_193 : memref<128x16xf32, #tpu.memory_space<vmem>>) offsets(%dma_start3A_196 : memref<128xi32, #tpu.memory_space<vmem>>) semaphore(%arg19 : memref<!tpu.dma_semaphore, #tpu.memory_space<semaphore_mem>>)
      %dma_start3A_200 = arith.constant 3 : i32
      %dma_start3A_201 = arith.constant 384 : i32
      %dma_start3A_202 = arith.constant 0 : i32
      %dma_start3A_203 = tpu.memref_slice %arg9[%dma_start3A_201, %dma_start3A_202] : memref<512x16xf32, #tpu.memory_space<vmem>> -> memref<128x16xf32, #tpu.memory_space<vmem>>
      %dma_start3A_204 = arith.constant 0 : i32
      %dma_start3A_205 = tpu.memref_slice %arg7[%dma_start3A_200, %dma_start3A_204] : memref<4x128xi32, #tpu.memory_space<vmem>> -> memref<1x128xi32, #tpu.memory_space<vmem>>
      %dma_start3A_206 = tpu.memref_squeeze %dma_start3A_205 : memref<1x128xi32, #tpu.memory_space<vmem>> -> memref<128xi32, #tpu.memory_space<vmem>>
      %dma_start3A_207 = arith.constant 0 : i32
      %dma_start3A_208 = arith.constant 0 : i32
      %dma_start3A_209 = tpu.memref_slice %arg2[%dma_start3A_207, %dma_start3A_208] : memref<100000x16xf32, #tpu.memory_space<hbm>> -> memref<100000x16xf32, #tpu.memory_space<hbm>>
      tpu.enqueue_indirect_dma source(%dma_start3A_209 : memref<100000x16xf32, #tpu.memory_space<hbm>>) target(%dma_start3A_203 : memref<128x16xf32, #tpu.memory_space<vmem>>) offsets(%dma_start3A_206 : memref<128xi32, #tpu.memory_space<vmem>>) semaphore(%arg19 : memref<!tpu.dma_semaphore, #tpu.memory_space<semaphore_mem>>)
      %dma_wait3A_210 = arith.constant 0 : i32
      %dma_wait3A_211 = arith.constant 0 : i32
      %dma_wait3A_212 = arith.constant 0 : i32
      %dma_wait3A_213 = tpu.memref_slice %arg9[%dma_wait3A_211, %dma_wait3A_212] : memref<512x16xf32, #tpu.memory_space<vmem>> -> memref<128x16xf32, #tpu.memory_space<vmem>>
      %dma_wait3A_214 = arith.constant 0 : i32
      %dma_wait3A_215 = tpu.memref_slice %arg7[%dma_wait3A_210, %dma_wait3A_214] : memref<4x128xi32, #tpu.memory_space<vmem>> -> memref<1x128xi32, #tpu.memory_space<vmem>>
      %dma_wait3A_216 = tpu.memref_squeeze %dma_wait3A_215 : memref<1x128xi32, #tpu.memory_space<vmem>> -> memref<128xi32, #tpu.memory_space<vmem>>
      %dma_wait3A_217 = arith.constant 0 : i32
      %dma_wait3A_218 = arith.constant 0 : i32
      %dma_wait3A_219 = tpu.memref_slice %arg2[%dma_wait3A_217, %dma_wait3A_218] : memref<100000x16xf32, #tpu.memory_space<hbm>> -> memref<100000x16xf32, #tpu.memory_space<hbm>>
      tpu.wait_indirect_dma semaphore(%arg19 : memref<!tpu.dma_semaphore, #tpu.memory_space<semaphore_mem>>) src(%dma_wait3A_219 : memref<100000x16xf32, #tpu.memory_space<hbm>>) dst(%dma_wait3A_213 : memref<128x16xf32, #tpu.memory_space<vmem>>)
      %dma_wait3A_220 = arith.constant 1 : i32
      %dma_wait3A_221 = arith.constant 128 : i32
      %dma_wait3A_222 = arith.constant 0 : i32
      %dma_wait3A_223 = tpu.memref_slice %arg9[%dma_wait3A_221, %dma_wait3A_222] : memref<512x16xf32, #tpu.memory_space<vmem>> -> memref<128x16xf32, #tpu.memory_space<vmem>>
      %dma_wait3A_224 = arith.constant 0 : i32
      %dma_wait3A_225 = tpu.memref_slice %arg7[%dma_wait3A_220, %dma_wait3A_224] : memref<4x128xi32, #tpu.memory_space<vmem>> -> memref<1x128xi32, #tpu.memory_space<vmem>>
      %dma_wait3A_226 = tpu.memref_squeeze %dma_wait3A_225 : memref<1x128xi32, #tpu.memory_space<vmem>> -> memref<128xi32, #tpu.memory_space<vmem>>
      %dma_wait3A_227 = arith.constant 0 : i32
      %dma_wait3A_228 = arith.constant 0 : i32
      %dma_wait3A_229 = tpu.memref_slice %arg2[%dma_wait3A_227, %dma_wait3A_228] : memref<100000x16xf32, #tpu.memory_space<hbm>> -> memref<100000x16xf32, #tpu.memory_space<hbm>>
      tpu.wait_indirect_dma semaphore(%arg19 : memref<!tpu.dma_semaphore, #tpu.memory_space<semaphore_mem>>) src(%dma_wait3A_229 : memref<100000x16xf32, #tpu.memory_space<hbm>>) dst(%dma_wait3A_223 : memref<128x16xf32, #tpu.memory_space<vmem>>)
      %dma_wait3A_230 = arith.constant 2 : i32
      %dma_wait3A_231 = arith.constant 256 : i32
      %dma_wait3A_232 = arith.constant 0 : i32
      %dma_wait3A_233 = tpu.memref_slice %arg9[%dma_wait3A_231, %dma_wait3A_232] : memref<512x16xf32, #tpu.memory_space<vmem>> -> memref<128x16xf32, #tpu.memory_space<vmem>>
      %dma_wait3A_234 = arith.constant 0 : i32
      %dma_wait3A_235 = tpu.memref_slice %arg7[%dma_wait3A_230, %dma_wait3A_234] : memref<4x128xi32, #tpu.memory_space<vmem>> -> memref<1x128xi32, #tpu.memory_space<vmem>>
      %dma_wait3A_236 = tpu.memref_squeeze %dma_wait3A_235 : memref<1x128xi32, #tpu.memory_space<vmem>> -> memref<128xi32, #tpu.memory_space<vmem>>
      %dma_wait3A_237 = arith.constant 0 : i32
      %dma_wait3A_238 = arith.constant 0 : i32
      %dma_wait3A_239 = tpu.memref_slice %arg2[%dma_wait3A_237, %dma_wait3A_238] : memref<100000x16xf32, #tpu.memory_space<hbm>> -> memref<100000x16xf32, #tpu.memory_space<hbm>>
      tpu.wait_indirect_dma semaphore(%arg19 : memref<!tpu.dma_semaphore, #tpu.memory_space<semaphore_mem>>) src(%dma_wait3A_239 : memref<100000x16xf32, #tpu.memory_space<hbm>>) dst(%dma_wait3A_233 : memref<128x16xf32, #tpu.memory_space<vmem>>)
      %dma_wait3A_240 = arith.constant 3 : i32
      %dma_wait3A_241 = arith.constant 384 : i32
      %dma_wait3A_242 = arith.constant 0 : i32
      %dma_wait3A_243 = tpu.memref_slice %arg9[%dma_wait3A_241, %dma_wait3A_242] : memref<512x16xf32, #tpu.memory_space<vmem>> -> memref<128x16xf32, #tpu.memory_space<vmem>>
      %dma_wait3A_244 = arith.constant 0 : i32
      %dma_wait3A_245 = tpu.memref_slice %arg7[%dma_wait3A_240, %dma_wait3A_244] : memref<4x128xi32, #tpu.memory_space<vmem>> -> memref<1x128xi32, #tpu.memory_space<vmem>>
      %dma_wait3A_246 = tpu.memref_squeeze %dma_wait3A_245 : memref<1x128xi32, #tpu.memory_space<vmem>> -> memref<128xi32, #tpu.memory_space<vmem>>
      %dma_wait3A_247 = arith.constant 0 : i32
      %dma_wait3A_248 = arith.constant 0 : i32
      %dma_wait3A_249 = tpu.memref_slice %arg2[%dma_wait3A_247, %dma_wait3A_248] : memref<100000x16xf32, #tpu.memory_space<hbm>> -> memref<100000x16xf32, #tpu.memory_space<hbm>>
      tpu.wait_indirect_dma semaphore(%arg19 : memref<!tpu.dma_semaphore, #tpu.memory_space<semaphore_mem>>) src(%dma_wait3A_249 : memref<100000x16xf32, #tpu.memory_space<hbm>>) dst(%dma_wait3A_243 : memref<128x16xf32, #tpu.memory_space<vmem>>)
      %gt3A = arith.constant 0 : i32
      %gt3A_250 = arith.cmpi sgt, %add3A_155, %gt3A : i32
      %convert_element_type3A = arith.extui %gt3A_250 : i1 to i32
      %cond3A = arith.constant 0 : i32
      %cond3A_251 = arith.cmpi ne, %convert_element_type3A, %cond3A : i32
      scf.if %cond3A_251 {
        %dma_wait3A_562 = arith.constant 0 : i32
        %dma_wait3A_563 = arith.constant 0 : i32
        %dma_wait3A_564 = arith.constant 0 : i32
        %dma_wait3A_565 = tpu.memref_slice %arg12[%dma_wait3A_563, %dma_wait3A_564] : memref<512x16xf32, #tpu.memory_space<vmem>> -> memref<128x16xf32, #tpu.memory_space<vmem>>
        %dma_wait3A_566 = arith.constant 0 : i32
        %dma_wait3A_567 = tpu.memref_slice %arg11[%dma_wait3A_562, %dma_wait3A_566] : memref<4x128xi32, #tpu.memory_space<vmem>> -> memref<1x128xi32, #tpu.memory_space<vmem>>
        %dma_wait3A_568 = tpu.memref_squeeze %dma_wait3A_567 : memref<1x128xi32, #tpu.memory_space<vmem>> -> memref<128xi32, #tpu.memory_space<vmem>>
        %dma_wait3A_569 = arith.constant 0 : i32
        %dma_wait3A_570 = arith.constant 0 : i32
        %dma_wait3A_571 = tpu.memref_slice %arg13[%dma_wait3A_569, %dma_wait3A_570] : memref<100096x16xf32, #tpu.memory_space<vmem_shared>> -> memref<100096x16xf32, #tpu.memory_space<vmem_shared>>
        tpu.wait_indirect_dma semaphore(%arg22 : memref<!tpu.dma_semaphore, #tpu.memory_space<semaphore_mem>>) src(%dma_wait3A_565 : memref<128x16xf32, #tpu.memory_space<vmem>>) dst(%dma_wait3A_571 : memref<100096x16xf32, #tpu.memory_space<vmem_shared>>)
        %dma_wait3A_572 = arith.constant 0 : i32
        %dma_wait3A_573 = arith.constant 0 : i32
        %dma_wait3A_574 = tpu.memref_slice %arg11[%dma_wait3A_572, %dma_wait3A_573] : memref<4x128xi32, #tpu.memory_space<vmem>> -> memref<1x128xi32, #tpu.memory_space<vmem>>
        %dma_wait3A_575 = tpu.memref_squeeze %dma_wait3A_574 : memref<1x128xi32, #tpu.memory_space<vmem>> -> memref<128xi32, #tpu.memory_space<vmem>>
        %dma_wait3A_576 = arith.constant 0 : i32
        %dma_wait3A_577 = tpu.memref_slice %arg16[%dma_wait3A_576] : memref<100112xf32, #tpu.memory_space<vmem_shared>> -> memref<100112xf32, #tpu.memory_space<vmem_shared>>
        tpu.wait_indirect_dma semaphore(%arg24 : memref<!tpu.dma_semaphore, #tpu.memory_space<semaphore_mem>>) src(%arg14 : memref<128xf32, #tpu.memory_space<vmem>>) dst(%dma_wait3A_577 : memref<100112xf32, #tpu.memory_space<vmem_shared>>)
        %dma_wait3A_578 = arith.constant 1 : i32
        %dma_wait3A_579 = arith.constant 128 : i32
        %dma_wait3A_580 = arith.constant 0 : i32
        %dma_wait3A_581 = tpu.memref_slice %arg12[%dma_wait3A_579, %dma_wait3A_580] : memref<512x16xf32, #tpu.memory_space<vmem>> -> memref<128x16xf32, #tpu.memory_space<vmem>>
        %dma_wait3A_582 = arith.constant 0 : i32
        %dma_wait3A_583 = tpu.memref_slice %arg11[%dma_wait3A_578, %dma_wait3A_582] : memref<4x128xi32, #tpu.memory_space<vmem>> -> memref<1x128xi32, #tpu.memory_space<vmem>>
        %dma_wait3A_584 = tpu.memref_squeeze %dma_wait3A_583 : memref<1x128xi32, #tpu.memory_space<vmem>> -> memref<128xi32, #tpu.memory_space<vmem>>
        %dma_wait3A_585 = arith.constant 0 : i32
        %dma_wait3A_586 = arith.constant 0 : i32
        %dma_wait3A_587 = tpu.memref_slice %arg13[%dma_wait3A_585, %dma_wait3A_586] : memref<100096x16xf32, #tpu.memory_space<vmem_shared>> -> memref<100096x16xf32, #tpu.memory_space<vmem_shared>>
        tpu.wait_indirect_dma semaphore(%arg22 : memref<!tpu.dma_semaphore, #tpu.memory_space<semaphore_mem>>) src(%dma_wait3A_581 : memref<128x16xf32, #tpu.memory_space<vmem>>) dst(%dma_wait3A_587 : memref<100096x16xf32, #tpu.memory_space<vmem_shared>>)
        %dma_wait3A_588 = arith.constant 1 : i32
        %dma_wait3A_589 = arith.constant 0 : i32
        %dma_wait3A_590 = tpu.memref_slice %arg11[%dma_wait3A_588, %dma_wait3A_589] : memref<4x128xi32, #tpu.memory_space<vmem>> -> memref<1x128xi32, #tpu.memory_space<vmem>>
        %dma_wait3A_591 = tpu.memref_squeeze %dma_wait3A_590 : memref<1x128xi32, #tpu.memory_space<vmem>> -> memref<128xi32, #tpu.memory_space<vmem>>
        %dma_wait3A_592 = arith.constant 0 : i32
        %dma_wait3A_593 = tpu.memref_slice %arg16[%dma_wait3A_592] : memref<100112xf32, #tpu.memory_space<vmem_shared>> -> memref<100112xf32, #tpu.memory_space<vmem_shared>>
        tpu.wait_indirect_dma semaphore(%arg24 : memref<!tpu.dma_semaphore, #tpu.memory_space<semaphore_mem>>) src(%arg14 : memref<128xf32, #tpu.memory_space<vmem>>) dst(%dma_wait3A_593 : memref<100112xf32, #tpu.memory_space<vmem_shared>>)
        %dma_wait3A_594 = arith.constant 2 : i32
        %dma_wait3A_595 = arith.constant 256 : i32
        %dma_wait3A_596 = arith.constant 0 : i32
        %dma_wait3A_597 = tpu.memref_slice %arg12[%dma_wait3A_595, %dma_wait3A_596] : memref<512x16xf32, #tpu.memory_space<vmem>> -> memref<128x16xf32, #tpu.memory_space<vmem>>
        %dma_wait3A_598 = arith.constant 0 : i32
        %dma_wait3A_599 = tpu.memref_slice %arg11[%dma_wait3A_594, %dma_wait3A_598] : memref<4x128xi32, #tpu.memory_space<vmem>> -> memref<1x128xi32, #tpu.memory_space<vmem>>
        %dma_wait3A_600 = tpu.memref_squeeze %dma_wait3A_599 : memref<1x128xi32, #tpu.memory_space<vmem>> -> memref<128xi32, #tpu.memory_space<vmem>>
        %dma_wait3A_601 = arith.constant 0 : i32
        %dma_wait3A_602 = arith.constant 0 : i32
        %dma_wait3A_603 = tpu.memref_slice %arg13[%dma_wait3A_601, %dma_wait3A_602] : memref<100096x16xf32, #tpu.memory_space<vmem_shared>> -> memref<100096x16xf32, #tpu.memory_space<vmem_shared>>
        tpu.wait_indirect_dma semaphore(%arg22 : memref<!tpu.dma_semaphore, #tpu.memory_space<semaphore_mem>>) src(%dma_wait3A_597 : memref<128x16xf32, #tpu.memory_space<vmem>>) dst(%dma_wait3A_603 : memref<100096x16xf32, #tpu.memory_space<vmem_shared>>)
        %dma_wait3A_604 = arith.constant 2 : i32
        %dma_wait3A_605 = arith.constant 0 : i32
        %dma_wait3A_606 = tpu.memref_slice %arg11[%dma_wait3A_604, %dma_wait3A_605] : memref<4x128xi32, #tpu.memory_space<vmem>> -> memref<1x128xi32, #tpu.memory_space<vmem>>
        %dma_wait3A_607 = tpu.memref_squeeze %dma_wait3A_606 : memref<1x128xi32, #tpu.memory_space<vmem>> -> memref<128xi32, #tpu.memory_space<vmem>>
        %dma_wait3A_608 = arith.constant 0 : i32
        %dma_wait3A_609 = tpu.memref_slice %arg16[%dma_wait3A_608] : memref<100112xf32, #tpu.memory_space<vmem_shared>> -> memref<100112xf32, #tpu.memory_space<vmem_shared>>
        tpu.wait_indirect_dma semaphore(%arg24 : memref<!tpu.dma_semaphore, #tpu.memory_space<semaphore_mem>>) src(%arg14 : memref<128xf32, #tpu.memory_space<vmem>>) dst(%dma_wait3A_609 : memref<100112xf32, #tpu.memory_space<vmem_shared>>)
        %dma_wait3A_610 = arith.constant 3 : i32
        %dma_wait3A_611 = arith.constant 384 : i32
        %dma_wait3A_612 = arith.constant 0 : i32
        %dma_wait3A_613 = tpu.memref_slice %arg12[%dma_wait3A_611, %dma_wait3A_612] : memref<512x16xf32, #tpu.memory_space<vmem>> -> memref<128x16xf32, #tpu.memory_space<vmem>>
        %dma_wait3A_614 = arith.constant 0 : i32
        %dma_wait3A_615 = tpu.memref_slice %arg11[%dma_wait3A_610, %dma_wait3A_614] : memref<4x128xi32, #tpu.memory_space<vmem>> -> memref<1x128xi32, #tpu.memory_space<vmem>>
        %dma_wait3A_616 = tpu.memref_squeeze %dma_wait3A_615 : memref<1x128xi32, #tpu.memory_space<vmem>> -> memref<128xi32, #tpu.memory_space<vmem>>
        %dma_wait3A_617 = arith.constant 0 : i32
        %dma_wait3A_618 = arith.constant 0 : i32
        %dma_wait3A_619 = tpu.memref_slice %arg13[%dma_wait3A_617, %dma_wait3A_618] : memref<100096x16xf32, #tpu.memory_space<vmem_shared>> -> memref<100096x16xf32, #tpu.memory_space<vmem_shared>>
        tpu.wait_indirect_dma semaphore(%arg22 : memref<!tpu.dma_semaphore, #tpu.memory_space<semaphore_mem>>) src(%dma_wait3A_613 : memref<128x16xf32, #tpu.memory_space<vmem>>) dst(%dma_wait3A_619 : memref<100096x16xf32, #tpu.memory_space<vmem_shared>>)
        %dma_wait3A_620 = arith.constant 3 : i32
        %dma_wait3A_621 = arith.constant 0 : i32
        %dma_wait3A_622 = tpu.memref_slice %arg11[%dma_wait3A_620, %dma_wait3A_621] : memref<4x128xi32, #tpu.memory_space<vmem>> -> memref<1x128xi32, #tpu.memory_space<vmem>>
        %dma_wait3A_623 = tpu.memref_squeeze %dma_wait3A_622 : memref<1x128xi32, #tpu.memory_space<vmem>> -> memref<128xi32, #tpu.memory_space<vmem>>
        %dma_wait3A_624 = arith.constant 0 : i32
        %dma_wait3A_625 = tpu.memref_slice %arg16[%dma_wait3A_624] : memref<100112xf32, #tpu.memory_space<vmem_shared>> -> memref<100112xf32, #tpu.memory_space<vmem_shared>>
        tpu.wait_indirect_dma semaphore(%arg24 : memref<!tpu.dma_semaphore, #tpu.memory_space<semaphore_mem>>) src(%arg14 : memref<128xf32, #tpu.memory_space<vmem>>) dst(%dma_wait3A_625 : memref<100112xf32, #tpu.memory_space<vmem_shared>>)
      } else {
      }
      %add3A_252 = arith.constant 1 : i32
      %add3A_253 = arith.addi %mul3A_157, %add3A_252 : i32
      %mul3A_254 = arith.constant 4 : i32
      %mul3A_255 = arith.muli %add3A_253, %mul3A_254 : i32
      %add3A_256 = arith.addi %select_n3A, %mul3A_255 : i32
      %dma_start3A_257 = arith.constant 0 : i32
      %dma_start3A_258 = tpu.memref_slice %arg3[%add3A_256, %dma_start3A_257] : memref<25352x128xi32, #tpu.memory_space<hbm>> -> memref<4x128xi32, #tpu.memory_space<hbm>>
      %dma_start3A_259 = arith.constant 0 : i32
      %dma_start3A_260 = tpu.memref_slice %arg3[%add3A_256, %dma_start3A_259] : memref<25352x128xi32, #tpu.memory_space<hbm>> -> memref<4x128xi32, #tpu.memory_space<hbm>>
      tpu.enqueue_dma source(%dma_start3A_260 : memref<4x128xi32, #tpu.memory_space<hbm>>) target(%arg10 : memref<4x128xi32, #tpu.memory_space<vmem>>) target_semaphore(%arg18 : memref<!tpu.dma_semaphore, #tpu.memory_space<semaphore_mem>>)
      %dma_start3A_261 = arith.constant 0 : i32
      %dma_start3A_262 = tpu.memref_slice %arg4[%add3A_256, %dma_start3A_261] : memref<25352x128xi32, #tpu.memory_space<hbm>> -> memref<4x128xi32, #tpu.memory_space<hbm>>
      %dma_start3A_263 = arith.constant 0 : i32
      %dma_start3A_264 = tpu.memref_slice %arg4[%add3A_256, %dma_start3A_263] : memref<25352x128xi32, #tpu.memory_space<hbm>> -> memref<4x128xi32, #tpu.memory_space<hbm>>
      tpu.enqueue_dma source(%dma_start3A_264 : memref<4x128xi32, #tpu.memory_space<hbm>>) target(%arg11 : memref<4x128xi32, #tpu.memory_space<vmem>>) target_semaphore(%arg18 : memref<!tpu.dma_semaphore, #tpu.memory_space<semaphore_mem>>)
      %dma_start3A_265 = arith.constant 0 : i32
      %dma_start3A_266 = arith.constant 0 : i32
      %dma_start3A_267 = arith.constant 0 : i32
      %dma_start3A_268 = tpu.memref_slice %arg9[%dma_start3A_266, %dma_start3A_267] : memref<512x16xf32, #tpu.memory_space<vmem>> -> memref<128x16xf32, #tpu.memory_space<vmem>>
      %dma_start3A_269 = arith.constant 0 : i32
      %dma_start3A_270 = tpu.memref_slice %arg8[%dma_start3A_265, %dma_start3A_269] : memref<4x128xi32, #tpu.memory_space<vmem>> -> memref<1x128xi32, #tpu.memory_space<vmem>>
      %dma_start3A_271 = tpu.memref_squeeze %dma_start3A_270 : memref<1x128xi32, #tpu.memory_space<vmem>> -> memref<128xi32, #tpu.memory_space<vmem>>
      %dma_start3A_272 = arith.constant 0 : i32
      %dma_start3A_273 = arith.constant 0 : i32
      %dma_start3A_274 = tpu.memref_slice %arg13[%dma_start3A_272, %dma_start3A_273] : memref<100096x16xf32, #tpu.memory_space<vmem_shared>> -> memref<100096x16xf32, #tpu.memory_space<vmem_shared>>
      tpu.enqueue_indirect_dma source(%dma_start3A_268 : memref<128x16xf32, #tpu.memory_space<vmem>>) target(%dma_start3A_274 : memref<100096x16xf32, #tpu.memory_space<vmem_shared>>) offsets(%dma_start3A_271 : memref<128xi32, #tpu.memory_space<vmem>>) semaphore(%arg21 : memref<!tpu.dma_semaphore, #tpu.memory_space<semaphore_mem>>) {add = true}
      %dma_start3A_275 = arith.constant 0 : i32
      %dma_start3A_276 = arith.constant 0 : i32
      %dma_start3A_277 = tpu.memref_slice %arg8[%dma_start3A_275, %dma_start3A_276] : memref<4x128xi32, #tpu.memory_space<vmem>> -> memref<1x128xi32, #tpu.memory_space<vmem>>
      %dma_start3A_278 = tpu.memref_squeeze %dma_start3A_277 : memref<1x128xi32, #tpu.memory_space<vmem>> -> memref<128xi32, #tpu.memory_space<vmem>>
      %dma_start3A_279 = arith.constant 0 : i32
      %dma_start3A_280 = tpu.memref_slice %arg16[%dma_start3A_279] : memref<100112xf32, #tpu.memory_space<vmem_shared>> -> memref<100112xf32, #tpu.memory_space<vmem_shared>>
      tpu.enqueue_indirect_dma source(%arg14 : memref<128xf32, #tpu.memory_space<vmem>>) target(%dma_start3A_280 : memref<100112xf32, #tpu.memory_space<vmem_shared>>) offsets(%dma_start3A_278 : memref<128xi32, #tpu.memory_space<vmem>>) semaphore(%arg23 : memref<!tpu.dma_semaphore, #tpu.memory_space<semaphore_mem>>) {add = true}
      %dma_start3A_281 = arith.constant 1 : i32
      %dma_start3A_282 = arith.constant 128 : i32
      %dma_start3A_283 = arith.constant 0 : i32
      %dma_start3A_284 = tpu.memref_slice %arg9[%dma_start3A_282, %dma_start3A_283] : memref<512x16xf32, #tpu.memory_space<vmem>> -> memref<128x16xf32, #tpu.memory_space<vmem>>
      %dma_start3A_285 = arith.constant 0 : i32
      %dma_start3A_286 = tpu.memref_slice %arg8[%dma_start3A_281, %dma_start3A_285] : memref<4x128xi32, #tpu.memory_space<vmem>> -> memref<1x128xi32, #tpu.memory_space<vmem>>
      %dma_start3A_287 = tpu.memref_squeeze %dma_start3A_286 : memref<1x128xi32, #tpu.memory_space<vmem>> -> memref<128xi32, #tpu.memory_space<vmem>>
      %dma_start3A_288 = arith.constant 0 : i32
      %dma_start3A_289 = arith.constant 0 : i32
      %dma_start3A_290 = tpu.memref_slice %arg13[%dma_start3A_288, %dma_start3A_289] : memref<100096x16xf32, #tpu.memory_space<vmem_shared>> -> memref<100096x16xf32, #tpu.memory_space<vmem_shared>>
      tpu.enqueue_indirect_dma source(%dma_start3A_284 : memref<128x16xf32, #tpu.memory_space<vmem>>) target(%dma_start3A_290 : memref<100096x16xf32, #tpu.memory_space<vmem_shared>>) offsets(%dma_start3A_287 : memref<128xi32, #tpu.memory_space<vmem>>) semaphore(%arg21 : memref<!tpu.dma_semaphore, #tpu.memory_space<semaphore_mem>>) {add = true}
      %dma_start3A_291 = arith.constant 1 : i32
      %dma_start3A_292 = arith.constant 0 : i32
      %dma_start3A_293 = tpu.memref_slice %arg8[%dma_start3A_291, %dma_start3A_292] : memref<4x128xi32, #tpu.memory_space<vmem>> -> memref<1x128xi32, #tpu.memory_space<vmem>>
      %dma_start3A_294 = tpu.memref_squeeze %dma_start3A_293 : memref<1x128xi32, #tpu.memory_space<vmem>> -> memref<128xi32, #tpu.memory_space<vmem>>
      %dma_start3A_295 = arith.constant 0 : i32
      %dma_start3A_296 = tpu.memref_slice %arg16[%dma_start3A_295] : memref<100112xf32, #tpu.memory_space<vmem_shared>> -> memref<100112xf32, #tpu.memory_space<vmem_shared>>
      tpu.enqueue_indirect_dma source(%arg14 : memref<128xf32, #tpu.memory_space<vmem>>) target(%dma_start3A_296 : memref<100112xf32, #tpu.memory_space<vmem_shared>>) offsets(%dma_start3A_294 : memref<128xi32, #tpu.memory_space<vmem>>) semaphore(%arg23 : memref<!tpu.dma_semaphore, #tpu.memory_space<semaphore_mem>>) {add = true}
      %dma_start3A_297 = arith.constant 2 : i32
      %dma_start3A_298 = arith.constant 256 : i32
      %dma_start3A_299 = arith.constant 0 : i32
      %dma_start3A_300 = tpu.memref_slice %arg9[%dma_start3A_298, %dma_start3A_299] : memref<512x16xf32, #tpu.memory_space<vmem>> -> memref<128x16xf32, #tpu.memory_space<vmem>>
      %dma_start3A_301 = arith.constant 0 : i32
      %dma_start3A_302 = tpu.memref_slice %arg8[%dma_start3A_297, %dma_start3A_301] : memref<4x128xi32, #tpu.memory_space<vmem>> -> memref<1x128xi32, #tpu.memory_space<vmem>>
      %dma_start3A_303 = tpu.memref_squeeze %dma_start3A_302 : memref<1x128xi32, #tpu.memory_space<vmem>> -> memref<128xi32, #tpu.memory_space<vmem>>
      %dma_start3A_304 = arith.constant 0 : i32
      %dma_start3A_305 = arith.constant 0 : i32
      %dma_start3A_306 = tpu.memref_slice %arg13[%dma_start3A_304, %dma_start3A_305] : memref<100096x16xf32, #tpu.memory_space<vmem_shared>> -> memref<100096x16xf32, #tpu.memory_space<vmem_shared>>
      tpu.enqueue_indirect_dma source(%dma_start3A_300 : memref<128x16xf32, #tpu.memory_space<vmem>>) target(%dma_start3A_306 : memref<100096x16xf32, #tpu.memory_space<vmem_shared>>) offsets(%dma_start3A_303 : memref<128xi32, #tpu.memory_space<vmem>>) semaphore(%arg21 : memref<!tpu.dma_semaphore, #tpu.memory_space<semaphore_mem>>) {add = true}
      %dma_start3A_307 = arith.constant 2 : i32
      %dma_start3A_308 = arith.constant 0 : i32
      %dma_start3A_309 = tpu.memref_slice %arg8[%dma_start3A_307, %dma_start3A_308] : memref<4x128xi32, #tpu.memory_space<vmem>> -> memref<1x128xi32, #tpu.memory_space<vmem>>
      %dma_start3A_310 = tpu.memref_squeeze %dma_start3A_309 : memref<1x128xi32, #tpu.memory_space<vmem>> -> memref<128xi32, #tpu.memory_space<vmem>>
      %dma_start3A_311 = arith.constant 0 : i32
      %dma_start3A_312 = tpu.memref_slice %arg16[%dma_start3A_311] : memref<100112xf32, #tpu.memory_space<vmem_shared>> -> memref<100112xf32, #tpu.memory_space<vmem_shared>>
      tpu.enqueue_indirect_dma source(%arg14 : memref<128xf32, #tpu.memory_space<vmem>>) target(%dma_start3A_312 : memref<100112xf32, #tpu.memory_space<vmem_shared>>) offsets(%dma_start3A_310 : memref<128xi32, #tpu.memory_space<vmem>>) semaphore(%arg23 : memref<!tpu.dma_semaphore, #tpu.memory_space<semaphore_mem>>) {add = true}
      %dma_start3A_313 = arith.constant 3 : i32
      %dma_start3A_314 = arith.constant 384 : i32
      %dma_start3A_315 = arith.constant 0 : i32
      %dma_start3A_316 = tpu.memref_slice %arg9[%dma_start3A_314, %dma_start3A_315] : memref<512x16xf32, #tpu.memory_space<vmem>> -> memref<128x16xf32, #tpu.memory_space<vmem>>
      %dma_start3A_317 = arith.constant 0 : i32
      %dma_start3A_318 = tpu.memref_slice %arg8[%dma_start3A_313, %dma_start3A_317] : memref<4x128xi32, #tpu.memory_space<vmem>> -> memref<1x128xi32, #tpu.memory_space<vmem>>
      %dma_start3A_319 = tpu.memref_squeeze %dma_start3A_318 : memref<1x128xi32, #tpu.memory_space<vmem>> -> memref<128xi32, #tpu.memory_space<vmem>>
      %dma_start3A_320 = arith.constant 0 : i32
      %dma_start3A_321 = arith.constant 0 : i32
      %dma_start3A_322 = tpu.memref_slice %arg13[%dma_start3A_320, %dma_start3A_321] : memref<100096x16xf32, #tpu.memory_space<vmem_shared>> -> memref<100096x16xf32, #tpu.memory_space<vmem_shared>>
      tpu.enqueue_indirect_dma source(%dma_start3A_316 : memref<128x16xf32, #tpu.memory_space<vmem>>) target(%dma_start3A_322 : memref<100096x16xf32, #tpu.memory_space<vmem_shared>>) offsets(%dma_start3A_319 : memref<128xi32, #tpu.memory_space<vmem>>) semaphore(%arg21 : memref<!tpu.dma_semaphore, #tpu.memory_space<semaphore_mem>>) {add = true}
      %dma_start3A_323 = arith.constant 3 : i32
      %dma_start3A_324 = arith.constant 0 : i32
      %dma_start3A_325 = tpu.memref_slice %arg8[%dma_start3A_323, %dma_start3A_324] : memref<4x128xi32, #tpu.memory_space<vmem>> -> memref<1x128xi32, #tpu.memory_space<vmem>>
      %dma_start3A_326 = tpu.memref_squeeze %dma_start3A_325 : memref<1x128xi32, #tpu.memory_space<vmem>> -> memref<128xi32, #tpu.memory_space<vmem>>
      %dma_start3A_327 = arith.constant 0 : i32
      %dma_start3A_328 = tpu.memref_slice %arg16[%dma_start3A_327] : memref<100112xf32, #tpu.memory_space<vmem_shared>> -> memref<100112xf32, #tpu.memory_space<vmem_shared>>
      tpu.enqueue_indirect_dma source(%arg14 : memref<128xf32, #tpu.memory_space<vmem>>) target(%dma_start3A_328 : memref<100112xf32, #tpu.memory_space<vmem_shared>>) offsets(%dma_start3A_326 : memref<128xi32, #tpu.memory_space<vmem>>) semaphore(%arg23 : memref<!tpu.dma_semaphore, #tpu.memory_space<semaphore_mem>>) {add = true}
      %dma_wait3A_329 = arith.constant 0 : i32
      %dma_wait3A_330 = arith.constant 0 : i32
      %dma_wait3A_331 = tpu.memref_slice %arg3[%dma_wait3A_329, %dma_wait3A_330] : memref<25352x128xi32, #tpu.memory_space<hbm>> -> memref<4x128xi32, #tpu.memory_space<hbm>>
      %dma_wait3A_332 = arith.constant 0 : i32
      %dma_wait3A_333 = arith.constant 0 : i32
      %dma_wait3A_334 = tpu.memref_slice %arg3[%dma_wait3A_332, %dma_wait3A_333] : memref<25352x128xi32, #tpu.memory_space<hbm>> -> memref<4x128xi32, #tpu.memory_space<hbm>>
      tpu.wait_dma2 semaphore(%arg18 : memref<!tpu.dma_semaphore, #tpu.memory_space<semaphore_mem>>) src(%dma_wait3A_334 : memref<4x128xi32, #tpu.memory_space<hbm>>) dst(%arg10 : memref<4x128xi32, #tpu.memory_space<vmem>>)
      %dma_wait3A_335 = arith.constant 0 : i32
      %dma_wait3A_336 = arith.constant 0 : i32
      %dma_wait3A_337 = tpu.memref_slice %arg4[%dma_wait3A_335, %dma_wait3A_336] : memref<25352x128xi32, #tpu.memory_space<hbm>> -> memref<4x128xi32, #tpu.memory_space<hbm>>
      %dma_wait3A_338 = arith.constant 0 : i32
      %dma_wait3A_339 = arith.constant 0 : i32
      %dma_wait3A_340 = tpu.memref_slice %arg4[%dma_wait3A_338, %dma_wait3A_339] : memref<25352x128xi32, #tpu.memory_space<hbm>> -> memref<4x128xi32, #tpu.memory_space<hbm>>
      tpu.wait_dma2 semaphore(%arg18 : memref<!tpu.dma_semaphore, #tpu.memory_space<semaphore_mem>>) src(%dma_wait3A_340 : memref<4x128xi32, #tpu.memory_space<hbm>>) dst(%arg11 : memref<4x128xi32, #tpu.memory_space<vmem>>)
      %dma_start3A_341 = arith.constant 0 : i32
      %dma_start3A_342 = arith.constant 0 : i32
      %dma_start3A_343 = arith.constant 0 : i32
      %dma_start3A_344 = tpu.memref_slice %arg12[%dma_start3A_342, %dma_start3A_343] : memref<512x16xf32, #tpu.memory_space<vmem>> -> memref<128x16xf32, #tpu.memory_space<vmem>>
      %dma_start3A_345 = arith.constant 0 : i32
      %dma_start3A_346 = tpu.memref_slice %arg10[%dma_start3A_341, %dma_start3A_345] : memref<4x128xi32, #tpu.memory_space<vmem>> -> memref<1x128xi32, #tpu.memory_space<vmem>>
      %dma_start3A_347 = tpu.memref_squeeze %dma_start3A_346 : memref<1x128xi32, #tpu.memory_space<vmem>> -> memref<128xi32, #tpu.memory_space<vmem>>
      %dma_start3A_348 = arith.constant 0 : i32
      %dma_start3A_349 = arith.constant 0 : i32
      %dma_start3A_350 = tpu.memref_slice %arg2[%dma_start3A_348, %dma_start3A_349] : memref<100000x16xf32, #tpu.memory_space<hbm>> -> memref<100000x16xf32, #tpu.memory_space<hbm>>
      tpu.enqueue_indirect_dma source(%dma_start3A_350 : memref<100000x16xf32, #tpu.memory_space<hbm>>) target(%dma_start3A_344 : memref<128x16xf32, #tpu.memory_space<vmem>>) offsets(%dma_start3A_347 : memref<128xi32, #tpu.memory_space<vmem>>) semaphore(%arg20 : memref<!tpu.dma_semaphore, #tpu.memory_space<semaphore_mem>>)
      %dma_start3A_351 = arith.constant 1 : i32
      %dma_start3A_352 = arith.constant 128 : i32
      %dma_start3A_353 = arith.constant 0 : i32
      %dma_start3A_354 = tpu.memref_slice %arg12[%dma_start3A_352, %dma_start3A_353] : memref<512x16xf32, #tpu.memory_space<vmem>> -> memref<128x16xf32, #tpu.memory_space<vmem>>
      %dma_start3A_355 = arith.constant 0 : i32
      %dma_start3A_356 = tpu.memref_slice %arg10[%dma_start3A_351, %dma_start3A_355] : memref<4x128xi32, #tpu.memory_space<vmem>> -> memref<1x128xi32, #tpu.memory_space<vmem>>
      %dma_start3A_357 = tpu.memref_squeeze %dma_start3A_356 : memref<1x128xi32, #tpu.memory_space<vmem>> -> memref<128xi32, #tpu.memory_space<vmem>>
      %dma_start3A_358 = arith.constant 0 : i32
      %dma_start3A_359 = arith.constant 0 : i32
      %dma_start3A_360 = tpu.memref_slice %arg2[%dma_start3A_358, %dma_start3A_359] : memref<100000x16xf32, #tpu.memory_space<hbm>> -> memref<100000x16xf32, #tpu.memory_space<hbm>>
      tpu.enqueue_indirect_dma source(%dma_start3A_360 : memref<100000x16xf32, #tpu.memory_space<hbm>>) target(%dma_start3A_354 : memref<128x16xf32, #tpu.memory_space<vmem>>) offsets(%dma_start3A_357 : memref<128xi32, #tpu.memory_space<vmem>>) semaphore(%arg20 : memref<!tpu.dma_semaphore, #tpu.memory_space<semaphore_mem>>)
      %dma_start3A_361 = arith.constant 2 : i32
      %dma_start3A_362 = arith.constant 256 : i32
      %dma_start3A_363 = arith.constant 0 : i32
      %dma_start3A_364 = tpu.memref_slice %arg12[%dma_start3A_362, %dma_start3A_363] : memref<512x16xf32, #tpu.memory_space<vmem>> -> memref<128x16xf32, #tpu.memory_space<vmem>>
      %dma_start3A_365 = arith.constant 0 : i32
      %dma_start3A_366 = tpu.memref_slice %arg10[%dma_start3A_361, %dma_start3A_365] : memref<4x128xi32, #tpu.memory_space<vmem>> -> memref<1x128xi32, #tpu.memory_space<vmem>>
      %dma_start3A_367 = tpu.memref_squeeze %dma_start3A_366 : memref<1x128xi32, #tpu.memory_space<vmem>> -> memref<128xi32, #tpu.memory_space<vmem>>
      %dma_start3A_368 = arith.constant 0 : i32
      %dma_start3A_369 = arith.constant 0 : i32
      %dma_start3A_370 = tpu.memref_slice %arg2[%dma_start3A_368, %dma_start3A_369] : memref<100000x16xf32, #tpu.memory_space<hbm>> -> memref<100000x16xf32, #tpu.memory_space<hbm>>
      tpu.enqueue_indirect_dma source(%dma_start3A_370 : memref<100000x16xf32, #tpu.memory_space<hbm>>) target(%dma_start3A_364 : memref<128x16xf32, #tpu.memory_space<vmem>>) offsets(%dma_start3A_367 : memref<128xi32, #tpu.memory_space<vmem>>) semaphore(%arg20 : memref<!tpu.dma_semaphore, #tpu.memory_space<semaphore_mem>>)
      %dma_start3A_371 = arith.constant 3 : i32
      %dma_start3A_372 = arith.constant 384 : i32
      %dma_start3A_373 = arith.constant 0 : i32
      %dma_start3A_374 = tpu.memref_slice %arg12[%dma_start3A_372, %dma_start3A_373] : memref<512x16xf32, #tpu.memory_space<vmem>> -> memref<128x16xf32, #tpu.memory_space<vmem>>
      %dma_start3A_375 = arith.constant 0 : i32
      %dma_start3A_376 = tpu.memref_slice %arg10[%dma_start3A_371, %dma_start3A_375] : memref<4x128xi32, #tpu.memory_space<vmem>> -> memref<1x128xi32, #tpu.memory_space<vmem>>
      %dma_start3A_377 = tpu.memref_squeeze %dma_start3A_376 : memref<1x128xi32, #tpu.memory_space<vmem>> -> memref<128xi32, #tpu.memory_space<vmem>>
      %dma_start3A_378 = arith.constant 0 : i32
      %dma_start3A_379 = arith.constant 0 : i32
      %dma_start3A_380 = tpu.memref_slice %arg2[%dma_start3A_378, %dma_start3A_379] : memref<100000x16xf32, #tpu.memory_space<hbm>> -> memref<100000x16xf32, #tpu.memory_space<hbm>>
      tpu.enqueue_indirect_dma source(%dma_start3A_380 : memref<100000x16xf32, #tpu.memory_space<hbm>>) target(%dma_start3A_374 : memref<128x16xf32, #tpu.memory_space<vmem>>) offsets(%dma_start3A_377 : memref<128xi32, #tpu.memory_space<vmem>>) semaphore(%arg20 : memref<!tpu.dma_semaphore, #tpu.memory_space<semaphore_mem>>)
      %dma_wait3A_381 = arith.constant 0 : i32
      %dma_wait3A_382 = arith.constant 0 : i32
      %dma_wait3A_383 = arith.constant 0 : i32
      %dma_wait3A_384 = tpu.memref_slice %arg12[%dma_wait3A_382, %dma_wait3A_383] : memref<512x16xf32, #tpu.memory_space<vmem>> -> memref<128x16xf32, #tpu.memory_space<vmem>>
      %dma_wait3A_385 = arith.constant 0 : i32
      %dma_wait3A_386 = tpu.memref_slice %arg10[%dma_wait3A_381, %dma_wait3A_385] : memref<4x128xi32, #tpu.memory_space<vmem>> -> memref<1x128xi32, #tpu.memory_space<vmem>>
      %dma_wait3A_387 = tpu.memref_squeeze %dma_wait3A_386 : memref<1x128xi32, #tpu.memory_space<vmem>> -> memref<128xi32, #tpu.memory_space<vmem>>
      %dma_wait3A_388 = arith.constant 0 : i32
      %dma_wait3A_389 = arith.constant 0 : i32
      %dma_wait3A_390 = tpu.memref_slice %arg2[%dma_wait3A_388, %dma_wait3A_389] : memref<100000x16xf32, #tpu.memory_space<hbm>> -> memref<100000x16xf32, #tpu.memory_space<hbm>>
      tpu.wait_indirect_dma semaphore(%arg20 : memref<!tpu.dma_semaphore, #tpu.memory_space<semaphore_mem>>) src(%dma_wait3A_390 : memref<100000x16xf32, #tpu.memory_space<hbm>>) dst(%dma_wait3A_384 : memref<128x16xf32, #tpu.memory_space<vmem>>)
      %dma_wait3A_391 = arith.constant 1 : i32
      %dma_wait3A_392 = arith.constant 128 : i32
      %dma_wait3A_393 = arith.constant 0 : i32
      %dma_wait3A_394 = tpu.memref_slice %arg12[%dma_wait3A_392, %dma_wait3A_393] : memref<512x16xf32, #tpu.memory_space<vmem>> -> memref<128x16xf32, #tpu.memory_space<vmem>>
      %dma_wait3A_395 = arith.constant 0 : i32
      %dma_wait3A_396 = tpu.memref_slice %arg10[%dma_wait3A_391, %dma_wait3A_395] : memref<4x128xi32, #tpu.memory_space<vmem>> -> memref<1x128xi32, #tpu.memory_space<vmem>>
      %dma_wait3A_397 = tpu.memref_squeeze %dma_wait3A_396 : memref<1x128xi32, #tpu.memory_space<vmem>> -> memref<128xi32, #tpu.memory_space<vmem>>
      %dma_wait3A_398 = arith.constant 0 : i32
      %dma_wait3A_399 = arith.constant 0 : i32
      %dma_wait3A_400 = tpu.memref_slice %arg2[%dma_wait3A_398, %dma_wait3A_399] : memref<100000x16xf32, #tpu.memory_space<hbm>> -> memref<100000x16xf32, #tpu.memory_space<hbm>>
      tpu.wait_indirect_dma semaphore(%arg20 : memref<!tpu.dma_semaphore, #tpu.memory_space<semaphore_mem>>) src(%dma_wait3A_400 : memref<100000x16xf32, #tpu.memory_space<hbm>>) dst(%dma_wait3A_394 : memref<128x16xf32, #tpu.memory_space<vmem>>)
      %dma_wait3A_401 = arith.constant 2 : i32
      %dma_wait3A_402 = arith.constant 256 : i32
      %dma_wait3A_403 = arith.constant 0 : i32
      %dma_wait3A_404 = tpu.memref_slice %arg12[%dma_wait3A_402, %dma_wait3A_403] : memref<512x16xf32, #tpu.memory_space<vmem>> -> memref<128x16xf32, #tpu.memory_space<vmem>>
      %dma_wait3A_405 = arith.constant 0 : i32
      %dma_wait3A_406 = tpu.memref_slice %arg10[%dma_wait3A_401, %dma_wait3A_405] : memref<4x128xi32, #tpu.memory_space<vmem>> -> memref<1x128xi32, #tpu.memory_space<vmem>>
      %dma_wait3A_407 = tpu.memref_squeeze %dma_wait3A_406 : memref<1x128xi32, #tpu.memory_space<vmem>> -> memref<128xi32, #tpu.memory_space<vmem>>
      %dma_wait3A_408 = arith.constant 0 : i32
      %dma_wait3A_409 = arith.constant 0 : i32
      %dma_wait3A_410 = tpu.memref_slice %arg2[%dma_wait3A_408, %dma_wait3A_409] : memref<100000x16xf32, #tpu.memory_space<hbm>> -> memref<100000x16xf32, #tpu.memory_space<hbm>>
      tpu.wait_indirect_dma semaphore(%arg20 : memref<!tpu.dma_semaphore, #tpu.memory_space<semaphore_mem>>) src(%dma_wait3A_410 : memref<100000x16xf32, #tpu.memory_space<hbm>>) dst(%dma_wait3A_404 : memref<128x16xf32, #tpu.memory_space<vmem>>)
      %dma_wait3A_411 = arith.constant 3 : i32
      %dma_wait3A_412 = arith.constant 384 : i32
      %dma_wait3A_413 = arith.constant 0 : i32
      %dma_wait3A_414 = tpu.memref_slice %arg12[%dma_wait3A_412, %dma_wait3A_413] : memref<512x16xf32, #tpu.memory_space<vmem>> -> memref<128x16xf32, #tpu.memory_space<vmem>>
      %dma_wait3A_415 = arith.constant 0 : i32
      %dma_wait3A_416 = tpu.memref_slice %arg10[%dma_wait3A_411, %dma_wait3A_415] : memref<4x128xi32, #tpu.memory_space<vmem>> -> memref<1x128xi32, #tpu.memory_space<vmem>>
      %dma_wait3A_417 = tpu.memref_squeeze %dma_wait3A_416 : memref<1x128xi32, #tpu.memory_space<vmem>> -> memref<128xi32, #tpu.memory_space<vmem>>
      %dma_wait3A_418 = arith.constant 0 : i32
      %dma_wait3A_419 = arith.constant 0 : i32
      %dma_wait3A_420 = tpu.memref_slice %arg2[%dma_wait3A_418, %dma_wait3A_419] : memref<100000x16xf32, #tpu.memory_space<hbm>> -> memref<100000x16xf32, #tpu.memory_space<hbm>>
      tpu.wait_indirect_dma semaphore(%arg20 : memref<!tpu.dma_semaphore, #tpu.memory_space<semaphore_mem>>) src(%dma_wait3A_420 : memref<100000x16xf32, #tpu.memory_space<hbm>>) dst(%dma_wait3A_414 : memref<128x16xf32, #tpu.memory_space<vmem>>)
      %dma_wait3A_421 = arith.constant 0 : i32
      %dma_wait3A_422 = arith.constant 0 : i32
      %dma_wait3A_423 = arith.constant 0 : i32
      %dma_wait3A_424 = tpu.memref_slice %arg9[%dma_wait3A_422, %dma_wait3A_423] : memref<512x16xf32, #tpu.memory_space<vmem>> -> memref<128x16xf32, #tpu.memory_space<vmem>>
      %dma_wait3A_425 = arith.constant 0 : i32
      %dma_wait3A_426 = tpu.memref_slice %arg8[%dma_wait3A_421, %dma_wait3A_425] : memref<4x128xi32, #tpu.memory_space<vmem>> -> memref<1x128xi32, #tpu.memory_space<vmem>>
      %dma_wait3A_427 = tpu.memref_squeeze %dma_wait3A_426 : memref<1x128xi32, #tpu.memory_space<vmem>> -> memref<128xi32, #tpu.memory_space<vmem>>
      %dma_wait3A_428 = arith.constant 0 : i32
      %dma_wait3A_429 = arith.constant 0 : i32
      %dma_wait3A_430 = tpu.memref_slice %arg13[%dma_wait3A_428, %dma_wait3A_429] : memref<100096x16xf32, #tpu.memory_space<vmem_shared>> -> memref<100096x16xf32, #tpu.memory_space<vmem_shared>>
      tpu.wait_indirect_dma semaphore(%arg21 : memref<!tpu.dma_semaphore, #tpu.memory_space<semaphore_mem>>) src(%dma_wait3A_424 : memref<128x16xf32, #tpu.memory_space<vmem>>) dst(%dma_wait3A_430 : memref<100096x16xf32, #tpu.memory_space<vmem_shared>>)
      %dma_wait3A_431 = arith.constant 0 : i32
      %dma_wait3A_432 = arith.constant 0 : i32
      %dma_wait3A_433 = tpu.memref_slice %arg8[%dma_wait3A_431, %dma_wait3A_432] : memref<4x128xi32, #tpu.memory_space<vmem>> -> memref<1x128xi32, #tpu.memory_space<vmem>>
      %dma_wait3A_434 = tpu.memref_squeeze %dma_wait3A_433 : memref<1x128xi32, #tpu.memory_space<vmem>> -> memref<128xi32, #tpu.memory_space<vmem>>
      %dma_wait3A_435 = arith.constant 0 : i32
      %dma_wait3A_436 = tpu.memref_slice %arg16[%dma_wait3A_435] : memref<100112xf32, #tpu.memory_space<vmem_shared>> -> memref<100112xf32, #tpu.memory_space<vmem_shared>>
      tpu.wait_indirect_dma semaphore(%arg23 : memref<!tpu.dma_semaphore, #tpu.memory_space<semaphore_mem>>) src(%arg14 : memref<128xf32, #tpu.memory_space<vmem>>) dst(%dma_wait3A_436 : memref<100112xf32, #tpu.memory_space<vmem_shared>>)
      %dma_wait3A_437 = arith.constant 1 : i32
      %dma_wait3A_438 = arith.constant 128 : i32
      %dma_wait3A_439 = arith.constant 0 : i32
      %dma_wait3A_440 = tpu.memref_slice %arg9[%dma_wait3A_438, %dma_wait3A_439] : memref<512x16xf32, #tpu.memory_space<vmem>> -> memref<128x16xf32, #tpu.memory_space<vmem>>
      %dma_wait3A_441 = arith.constant 0 : i32
      %dma_wait3A_442 = tpu.memref_slice %arg8[%dma_wait3A_437, %dma_wait3A_441] : memref<4x128xi32, #tpu.memory_space<vmem>> -> memref<1x128xi32, #tpu.memory_space<vmem>>
      %dma_wait3A_443 = tpu.memref_squeeze %dma_wait3A_442 : memref<1x128xi32, #tpu.memory_space<vmem>> -> memref<128xi32, #tpu.memory_space<vmem>>
      %dma_wait3A_444 = arith.constant 0 : i32
      %dma_wait3A_445 = arith.constant 0 : i32
      %dma_wait3A_446 = tpu.memref_slice %arg13[%dma_wait3A_444, %dma_wait3A_445] : memref<100096x16xf32, #tpu.memory_space<vmem_shared>> -> memref<100096x16xf32, #tpu.memory_space<vmem_shared>>
      tpu.wait_indirect_dma semaphore(%arg21 : memref<!tpu.dma_semaphore, #tpu.memory_space<semaphore_mem>>) src(%dma_wait3A_440 : memref<128x16xf32, #tpu.memory_space<vmem>>) dst(%dma_wait3A_446 : memref<100096x16xf32, #tpu.memory_space<vmem_shared>>)
      %dma_wait3A_447 = arith.constant 1 : i32
      %dma_wait3A_448 = arith.constant 0 : i32
      %dma_wait3A_449 = tpu.memref_slice %arg8[%dma_wait3A_447, %dma_wait3A_448] : memref<4x128xi32, #tpu.memory_space<vmem>> -> memref<1x128xi32, #tpu.memory_space<vmem>>
      %dma_wait3A_450 = tpu.memref_squeeze %dma_wait3A_449 : memref<1x128xi32, #tpu.memory_space<vmem>> -> memref<128xi32, #tpu.memory_space<vmem>>
      %dma_wait3A_451 = arith.constant 0 : i32
      %dma_wait3A_452 = tpu.memref_slice %arg16[%dma_wait3A_451] : memref<100112xf32, #tpu.memory_space<vmem_shared>> -> memref<100112xf32, #tpu.memory_space<vmem_shared>>
      tpu.wait_indirect_dma semaphore(%arg23 : memref<!tpu.dma_semaphore, #tpu.memory_space<semaphore_mem>>) src(%arg14 : memref<128xf32, #tpu.memory_space<vmem>>) dst(%dma_wait3A_452 : memref<100112xf32, #tpu.memory_space<vmem_shared>>)
      %dma_wait3A_453 = arith.constant 2 : i32
      %dma_wait3A_454 = arith.constant 256 : i32
      %dma_wait3A_455 = arith.constant 0 : i32
      %dma_wait3A_456 = tpu.memref_slice %arg9[%dma_wait3A_454, %dma_wait3A_455] : memref<512x16xf32, #tpu.memory_space<vmem>> -> memref<128x16xf32, #tpu.memory_space<vmem>>
      %dma_wait3A_457 = arith.constant 0 : i32
      %dma_wait3A_458 = tpu.memref_slice %arg8[%dma_wait3A_453, %dma_wait3A_457] : memref<4x128xi32, #tpu.memory_space<vmem>> -> memref<1x128xi32, #tpu.memory_space<vmem>>
      %dma_wait3A_459 = tpu.memref_squeeze %dma_wait3A_458 : memref<1x128xi32, #tpu.memory_space<vmem>> -> memref<128xi32, #tpu.memory_space<vmem>>
      %dma_wait3A_460 = arith.constant 0 : i32
      %dma_wait3A_461 = arith.constant 0 : i32
      %dma_wait3A_462 = tpu.memref_slice %arg13[%dma_wait3A_460, %dma_wait3A_461] : memref<100096x16xf32, #tpu.memory_space<vmem_shared>> -> memref<100096x16xf32, #tpu.memory_space<vmem_shared>>
      tpu.wait_indirect_dma semaphore(%arg21 : memref<!tpu.dma_semaphore, #tpu.memory_space<semaphore_mem>>) src(%dma_wait3A_456 : memref<128x16xf32, #tpu.memory_space<vmem>>) dst(%dma_wait3A_462 : memref<100096x16xf32, #tpu.memory_space<vmem_shared>>)
      %dma_wait3A_463 = arith.constant 2 : i32
      %dma_wait3A_464 = arith.constant 0 : i32
      %dma_wait3A_465 = tpu.memref_slice %arg8[%dma_wait3A_463, %dma_wait3A_464] : memref<4x128xi32, #tpu.memory_space<vmem>> -> memref<1x128xi32, #tpu.memory_space<vmem>>
      %dma_wait3A_466 = tpu.memref_squeeze %dma_wait3A_465 : memref<1x128xi32, #tpu.memory_space<vmem>> -> memref<128xi32, #tpu.memory_space<vmem>>
      %dma_wait3A_467 = arith.constant 0 : i32
      %dma_wait3A_468 = tpu.memref_slice %arg16[%dma_wait3A_467] : memref<100112xf32, #tpu.memory_space<vmem_shared>> -> memref<100112xf32, #tpu.memory_space<vmem_shared>>
      tpu.wait_indirect_dma semaphore(%arg23 : memref<!tpu.dma_semaphore, #tpu.memory_space<semaphore_mem>>) src(%arg14 : memref<128xf32, #tpu.memory_space<vmem>>) dst(%dma_wait3A_468 : memref<100112xf32, #tpu.memory_space<vmem_shared>>)
      %dma_wait3A_469 = arith.constant 3 : i32
      %dma_wait3A_470 = arith.constant 384 : i32
      %dma_wait3A_471 = arith.constant 0 : i32
      %dma_wait3A_472 = tpu.memref_slice %arg9[%dma_wait3A_470, %dma_wait3A_471] : memref<512x16xf32, #tpu.memory_space<vmem>> -> memref<128x16xf32, #tpu.memory_space<vmem>>
      %dma_wait3A_473 = arith.constant 0 : i32
      %dma_wait3A_474 = tpu.memref_slice %arg8[%dma_wait3A_469, %dma_wait3A_473] : memref<4x128xi32, #tpu.memory_space<vmem>> -> memref<1x128xi32, #tpu.memory_space<vmem>>
      %dma_wait3A_475 = tpu.memref_squeeze %dma_wait3A_474 : memref<1x128xi32, #tpu.memory_space<vmem>> -> memref<128xi32, #tpu.memory_space<vmem>>
      %dma_wait3A_476 = arith.constant 0 : i32
      %dma_wait3A_477 = arith.constant 0 : i32
      %dma_wait3A_478 = tpu.memref_slice %arg13[%dma_wait3A_476, %dma_wait3A_477] : memref<100096x16xf32, #tpu.memory_space<vmem_shared>> -> memref<100096x16xf32, #tpu.memory_space<vmem_shared>>
      tpu.wait_indirect_dma semaphore(%arg21 : memref<!tpu.dma_semaphore, #tpu.memory_space<semaphore_mem>>) src(%dma_wait3A_472 : memref<128x16xf32, #tpu.memory_space<vmem>>) dst(%dma_wait3A_478 : memref<100096x16xf32, #tpu.memory_space<vmem_shared>>)
      %dma_wait3A_479 = arith.constant 3 : i32
      %dma_wait3A_480 = arith.constant 0 : i32
      %dma_wait3A_481 = tpu.memref_slice %arg8[%dma_wait3A_479, %dma_wait3A_480] : memref<4x128xi32, #tpu.memory_space<vmem>> -> memref<1x128xi32, #tpu.memory_space<vmem>>
      %dma_wait3A_482 = tpu.memref_squeeze %dma_wait3A_481 : memref<1x128xi32, #tpu.memory_space<vmem>> -> memref<128xi32, #tpu.memory_space<vmem>>
      %dma_wait3A_483 = arith.constant 0 : i32
      %dma_wait3A_484 = tpu.memref_slice %arg16[%dma_wait3A_483] : memref<100112xf32, #tpu.memory_space<vmem_shared>> -> memref<100112xf32, #tpu.memory_space<vmem_shared>>
      tpu.wait_indirect_dma semaphore(%arg23 : memref<!tpu.dma_semaphore, #tpu.memory_space<semaphore_mem>>) src(%arg14 : memref<128xf32, #tpu.memory_space<vmem>>) dst(%dma_wait3A_484 : memref<100112xf32, #tpu.memory_space<vmem_shared>>)
      %add3A_485 = arith.constant 2 : i32
      %add3A_486 = arith.addi %mul3A_157, %add3A_485 : i32
      %mul3A_487 = arith.constant 4 : i32
      %mul3A_488 = arith.muli %add3A_486, %mul3A_487 : i32
      %add3A_489 = arith.addi %select_n3A, %mul3A_488 : i32
      %dma_start3A_490 = arith.constant 0 : i32
      %dma_start3A_491 = tpu.memref_slice %arg3[%add3A_489, %dma_start3A_490] : memref<25352x128xi32, #tpu.memory_space<hbm>> -> memref<4x128xi32, #tpu.memory_space<hbm>>
      %dma_start3A_492 = arith.constant 0 : i32
      %dma_start3A_493 = tpu.memref_slice %arg3[%add3A_489, %dma_start3A_492] : memref<25352x128xi32, #tpu.memory_space<hbm>> -> memref<4x128xi32, #tpu.memory_space<hbm>>
      tpu.enqueue_dma source(%dma_start3A_493 : memref<4x128xi32, #tpu.memory_space<hbm>>) target(%arg7 : memref<4x128xi32, #tpu.memory_space<vmem>>) target_semaphore(%arg17 : memref<!tpu.dma_semaphore, #tpu.memory_space<semaphore_mem>>)
      %dma_start3A_494 = arith.constant 0 : i32
      %dma_start3A_495 = tpu.memref_slice %arg4[%add3A_489, %dma_start3A_494] : memref<25352x128xi32, #tpu.memory_space<hbm>> -> memref<4x128xi32, #tpu.memory_space<hbm>>
      %dma_start3A_496 = arith.constant 0 : i32
      %dma_start3A_497 = tpu.memref_slice %arg4[%add3A_489, %dma_start3A_496] : memref<25352x128xi32, #tpu.memory_space<hbm>> -> memref<4x128xi32, #tpu.memory_space<hbm>>
      tpu.enqueue_dma source(%dma_start3A_497 : memref<4x128xi32, #tpu.memory_space<hbm>>) target(%arg8 : memref<4x128xi32, #tpu.memory_space<vmem>>) target_semaphore(%arg17 : memref<!tpu.dma_semaphore, #tpu.memory_space<semaphore_mem>>)
      %dma_start3A_498 = arith.constant 0 : i32
      %dma_start3A_499 = arith.constant 0 : i32
      %dma_start3A_500 = arith.constant 0 : i32
      %dma_start3A_501 = tpu.memref_slice %arg12[%dma_start3A_499, %dma_start3A_500] : memref<512x16xf32, #tpu.memory_space<vmem>> -> memref<128x16xf32, #tpu.memory_space<vmem>>
      %dma_start3A_502 = arith.constant 0 : i32
      %dma_start3A_503 = tpu.memref_slice %arg11[%dma_start3A_498, %dma_start3A_502] : memref<4x128xi32, #tpu.memory_space<vmem>> -> memref<1x128xi32, #tpu.memory_space<vmem>>
      %dma_start3A_504 = tpu.memref_squeeze %dma_start3A_503 : memref<1x128xi32, #tpu.memory_space<vmem>> -> memref<128xi32, #tpu.memory_space<vmem>>
      %dma_start3A_505 = arith.constant 0 : i32
      %dma_start3A_506 = arith.constant 0 : i32
      %dma_start3A_507 = tpu.memref_slice %arg13[%dma_start3A_505, %dma_start3A_506] : memref<100096x16xf32, #tpu.memory_space<vmem_shared>> -> memref<100096x16xf32, #tpu.memory_space<vmem_shared>>
      tpu.enqueue_indirect_dma source(%dma_start3A_501 : memref<128x16xf32, #tpu.memory_space<vmem>>) target(%dma_start3A_507 : memref<100096x16xf32, #tpu.memory_space<vmem_shared>>) offsets(%dma_start3A_504 : memref<128xi32, #tpu.memory_space<vmem>>) semaphore(%arg22 : memref<!tpu.dma_semaphore, #tpu.memory_space<semaphore_mem>>) {add = true}
      %dma_start3A_508 = arith.constant 0 : i32
      %dma_start3A_509 = arith.constant 0 : i32
      %dma_start3A_510 = tpu.memref_slice %arg11[%dma_start3A_508, %dma_start3A_509] : memref<4x128xi32, #tpu.memory_space<vmem>> -> memref<1x128xi32, #tpu.memory_space<vmem>>
      %dma_start3A_511 = tpu.memref_squeeze %dma_start3A_510 : memref<1x128xi32, #tpu.memory_space<vmem>> -> memref<128xi32, #tpu.memory_space<vmem>>
      %dma_start3A_512 = arith.constant 0 : i32
      %dma_start3A_513 = tpu.memref_slice %arg16[%dma_start3A_512] : memref<100112xf32, #tpu.memory_space<vmem_shared>> -> memref<100112xf32, #tpu.memory_space<vmem_shared>>
      tpu.enqueue_indirect_dma source(%arg14 : memref<128xf32, #tpu.memory_space<vmem>>) target(%dma_start3A_513 : memref<100112xf32, #tpu.memory_space<vmem_shared>>) offsets(%dma_start3A_511 : memref<128xi32, #tpu.memory_space<vmem>>) semaphore(%arg24 : memref<!tpu.dma_semaphore, #tpu.memory_space<semaphore_mem>>) {add = true}
      %dma_start3A_514 = arith.constant 1 : i32
      %dma_start3A_515 = arith.constant 128 : i32
      %dma_start3A_516 = arith.constant 0 : i32
      %dma_start3A_517 = tpu.memref_slice %arg12[%dma_start3A_515, %dma_start3A_516] : memref<512x16xf32, #tpu.memory_space<vmem>> -> memref<128x16xf32, #tpu.memory_space<vmem>>
      %dma_start3A_518 = arith.constant 0 : i32
      %dma_start3A_519 = tpu.memref_slice %arg11[%dma_start3A_514, %dma_start3A_518] : memref<4x128xi32, #tpu.memory_space<vmem>> -> memref<1x128xi32, #tpu.memory_space<vmem>>
      %dma_start3A_520 = tpu.memref_squeeze %dma_start3A_519 : memref<1x128xi32, #tpu.memory_space<vmem>> -> memref<128xi32, #tpu.memory_space<vmem>>
      %dma_start3A_521 = arith.constant 0 : i32
      %dma_start3A_522 = arith.constant 0 : i32
      %dma_start3A_523 = tpu.memref_slice %arg13[%dma_start3A_521, %dma_start3A_522] : memref<100096x16xf32, #tpu.memory_space<vmem_shared>> -> memref<100096x16xf32, #tpu.memory_space<vmem_shared>>
      tpu.enqueue_indirect_dma source(%dma_start3A_517 : memref<128x16xf32, #tpu.memory_space<vmem>>) target(%dma_start3A_523 : memref<100096x16xf32, #tpu.memory_space<vmem_shared>>) offsets(%dma_start3A_520 : memref<128xi32, #tpu.memory_space<vmem>>) semaphore(%arg22 : memref<!tpu.dma_semaphore, #tpu.memory_space<semaphore_mem>>) {add = true}
      %dma_start3A_524 = arith.constant 1 : i32
      %dma_start3A_525 = arith.constant 0 : i32
      %dma_start3A_526 = tpu.memref_slice %arg11[%dma_start3A_524, %dma_start3A_525] : memref<4x128xi32, #tpu.memory_space<vmem>> -> memref<1x128xi32, #tpu.memory_space<vmem>>
      %dma_start3A_527 = tpu.memref_squeeze %dma_start3A_526 : memref<1x128xi32, #tpu.memory_space<vmem>> -> memref<128xi32, #tpu.memory_space<vmem>>
      %dma_start3A_528 = arith.constant 0 : i32
      %dma_start3A_529 = tpu.memref_slice %arg16[%dma_start3A_528] : memref<100112xf32, #tpu.memory_space<vmem_shared>> -> memref<100112xf32, #tpu.memory_space<vmem_shared>>
      tpu.enqueue_indirect_dma source(%arg14 : memref<128xf32, #tpu.memory_space<vmem>>) target(%dma_start3A_529 : memref<100112xf32, #tpu.memory_space<vmem_shared>>) offsets(%dma_start3A_527 : memref<128xi32, #tpu.memory_space<vmem>>) semaphore(%arg24 : memref<!tpu.dma_semaphore, #tpu.memory_space<semaphore_mem>>) {add = true}
      %dma_start3A_530 = arith.constant 2 : i32
      %dma_start3A_531 = arith.constant 256 : i32
      %dma_start3A_532 = arith.constant 0 : i32
      %dma_start3A_533 = tpu.memref_slice %arg12[%dma_start3A_531, %dma_start3A_532] : memref<512x16xf32, #tpu.memory_space<vmem>> -> memref<128x16xf32, #tpu.memory_space<vmem>>
      %dma_start3A_534 = arith.constant 0 : i32
      %dma_start3A_535 = tpu.memref_slice %arg11[%dma_start3A_530, %dma_start3A_534] : memref<4x128xi32, #tpu.memory_space<vmem>> -> memref<1x128xi32, #tpu.memory_space<vmem>>
      %dma_start3A_536 = tpu.memref_squeeze %dma_start3A_535 : memref<1x128xi32, #tpu.memory_space<vmem>> -> memref<128xi32, #tpu.memory_space<vmem>>
      %dma_start3A_537 = arith.constant 0 : i32
      %dma_start3A_538 = arith.constant 0 : i32
      %dma_start3A_539 = tpu.memref_slice %arg13[%dma_start3A_537, %dma_start3A_538] : memref<100096x16xf32, #tpu.memory_space<vmem_shared>> -> memref<100096x16xf32, #tpu.memory_space<vmem_shared>>
      tpu.enqueue_indirect_dma source(%dma_start3A_533 : memref<128x16xf32, #tpu.memory_space<vmem>>) target(%dma_start3A_539 : memref<100096x16xf32, #tpu.memory_space<vmem_shared>>) offsets(%dma_start3A_536 : memref<128xi32, #tpu.memory_space<vmem>>) semaphore(%arg22 : memref<!tpu.dma_semaphore, #tpu.memory_space<semaphore_mem>>) {add = true}
      %dma_start3A_540 = arith.constant 2 : i32
      %dma_start3A_541 = arith.constant 0 : i32
      %dma_start3A_542 = tpu.memref_slice %arg11[%dma_start3A_540, %dma_start3A_541] : memref<4x128xi32, #tpu.memory_space<vmem>> -> memref<1x128xi32, #tpu.memory_space<vmem>>
      %dma_start3A_543 = tpu.memref_squeeze %dma_start3A_542 : memref<1x128xi32, #tpu.memory_space<vmem>> -> memref<128xi32, #tpu.memory_space<vmem>>
      %dma_start3A_544 = arith.constant 0 : i32
      %dma_start3A_545 = tpu.memref_slice %arg16[%dma_start3A_544] : memref<100112xf32, #tpu.memory_space<vmem_shared>> -> memref<100112xf32, #tpu.memory_space<vmem_shared>>
      tpu.enqueue_indirect_dma source(%arg14 : memref<128xf32, #tpu.memory_space<vmem>>) target(%dma_start3A_545 : memref<100112xf32, #tpu.memory_space<vmem_shared>>) offsets(%dma_start3A_543 : memref<128xi32, #tpu.memory_space<vmem>>) semaphore(%arg24 : memref<!tpu.dma_semaphore, #tpu.memory_space<semaphore_mem>>) {add = true}
      %dma_start3A_546 = arith.constant 3 : i32
      %dma_start3A_547 = arith.constant 384 : i32
      %dma_start3A_548 = arith.constant 0 : i32
      %dma_start3A_549 = tpu.memref_slice %arg12[%dma_start3A_547, %dma_start3A_548] : memref<512x16xf32, #tpu.memory_space<vmem>> -> memref<128x16xf32, #tpu.memory_space<vmem>>
      %dma_start3A_550 = arith.constant 0 : i32
      %dma_start3A_551 = tpu.memref_slice %arg11[%dma_start3A_546, %dma_start3A_550] : memref<4x128xi32, #tpu.memory_space<vmem>> -> memref<1x128xi32, #tpu.memory_space<vmem>>
      %dma_start3A_552 = tpu.memref_squeeze %dma_start3A_551 : memref<1x128xi32, #tpu.memory_space<vmem>> -> memref<128xi32, #tpu.memory_space<vmem>>
      %dma_start3A_553 = arith.constant 0 : i32
      %dma_start3A_554 = arith.constant 0 : i32
      %dma_start3A_555 = tpu.memref_slice %arg13[%dma_start3A_553, %dma_start3A_554] : memref<100096x16xf32, #tpu.memory_space<vmem_shared>> -> memref<100096x16xf32, #tpu.memory_space<vmem_shared>>
      tpu.enqueue_indirect_dma source(%dma_start3A_549 : memref<128x16xf32, #tpu.memory_space<vmem>>) target(%dma_start3A_555 : memref<100096x16xf32, #tpu.memory_space<vmem_shared>>) offsets(%dma_start3A_552 : memref<128xi32, #tpu.memory_space<vmem>>) semaphore(%arg22 : memref<!tpu.dma_semaphore, #tpu.memory_space<semaphore_mem>>) {add = true}
      %dma_start3A_556 = arith.constant 3 : i32
      %dma_start3A_557 = arith.constant 0 : i32
      %dma_start3A_558 = tpu.memref_slice %arg11[%dma_start3A_556, %dma_start3A_557] : memref<4x128xi32, #tpu.memory_space<vmem>> -> memref<1x128xi32, #tpu.memory_space<vmem>>
      %dma_start3A_559 = tpu.memref_squeeze %dma_start3A_558 : memref<1x128xi32, #tpu.memory_space<vmem>> -> memref<128xi32, #tpu.memory_space<vmem>>
      %dma_start3A_560 = arith.constant 0 : i32
      %dma_start3A_561 = tpu.memref_slice %arg16[%dma_start3A_560] : memref<100112xf32, #tpu.memory_space<vmem_shared>> -> memref<100112xf32, #tpu.memory_space<vmem_shared>>
      tpu.enqueue_indirect_dma source(%arg14 : memref<128xf32, #tpu.memory_space<vmem>>) target(%dma_start3A_561 : memref<100112xf32, #tpu.memory_space<vmem_shared>>) offsets(%dma_start3A_559 : memref<128xi32, #tpu.memory_space<vmem>>) semaphore(%arg24 : memref<!tpu.dma_semaphore, #tpu.memory_space<semaphore_mem>>) {add = true}
    }
    %while3A_74 = arith.constant 1 : i32
    scf.for %while3A_153 = %while3A_72 to %while3A_68 step %while3A_74  : i32 {
      %mul3A_154 = arith.muli %while3A_153, %while3A : i32
      %add3A_155 = arith.addi %while3A_65, %mul3A_154 : i32
      %mul3A_156 = arith.constant 2 : i32
      %mul3A_157 = arith.muli %add3A_155, %mul3A_156 : i32
      %dma_wait3A_158 = arith.constant 0 : i32
      %dma_wait3A_159 = arith.constant 0 : i32
      %dma_wait3A_160 = tpu.memref_slice %arg3[%dma_wait3A_158, %dma_wait3A_159] : memref<25352x128xi32, #tpu.memory_space<hbm>> -> memref<4x128xi32, #tpu.memory_space<hbm>>
      %dma_wait3A_161 = arith.constant 0 : i32
      %dma_wait3A_162 = arith.constant 0 : i32
      %dma_wait3A_163 = tpu.memref_slice %arg3[%dma_wait3A_161, %dma_wait3A_162] : memref<25352x128xi32, #tpu.memory_space<hbm>> -> memref<4x128xi32, #tpu.memory_space<hbm>>
      tpu.wait_dma2 semaphore(%arg17 : memref<!tpu.dma_semaphore, #tpu.memory_space<semaphore_mem>>) src(%dma_wait3A_163 : memref<4x128xi32, #tpu.memory_space<hbm>>) dst(%arg7 : memref<4x128xi32, #tpu.memory_space<vmem>>)
      %dma_wait3A_164 = arith.constant 0 : i32
      %dma_wait3A_165 = arith.constant 0 : i32
      %dma_wait3A_166 = tpu.memref_slice %arg4[%dma_wait3A_164, %dma_wait3A_165] : memref<25352x128xi32, #tpu.memory_space<hbm>> -> memref<4x128xi32, #tpu.memory_space<hbm>>
      %dma_wait3A_167 = arith.constant 0 : i32
      %dma_wait3A_168 = arith.constant 0 : i32
      %dma_wait3A_169 = tpu.memref_slice %arg4[%dma_wait3A_167, %dma_wait3A_168] : memref<25352x128xi32, #tpu.memory_space<hbm>> -> memref<4x128xi32, #tpu.memory_space<hbm>>
      tpu.wait_dma2 semaphore(%arg17 : memref<!tpu.dma_semaphore, #tpu.memory_space<semaphore_mem>>) src(%dma_wait3A_169 : memref<4x128xi32, #tpu.memory_space<hbm>>) dst(%arg8 : memref<4x128xi32, #tpu.memory_space<vmem>>)
      %dma_start3A_170 = arith.constant 0 : i32
      %dma_start3A_171 = arith.constant 0 : i32
      %dma_start3A_172 = arith.constant 0 : i32
      %dma_start3A_173 = tpu.memref_slice %arg9[%dma_start3A_171, %dma_start3A_172] : memref<512x16xf32, #tpu.memory_space<vmem>> -> memref<128x16xf32, #tpu.memory_space<vmem>>
      %dma_start3A_174 = arith.constant 0 : i32
      %dma_start3A_175 = tpu.memref_slice %arg7[%dma_start3A_170, %dma_start3A_174] : memref<4x128xi32, #tpu.memory_space<vmem>> -> memref<1x128xi32, #tpu.memory_space<vmem>>
      %dma_start3A_176 = tpu.memref_squeeze %dma_start3A_175 : memref<1x128xi32, #tpu.memory_space<vmem>> -> memref<128xi32, #tpu.memory_space<vmem>>
      %dma_start3A_177 = arith.constant 0 : i32
      %dma_start3A_178 = arith.constant 0 : i32
      %dma_start3A_179 = tpu.memref_slice %arg2[%dma_start3A_177, %dma_start3A_178] : memref<100000x16xf32, #tpu.memory_space<hbm>> -> memref<100000x16xf32, #tpu.memory_space<hbm>>
      tpu.enqueue_indirect_dma source(%dma_start3A_179 : memref<100000x16xf32, #tpu.memory_space<hbm>>) target(%dma_start3A_173 : memref<128x16xf32, #tpu.memory_space<vmem>>) offsets(%dma_start3A_176 : memref<128xi32, #tpu.memory_space<vmem>>) semaphore(%arg19 : memref<!tpu.dma_semaphore, #tpu.memory_space<semaphore_mem>>)
      %dma_start3A_180 = arith.constant 1 : i32
      %dma_start3A_181 = arith.constant 128 : i32
      %dma_start3A_182 = arith.constant 0 : i32
      %dma_start3A_183 = tpu.memref_slice %arg9[%dma_start3A_181, %dma_start3A_182] : memref<512x16xf32, #tpu.memory_space<vmem>> -> memref<128x16xf32, #tpu.memory_space<vmem>>
      %dma_start3A_184 = arith.constant 0 : i32
      %dma_start3A_185 = tpu.memref_slice %arg7[%dma_start3A_180, %dma_start3A_184] : memref<4x128xi32, #tpu.memory_space<vmem>> -> memref<1x128xi32, #tpu.memory_space<vmem>>
      %dma_start3A_186 = tpu.memref_squeeze %dma_start3A_185 : memref<1x128xi32, #tpu.memory_space<vmem>> -> memref<128xi32, #tpu.memory_space<vmem>>
      %dma_start3A_187 = arith.constant 0 : i32
      %dma_start3A_188 = arith.constant 0 : i32
      %dma_start3A_189 = tpu.memref_slice %arg2[%dma_start3A_187, %dma_start3A_188] : memref<100000x16xf32, #tpu.memory_space<hbm>> -> memref<100000x16xf32, #tpu.memory_space<hbm>>
      tpu.enqueue_indirect_dma source(%dma_start3A_189 : memref<100000x16xf32, #tpu.memory_space<hbm>>) target(%dma_start3A_183 : memref<128x16xf32, #tpu.memory_space<vmem>>) offsets(%dma_start3A_186 : memref<128xi32, #tpu.memory_space<vmem>>) semaphore(%arg19 : memref<!tpu.dma_semaphore, #tpu.memory_space<semaphore_mem>>)
      %dma_start3A_190 = arith.constant 2 : i32
      %dma_start3A_191 = arith.constant 256 : i32
      %dma_start3A_192 = arith.constant 0 : i32
      %dma_start3A_193 = tpu.memref_slice %arg9[%dma_start3A_191, %dma_start3A_192] : memref<512x16xf32, #tpu.memory_space<vmem>> -> memref<128x16xf32, #tpu.memory_space<vmem>>
      %dma_start3A_194 = arith.constant 0 : i32
      %dma_start3A_195 = tpu.memref_slice %arg7[%dma_start3A_190, %dma_start3A_194] : memref<4x128xi32, #tpu.memory_space<vmem>> -> memref<1x128xi32, #tpu.memory_space<vmem>>
      %dma_start3A_196 = tpu.memref_squeeze %dma_start3A_195 : memref<1x128xi32, #tpu.memory_space<vmem>> -> memref<128xi32, #tpu.memory_space<vmem>>
      %dma_start3A_197 = arith.constant 0 : i32
      %dma_start3A_198 = arith.constant 0 : i32
      %dma_start3A_199 = tpu.memref_slice %arg2[%dma_start3A_197, %dma_start3A_198] : memref<100000x16xf32, #tpu.memory_space<hbm>> -> memref<100000x16xf32, #tpu.memory_space<hbm>>
      tpu.enqueue_indirect_dma source(%dma_start3A_199 : memref<100000x16xf32, #tpu.memory_space<hbm>>) target(%dma_start3A_193 : memref<128x16xf32, #tpu.memory_space<vmem>>) offsets(%dma_start3A_196 : memref<128xi32, #tpu.memory_space<vmem>>) semaphore(%arg19 : memref<!tpu.dma_semaphore, #tpu.memory_space<semaphore_mem>>)
      %dma_start3A_200 = arith.constant 3 : i32
      %dma_start3A_201 = arith.constant 384 : i32
      %dma_start3A_202 = arith.constant 0 : i32
      %dma_start3A_203 = tpu.memref_slice %arg9[%dma_start3A_201, %dma_start3A_202] : memref<512x16xf32, #tpu.memory_space<vmem>> -> memref<128x16xf32, #tpu.memory_space<vmem>>
      %dma_start3A_204 = arith.constant 0 : i32
      %dma_start3A_205 = tpu.memref_slice %arg7[%dma_start3A_200, %dma_start3A_204] : memref<4x128xi32, #tpu.memory_space<vmem>> -> memref<1x128xi32, #tpu.memory_space<vmem>>
      %dma_start3A_206 = tpu.memref_squeeze %dma_start3A_205 : memref<1x128xi32, #tpu.memory_space<vmem>> -> memref<128xi32, #tpu.memory_space<vmem>>
      %dma_start3A_207 = arith.constant 0 : i32
      %dma_start3A_208 = arith.constant 0 : i32
      %dma_start3A_209 = tpu.memref_slice %arg2[%dma_start3A_207, %dma_start3A_208] : memref<100000x16xf32, #tpu.memory_space<hbm>> -> memref<100000x16xf32, #tpu.memory_space<hbm>>
      tpu.enqueue_indirect_dma source(%dma_start3A_209 : memref<100000x16xf32, #tpu.memory_space<hbm>>) target(%dma_start3A_203 : memref<128x16xf32, #tpu.memory_space<vmem>>) offsets(%dma_start3A_206 : memref<128xi32, #tpu.memory_space<vmem>>) semaphore(%arg19 : memref<!tpu.dma_semaphore, #tpu.memory_space<semaphore_mem>>)
      %dma_wait3A_210 = arith.constant 0 : i32
      %dma_wait3A_211 = arith.constant 0 : i32
      %dma_wait3A_212 = arith.constant 0 : i32
      %dma_wait3A_213 = tpu.memref_slice %arg9[%dma_wait3A_211, %dma_wait3A_212] : memref<512x16xf32, #tpu.memory_space<vmem>> -> memref<128x16xf32, #tpu.memory_space<vmem>>
      %dma_wait3A_214 = arith.constant 0 : i32
      %dma_wait3A_215 = tpu.memref_slice %arg7[%dma_wait3A_210, %dma_wait3A_214] : memref<4x128xi32, #tpu.memory_space<vmem>> -> memref<1x128xi32, #tpu.memory_space<vmem>>
      %dma_wait3A_216 = tpu.memref_squeeze %dma_wait3A_215 : memref<1x128xi32, #tpu.memory_space<vmem>> -> memref<128xi32, #tpu.memory_space<vmem>>
      %dma_wait3A_217 = arith.constant 0 : i32
      %dma_wait3A_218 = arith.constant 0 : i32
      %dma_wait3A_219 = tpu.memref_slice %arg2[%dma_wait3A_217, %dma_wait3A_218] : memref<100000x16xf32, #tpu.memory_space<hbm>> -> memref<100000x16xf32, #tpu.memory_space<hbm>>
      tpu.wait_indirect_dma semaphore(%arg19 : memref<!tpu.dma_semaphore, #tpu.memory_space<semaphore_mem>>) src(%dma_wait3A_219 : memref<100000x16xf32, #tpu.memory_space<hbm>>) dst(%dma_wait3A_213 : memref<128x16xf32, #tpu.memory_space<vmem>>)
      %dma_wait3A_220 = arith.constant 1 : i32
      %dma_wait3A_221 = arith.constant 128 : i32
      %dma_wait3A_222 = arith.constant 0 : i32
      %dma_wait3A_223 = tpu.memref_slice %arg9[%dma_wait3A_221, %dma_wait3A_222] : memref<512x16xf32, #tpu.memory_space<vmem>> -> memref<128x16xf32, #tpu.memory_space<vmem>>
      %dma_wait3A_224 = arith.constant 0 : i32
      %dma_wait3A_225 = tpu.memref_slice %arg7[%dma_wait3A_220, %dma_wait3A_224] : memref<4x128xi32, #tpu.memory_space<vmem>> -> memref<1x128xi32, #tpu.memory_space<vmem>>
      %dma_wait3A_226 = tpu.memref_squeeze %dma_wait3A_225 : memref<1x128xi32, #tpu.memory_space<vmem>> -> memref<128xi32, #tpu.memory_space<vmem>>
      %dma_wait3A_227 = arith.constant 0 : i32
      %dma_wait3A_228 = arith.constant 0 : i32
      %dma_wait3A_229 = tpu.memref_slice %arg2[%dma_wait3A_227, %dma_wait3A_228] : memref<100000x16xf32, #tpu.memory_space<hbm>> -> memref<100000x16xf32, #tpu.memory_space<hbm>>
      tpu.wait_indirect_dma semaphore(%arg19 : memref<!tpu.dma_semaphore, #tpu.memory_space<semaphore_mem>>) src(%dma_wait3A_229 : memref<100000x16xf32, #tpu.memory_space<hbm>>) dst(%dma_wait3A_223 : memref<128x16xf32, #tpu.memory_space<vmem>>)
      %dma_wait3A_230 = arith.constant 2 : i32
      %dma_wait3A_231 = arith.constant 256 : i32
      %dma_wait3A_232 = arith.constant 0 : i32
      %dma_wait3A_233 = tpu.memref_slice %arg9[%dma_wait3A_231, %dma_wait3A_232] : memref<512x16xf32, #tpu.memory_space<vmem>> -> memref<128x16xf32, #tpu.memory_space<vmem>>
      %dma_wait3A_234 = arith.constant 0 : i32
      %dma_wait3A_235 = tpu.memref_slice %arg7[%dma_wait3A_230, %dma_wait3A_234] : memref<4x128xi32, #tpu.memory_space<vmem>> -> memref<1x128xi32, #tpu.memory_space<vmem>>
      %dma_wait3A_236 = tpu.memref_squeeze %dma_wait3A_235 : memref<1x128xi32, #tpu.memory_space<vmem>> -> memref<128xi32, #tpu.memory_space<vmem>>
      %dma_wait3A_237 = arith.constant 0 : i32
      %dma_wait3A_238 = arith.constant 0 : i32
      %dma_wait3A_239 = tpu.memref_slice %arg2[%dma_wait3A_237, %dma_wait3A_238] : memref<100000x16xf32, #tpu.memory_space<hbm>> -> memref<100000x16xf32, #tpu.memory_space<hbm>>
      tpu.wait_indirect_dma semaphore(%arg19 : memref<!tpu.dma_semaphore, #tpu.memory_space<semaphore_mem>>) src(%dma_wait3A_239 : memref<100000x16xf32, #tpu.memory_space<hbm>>) dst(%dma_wait3A_233 : memref<128x16xf32, #tpu.memory_space<vmem>>)
      %dma_wait3A_240 = arith.constant 3 : i32
      %dma_wait3A_241 = arith.constant 384 : i32
      %dma_wait3A_242 = arith.constant 0 : i32
      %dma_wait3A_243 = tpu.memref_slice %arg9[%dma_wait3A_241, %dma_wait3A_242] : memref<512x16xf32, #tpu.memory_space<vmem>> -> memref<128x16xf32, #tpu.memory_space<vmem>>
      %dma_wait3A_244 = arith.constant 0 : i32
      %dma_wait3A_245 = tpu.memref_slice %arg7[%dma_wait3A_240, %dma_wait3A_244] : memref<4x128xi32, #tpu.memory_space<vmem>> -> memref<1x128xi32, #tpu.memory_space<vmem>>
      %dma_wait3A_246 = tpu.memref_squeeze %dma_wait3A_245 : memref<1x128xi32, #tpu.memory_space<vmem>> -> memref<128xi32, #tpu.memory_space<vmem>>
      %dma_wait3A_247 = arith.constant 0 : i32
      %dma_wait3A_248 = arith.constant 0 : i32
      %dma_wait3A_249 = tpu.memref_slice %arg2[%dma_wait3A_247, %dma_wait3A_248] : memref<100000x16xf32, #tpu.memory_space<hbm>> -> memref<100000x16xf32, #tpu.memory_space<hbm>>
      tpu.wait_indirect_dma semaphore(%arg19 : memref<!tpu.dma_semaphore, #tpu.memory_space<semaphore_mem>>) src(%dma_wait3A_249 : memref<100000x16xf32, #tpu.memory_space<hbm>>) dst(%dma_wait3A_243 : memref<128x16xf32, #tpu.memory_space<vmem>>)
      %gt3A = arith.constant 0 : i32
      %gt3A_250 = arith.cmpi sgt, %add3A_155, %gt3A : i32
      %convert_element_type3A = arith.extui %gt3A_250 : i1 to i32
      %cond3A = arith.constant 0 : i32
      %cond3A_251 = arith.cmpi ne, %convert_element_type3A, %cond3A : i32
      scf.if %cond3A_251 {
        %dma_wait3A_562 = arith.constant 0 : i32
        %dma_wait3A_563 = arith.constant 0 : i32
        %dma_wait3A_564 = arith.constant 0 : i32
        %dma_wait3A_565 = tpu.memref_slice %arg12[%dma_wait3A_563, %dma_wait3A_564] : memref<512x16xf32, #tpu.memory_space<vmem>> -> memref<128x16xf32, #tpu.memory_space<vmem>>
        %dma_wait3A_566 = arith.constant 0 : i32
        %dma_wait3A_567 = tpu.memref_slice %arg11[%dma_wait3A_562, %dma_wait3A_566] : memref<4x128xi32, #tpu.memory_space<vmem>> -> memref<1x128xi32, #tpu.memory_space<vmem>>
        %dma_wait3A_568 = tpu.memref_squeeze %dma_wait3A_567 : memref<1x128xi32, #tpu.memory_space<vmem>> -> memref<128xi32, #tpu.memory_space<vmem>>
        %dma_wait3A_569 = arith.constant 0 : i32
        %dma_wait3A_570 = arith.constant 0 : i32
        %dma_wait3A_571 = tpu.memref_slice %arg13[%dma_wait3A_569, %dma_wait3A_570] : memref<100096x16xf32, #tpu.memory_space<vmem_shared>> -> memref<100096x16xf32, #tpu.memory_space<vmem_shared>>
        tpu.wait_indirect_dma semaphore(%arg22 : memref<!tpu.dma_semaphore, #tpu.memory_space<semaphore_mem>>) src(%dma_wait3A_565 : memref<128x16xf32, #tpu.memory_space<vmem>>) dst(%dma_wait3A_571 : memref<100096x16xf32, #tpu.memory_space<vmem_shared>>)
        %dma_wait3A_572 = arith.constant 0 : i32
        %dma_wait3A_573 = arith.constant 0 : i32
        %dma_wait3A_574 = tpu.memref_slice %arg11[%dma_wait3A_572, %dma_wait3A_573] : memref<4x128xi32, #tpu.memory_space<vmem>> -> memref<1x128xi32, #tpu.memory_space<vmem>>
        %dma_wait3A_575 = tpu.memref_squeeze %dma_wait3A_574 : memref<1x128xi32, #tpu.memory_space<vmem>> -> memref<128xi32, #tpu.memory_space<vmem>>
        %dma_wait3A_576 = arith.constant 0 : i32
        %dma_wait3A_577 = tpu.memref_slice %arg16[%dma_wait3A_576] : memref<100112xf32, #tpu.memory_space<vmem_shared>> -> memref<100112xf32, #tpu.memory_space<vmem_shared>>
        tpu.wait_indirect_dma semaphore(%arg24 : memref<!tpu.dma_semaphore, #tpu.memory_space<semaphore_mem>>) src(%arg14 : memref<128xf32, #tpu.memory_space<vmem>>) dst(%dma_wait3A_577 : memref<100112xf32, #tpu.memory_space<vmem_shared>>)
        %dma_wait3A_578 = arith.constant 1 : i32
        %dma_wait3A_579 = arith.constant 128 : i32
        %dma_wait3A_580 = arith.constant 0 : i32
        %dma_wait3A_581 = tpu.memref_slice %arg12[%dma_wait3A_579, %dma_wait3A_580] : memref<512x16xf32, #tpu.memory_space<vmem>> -> memref<128x16xf32, #tpu.memory_space<vmem>>
        %dma_wait3A_582 = arith.constant 0 : i32
        %dma_wait3A_583 = tpu.memref_slice %arg11[%dma_wait3A_578, %dma_wait3A_582] : memref<4x128xi32, #tpu.memory_space<vmem>> -> memref<1x128xi32, #tpu.memory_space<vmem>>
        %dma_wait3A_584 = tpu.memref_squeeze %dma_wait3A_583 : memref<1x128xi32, #tpu.memory_space<vmem>> -> memref<128xi32, #tpu.memory_space<vmem>>
        %dma_wait3A_585 = arith.constant 0 : i32
        %dma_wait3A_586 = arith.constant 0 : i32
        %dma_wait3A_587 = tpu.memref_slice %arg13[%dma_wait3A_585, %dma_wait3A_586] : memref<100096x16xf32, #tpu.memory_space<vmem_shared>> -> memref<100096x16xf32, #tpu.memory_space<vmem_shared>>
        tpu.wait_indirect_dma semaphore(%arg22 : memref<!tpu.dma_semaphore, #tpu.memory_space<semaphore_mem>>) src(%dma_wait3A_581 : memref<128x16xf32, #tpu.memory_space<vmem>>) dst(%dma_wait3A_587 : memref<100096x16xf32, #tpu.memory_space<vmem_shared>>)
        %dma_wait3A_588 = arith.constant 1 : i32
        %dma_wait3A_589 = arith.constant 0 : i32
        %dma_wait3A_590 = tpu.memref_slice %arg11[%dma_wait3A_588, %dma_wait3A_589] : memref<4x128xi32, #tpu.memory_space<vmem>> -> memref<1x128xi32, #tpu.memory_space<vmem>>
        %dma_wait3A_591 = tpu.memref_squeeze %dma_wait3A_590 : memref<1x128xi32, #tpu.memory_space<vmem>> -> memref<128xi32, #tpu.memory_space<vmem>>
        %dma_wait3A_592 = arith.constant 0 : i32
        %dma_wait3A_593 = tpu.memref_slice %arg16[%dma_wait3A_592] : memref<100112xf32, #tpu.memory_space<vmem_shared>> -> memref<100112xf32, #tpu.memory_space<vmem_shared>>
        tpu.wait_indirect_dma semaphore(%arg24 : memref<!tpu.dma_semaphore, #tpu.memory_space<semaphore_mem>>) src(%arg14 : memref<128xf32, #tpu.memory_space<vmem>>) dst(%dma_wait3A_593 : memref<100112xf32, #tpu.memory_space<vmem_shared>>)
        %dma_wait3A_594 = arith.constant 2 : i32
        %dma_wait3A_595 = arith.constant 256 : i32
        %dma_wait3A_596 = arith.constant 0 : i32
        %dma_wait3A_597 = tpu.memref_slice %arg12[%dma_wait3A_595, %dma_wait3A_596] : memref<512x16xf32, #tpu.memory_space<vmem>> -> memref<128x16xf32, #tpu.memory_space<vmem>>
        %dma_wait3A_598 = arith.constant 0 : i32
        %dma_wait3A_599 = tpu.memref_slice %arg11[%dma_wait3A_594, %dma_wait3A_598] : memref<4x128xi32, #tpu.memory_space<vmem>> -> memref<1x128xi32, #tpu.memory_space<vmem>>
        %dma_wait3A_600 = tpu.memref_squeeze %dma_wait3A_599 : memref<1x128xi32, #tpu.memory_space<vmem>> -> memref<128xi32, #tpu.memory_space<vmem>>
        %dma_wait3A_601 = arith.constant 0 : i32
        %dma_wait3A_602 = arith.constant 0 : i32
        %dma_wait3A_603 = tpu.memref_slice %arg13[%dma_wait3A_601, %dma_wait3A_602] : memref<100096x16xf32, #tpu.memory_space<vmem_shared>> -> memref<100096x16xf32, #tpu.memory_space<vmem_shared>>
        tpu.wait_indirect_dma semaphore(%arg22 : memref<!tpu.dma_semaphore, #tpu.memory_space<semaphore_mem>>) src(%dma_wait3A_597 : memref<128x16xf32, #tpu.memory_space<vmem>>) dst(%dma_wait3A_603 : memref<100096x16xf32, #tpu.memory_space<vmem_shared>>)
        %dma_wait3A_604 = arith.constant 2 : i32
        %dma_wait3A_605 = arith.constant 0 : i32
        %dma_wait3A_606 = tpu.memref_slice %arg11[%dma_wait3A_604, %dma_wait3A_605] : memref<4x128xi32, #tpu.memory_space<vmem>> -> memref<1x128xi32, #tpu.memory_space<vmem>>
        %dma_wait3A_607 = tpu.memref_squeeze %dma_wait3A_606 : memref<1x128xi32, #tpu.memory_space<vmem>> -> memref<128xi32, #tpu.memory_space<vmem>>
        %dma_wait3A_608 = arith.constant 0 : i32
        %dma_wait3A_609 = tpu.memref_slice %arg16[%dma_wait3A_608] : memref<100112xf32, #tpu.memory_space<vmem_shared>> -> memref<100112xf32, #tpu.memory_space<vmem_shared>>
        tpu.wait_indirect_dma semaphore(%arg24 : memref<!tpu.dma_semaphore, #tpu.memory_space<semaphore_mem>>) src(%arg14 : memref<128xf32, #tpu.memory_space<vmem>>) dst(%dma_wait3A_609 : memref<100112xf32, #tpu.memory_space<vmem_shared>>)
        %dma_wait3A_610 = arith.constant 3 : i32
        %dma_wait3A_611 = arith.constant 384 : i32
        %dma_wait3A_612 = arith.constant 0 : i32
        %dma_wait3A_613 = tpu.memref_slice %arg12[%dma_wait3A_611, %dma_wait3A_612] : memref<512x16xf32, #tpu.memory_space<vmem>> -> memref<128x16xf32, #tpu.memory_space<vmem>>
        %dma_wait3A_614 = arith.constant 0 : i32
        %dma_wait3A_615 = tpu.memref_slice %arg11[%dma_wait3A_610, %dma_wait3A_614] : memref<4x128xi32, #tpu.memory_space<vmem>> -> memref<1x128xi32, #tpu.memory_space<vmem>>
        %dma_wait3A_616 = tpu.memref_squeeze %dma_wait3A_615 : memref<1x128xi32, #tpu.memory_space<vmem>> -> memref<128xi32, #tpu.memory_space<vmem>>
        %dma_wait3A_617 = arith.constant 0 : i32
        %dma_wait3A_618 = arith.constant 0 : i32
        %dma_wait3A_619 = tpu.memref_slice %arg13[%dma_wait3A_617, %dma_wait3A_618] : memref<100096x16xf32, #tpu.memory_space<vmem_shared>> -> memref<100096x16xf32, #tpu.memory_space<vmem_shared>>
        tpu.wait_indirect_dma semaphore(%arg22 : memref<!tpu.dma_semaphore, #tpu.memory_space<semaphore_mem>>) src(%dma_wait3A_613 : memref<128x16xf32, #tpu.memory_space<vmem>>) dst(%dma_wait3A_619 : memref<100096x16xf32, #tpu.memory_space<vmem_shared>>)
        %dma_wait3A_620 = arith.constant 3 : i32
        %dma_wait3A_621 = arith.constant 0 : i32
        %dma_wait3A_622 = tpu.memref_slice %arg11[%dma_wait3A_620, %dma_wait3A_621] : memref<4x128xi32, #tpu.memory_space<vmem>> -> memref<1x128xi32, #tpu.memory_space<vmem>>
        %dma_wait3A_623 = tpu.memref_squeeze %dma_wait3A_622 : memref<1x128xi32, #tpu.memory_space<vmem>> -> memref<128xi32, #tpu.memory_space<vmem>>
        %dma_wait3A_624 = arith.constant 0 : i32
        %dma_wait3A_625 = tpu.memref_slice %arg16[%dma_wait3A_624] : memref<100112xf32, #tpu.memory_space<vmem_shared>> -> memref<100112xf32, #tpu.memory_space<vmem_shared>>
        tpu.wait_indirect_dma semaphore(%arg24 : memref<!tpu.dma_semaphore, #tpu.memory_space<semaphore_mem>>) src(%arg14 : memref<128xf32, #tpu.memory_space<vmem>>) dst(%dma_wait3A_625 : memref<100112xf32, #tpu.memory_space<vmem_shared>>)
      } else {
      }
      %add3A_252 = arith.constant 1 : i32
      %add3A_253 = arith.addi %mul3A_157, %add3A_252 : i32
      %mul3A_254 = arith.constant 4 : i32
      %mul3A_255 = arith.muli %add3A_253, %mul3A_254 : i32
      %add3A_256 = arith.addi %select_n3A, %mul3A_255 : i32
      %dma_start3A_257 = arith.constant 0 : i32
      %dma_start3A_258 = tpu.memref_slice %arg3[%add3A_256, %dma_start3A_257] : memref<25352x128xi32, #tpu.memory_space<hbm>> -> memref<4x128xi32, #tpu.memory_space<hbm>>
      %dma_start3A_259 = arith.constant 0 : i32
      %dma_start3A_260 = tpu.memref_slice %arg3[%add3A_256, %dma_start3A_259] : memref<25352x128xi32, #tpu.memory_space<hbm>> -> memref<4x128xi32, #tpu.memory_space<hbm>>
      tpu.enqueue_dma source(%dma_start3A_260 : memref<4x128xi32, #tpu.memory_space<hbm>>) target(%arg10 : memref<4x128xi32, #tpu.memory_space<vmem>>) target_semaphore(%arg18 : memref<!tpu.dma_semaphore, #tpu.memory_space<semaphore_mem>>)
      %dma_start3A_261 = arith.constant 0 : i32
      %dma_start3A_262 = tpu.memref_slice %arg4[%add3A_256, %dma_start3A_261] : memref<25352x128xi32, #tpu.memory_space<hbm>> -> memref<4x128xi32, #tpu.memory_space<hbm>>
      %dma_start3A_263 = arith.constant 0 : i32
      %dma_start3A_264 = tpu.memref_slice %arg4[%add3A_256, %dma_start3A_263] : memref<25352x128xi32, #tpu.memory_space<hbm>> -> memref<4x128xi32, #tpu.memory_space<hbm>>
      tpu.enqueue_dma source(%dma_start3A_264 : memref<4x128xi32, #tpu.memory_space<hbm>>) target(%arg11 : memref<4x128xi32, #tpu.memory_space<vmem>>) target_semaphore(%arg18 : memref<!tpu.dma_semaphore, #tpu.memory_space<semaphore_mem>>)
      %dma_start3A_265 = arith.constant 0 : i32
      %dma_start3A_266 = arith.constant 0 : i32
      %dma_start3A_267 = arith.constant 0 : i32
      %dma_start3A_268 = tpu.memref_slice %arg9[%dma_start3A_266, %dma_start3A_267] : memref<512x16xf32, #tpu.memory_space<vmem>> -> memref<128x16xf32, #tpu.memory_space<vmem>>
      %dma_start3A_269 = arith.constant 0 : i32
      %dma_start3A_270 = tpu.memref_slice %arg8[%dma_start3A_265, %dma_start3A_269] : memref<4x128xi32, #tpu.memory_space<vmem>> -> memref<1x128xi32, #tpu.memory_space<vmem>>
      %dma_start3A_271 = tpu.memref_squeeze %dma_start3A_270 : memref<1x128xi32, #tpu.memory_space<vmem>> -> memref<128xi32, #tpu.memory_space<vmem>>
      %dma_start3A_272 = arith.constant 0 : i32
      %dma_start3A_273 = arith.constant 0 : i32
      %dma_start3A_274 = tpu.memref_slice %arg13[%dma_start3A_272, %dma_start3A_273] : memref<100096x16xf32, #tpu.memory_space<vmem_shared>> -> memref<100096x16xf32, #tpu.memory_space<vmem_shared>>
      tpu.enqueue_indirect_dma source(%dma_start3A_268 : memref<128x16xf32, #tpu.memory_space<vmem>>) target(%dma_start3A_274 : memref<100096x16xf32, #tpu.memory_space<vmem_shared>>) offsets(%dma_start3A_271 : memref<128xi32, #tpu.memory_space<vmem>>) semaphore(%arg21 : memref<!tpu.dma_semaphore, #tpu.memory_space<semaphore_mem>>) {add = true}
      %dma_start3A_275 = arith.constant 0 : i32
      %dma_start3A_276 = arith.constant 0 : i32
      %dma_start3A_277 = tpu.memref_slice %arg8[%dma_start3A_275, %dma_start3A_276] : memref<4x128xi32, #tpu.memory_space<vmem>> -> memref<1x128xi32, #tpu.memory_space<vmem>>
      %dma_start3A_278 = tpu.memref_squeeze %dma_start3A_277 : memref<1x128xi32, #tpu.memory_space<vmem>> -> memref<128xi32, #tpu.memory_space<vmem>>
      %dma_start3A_279 = arith.constant 0 : i32
      %dma_start3A_280 = tpu.memref_slice %arg16[%dma_start3A_279] : memref<100112xf32, #tpu.memory_space<vmem_shared>> -> memref<100112xf32, #tpu.memory_space<vmem_shared>>
      tpu.enqueue_indirect_dma source(%arg14 : memref<128xf32, #tpu.memory_space<vmem>>) target(%dma_start3A_280 : memref<100112xf32, #tpu.memory_space<vmem_shared>>) offsets(%dma_start3A_278 : memref<128xi32, #tpu.memory_space<vmem>>) semaphore(%arg23 : memref<!tpu.dma_semaphore, #tpu.memory_space<semaphore_mem>>) {add = true}
      %dma_start3A_281 = arith.constant 1 : i32
      %dma_start3A_282 = arith.constant 128 : i32
      %dma_start3A_283 = arith.constant 0 : i32
      %dma_start3A_284 = tpu.memref_slice %arg9[%dma_start3A_282, %dma_start3A_283] : memref<512x16xf32, #tpu.memory_space<vmem>> -> memref<128x16xf32, #tpu.memory_space<vmem>>
      %dma_start3A_285 = arith.constant 0 : i32
      %dma_start3A_286 = tpu.memref_slice %arg8[%dma_start3A_281, %dma_start3A_285] : memref<4x128xi32, #tpu.memory_space<vmem>> -> memref<1x128xi32, #tpu.memory_space<vmem>>
      %dma_start3A_287 = tpu.memref_squeeze %dma_start3A_286 : memref<1x128xi32, #tpu.memory_space<vmem>> -> memref<128xi32, #tpu.memory_space<vmem>>
      %dma_start3A_288 = arith.constant 0 : i32
      %dma_start3A_289 = arith.constant 0 : i32
      %dma_start3A_290 = tpu.memref_slice %arg13[%dma_start3A_288, %dma_start3A_289] : memref<100096x16xf32, #tpu.memory_space<vmem_shared>> -> memref<100096x16xf32, #tpu.memory_space<vmem_shared>>
      tpu.enqueue_indirect_dma source(%dma_start3A_284 : memref<128x16xf32, #tpu.memory_space<vmem>>) target(%dma_start3A_290 : memref<100096x16xf32, #tpu.memory_space<vmem_shared>>) offsets(%dma_start3A_287 : memref<128xi32, #tpu.memory_space<vmem>>) semaphore(%arg21 : memref<!tpu.dma_semaphore, #tpu.memory_space<semaphore_mem>>) {add = true}
      %dma_start3A_291 = arith.constant 1 : i32
      %dma_start3A_292 = arith.constant 0 : i32
      %dma_start3A_293 = tpu.memref_slice %arg8[%dma_start3A_291, %dma_start3A_292] : memref<4x128xi32, #tpu.memory_space<vmem>> -> memref<1x128xi32, #tpu.memory_space<vmem>>
      %dma_start3A_294 = tpu.memref_squeeze %dma_start3A_293 : memref<1x128xi32, #tpu.memory_space<vmem>> -> memref<128xi32, #tpu.memory_space<vmem>>
      %dma_start3A_295 = arith.constant 0 : i32
      %dma_start3A_296 = tpu.memref_slice %arg16[%dma_start3A_295] : memref<100112xf32, #tpu.memory_space<vmem_shared>> -> memref<100112xf32, #tpu.memory_space<vmem_shared>>
      tpu.enqueue_indirect_dma source(%arg14 : memref<128xf32, #tpu.memory_space<vmem>>) target(%dma_start3A_296 : memref<100112xf32, #tpu.memory_space<vmem_shared>>) offsets(%dma_start3A_294 : memref<128xi32, #tpu.memory_space<vmem>>) semaphore(%arg23 : memref<!tpu.dma_semaphore, #tpu.memory_space<semaphore_mem>>) {add = true}
      %dma_start3A_297 = arith.constant 2 : i32
      %dma_start3A_298 = arith.constant 256 : i32
      %dma_start3A_299 = arith.constant 0 : i32
      %dma_start3A_300 = tpu.memref_slice %arg9[%dma_start3A_298, %dma_start3A_299] : memref<512x16xf32, #tpu.memory_space<vmem>> -> memref<128x16xf32, #tpu.memory_space<vmem>>
      %dma_start3A_301 = arith.constant 0 : i32
      %dma_start3A_302 = tpu.memref_slice %arg8[%dma_start3A_297, %dma_start3A_301] : memref<4x128xi32, #tpu.memory_space<vmem>> -> memref<1x128xi32, #tpu.memory_space<vmem>>
      %dma_start3A_303 = tpu.memref_squeeze %dma_start3A_302 : memref<1x128xi32, #tpu.memory_space<vmem>> -> memref<128xi32, #tpu.memory_space<vmem>>
      %dma_start3A_304 = arith.constant 0 : i32
      %dma_start3A_305 = arith.constant 0 : i32
      %dma_start3A_306 = tpu.memref_slice %arg13[%dma_start3A_304, %dma_start3A_305] : memref<100096x16xf32, #tpu.memory_space<vmem_shared>> -> memref<100096x16xf32, #tpu.memory_space<vmem_shared>>
      tpu.enqueue_indirect_dma source(%dma_start3A_300 : memref<128x16xf32, #tpu.memory_space<vmem>>) target(%dma_start3A_306 : memref<100096x16xf32, #tpu.memory_space<vmem_shared>>) offsets(%dma_start3A_303 : memref<128xi32, #tpu.memory_space<vmem>>) semaphore(%arg21 : memref<!tpu.dma_semaphore, #tpu.memory_space<semaphore_mem>>) {add = true}
      %dma_start3A_307 = arith.constant 2 : i32
      %dma_start3A_308 = arith.constant 0 : i32
      %dma_start3A_309 = tpu.memref_slice %arg8[%dma_start3A_307, %dma_start3A_308] : memref<4x128xi32, #tpu.memory_space<vmem>> -> memref<1x128xi32, #tpu.memory_space<vmem>>
      %dma_start3A_310 = tpu.memref_squeeze %dma_start3A_309 : memref<1x128xi32, #tpu.memory_space<vmem>> -> memref<128xi32, #tpu.memory_space<vmem>>
      %dma_start3A_311 = arith.constant 0 : i32
      %dma_start3A_312 = tpu.memref_slice %arg16[%dma_start3A_311] : memref<100112xf32, #tpu.memory_space<vmem_shared>> -> memref<100112xf32, #tpu.memory_space<vmem_shared>>
      tpu.enqueue_indirect_dma source(%arg14 : memref<128xf32, #tpu.memory_space<vmem>>) target(%dma_start3A_312 : memref<100112xf32, #tpu.memory_space<vmem_shared>>) offsets(%dma_start3A_310 : memref<128xi32, #tpu.memory_space<vmem>>) semaphore(%arg23 : memref<!tpu.dma_semaphore, #tpu.memory_space<semaphore_mem>>) {add = true}
      %dma_start3A_313 = arith.constant 3 : i32
      %dma_start3A_314 = arith.constant 384 : i32
      %dma_start3A_315 = arith.constant 0 : i32
      %dma_start3A_316 = tpu.memref_slice %arg9[%dma_start3A_314, %dma_start3A_315] : memref<512x16xf32, #tpu.memory_space<vmem>> -> memref<128x16xf32, #tpu.memory_space<vmem>>
      %dma_start3A_317 = arith.constant 0 : i32
      %dma_start3A_318 = tpu.memref_slice %arg8[%dma_start3A_313, %dma_start3A_317] : memref<4x128xi32, #tpu.memory_space<vmem>> -> memref<1x128xi32, #tpu.memory_space<vmem>>
      %dma_start3A_319 = tpu.memref_squeeze %dma_start3A_318 : memref<1x128xi32, #tpu.memory_space<vmem>> -> memref<128xi32, #tpu.memory_space<vmem>>
      %dma_start3A_320 = arith.constant 0 : i32
      %dma_start3A_321 = arith.constant 0 : i32
      %dma_start3A_322 = tpu.memref_slice %arg13[%dma_start3A_320, %dma_start3A_321] : memref<100096x16xf32, #tpu.memory_space<vmem_shared>> -> memref<100096x16xf32, #tpu.memory_space<vmem_shared>>
      tpu.enqueue_indirect_dma source(%dma_start3A_316 : memref<128x16xf32, #tpu.memory_space<vmem>>) target(%dma_start3A_322 : memref<100096x16xf32, #tpu.memory_space<vmem_shared>>) offsets(%dma_start3A_319 : memref<128xi32, #tpu.memory_space<vmem>>) semaphore(%arg21 : memref<!tpu.dma_semaphore, #tpu.memory_space<semaphore_mem>>) {add = true}
      %dma_start3A_323 = arith.constant 3 : i32
      %dma_start3A_324 = arith.constant 0 : i32
      %dma_start3A_325 = tpu.memref_slice %arg8[%dma_start3A_323, %dma_start3A_324] : memref<4x128xi32, #tpu.memory_space<vmem>> -> memref<1x128xi32, #tpu.memory_space<vmem>>
      %dma_start3A_326 = tpu.memref_squeeze %dma_start3A_325 : memref<1x128xi32, #tpu.memory_space<vmem>> -> memref<128xi32, #tpu.memory_space<vmem>>
      %dma_start3A_327 = arith.constant 0 : i32
      %dma_start3A_328 = tpu.memref_slice %arg16[%dma_start3A_327] : memref<100112xf32, #tpu.memory_space<vmem_shared>> -> memref<100112xf32, #tpu.memory_space<vmem_shared>>
      tpu.enqueue_indirect_dma source(%arg14 : memref<128xf32, #tpu.memory_space<vmem>>) target(%dma_start3A_328 : memref<100112xf32, #tpu.memory_space<vmem_shared>>) offsets(%dma_start3A_326 : memref<128xi32, #tpu.memory_space<vmem>>) semaphore(%arg23 : memref<!tpu.dma_semaphore, #tpu.memory_space<semaphore_mem>>) {add = true}
      %dma_wait3A_329 = arith.constant 0 : i32
      %dma_wait3A_330 = arith.constant 0 : i32
      %dma_wait3A_331 = tpu.memref_slice %arg3[%dma_wait3A_329, %dma_wait3A_330] : memref<25352x128xi32, #tpu.memory_space<hbm>> -> memref<4x128xi32, #tpu.memory_space<hbm>>
      %dma_wait3A_332 = arith.constant 0 : i32
      %dma_wait3A_333 = arith.constant 0 : i32
      %dma_wait3A_334 = tpu.memref_slice %arg3[%dma_wait3A_332, %dma_wait3A_333] : memref<25352x128xi32, #tpu.memory_space<hbm>> -> memref<4x128xi32, #tpu.memory_space<hbm>>
      tpu.wait_dma2 semaphore(%arg18 : memref<!tpu.dma_semaphore, #tpu.memory_space<semaphore_mem>>) src(%dma_wait3A_334 : memref<4x128xi32, #tpu.memory_space<hbm>>) dst(%arg10 : memref<4x128xi32, #tpu.memory_space<vmem>>)
      %dma_wait3A_335 = arith.constant 0 : i32
      %dma_wait3A_336 = arith.constant 0 : i32
      %dma_wait3A_337 = tpu.memref_slice %arg4[%dma_wait3A_335, %dma_wait3A_336] : memref<25352x128xi32, #tpu.memory_space<hbm>> -> memref<4x128xi32, #tpu.memory_space<hbm>>
      %dma_wait3A_338 = arith.constant 0 : i32
      %dma_wait3A_339 = arith.constant 0 : i32
      %dma_wait3A_340 = tpu.memref_slice %arg4[%dma_wait3A_338, %dma_wait3A_339] : memref<25352x128xi32, #tpu.memory_space<hbm>> -> memref<4x128xi32, #tpu.memory_space<hbm>>
      tpu.wait_dma2 semaphore(%arg18 : memref<!tpu.dma_semaphore, #tpu.memory_space<semaphore_mem>>) src(%dma_wait3A_340 : memref<4x128xi32, #tpu.memory_space<hbm>>) dst(%arg11 : memref<4x128xi32, #tpu.memory_space<vmem>>)
      %dma_start3A_341 = arith.constant 0 : i32
      %dma_start3A_342 = arith.constant 0 : i32
      %dma_start3A_343 = arith.constant 0 : i32
      %dma_start3A_344 = tpu.memref_slice %arg12[%dma_start3A_342, %dma_start3A_343] : memref<512x16xf32, #tpu.memory_space<vmem>> -> memref<128x16xf32, #tpu.memory_space<vmem>>
      %dma_start3A_345 = arith.constant 0 : i32
      %dma_start3A_346 = tpu.memref_slice %arg10[%dma_start3A_341, %dma_start3A_345] : memref<4x128xi32, #tpu.memory_space<vmem>> -> memref<1x128xi32, #tpu.memory_space<vmem>>
      %dma_start3A_347 = tpu.memref_squeeze %dma_start3A_346 : memref<1x128xi32, #tpu.memory_space<vmem>> -> memref<128xi32, #tpu.memory_space<vmem>>
      %dma_start3A_348 = arith.constant 0 : i32
      %dma_start3A_349 = arith.constant 0 : i32
      %dma_start3A_350 = tpu.memref_slice %arg2[%dma_start3A_348, %dma_start3A_349] : memref<100000x16xf32, #tpu.memory_space<hbm>> -> memref<100000x16xf32, #tpu.memory_space<hbm>>
      tpu.enqueue_indirect_dma source(%dma_start3A_350 : memref<100000x16xf32, #tpu.memory_space<hbm>>) target(%dma_start3A_344 : memref<128x16xf32, #tpu.memory_space<vmem>>) offsets(%dma_start3A_347 : memref<128xi32, #tpu.memory_space<vmem>>) semaphore(%arg20 : memref<!tpu.dma_semaphore, #tpu.memory_space<semaphore_mem>>)
      %dma_start3A_351 = arith.constant 1 : i32
      %dma_start3A_352 = arith.constant 128 : i32
      %dma_start3A_353 = arith.constant 0 : i32
      %dma_start3A_354 = tpu.memref_slice %arg12[%dma_start3A_352, %dma_start3A_353] : memref<512x16xf32, #tpu.memory_space<vmem>> -> memref<128x16xf32, #tpu.memory_space<vmem>>
      %dma_start3A_355 = arith.constant 0 : i32
      %dma_start3A_356 = tpu.memref_slice %arg10[%dma_start3A_351, %dma_start3A_355] : memref<4x128xi32, #tpu.memory_space<vmem>> -> memref<1x128xi32, #tpu.memory_space<vmem>>
      %dma_start3A_357 = tpu.memref_squeeze %dma_start3A_356 : memref<1x128xi32, #tpu.memory_space<vmem>> -> memref<128xi32, #tpu.memory_space<vmem>>
      %dma_start3A_358 = arith.constant 0 : i32
      %dma_start3A_359 = arith.constant 0 : i32
      %dma_start3A_360 = tpu.memref_slice %arg2[%dma_start3A_358, %dma_start3A_359] : memref<100000x16xf32, #tpu.memory_space<hbm>> -> memref<100000x16xf32, #tpu.memory_space<hbm>>
      tpu.enqueue_indirect_dma source(%dma_start3A_360 : memref<100000x16xf32, #tpu.memory_space<hbm>>) target(%dma_start3A_354 : memref<128x16xf32, #tpu.memory_space<vmem>>) offsets(%dma_start3A_357 : memref<128xi32, #tpu.memory_space<vmem>>) semaphore(%arg20 : memref<!tpu.dma_semaphore, #tpu.memory_space<semaphore_mem>>)
      %dma_start3A_361 = arith.constant 2 : i32
      %dma_start3A_362 = arith.constant 256 : i32
      %dma_start3A_363 = arith.constant 0 : i32
      %dma_start3A_364 = tpu.memref_slice %arg12[%dma_start3A_362, %dma_start3A_363] : memref<512x16xf32, #tpu.memory_space<vmem>> -> memref<128x16xf32, #tpu.memory_space<vmem>>
      %dma_start3A_365 = arith.constant 0 : i32
      %dma_start3A_366 = tpu.memref_slice %arg10[%dma_start3A_361, %dma_start3A_365] : memref<4x128xi32, #tpu.memory_space<vmem>> -> memref<1x128xi32, #tpu.memory_space<vmem>>
      %dma_start3A_367 = tpu.memref_squeeze %dma_start3A_366 : memref<1x128xi32, #tpu.memory_space<vmem>> -> memref<128xi32, #tpu.memory_space<vmem>>
      %dma_start3A_368 = arith.constant 0 : i32
      %dma_start3A_369 = arith.constant 0 : i32
      %dma_start3A_370 = tpu.memref_slice %arg2[%dma_start3A_368, %dma_start3A_369] : memref<100000x16xf32, #tpu.memory_space<hbm>> -> memref<100000x16xf32, #tpu.memory_space<hbm>>
      tpu.enqueue_indirect_dma source(%dma_start3A_370 : memref<100000x16xf32, #tpu.memory_space<hbm>>) target(%dma_start3A_364 : memref<128x16xf32, #tpu.memory_space<vmem>>) offsets(%dma_start3A_367 : memref<128xi32, #tpu.memory_space<vmem>>) semaphore(%arg20 : memref<!tpu.dma_semaphore, #tpu.memory_space<semaphore_mem>>)
      %dma_start3A_371 = arith.constant 3 : i32
      %dma_start3A_372 = arith.constant 384 : i32
      %dma_start3A_373 = arith.constant 0 : i32
      %dma_start3A_374 = tpu.memref_slice %arg12[%dma_start3A_372, %dma_start3A_373] : memref<512x16xf32, #tpu.memory_space<vmem>> -> memref<128x16xf32, #tpu.memory_space<vmem>>
      %dma_start3A_375 = arith.constant 0 : i32
      %dma_start3A_376 = tpu.memref_slice %arg10[%dma_start3A_371, %dma_start3A_375] : memref<4x128xi32, #tpu.memory_space<vmem>> -> memref<1x128xi32, #tpu.memory_space<vmem>>
      %dma_start3A_377 = tpu.memref_squeeze %dma_start3A_376 : memref<1x128xi32, #tpu.memory_space<vmem>> -> memref<128xi32, #tpu.memory_space<vmem>>
      %dma_start3A_378 = arith.constant 0 : i32
      %dma_start3A_379 = arith.constant 0 : i32
      %dma_start3A_380 = tpu.memref_slice %arg2[%dma_start3A_378, %dma_start3A_379] : memref<100000x16xf32, #tpu.memory_space<hbm>> -> memref<100000x16xf32, #tpu.memory_space<hbm>>
      tpu.enqueue_indirect_dma source(%dma_start3A_380 : memref<100000x16xf32, #tpu.memory_space<hbm>>) target(%dma_start3A_374 : memref<128x16xf32, #tpu.memory_space<vmem>>) offsets(%dma_start3A_377 : memref<128xi32, #tpu.memory_space<vmem>>) semaphore(%arg20 : memref<!tpu.dma_semaphore, #tpu.memory_space<semaphore_mem>>)
      %dma_wait3A_381 = arith.constant 0 : i32
      %dma_wait3A_382 = arith.constant 0 : i32
      %dma_wait3A_383 = arith.constant 0 : i32
      %dma_wait3A_384 = tpu.memref_slice %arg12[%dma_wait3A_382, %dma_wait3A_383] : memref<512x16xf32, #tpu.memory_space<vmem>> -> memref<128x16xf32, #tpu.memory_space<vmem>>
      %dma_wait3A_385 = arith.constant 0 : i32
      %dma_wait3A_386 = tpu.memref_slice %arg10[%dma_wait3A_381, %dma_wait3A_385] : memref<4x128xi32, #tpu.memory_space<vmem>> -> memref<1x128xi32, #tpu.memory_space<vmem>>
      %dma_wait3A_387 = tpu.memref_squeeze %dma_wait3A_386 : memref<1x128xi32, #tpu.memory_space<vmem>> -> memref<128xi32, #tpu.memory_space<vmem>>
      %dma_wait3A_388 = arith.constant 0 : i32
      %dma_wait3A_389 = arith.constant 0 : i32
      %dma_wait3A_390 = tpu.memref_slice %arg2[%dma_wait3A_388, %dma_wait3A_389] : memref<100000x16xf32, #tpu.memory_space<hbm>> -> memref<100000x16xf32, #tpu.memory_space<hbm>>
      tpu.wait_indirect_dma semaphore(%arg20 : memref<!tpu.dma_semaphore, #tpu.memory_space<semaphore_mem>>) src(%dma_wait3A_390 : memref<100000x16xf32, #tpu.memory_space<hbm>>) dst(%dma_wait3A_384 : memref<128x16xf32, #tpu.memory_space<vmem>>)
      %dma_wait3A_391 = arith.constant 1 : i32
      %dma_wait3A_392 = arith.constant 128 : i32
      %dma_wait3A_393 = arith.constant 0 : i32
      %dma_wait3A_394 = tpu.memref_slice %arg12[%dma_wait3A_392, %dma_wait3A_393] : memref<512x16xf32, #tpu.memory_space<vmem>> -> memref<128x16xf32, #tpu.memory_space<vmem>>
      %dma_wait3A_395 = arith.constant 0 : i32
      %dma_wait3A_396 = tpu.memref_slice %arg10[%dma_wait3A_391, %dma_wait3A_395] : memref<4x128xi32, #tpu.memory_space<vmem>> -> memref<1x128xi32, #tpu.memory_space<vmem>>
      %dma_wait3A_397 = tpu.memref_squeeze %dma_wait3A_396 : memref<1x128xi32, #tpu.memory_space<vmem>> -> memref<128xi32, #tpu.memory_space<vmem>>
      %dma_wait3A_398 = arith.constant 0 : i32
      %dma_wait3A_399 = arith.constant 0 : i32
      %dma_wait3A_400 = tpu.memref_slice %arg2[%dma_wait3A_398, %dma_wait3A_399] : memref<100000x16xf32, #tpu.memory_space<hbm>> -> memref<100000x16xf32, #tpu.memory_space<hbm>>
      tpu.wait_indirect_dma semaphore(%arg20 : memref<!tpu.dma_semaphore, #tpu.memory_space<semaphore_mem>>) src(%dma_wait3A_400 : memref<100000x16xf32, #tpu.memory_space<hbm>>) dst(%dma_wait3A_394 : memref<128x16xf32, #tpu.memory_space<vmem>>)
      %dma_wait3A_401 = arith.constant 2 : i32
      %dma_wait3A_402 = arith.constant 256 : i32
      %dma_wait3A_403 = arith.constant 0 : i32
      %dma_wait3A_404 = tpu.memref_slice %arg12[%dma_wait3A_402, %dma_wait3A_403] : memref<512x16xf32, #tpu.memory_space<vmem>> -> memref<128x16xf32, #tpu.memory_space<vmem>>
      %dma_wait3A_405 = arith.constant 0 : i32
      %dma_wait3A_406 = tpu.memref_slice %arg10[%dma_wait3A_401, %dma_wait3A_405] : memref<4x128xi32, #tpu.memory_space<vmem>> -> memref<1x128xi32, #tpu.memory_space<vmem>>
      %dma_wait3A_407 = tpu.memref_squeeze %dma_wait3A_406 : memref<1x128xi32, #tpu.memory_space<vmem>> -> memref<128xi32, #tpu.memory_space<vmem>>
      %dma_wait3A_408 = arith.constant 0 : i32
      %dma_wait3A_409 = arith.constant 0 : i32
      %dma_wait3A_410 = tpu.memref_slice %arg2[%dma_wait3A_408, %dma_wait3A_409] : memref<100000x16xf32, #tpu.memory_space<hbm>> -> memref<100000x16xf32, #tpu.memory_space<hbm>>
      tpu.wait_indirect_dma semaphore(%arg20 : memref<!tpu.dma_semaphore, #tpu.memory_space<semaphore_mem>>) src(%dma_wait3A_410 : memref<100000x16xf32, #tpu.memory_space<hbm>>) dst(%dma_wait3A_404 : memref<128x16xf32, #tpu.memory_space<vmem>>)
      %dma_wait3A_411 = arith.constant 3 : i32
      %dma_wait3A_412 = arith.constant 384 : i32
      %dma_wait3A_413 = arith.constant 0 : i32
      %dma_wait3A_414 = tpu.memref_slice %arg12[%dma_wait3A_412, %dma_wait3A_413] : memref<512x16xf32, #tpu.memory_space<vmem>> -> memref<128x16xf32, #tpu.memory_space<vmem>>
      %dma_wait3A_415 = arith.constant 0 : i32
      %dma_wait3A_416 = tpu.memref_slice %arg10[%dma_wait3A_411, %dma_wait3A_415] : memref<4x128xi32, #tpu.memory_space<vmem>> -> memref<1x128xi32, #tpu.memory_space<vmem>>
      %dma_wait3A_417 = tpu.memref_squeeze %dma_wait3A_416 : memref<1x128xi32, #tpu.memory_space<vmem>> -> memref<128xi32, #tpu.memory_space<vmem>>
      %dma_wait3A_418 = arith.constant 0 : i32
      %dma_wait3A_419 = arith.constant 0 : i32
      %dma_wait3A_420 = tpu.memref_slice %arg2[%dma_wait3A_418, %dma_wait3A_419] : memref<100000x16xf32, #tpu.memory_space<hbm>> -> memref<100000x16xf32, #tpu.memory_space<hbm>>
      tpu.wait_indirect_dma semaphore(%arg20 : memref<!tpu.dma_semaphore, #tpu.memory_space<semaphore_mem>>) src(%dma_wait3A_420 : memref<100000x16xf32, #tpu.memory_space<hbm>>) dst(%dma_wait3A_414 : memref<128x16xf32, #tpu.memory_space<vmem>>)
      %dma_wait3A_421 = arith.constant 0 : i32
      %dma_wait3A_422 = arith.constant 0 : i32
      %dma_wait3A_423 = arith.constant 0 : i32
      %dma_wait3A_424 = tpu.memref_slice %arg9[%dma_wait3A_422, %dma_wait3A_423] : memref<512x16xf32, #tpu.memory_space<vmem>> -> memref<128x16xf32, #tpu.memory_space<vmem>>
      %dma_wait3A_425 = arith.constant 0 : i32
      %dma_wait3A_426 = tpu.memref_slice %arg8[%dma_wait3A_421, %dma_wait3A_425] : memref<4x128xi32, #tpu.memory_space<vmem>> -> memref<1x128xi32, #tpu.memory_space<vmem>>
      %dma_wait3A_427 = tpu.memref_squeeze %dma_wait3A_426 : memref<1x128xi32, #tpu.memory_space<vmem>> -> memref<128xi32, #tpu.memory_space<vmem>>
      %dma_wait3A_428 = arith.constant 0 : i32
      %dma_wait3A_429 = arith.constant 0 : i32
      %dma_wait3A_430 = tpu.memref_slice %arg13[%dma_wait3A_428, %dma_wait3A_429] : memref<100096x16xf32, #tpu.memory_space<vmem_shared>> -> memref<100096x16xf32, #tpu.memory_space<vmem_shared>>
      tpu.wait_indirect_dma semaphore(%arg21 : memref<!tpu.dma_semaphore, #tpu.memory_space<semaphore_mem>>) src(%dma_wait3A_424 : memref<128x16xf32, #tpu.memory_space<vmem>>) dst(%dma_wait3A_430 : memref<100096x16xf32, #tpu.memory_space<vmem_shared>>)
      %dma_wait3A_431 = arith.constant 0 : i32
      %dma_wait3A_432 = arith.constant 0 : i32
      %dma_wait3A_433 = tpu.memref_slice %arg8[%dma_wait3A_431, %dma_wait3A_432] : memref<4x128xi32, #tpu.memory_space<vmem>> -> memref<1x128xi32, #tpu.memory_space<vmem>>
      %dma_wait3A_434 = tpu.memref_squeeze %dma_wait3A_433 : memref<1x128xi32, #tpu.memory_space<vmem>> -> memref<128xi32, #tpu.memory_space<vmem>>
      %dma_wait3A_435 = arith.constant 0 : i32
      %dma_wait3A_436 = tpu.memref_slice %arg16[%dma_wait3A_435] : memref<100112xf32, #tpu.memory_space<vmem_shared>> -> memref<100112xf32, #tpu.memory_space<vmem_shared>>
      tpu.wait_indirect_dma semaphore(%arg23 : memref<!tpu.dma_semaphore, #tpu.memory_space<semaphore_mem>>) src(%arg14 : memref<128xf32, #tpu.memory_space<vmem>>) dst(%dma_wait3A_436 : memref<100112xf32, #tpu.memory_space<vmem_shared>>)
      %dma_wait3A_437 = arith.constant 1 : i32
      %dma_wait3A_438 = arith.constant 128 : i32
      %dma_wait3A_439 = arith.constant 0 : i32
      %dma_wait3A_440 = tpu.memref_slice %arg9[%dma_wait3A_438, %dma_wait3A_439] : memref<512x16xf32, #tpu.memory_space<vmem>> -> memref<128x16xf32, #tpu.memory_space<vmem>>
      %dma_wait3A_441 = arith.constant 0 : i32
      %dma_wait3A_442 = tpu.memref_slice %arg8[%dma_wait3A_437, %dma_wait3A_441] : memref<4x128xi32, #tpu.memory_space<vmem>> -> memref<1x128xi32, #tpu.memory_space<vmem>>
      %dma_wait3A_443 = tpu.memref_squeeze %dma_wait3A_442 : memref<1x128xi32, #tpu.memory_space<vmem>> -> memref<128xi32, #tpu.memory_space<vmem>>
      %dma_wait3A_444 = arith.constant 0 : i32
      %dma_wait3A_445 = arith.constant 0 : i32
      %dma_wait3A_446 = tpu.memref_slice %arg13[%dma_wait3A_444, %dma_wait3A_445] : memref<100096x16xf32, #tpu.memory_space<vmem_shared>> -> memref<100096x16xf32, #tpu.memory_space<vmem_shared>>
      tpu.wait_indirect_dma semaphore(%arg21 : memref<!tpu.dma_semaphore, #tpu.memory_space<semaphore_mem>>) src(%dma_wait3A_440 : memref<128x16xf32, #tpu.memory_space<vmem>>) dst(%dma_wait3A_446 : memref<100096x16xf32, #tpu.memory_space<vmem_shared>>)
      %dma_wait3A_447 = arith.constant 1 : i32
      %dma_wait3A_448 = arith.constant 0 : i32
      %dma_wait3A_449 = tpu.memref_slice %arg8[%dma_wait3A_447, %dma_wait3A_448] : memref<4x128xi32, #tpu.memory_space<vmem>> -> memref<1x128xi32, #tpu.memory_space<vmem>>
      %dma_wait3A_450 = tpu.memref_squeeze %dma_wait3A_449 : memref<1x128xi32, #tpu.memory_space<vmem>> -> memref<128xi32, #tpu.memory_space<vmem>>
      %dma_wait3A_451 = arith.constant 0 : i32
      %dma_wait3A_452 = tpu.memref_slice %arg16[%dma_wait3A_451] : memref<100112xf32, #tpu.memory_space<vmem_shared>> -> memref<100112xf32, #tpu.memory_space<vmem_shared>>
      tpu.wait_indirect_dma semaphore(%arg23 : memref<!tpu.dma_semaphore, #tpu.memory_space<semaphore_mem>>) src(%arg14 : memref<128xf32, #tpu.memory_space<vmem>>) dst(%dma_wait3A_452 : memref<100112xf32, #tpu.memory_space<vmem_shared>>)
      %dma_wait3A_453 = arith.constant 2 : i32
      %dma_wait3A_454 = arith.constant 256 : i32
      %dma_wait3A_455 = arith.constant 0 : i32
      %dma_wait3A_456 = tpu.memref_slice %arg9[%dma_wait3A_454, %dma_wait3A_455] : memref<512x16xf32, #tpu.memory_space<vmem>> -> memref<128x16xf32, #tpu.memory_space<vmem>>
      %dma_wait3A_457 = arith.constant 0 : i32
      %dma_wait3A_458 = tpu.memref_slice %arg8[%dma_wait3A_453, %dma_wait3A_457] : memref<4x128xi32, #tpu.memory_space<vmem>> -> memref<1x128xi32, #tpu.memory_space<vmem>>
      %dma_wait3A_459 = tpu.memref_squeeze %dma_wait3A_458 : memref<1x128xi32, #tpu.memory_space<vmem>> -> memref<128xi32, #tpu.memory_space<vmem>>
      %dma_wait3A_460 = arith.constant 0 : i32
      %dma_wait3A_461 = arith.constant 0 : i32
      %dma_wait3A_462 = tpu.memref_slice %arg13[%dma_wait3A_460, %dma_wait3A_461] : memref<100096x16xf32, #tpu.memory_space<vmem_shared>> -> memref<100096x16xf32, #tpu.memory_space<vmem_shared>>
      tpu.wait_indirect_dma semaphore(%arg21 : memref<!tpu.dma_semaphore, #tpu.memory_space<semaphore_mem>>) src(%dma_wait3A_456 : memref<128x16xf32, #tpu.memory_space<vmem>>) dst(%dma_wait3A_462 : memref<100096x16xf32, #tpu.memory_space<vmem_shared>>)
      %dma_wait3A_463 = arith.constant 2 : i32
      %dma_wait3A_464 = arith.constant 0 : i32
      %dma_wait3A_465 = tpu.memref_slice %arg8[%dma_wait3A_463, %dma_wait3A_464] : memref<4x128xi32, #tpu.memory_space<vmem>> -> memref<1x128xi32, #tpu.memory_space<vmem>>
      %dma_wait3A_466 = tpu.memref_squeeze %dma_wait3A_465 : memref<1x128xi32, #tpu.memory_space<vmem>> -> memref<128xi32, #tpu.memory_space<vmem>>
      %dma_wait3A_467 = arith.constant 0 : i32
      %dma_wait3A_468 = tpu.memref_slice %arg16[%dma_wait3A_467] : memref<100112xf32, #tpu.memory_space<vmem_shared>> -> memref<100112xf32, #tpu.memory_space<vmem_shared>>
      tpu.wait_indirect_dma semaphore(%arg23 : memref<!tpu.dma_semaphore, #tpu.memory_space<semaphore_mem>>) src(%arg14 : memref<128xf32, #tpu.memory_space<vmem>>) dst(%dma_wait3A_468 : memref<100112xf32, #tpu.memory_space<vmem_shared>>)
      %dma_wait3A_469 = arith.constant 3 : i32
      %dma_wait3A_470 = arith.constant 384 : i32
      %dma_wait3A_471 = arith.constant 0 : i32
      %dma_wait3A_472 = tpu.memref_slice %arg9[%dma_wait3A_470, %dma_wait3A_471] : memref<512x16xf32, #tpu.memory_space<vmem>> -> memref<128x16xf32, #tpu.memory_space<vmem>>
      %dma_wait3A_473 = arith.constant 0 : i32
      %dma_wait3A_474 = tpu.memref_slice %arg8[%dma_wait3A_469, %dma_wait3A_473] : memref<4x128xi32, #tpu.memory_space<vmem>> -> memref<1x128xi32, #tpu.memory_space<vmem>>
      %dma_wait3A_475 = tpu.memref_squeeze %dma_wait3A_474 : memref<1x128xi32, #tpu.memory_space<vmem>> -> memref<128xi32, #tpu.memory_space<vmem>>
      %dma_wait3A_476 = arith.constant 0 : i32
      %dma_wait3A_477 = arith.constant 0 : i32
      %dma_wait3A_478 = tpu.memref_slice %arg13[%dma_wait3A_476, %dma_wait3A_477] : memref<100096x16xf32, #tpu.memory_space<vmem_shared>> -> memref<100096x16xf32, #tpu.memory_space<vmem_shared>>
      tpu.wait_indirect_dma semaphore(%arg21 : memref<!tpu.dma_semaphore, #tpu.memory_space<semaphore_mem>>) src(%dma_wait3A_472 : memref<128x16xf32, #tpu.memory_space<vmem>>) dst(%dma_wait3A_478 : memref<100096x16xf32, #tpu.memory_space<vmem_shared>>)
      %dma_wait3A_479 = arith.constant 3 : i32
      %dma_wait3A_480 = arith.constant 0 : i32
      %dma_wait3A_481 = tpu.memref_slice %arg8[%dma_wait3A_479, %dma_wait3A_480] : memref<4x128xi32, #tpu.memory_space<vmem>> -> memref<1x128xi32, #tpu.memory_space<vmem>>
      %dma_wait3A_482 = tpu.memref_squeeze %dma_wait3A_481 : memref<1x128xi32, #tpu.memory_space<vmem>> -> memref<128xi32, #tpu.memory_space<vmem>>
      %dma_wait3A_483 = arith.constant 0 : i32
      %dma_wait3A_484 = tpu.memref_slice %arg16[%dma_wait3A_483] : memref<100112xf32, #tpu.memory_space<vmem_shared>> -> memref<100112xf32, #tpu.memory_space<vmem_shared>>
      tpu.wait_indirect_dma semaphore(%arg23 : memref<!tpu.dma_semaphore, #tpu.memory_space<semaphore_mem>>) src(%arg14 : memref<128xf32, #tpu.memory_space<vmem>>) dst(%dma_wait3A_484 : memref<100112xf32, #tpu.memory_space<vmem_shared>>)
      %add3A_485 = arith.constant 2 : i32
      %add3A_486 = arith.addi %mul3A_157, %add3A_485 : i32
      %mul3A_487 = arith.constant 4 : i32
      %mul3A_488 = arith.muli %add3A_486, %mul3A_487 : i32
      %add3A_489 = arith.addi %select_n3A, %mul3A_488 : i32
      %dma_start3A_490 = arith.constant 0 : i32
      %dma_start3A_491 = tpu.memref_slice %arg3[%add3A_489, %dma_start3A_490] : memref<25352x128xi32, #tpu.memory_space<hbm>> -> memref<4x128xi32, #tpu.memory_space<hbm>>
      %dma_start3A_492 = arith.constant 0 : i32
      %dma_start3A_493 = tpu.memref_slice %arg3[%add3A_489, %dma_start3A_492] : memref<25352x128xi32, #tpu.memory_space<hbm>> -> memref<4x128xi32, #tpu.memory_space<hbm>>
      tpu.enqueue_dma source(%dma_start3A_493 : memref<4x128xi32, #tpu.memory_space<hbm>>) target(%arg7 : memref<4x128xi32, #tpu.memory_space<vmem>>) target_semaphore(%arg17 : memref<!tpu.dma_semaphore, #tpu.memory_space<semaphore_mem>>)
      %dma_start3A_494 = arith.constant 0 : i32
      %dma_start3A_495 = tpu.memref_slice %arg4[%add3A_489, %dma_start3A_494] : memref<25352x128xi32, #tpu.memory_space<hbm>> -> memref<4x128xi32, #tpu.memory_space<hbm>>
      %dma_start3A_496 = arith.constant 0 : i32
      %dma_start3A_497 = tpu.memref_slice %arg4[%add3A_489, %dma_start3A_496] : memref<25352x128xi32, #tpu.memory_space<hbm>> -> memref<4x128xi32, #tpu.memory_space<hbm>>
      tpu.enqueue_dma source(%dma_start3A_497 : memref<4x128xi32, #tpu.memory_space<hbm>>) target(%arg8 : memref<4x128xi32, #tpu.memory_space<vmem>>) target_semaphore(%arg17 : memref<!tpu.dma_semaphore, #tpu.memory_space<semaphore_mem>>)
      %dma_start3A_498 = arith.constant 0 : i32
      %dma_start3A_499 = arith.constant 0 : i32
      %dma_start3A_500 = arith.constant 0 : i32
      %dma_start3A_501 = tpu.memref_slice %arg12[%dma_start3A_499, %dma_start3A_500] : memref<512x16xf32, #tpu.memory_space<vmem>> -> memref<128x16xf32, #tpu.memory_space<vmem>>
      %dma_start3A_502 = arith.constant 0 : i32
      %dma_start3A_503 = tpu.memref_slice %arg11[%dma_start3A_498, %dma_start3A_502] : memref<4x128xi32, #tpu.memory_space<vmem>> -> memref<1x128xi32, #tpu.memory_space<vmem>>
      %dma_start3A_504 = tpu.memref_squeeze %dma_start3A_503 : memref<1x128xi32, #tpu.memory_space<vmem>> -> memref<128xi32, #tpu.memory_space<vmem>>
      %dma_start3A_505 = arith.constant 0 : i32
      %dma_start3A_506 = arith.constant 0 : i32
      %dma_start3A_507 = tpu.memref_slice %arg13[%dma_start3A_505, %dma_start3A_506] : memref<100096x16xf32, #tpu.memory_space<vmem_shared>> -> memref<100096x16xf32, #tpu.memory_space<vmem_shared>>
      tpu.enqueue_indirect_dma source(%dma_start3A_501 : memref<128x16xf32, #tpu.memory_space<vmem>>) target(%dma_start3A_507 : memref<100096x16xf32, #tpu.memory_space<vmem_shared>>) offsets(%dma_start3A_504 : memref<128xi32, #tpu.memory_space<vmem>>) semaphore(%arg22 : memref<!tpu.dma_semaphore, #tpu.memory_space<semaphore_mem>>) {add = true}
      %dma_start3A_508 = arith.constant 0 : i32
      %dma_start3A_509 = arith.constant 0 : i32
      %dma_start3A_510 = tpu.memref_slice %arg11[%dma_start3A_508, %dma_start3A_509] : memref<4x128xi32, #tpu.memory_space<vmem>> -> memref<1x128xi32, #tpu.memory_space<vmem>>
      %dma_start3A_511 = tpu.memref_squeeze %dma_start3A_510 : memref<1x128xi32, #tpu.memory_space<vmem>> -> memref<128xi32, #tpu.memory_space<vmem>>
      %dma_start3A_512 = arith.constant 0 : i32
      %dma_start3A_513 = tpu.memref_slice %arg16[%dma_start3A_512] : memref<100112xf32, #tpu.memory_space<vmem_shared>> -> memref<100112xf32, #tpu.memory_space<vmem_shared>>
      tpu.enqueue_indirect_dma source(%arg14 : memref<128xf32, #tpu.memory_space<vmem>>) target(%dma_start3A_513 : memref<100112xf32, #tpu.memory_space<vmem_shared>>) offsets(%dma_start3A_511 : memref<128xi32, #tpu.memory_space<vmem>>) semaphore(%arg24 : memref<!tpu.dma_semaphore, #tpu.memory_space<semaphore_mem>>) {add = true}
      %dma_start3A_514 = arith.constant 1 : i32
      %dma_start3A_515 = arith.constant 128 : i32
      %dma_start3A_516 = arith.constant 0 : i32
      %dma_start3A_517 = tpu.memref_slice %arg12[%dma_start3A_515, %dma_start3A_516] : memref<512x16xf32, #tpu.memory_space<vmem>> -> memref<128x16xf32, #tpu.memory_space<vmem>>
      %dma_start3A_518 = arith.constant 0 : i32
      %dma_start3A_519 = tpu.memref_slice %arg11[%dma_start3A_514, %dma_start3A_518] : memref<4x128xi32, #tpu.memory_space<vmem>> -> memref<1x128xi32, #tpu.memory_space<vmem>>
      %dma_start3A_520 = tpu.memref_squeeze %dma_start3A_519 : memref<1x128xi32, #tpu.memory_space<vmem>> -> memref<128xi32, #tpu.memory_space<vmem>>
      %dma_start3A_521 = arith.constant 0 : i32
      %dma_start3A_522 = arith.constant 0 : i32
      %dma_start3A_523 = tpu.memref_slice %arg13[%dma_start3A_521, %dma_start3A_522] : memref<100096x16xf32, #tpu.memory_space<vmem_shared>> -> memref<100096x16xf32, #tpu.memory_space<vmem_shared>>
      tpu.enqueue_indirect_dma source(%dma_start3A_517 : memref<128x16xf32, #tpu.memory_space<vmem>>) target(%dma_start3A_523 : memref<100096x16xf32, #tpu.memory_space<vmem_shared>>) offsets(%dma_start3A_520 : memref<128xi32, #tpu.memory_space<vmem>>) semaphore(%arg22 : memref<!tpu.dma_semaphore, #tpu.memory_space<semaphore_mem>>) {add = true}
      %dma_start3A_524 = arith.constant 1 : i32
      %dma_start3A_525 = arith.constant 0 : i32
      %dma_start3A_526 = tpu.memref_slice %arg11[%dma_start3A_524, %dma_start3A_525] : memref<4x128xi32, #tpu.memory_space<vmem>> -> memref<1x128xi32, #tpu.memory_space<vmem>>
      %dma_start3A_527 = tpu.memref_squeeze %dma_start3A_526 : memref<1x128xi32, #tpu.memory_space<vmem>> -> memref<128xi32, #tpu.memory_space<vmem>>
      %dma_start3A_528 = arith.constant 0 : i32
      %dma_start3A_529 = tpu.memref_slice %arg16[%dma_start3A_528] : memref<100112xf32, #tpu.memory_space<vmem_shared>> -> memref<100112xf32, #tpu.memory_space<vmem_shared>>
      tpu.enqueue_indirect_dma source(%arg14 : memref<128xf32, #tpu.memory_space<vmem>>) target(%dma_start3A_529 : memref<100112xf32, #tpu.memory_space<vmem_shared>>) offsets(%dma_start3A_527 : memref<128xi32, #tpu.memory_space<vmem>>) semaphore(%arg24 : memref<!tpu.dma_semaphore, #tpu.memory_space<semaphore_mem>>) {add = true}
      %dma_start3A_530 = arith.constant 2 : i32
      %dma_start3A_531 = arith.constant 256 : i32
      %dma_start3A_532 = arith.constant 0 : i32
      %dma_start3A_533 = tpu.memref_slice %arg12[%dma_start3A_531, %dma_start3A_532] : memref<512x16xf32, #tpu.memory_space<vmem>> -> memref<128x16xf32, #tpu.memory_space<vmem>>
      %dma_start3A_534 = arith.constant 0 : i32
      %dma_start3A_535 = tpu.memref_slice %arg11[%dma_start3A_530, %dma_start3A_534] : memref<4x128xi32, #tpu.memory_space<vmem>> -> memref<1x128xi32, #tpu.memory_space<vmem>>
      %dma_start3A_536 = tpu.memref_squeeze %dma_start3A_535 : memref<1x128xi32, #tpu.memory_space<vmem>> -> memref<128xi32, #tpu.memory_space<vmem>>
      %dma_start3A_537 = arith.constant 0 : i32
      %dma_start3A_538 = arith.constant 0 : i32
      %dma_start3A_539 = tpu.memref_slice %arg13[%dma_start3A_537, %dma_start3A_538] : memref<100096x16xf32, #tpu.memory_space<vmem_shared>> -> memref<100096x16xf32, #tpu.memory_space<vmem_shared>>
      tpu.enqueue_indirect_dma source(%dma_start3A_533 : memref<128x16xf32, #tpu.memory_space<vmem>>) target(%dma_start3A_539 : memref<100096x16xf32, #tpu.memory_space<vmem_shared>>) offsets(%dma_start3A_536 : memref<128xi32, #tpu.memory_space<vmem>>) semaphore(%arg22 : memref<!tpu.dma_semaphore, #tpu.memory_space<semaphore_mem>>) {add = true}
      %dma_start3A_540 = arith.constant 2 : i32
      %dma_start3A_541 = arith.constant 0 : i32
      %dma_start3A_542 = tpu.memref_slice %arg11[%dma_start3A_540, %dma_start3A_541] : memref<4x128xi32, #tpu.memory_space<vmem>> -> memref<1x128xi32, #tpu.memory_space<vmem>>
      %dma_start3A_543 = tpu.memref_squeeze %dma_start3A_542 : memref<1x128xi32, #tpu.memory_space<vmem>> -> memref<128xi32, #tpu.memory_space<vmem>>
      %dma_start3A_544 = arith.constant 0 : i32
      %dma_start3A_545 = tpu.memref_slice %arg16[%dma_start3A_544] : memref<100112xf32, #tpu.memory_space<vmem_shared>> -> memref<100112xf32, #tpu.memory_space<vmem_shared>>
      tpu.enqueue_indirect_dma source(%arg14 : memref<128xf32, #tpu.memory_space<vmem>>) target(%dma_start3A_545 : memref<100112xf32, #tpu.memory_space<vmem_shared>>) offsets(%dma_start3A_543 : memref<128xi32, #tpu.memory_space<vmem>>) semaphore(%arg24 : memref<!tpu.dma_semaphore, #tpu.memory_space<semaphore_mem>>) {add = true}
      %dma_start3A_546 = arith.constant 3 : i32
      %dma_start3A_547 = arith.constant 384 : i32
      %dma_start3A_548 = arith.constant 0 : i32
      %dma_start3A_549 = tpu.memref_slice %arg12[%dma_start3A_547, %dma_start3A_548] : memref<512x16xf32, #tpu.memory_space<vmem>> -> memref<128x16xf32, #tpu.memory_space<vmem>>
      %dma_start3A_550 = arith.constant 0 : i32
      %dma_start3A_551 = tpu.memref_slice %arg11[%dma_start3A_546, %dma_start3A_550] : memref<4x128xi32, #tpu.memory_space<vmem>> -> memref<1x128xi32, #tpu.memory_space<vmem>>
      %dma_start3A_552 = tpu.memref_squeeze %dma_start3A_551 : memref<1x128xi32, #tpu.memory_space<vmem>> -> memref<128xi32, #tpu.memory_space<vmem>>
      %dma_start3A_553 = arith.constant 0 : i32
      %dma_start3A_554 = arith.constant 0 : i32
      %dma_start3A_555 = tpu.memref_slice %arg13[%dma_start3A_553, %dma_start3A_554] : memref<100096x16xf32, #tpu.memory_space<vmem_shared>> -> memref<100096x16xf32, #tpu.memory_space<vmem_shared>>
      tpu.enqueue_indirect_dma source(%dma_start3A_549 : memref<128x16xf32, #tpu.memory_space<vmem>>) target(%dma_start3A_555 : memref<100096x16xf32, #tpu.memory_space<vmem_shared>>) offsets(%dma_start3A_552 : memref<128xi32, #tpu.memory_space<vmem>>) semaphore(%arg22 : memref<!tpu.dma_semaphore, #tpu.memory_space<semaphore_mem>>) {add = true}
      %dma_start3A_556 = arith.constant 3 : i32
      %dma_start3A_557 = arith.constant 0 : i32
      %dma_start3A_558 = tpu.memref_slice %arg11[%dma_start3A_556, %dma_start3A_557] : memref<4x128xi32, #tpu.memory_space<vmem>> -> memref<1x128xi32, #tpu.memory_space<vmem>>
      %dma_start3A_559 = tpu.memref_squeeze %dma_start3A_558 : memref<1x128xi32, #tpu.memory_space<vmem>> -> memref<128xi32, #tpu.memory_space<vmem>>
      %dma_start3A_560 = arith.constant 0 : i32
      %dma_start3A_561 = tpu.memref_slice %arg16[%dma_start3A_560] : memref<100112xf32, #tpu.memory_space<vmem_shared>> -> memref<100112xf32, #tpu.memory_space<vmem_shared>>
      tpu.enqueue_indirect_dma source(%arg14 : memref<128xf32, #tpu.memory_space<vmem>>) target(%dma_start3A_561 : memref<100112xf32, #tpu.memory_space<vmem_shared>>) offsets(%dma_start3A_559 : memref<128xi32, #tpu.memory_space<vmem>>) semaphore(%arg24 : memref<!tpu.dma_semaphore, #tpu.memory_space<semaphore_mem>>) {add = true}
    }
    %dma_wait3A = arith.constant 0 : i32
    %dma_wait3A_75 = arith.constant 0 : i32
    %dma_wait3A_76 = arith.constant 0 : i32
    %dma_wait3A_77 = tpu.memref_slice %arg12[%dma_wait3A_75, %dma_wait3A_76] : memref<512x16xf32, #tpu.memory_space<vmem>> -> memref<128x16xf32, #tpu.memory_space<vmem>>
    %dma_wait3A_78 = arith.constant 0 : i32
    %dma_wait3A_79 = tpu.memref_slice %arg11[%dma_wait3A, %dma_wait3A_78] : memref<4x128xi32, #tpu.memory_space<vmem>> -> memref<1x128xi32, #tpu.memory_space<vmem>>
    %dma_wait3A_80 = tpu.memref_squeeze %dma_wait3A_79 : memref<1x128xi32, #tpu.memory_space<vmem>> -> memref<128xi32, #tpu.memory_space<vmem>>
    %dma_wait3A_81 = arith.constant 0 : i32
    %dma_wait3A_82 = arith.constant 0 : i32
    %dma_wait3A_83 = tpu.memref_slice %arg13[%dma_wait3A_81, %dma_wait3A_82] : memref<100096x16xf32, #tpu.memory_space<vmem_shared>> -> memref<100096x16xf32, #tpu.memory_space<vmem_shared>>
    tpu.wait_indirect_dma semaphore(%arg22 : memref<!tpu.dma_semaphore, #tpu.memory_space<semaphore_mem>>) src(%dma_wait3A_77 : memref<128x16xf32, #tpu.memory_space<vmem>>) dst(%dma_wait3A_83 : memref<100096x16xf32, #tpu.memory_space<vmem_shared>>)
    %dma_wait3A_84 = arith.constant 0 : i32
    %dma_wait3A_85 = arith.constant 0 : i32
    %dma_wait3A_86 = tpu.memref_slice %arg11[%dma_wait3A_84, %dma_wait3A_85] : memref<4x128xi32, #tpu.memory_space<vmem>> -> memref<1x128xi32, #tpu.memory_space<vmem>>
    %dma_wait3A_87 = tpu.memref_squeeze %dma_wait3A_86 : memref<1x128xi32, #tpu.memory_space<vmem>> -> memref<128xi32, #tpu.memory_space<vmem>>
    %dma_wait3A_88 = arith.constant 0 : i32
    %dma_wait3A_89 = tpu.memref_slice %arg16[%dma_wait3A_88] : memref<100112xf32, #tpu.memory_space<vmem_shared>> -> memref<100112xf32, #tpu.memory_space<vmem_shared>>
    tpu.wait_indirect_dma semaphore(%arg24 : memref<!tpu.dma_semaphore, #tpu.memory_space<semaphore_mem>>) src(%arg14 : memref<128xf32, #tpu.memory_space<vmem>>) dst(%dma_wait3A_89 : memref<100112xf32, #tpu.memory_space<vmem_shared>>)
    %dma_wait3A_90 = arith.constant 1 : i32
    %dma_wait3A_91 = arith.constant 128 : i32
    %dma_wait3A_92 = arith.constant 0 : i32
    %dma_wait3A_93 = tpu.memref_slice %arg12[%dma_wait3A_91, %dma_wait3A_92] : memref<512x16xf32, #tpu.memory_space<vmem>> -> memref<128x16xf32, #tpu.memory_space<vmem>>
    %dma_wait3A_94 = arith.constant 0 : i32
    %dma_wait3A_95 = tpu.memref_slice %arg11[%dma_wait3A_90, %dma_wait3A_94] : memref<4x128xi32, #tpu.memory_space<vmem>> -> memref<1x128xi32, #tpu.memory_space<vmem>>
    %dma_wait3A_96 = tpu.memref_squeeze %dma_wait3A_95 : memref<1x128xi32, #tpu.memory_space<vmem>> -> memref<128xi32, #tpu.memory_space<vmem>>
    %dma_wait3A_97 = arith.constant 0 : i32
    %dma_wait3A_98 = arith.constant 0 : i32
    %dma_wait3A_99 = tpu.memref_slice %arg13[%dma_wait3A_97, %dma_wait3A_98] : memref<100096x16xf32, #tpu.memory_space<vmem_shared>> -> memref<100096x16xf32, #tpu.memory_space<vmem_shared>>
    tpu.wait_indirect_dma semaphore(%arg22 : memref<!tpu.dma_semaphore, #tpu.memory_space<semaphore_mem>>) src(%dma_wait3A_93 : memref<128x16xf32, #tpu.memory_space<vmem>>) dst(%dma_wait3A_99 : memref<100096x16xf32, #tpu.memory_space<vmem_shared>>)
    %dma_wait3A_100 = arith.constant 1 : i32
    %dma_wait3A_101 = arith.constant 0 : i32
    %dma_wait3A_102 = tpu.memref_slice %arg11[%dma_wait3A_100, %dma_wait3A_101] : memref<4x128xi32, #tpu.memory_space<vmem>> -> memref<1x128xi32, #tpu.memory_space<vmem>>
    %dma_wait3A_103 = tpu.memref_squeeze %dma_wait3A_102 : memref<1x128xi32, #tpu.memory_space<vmem>> -> memref<128xi32, #tpu.memory_space<vmem>>
    %dma_wait3A_104 = arith.constant 0 : i32
    %dma_wait3A_105 = tpu.memref_slice %arg16[%dma_wait3A_104] : memref<100112xf32, #tpu.memory_space<vmem_shared>> -> memref<100112xf32, #tpu.memory_space<vmem_shared>>
    tpu.wait_indirect_dma semaphore(%arg24 : memref<!tpu.dma_semaphore, #tpu.memory_space<semaphore_mem>>) src(%arg14 : memref<128xf32, #tpu.memory_space<vmem>>) dst(%dma_wait3A_105 : memref<100112xf32, #tpu.memory_space<vmem_shared>>)
    %dma_wait3A_106 = arith.constant 2 : i32
    %dma_wait3A_107 = arith.constant 256 : i32
    %dma_wait3A_108 = arith.constant 0 : i32
    %dma_wait3A_109 = tpu.memref_slice %arg12[%dma_wait3A_107, %dma_wait3A_108] : memref<512x16xf32, #tpu.memory_space<vmem>> -> memref<128x16xf32, #tpu.memory_space<vmem>>
    %dma_wait3A_110 = arith.constant 0 : i32
    %dma_wait3A_111 = tpu.memref_slice %arg11[%dma_wait3A_106, %dma_wait3A_110] : memref<4x128xi32, #tpu.memory_space<vmem>> -> memref<1x128xi32, #tpu.memory_space<vmem>>
    %dma_wait3A_112 = tpu.memref_squeeze %dma_wait3A_111 : memref<1x128xi32, #tpu.memory_space<vmem>> -> memref<128xi32, #tpu.memory_space<vmem>>
    %dma_wait3A_113 = arith.constant 0 : i32
    %dma_wait3A_114 = arith.constant 0 : i32
    %dma_wait3A_115 = tpu.memref_slice %arg13[%dma_wait3A_113, %dma_wait3A_114] : memref<100096x16xf32, #tpu.memory_space<vmem_shared>> -> memref<100096x16xf32, #tpu.memory_space<vmem_shared>>
    tpu.wait_indirect_dma semaphore(%arg22 : memref<!tpu.dma_semaphore, #tpu.memory_space<semaphore_mem>>) src(%dma_wait3A_109 : memref<128x16xf32, #tpu.memory_space<vmem>>) dst(%dma_wait3A_115 : memref<100096x16xf32, #tpu.memory_space<vmem_shared>>)
    %dma_wait3A_116 = arith.constant 2 : i32
    %dma_wait3A_117 = arith.constant 0 : i32
    %dma_wait3A_118 = tpu.memref_slice %arg11[%dma_wait3A_116, %dma_wait3A_117] : memref<4x128xi32, #tpu.memory_space<vmem>> -> memref<1x128xi32, #tpu.memory_space<vmem>>
    %dma_wait3A_119 = tpu.memref_squeeze %dma_wait3A_118 : memref<1x128xi32, #tpu.memory_space<vmem>> -> memref<128xi32, #tpu.memory_space<vmem>>
    %dma_wait3A_120 = arith.constant 0 : i32
    %dma_wait3A_121 = tpu.memref_slice %arg16[%dma_wait3A_120] : memref<100112xf32, #tpu.memory_space<vmem_shared>> -> memref<100112xf32, #tpu.memory_space<vmem_shared>>
    tpu.wait_indirect_dma semaphore(%arg24 : memref<!tpu.dma_semaphore, #tpu.memory_space<semaphore_mem>>) src(%arg14 : memref<128xf32, #tpu.memory_space<vmem>>) dst(%dma_wait3A_121 : memref<100112xf32, #tpu.memory_space<vmem_shared>>)
    %dma_wait3A_122 = arith.constant 3 : i32
    %dma_wait3A_123 = arith.constant 384 : i32
    %dma_wait3A_124 = arith.constant 0 : i32
    %dma_wait3A_125 = tpu.memref_slice %arg12[%dma_wait3A_123, %dma_wait3A_124] : memref<512x16xf32, #tpu.memory_space<vmem>> -> memref<128x16xf32, #tpu.memory_space<vmem>>
    %dma_wait3A_126 = arith.constant 0 : i32
    %dma_wait3A_127 = tpu.memref_slice %arg11[%dma_wait3A_122, %dma_wait3A_126] : memref<4x128xi32, #tpu.memory_space<vmem>> -> memref<1x128xi32, #tpu.memory_space<vmem>>
    %dma_wait3A_128 = tpu.memref_squeeze %dma_wait3A_127 : memref<1x128xi32, #tpu.memory_space<vmem>> -> memref<128xi32, #tpu.memory_space<vmem>>
    %dma_wait3A_129 = arith.constant 0 : i32
    %dma_wait3A_130 = arith.constant 0 : i32
    %dma_wait3A_131 = tpu.memref_slice %arg13[%dma_wait3A_129, %dma_wait3A_130] : memref<100096x16xf32, #tpu.memory_space<vmem_shared>> -> memref<100096x16xf32, #tpu.memory_space<vmem_shared>>
    tpu.wait_indirect_dma semaphore(%arg22 : memref<!tpu.dma_semaphore, #tpu.memory_space<semaphore_mem>>) src(%dma_wait3A_125 : memref<128x16xf32, #tpu.memory_space<vmem>>) dst(%dma_wait3A_131 : memref<100096x16xf32, #tpu.memory_space<vmem_shared>>)
    %dma_wait3A_132 = arith.constant 3 : i32
    %dma_wait3A_133 = arith.constant 0 : i32
    %dma_wait3A_134 = tpu.memref_slice %arg11[%dma_wait3A_132, %dma_wait3A_133] : memref<4x128xi32, #tpu.memory_space<vmem>> -> memref<1x128xi32, #tpu.memory_space<vmem>>
    %dma_wait3A_135 = tpu.memref_squeeze %dma_wait3A_134 : memref<1x128xi32, #tpu.memory_space<vmem>> -> memref<128xi32, #tpu.memory_space<vmem>>
    %dma_wait3A_136 = arith.constant 0 : i32
    %dma_wait3A_137 = tpu.memref_slice %arg16[%dma_wait3A_136] : memref<100112xf32, #tpu.memory_space<vmem_shared>> -> memref<100112xf32, #tpu.memory_space<vmem_shared>>
    tpu.wait_indirect_dma semaphore(%arg24 : memref<!tpu.dma_semaphore, #tpu.memory_space<semaphore_mem>>) src(%arg14 : memref<128xf32, #tpu.memory_space<vmem>>) dst(%dma_wait3A_137 : memref<100112xf32, #tpu.memory_space<vmem_shared>>)
    %dma_wait3A_138 = arith.constant 0 : i32
    %dma_wait3A_139 = arith.constant 0 : i32
    %dma_wait3A_140 = tpu.memref_slice %arg3[%dma_wait3A_138, %dma_wait3A_139] : memref<25352x128xi32, #tpu.memory_space<hbm>> -> memref<4x128xi32, #tpu.memory_space<hbm>>
    %dma_wait3A_141 = arith.constant 0 : i32
    %dma_wait3A_142 = arith.constant 0 : i32
    %dma_wait3A_143 = tpu.memref_slice %arg3[%dma_wait3A_141, %dma_wait3A_142] : memref<25352x128xi32, #tpu.memory_space<hbm>> -> memref<4x128xi32, #tpu.memory_space<hbm>>
    tpu.wait_dma2 semaphore(%arg17 : memref<!tpu.dma_semaphore, #tpu.memory_space<semaphore_mem>>) src(%dma_wait3A_143 : memref<4x128xi32, #tpu.memory_space<hbm>>) dst(%arg7 : memref<4x128xi32, #tpu.memory_space<vmem>>)
    %dma_wait3A_144 = arith.constant 0 : i32
    %dma_wait3A_145 = arith.constant 0 : i32
    %dma_wait3A_146 = tpu.memref_slice %arg4[%dma_wait3A_144, %dma_wait3A_145] : memref<25352x128xi32, #tpu.memory_space<hbm>> -> memref<4x128xi32, #tpu.memory_space<hbm>>
    %dma_wait3A_147 = arith.constant 0 : i32
    %dma_wait3A_148 = arith.constant 0 : i32
    %dma_wait3A_149 = tpu.memref_slice %arg4[%dma_wait3A_147, %dma_wait3A_148] : memref<25352x128xi32, #tpu.memory_space<hbm>> -> memref<4x128xi32, #tpu.memory_space<hbm>>
    tpu.wait_dma2 semaphore(%arg17 : memref<!tpu.dma_semaphore, #tpu.memory_space<semaphore_mem>>) src(%dma_wait3A_149 : memref<4x128xi32, #tpu.memory_space<hbm>>) dst(%arg8 : memref<4x128xi32, #tpu.memory_space<vmem>>)
    %barrier3A_150 = arith.constant 0 : index
    tpu.barrier barrier_id(%barrier3A_150)
    %mul3A_151 = arith.constant 6256 : i32
    %mul3A_152 = arith.muli %arg1, %mul3A_151 : i32
    "tpu.region"() ({
      %run_scoped3A = tpu.sem_alloc : memref<!tpu.dma_semaphore, #tpu.memory_space<semaphore_mem>>
      %dma_start3A_153 = arith.constant 0 : i32
      %dma_start3A_154 = tpu.memref_slice %arg5[%arg0, %mul3A_152, %dma_start3A_153] : memref<2x100096x16xf32, #tpu.memory_space<hbm>> -> memref<1x6256x16xf32, #tpu.memory_space<hbm>>
      %dma_start3A_155 = tpu.memref_squeeze %dma_start3A_154 : memref<1x6256x16xf32, #tpu.memory_space<hbm>> -> memref<6256x16xf32, #tpu.memory_space<hbm>>
      %dma_start3A_156 = arith.constant 0 : i32
      %dma_start3A_157 = tpu.memref_slice %arg13[%mul3A_152, %dma_start3A_156] : memref<100096x16xf32, #tpu.memory_space<vmem_shared>> -> memref<6256x16xf32, #tpu.memory_space<vmem_shared>>
      tpu.enqueue_dma source(%dma_start3A_157 : memref<6256x16xf32, #tpu.memory_space<vmem_shared>>) target(%dma_start3A_155 : memref<6256x16xf32, #tpu.memory_space<hbm>>) target_semaphore(%run_scoped3A : memref<!tpu.dma_semaphore, #tpu.memory_space<semaphore_mem>>)
      %dma_wait3A_158 = arith.constant 0 : i32
      %dma_wait3A_159 = tpu.memref_slice %arg5[%arg0, %mul3A_152, %dma_wait3A_158] : memref<2x100096x16xf32, #tpu.memory_space<hbm>> -> memref<1x6256x16xf32, #tpu.memory_space<hbm>>
      %dma_wait3A_160 = tpu.memref_squeeze %dma_wait3A_159 : memref<1x6256x16xf32, #tpu.memory_space<hbm>> -> memref<6256x16xf32, #tpu.memory_space<hbm>>
      %dma_wait3A_161 = arith.constant 0 : i32
      %dma_wait3A_162 = tpu.memref_slice %arg13[%mul3A_152, %dma_wait3A_161] : memref<100096x16xf32, #tpu.memory_space<vmem_shared>> -> memref<6256x16xf32, #tpu.memory_space<vmem_shared>>
      tpu.wait_dma2 semaphore(%run_scoped3A : memref<!tpu.dma_semaphore, #tpu.memory_space<semaphore_mem>>) src(%dma_wait3A_162 : memref<6256x16xf32, #tpu.memory_space<vmem_shared>>) dst(%dma_wait3A_160 : memref<6256x16xf32, #tpu.memory_space<hbm>>)
      tpu.yield
    }) : () -> ()
    "tpu.region"() ({
      %run_scoped3A = tpu.sem_alloc : memref<!tpu.dma_semaphore, #tpu.memory_space<semaphore_mem>>
      %dma_start3A_153 = tpu.memref_slice %arg6[%arg0, %mul3A_152] : memref<2x100096xf32, #tpu.memory_space<hbm>> -> memref<1x6256xf32, #tpu.memory_space<hbm>>
      %dma_start3A_154 = tpu.memref_squeeze %dma_start3A_153 : memref<1x6256xf32, #tpu.memory_space<hbm>> -> memref<6256xf32, #tpu.memory_space<hbm>>
      %dma_start3A_155 = tpu.memref_slice %arg16[%mul3A_152] : memref<100112xf32, #tpu.memory_space<vmem_shared>> -> memref<6256xf32, #tpu.memory_space<vmem_shared>>
      tpu.enqueue_dma source(%dma_start3A_155 : memref<6256xf32, #tpu.memory_space<vmem_shared>>) target(%dma_start3A_154 : memref<6256xf32, #tpu.memory_space<hbm>>) target_semaphore(%run_scoped3A : memref<!tpu.dma_semaphore, #tpu.memory_space<semaphore_mem>>)
      %dma_wait3A_156 = tpu.memref_slice %arg6[%arg0, %mul3A_152] : memref<2x100096xf32, #tpu.memory_space<hbm>> -> memref<1x6256xf32, #tpu.memory_space<hbm>>
      %dma_wait3A_157 = tpu.memref_squeeze %dma_wait3A_156 : memref<1x6256xf32, #tpu.memory_space<hbm>> -> memref<6256xf32, #tpu.memory_space<hbm>>
      %dma_wait3A_158 = tpu.memref_slice %arg16[%mul3A_152] : memref<100112xf32, #tpu.memory_space<vmem_shared>> -> memref<6256xf32, #tpu.memory_space<vmem_shared>>
      tpu.wait_dma2 semaphore(%run_scoped3A : memref<!tpu.dma_semaphore, #tpu.memory_space<semaphore_mem>>) src(%dma_wait3A_158 : memref<6256xf32, #tpu.memory_space<vmem_shared>>) dst(%dma_wait3A_157 : memref<6256xf32, #tpu.memory_space<hbm>>)
      tpu.yield
    }) : () -> ()
    return
  }
}

#map = affine_map<(d0, d1) -> (0, 0)>
#map1 = affine_map<(d0, d1) -> (0, 0, 0)>
#map2 = affine_map<(d0, d1) -> (0)>
module attributes {stable_mosaic.version = 14 : i64} {
  func.func @_pool_pass(%arg0: i32, %arg1: i32, %arg2: memref<102400x16xf32, #tpu.memory_space<hbm>>, %arg3: memref<800x1x128xi32, #tpu.memory_space<hbm>>, %arg4: memref<1024x16xf32, #tpu.memory_space<hbm>>, %arg5: memref<1024xf32, #tpu.memory_space<hbm>>, %arg6: memref<128x16xf32, #tpu.memory_space<vmem>>, %arg7: memref<1x128xi32, #tpu.memory_space<vmem>>, %arg8: memref<128xf32, #tpu.memory_space<vmem>>, %arg9: memref<64x16xf32, #tpu.memory_space<vmem>>, %arg10: memref<64xf32, #tpu.memory_space<vmem>>, %arg11: memref<1024x16xf32, #tpu.memory_space<vmem_shared>>, %arg12: memref<1024xf32, #tpu.memory_space<vmem_shared>>) attributes {dimension_semantics = [#tpu.dimension_semantics<core_parallel>, #tpu.dimension_semantics<subcore_parallel>], iteration_bounds = array<i64: 2, 16>, scalar_prefetch = 0 : i64, scratch_operands = 7 : i64, tpu.core_type = #tpu.core_type<sc_vector_subcore>, window_params = [{transform_indices = #map}, {transform_indices = #map1}, {transform_indices = #map}, {transform_indices = #map2}]} {
    %eq3A = arith.constant 0 : i32
    %eq3A_0 = arith.cmpi eq, %arg0, %eq3A : i32
    %convert_element_type3A = arith.extui %eq3A_0 : i1 to i32
    %cond3A = arith.constant 0 : i32
    %cond3A_1 = arith.cmpi ne, %convert_element_type3A, %cond3A : i32
    scf.if %cond3A_1 {
      %scan3A = arith.constant 0 : i32
      %scan3A_2 = arith.constant 8 : i32
      %scan3A_3 = arith.addi %scan3A, %scan3A_2 : i32
      %scan3A_4 = arith.constant 1 : i32
      scf.for %scan3A_33 = %scan3A to %scan3A_3 step %scan3A_4  : i32 {
        %mul3A_34 = arith.constant 1 : i32
        %mul3A_35 = arith.muli %scan3A_33, %mul3A_34 : i32
        %add3A = arith.constant 0 : i32
        %add3A_36 = arith.addi %add3A, %mul3A_35 : i32
        %broadcast_in_dim3A = arith.constant 1.000000e+00 : f32
        %broadcast_in_dim3A_37 = vector.broadcast %broadcast_in_dim3A : f32 to vector<16xf32>
        %mul3A_38 = arith.constant 16 : i32
        %mul3A_39 = arith.muli %add3A_36, %mul3A_38 : i32
        %swap3A = arith.index_cast %mul3A_39 : i32 to index
        %swap3A_40 = tpu.vector_load %arg8[%swap3A] {strides = array<i32>} : memref<128xf32, #tpu.memory_space<vmem>>, vector<16xf32>,
        %swap3A_41 = vector.shape_cast %swap3A_40 : vector<16xf32> to vector<16xf32>
        %swap3A_42 = vector.shape_cast %broadcast_in_dim3A_37 : vector<16xf32> to vector<16xf32>
        tpu.vector_store %arg8[%swap3A], %swap3A_42 {strides = array<i32>} : memref<128xf32, #tpu.memory_space<vmem>>, vector<16xf32>,
      }
      %scan3A_5 = arith.constant 8 : i32
      %scan3A_6 = arith.constant 0 : i32
      %scan3A_7 = arith.constant 64 : i32
      %scan3A_8 = arith.addi %scan3A_6, %scan3A_7 : i32
      %scan3A_9 = arith.constant 1 : i32
      scf.for %scan3A_33 = %scan3A_6 to %scan3A_8 step %scan3A_9  : i32 {
        %mul3A_34 = arith.constant 1 : i32
        %mul3A_35 = arith.muli %scan3A_33, %mul3A_34 : i32
        %add3A = arith.constant 0 : i32
        %add3A_36 = arith.addi %add3A, %mul3A_35 : i32
        %broadcast_in_dim3A = arith.constant 0.000000e+00 : f32
        %broadcast_in_dim3A_37 = vector.broadcast %broadcast_in_dim3A : f32 to vector<16xf32>
        %swap3A = arith.index_cast %add3A_36 : i32 to index
        %swap3A_38 = arith.constant 0 : index
        %swap3A_39 = tpu.vector_load %arg9[%swap3A, %swap3A_38] {strides = array<i32>} : memref<64x16xf32, #tpu.memory_space<vmem>>, vector<1x16xf32>,
        %swap3A_40 = vector.shape_cast %swap3A_39 : vector<1x16xf32> to vector<16xf32>
        %swap3A_41 = vector.shape_cast %broadcast_in_dim3A_37 : vector<16xf32> to vector<1x16xf32>
        tpu.vector_store %arg9[%swap3A, %swap3A_38], %swap3A_41 {strides = array<i32>} : memref<64x16xf32, #tpu.memory_space<vmem>>, vector<1x16xf32>,
      }
      %scan3A_10 = arith.constant 64 : i32
      %scan3A_11 = arith.constant 0 : i32
      %scan3A_12 = arith.constant 4 : i32
      %scan3A_13 = arith.addi %scan3A_11, %scan3A_12 : i32
      %scan3A_14 = arith.constant 1 : i32
      scf.for %scan3A_33 = %scan3A_11 to %scan3A_13 step %scan3A_14  : i32 {
        %mul3A_34 = arith.constant 1 : i32
        %mul3A_35 = arith.muli %scan3A_33, %mul3A_34 : i32
        %add3A = arith.constant 0 : i32
        %add3A_36 = arith.addi %add3A, %mul3A_35 : i32
        %broadcast_in_dim3A = arith.constant 0.000000e+00 : f32
        %broadcast_in_dim3A_37 = vector.broadcast %broadcast_in_dim3A : f32 to vector<16xf32>
        %mul3A_38 = arith.constant 16 : i32
        %mul3A_39 = arith.muli %add3A_36, %mul3A_38 : i32
        %swap3A = arith.index_cast %mul3A_39 : i32 to index
        %swap3A_40 = tpu.vector_load %arg10[%swap3A] {strides = array<i32>} : memref<64xf32, #tpu.memory_space<vmem>>, vector<16xf32>,
        %swap3A_41 = vector.shape_cast %swap3A_40 : vector<16xf32> to vector<16xf32>
        %swap3A_42 = vector.shape_cast %broadcast_in_dim3A_37 : vector<16xf32> to vector<16xf32>
        tpu.vector_store %arg10[%swap3A], %swap3A_42 {strides = array<i32>} : memref<64xf32, #tpu.memory_space<vmem>>, vector<16xf32>,
      }
      %scan3A_15 = arith.constant 4 : i32
      %mul3A = arith.constant 64 : i32
      %mul3A_16 = arith.muli %arg1, %mul3A : i32
      "tpu.region"() ({
        %run_scoped3A = tpu.sem_alloc : memref<!tpu.dma_semaphore, #tpu.memory_space<semaphore_mem>>
        %dma_start3A = arith.constant 0 : i32
        %dma_start3A_33 = tpu.memref_slice %arg11[%mul3A_16, %dma_start3A] : memref<1024x16xf32, #tpu.memory_space<vmem_shared>> -> memref<64x16xf32, #tpu.memory_space<vmem_shared>>
        %dma_start3A_34 = arith.constant 0 : i32
        %dma_start3A_35 = tpu.memref_slice %arg11[%mul3A_16, %dma_start3A_34] : memref<1024x16xf32, #tpu.memory_space<vmem_shared>> -> memref<64x16xf32, #tpu.memory_space<vmem_shared>>
        tpu.enqueue_dma source(%arg9 : memref<64x16xf32, #tpu.memory_space<vmem>>) target(%dma_start3A_35 : memref<64x16xf32, #tpu.memory_space<vmem_shared>>) target_semaphore(%run_scoped3A : memref<!tpu.dma_semaphore, #tpu.memory_space<semaphore_mem>>)
        %dma_wait3A = arith.constant 0 : i32
        %dma_wait3A_36 = tpu.memref_slice %arg11[%mul3A_16, %dma_wait3A] : memref<1024x16xf32, #tpu.memory_space<vmem_shared>> -> memref<64x16xf32, #tpu.memory_space<vmem_shared>>
        %dma_wait3A_37 = arith.constant 0 : i32
        %dma_wait3A_38 = tpu.memref_slice %arg11[%mul3A_16, %dma_wait3A_37] : memref<1024x16xf32, #tpu.memory_space<vmem_shared>> -> memref<64x16xf32, #tpu.memory_space<vmem_shared>>
        tpu.wait_dma2 semaphore(%run_scoped3A : memref<!tpu.dma_semaphore, #tpu.memory_space<semaphore_mem>>) src(%arg9 : memref<64x16xf32, #tpu.memory_space<vmem>>) dst(%dma_wait3A_38 : memref<64x16xf32, #tpu.memory_space<vmem_shared>>)
        tpu.yield
      }) : () -> ()
      %mul3A_17 = arith.constant 64 : i32
      %mul3A_18 = arith.muli %arg1, %mul3A_17 : i32
      "tpu.region"() ({
        %run_scoped3A = tpu.sem_alloc : memref<!tpu.dma_semaphore, #tpu.memory_space<semaphore_mem>>
        %dma_start3A = tpu.memref_slice %arg12[%mul3A_18] : memref<1024xf32, #tpu.memory_space<vmem_shared>> -> memref<64xf32, #tpu.memory_space<vmem_shared>>
        %dma_start3A_33 = tpu.memref_slice %arg12[%mul3A_18] : memref<1024xf32, #tpu.memory_space<vmem_shared>> -> memref<64xf32, #tpu.memory_space<vmem_shared>>
        tpu.enqueue_dma source(%arg10 : memref<64xf32, #tpu.memory_space<vmem>>) target(%dma_start3A_33 : memref<64xf32, #tpu.memory_space<vmem_shared>>) target_semaphore(%run_scoped3A : memref<!tpu.dma_semaphore, #tpu.memory_space<semaphore_mem>>)
        %dma_wait3A = tpu.memref_slice %arg12[%mul3A_18] : memref<1024xf32, #tpu.memory_space<vmem_shared>> -> memref<64xf32, #tpu.memory_space<vmem_shared>>
        %dma_wait3A_34 = tpu.memref_slice %arg12[%mul3A_18] : memref<1024xf32, #tpu.memory_space<vmem_shared>> -> memref<64xf32, #tpu.memory_space<vmem_shared>>
        tpu.wait_dma2 semaphore(%run_scoped3A : memref<!tpu.dma_semaphore, #tpu.memory_space<semaphore_mem>>) src(%arg10 : memref<64xf32, #tpu.memory_space<vmem>>) dst(%dma_wait3A_34 : memref<64xf32, #tpu.memory_space<vmem_shared>>)
        tpu.yield
      }) : () -> ()
      %barrier3A = arith.constant 0 : index
      tpu.barrier barrier_id(%barrier3A)
      %scan3A_19 = arith.constant 0 : i32
      %scan3A_20 = arith.constant 50 : i32
      %scan3A_21 = arith.addi %scan3A_19, %scan3A_20 : i32
      %scan3A_22 = arith.constant 1 : i32
      scf.for %scan3A_33 = %scan3A_19 to %scan3A_21 step %scan3A_22  : i32 {
        %mul3A_34 = arith.constant 1 : i32
        %mul3A_35 = arith.muli %scan3A_33, %mul3A_34 : i32
        %add3A = arith.constant 0 : i32
        %add3A_36 = arith.addi %add3A, %mul3A_35 : i32
        %mul3A_37 = arith.constant 50 : i32
        %mul3A_38 = arith.muli %arg1, %mul3A_37 : i32
        %add3A_39 = arith.addi %mul3A_38, %add3A_36 : i32
        %mul3A_40 = arith.constant 128 : i32
        %mul3A_41 = arith.muli %add3A_39, %mul3A_40 : i32
        "tpu.region"() ({
          %run_scoped3A_43 = tpu.sem_alloc : memref<!tpu.dma_semaphore, #tpu.memory_space<semaphore_mem>>
          %dma_start3A = arith.constant 0 : i32
          %dma_start3A_44 = tpu.memref_slice %arg2[%mul3A_41, %dma_start3A] : memref<102400x16xf32, #tpu.memory_space<hbm>> -> memref<128x16xf32, #tpu.memory_space<hbm>>
          %dma_start3A_45 = arith.constant 0 : i32
          %dma_start3A_46 = tpu.memref_slice %arg2[%mul3A_41, %dma_start3A_45] : memref<102400x16xf32, #tpu.memory_space<hbm>> -> memref<128x16xf32, #tpu.memory_space<hbm>>
          tpu.enqueue_dma source(%dma_start3A_46 : memref<128x16xf32, #tpu.memory_space<hbm>>) target(%arg6 : memref<128x16xf32, #tpu.memory_space<vmem>>) target_semaphore(%run_scoped3A_43 : memref<!tpu.dma_semaphore, #tpu.memory_space<semaphore_mem>>)
          %dma_wait3A = arith.constant 0 : i32
          %dma_wait3A_47 = tpu.memref_slice %arg2[%mul3A_41, %dma_wait3A] : memref<102400x16xf32, #tpu.memory_space<hbm>> -> memref<128x16xf32, #tpu.memory_space<hbm>>
          %dma_wait3A_48 = arith.constant 0 : i32
          %dma_wait3A_49 = tpu.memref_slice %arg2[%mul3A_41, %dma_wait3A_48] : memref<102400x16xf32, #tpu.memory_space<hbm>> -> memref<128x16xf32, #tpu.memory_space<hbm>>
          tpu.wait_dma2 semaphore(%run_scoped3A_43 : memref<!tpu.dma_semaphore, #tpu.memory_space<semaphore_mem>>) src(%dma_wait3A_49 : memref<128x16xf32, #tpu.memory_space<hbm>>) dst(%arg6 : memref<128x16xf32, #tpu.memory_space<vmem>>)
          tpu.yield
        }) : () -> ()
        "tpu.region"() ({
          %run_scoped3A_43 = tpu.sem_alloc : memref<!tpu.dma_semaphore, #tpu.memory_space<semaphore_mem>>
          %dma_start3A = arith.constant 0 : i32
          %dma_start3A_44 = arith.constant 0 : i32
          %dma_start3A_45 = tpu.memref_slice %arg3[%add3A_39, %dma_start3A, %dma_start3A_44] : memref<800x1x128xi32, #tpu.memory_space<hbm>> -> memref<1x1x128xi32, #tpu.memory_space<hbm>>
          %dma_start3A_46 = tpu.memref_squeeze %dma_start3A_45 : memref<1x1x128xi32, #tpu.memory_space<hbm>> -> memref<1x128xi32, #tpu.memory_space<hbm>>
          %dma_start3A_47 = arith.constant 0 : i32
          %dma_start3A_48 = arith.constant 0 : i32
          %dma_start3A_49 = tpu.memref_slice %arg3[%add3A_39, %dma_start3A_47, %dma_start3A_48] : memref<800x1x128xi32, #tpu.memory_space<hbm>> -> memref<1x1x128xi32, #tpu.memory_space<hbm>>
          %dma_start3A_50 = tpu.memref_squeeze %dma_start3A_49 : memref<1x1x128xi32, #tpu.memory_space<hbm>> -> memref<1x128xi32, #tpu.memory_space<hbm>>
          tpu.enqueue_dma source(%dma_start3A_50 : memref<1x128xi32, #tpu.memory_space<hbm>>) target(%arg7 : memref<1x128xi32, #tpu.memory_space<vmem>>) target_semaphore(%run_scoped3A_43 : memref<!tpu.dma_semaphore, #tpu.memory_space<semaphore_mem>>)
          %dma_wait3A = arith.constant 0 : i32
          %dma_wait3A_51 = arith.constant 0 : i32
          %dma_wait3A_52 = tpu.memref_slice %arg3[%add3A_39, %dma_wait3A, %dma_wait3A_51] : memref<800x1x128xi32, #tpu.memory_space<hbm>> -> memref<1x1x128xi32, #tpu.memory_space<hbm>>
          %dma_wait3A_53 = tpu.memref_squeeze %dma_wait3A_52 : memref<1x1x128xi32, #tpu.memory_space<hbm>> -> memref<1x128xi32, #tpu.memory_space<hbm>>
          %dma_wait3A_54 = arith.constant 0 : i32
          %dma_wait3A_55 = arith.constant 0 : i32
          %dma_wait3A_56 = tpu.memref_slice %arg3[%add3A_39, %dma_wait3A_54, %dma_wait3A_55] : memref<800x1x128xi32, #tpu.memory_space<hbm>> -> memref<1x1x128xi32, #tpu.memory_space<hbm>>
          %dma_wait3A_57 = tpu.memref_squeeze %dma_wait3A_56 : memref<1x1x128xi32, #tpu.memory_space<hbm>> -> memref<1x128xi32, #tpu.memory_space<hbm>>
          tpu.wait_dma2 semaphore(%run_scoped3A_43 : memref<!tpu.dma_semaphore, #tpu.memory_space<semaphore_mem>>) src(%dma_wait3A_57 : memref<1x128xi32, #tpu.memory_space<hbm>>) dst(%arg7 : memref<1x128xi32, #tpu.memory_space<vmem>>)
          tpu.yield
        }) : () -> ()
        %run_scoped3A = arith.constant 0 : i32
        "tpu.region"() ({
          %run_scoped3A_43 = tpu.sem_alloc : memref<!tpu.dma_semaphore, #tpu.memory_space<semaphore_mem>>
          %dma_start3A = arith.constant 0 : i32
          %dma_start3A_44 = tpu.memref_slice %arg7[%run_scoped3A, %dma_start3A] : memref<1x128xi32, #tpu.memory_space<vmem>> -> memref<1x128xi32, #tpu.memory_space<vmem>>
          %dma_start3A_45 = tpu.memref_squeeze %dma_start3A_44 : memref<1x128xi32, #tpu.memory_space<vmem>> -> memref<128xi32, #tpu.memory_space<vmem>>
          %dma_start3A_46 = arith.constant 0 : i32
          %dma_start3A_47 = arith.constant 0 : i32
          %dma_start3A_48 = tpu.memref_slice %arg11[%dma_start3A_46, %dma_start3A_47] : memref<1024x16xf32, #tpu.memory_space<vmem_shared>> -> memref<1024x16xf32, #tpu.memory_space<vmem_shared>>
          tpu.enqueue_indirect_dma source(%arg6 : memref<128x16xf32, #tpu.memory_space<vmem>>) target(%dma_start3A_48 : memref<1024x16xf32, #tpu.memory_space<vmem_shared>>) offsets(%dma_start3A_45 : memref<128xi32, #tpu.memory_space<vmem>>) semaphore(%run_scoped3A_43 : memref<!tpu.dma_semaphore, #tpu.memory_space<semaphore_mem>>) {add = true}
          %dma_wait3A = arith.constant 0 : i32
          %dma_wait3A_49 = tpu.memref_slice %arg7[%run_scoped3A, %dma_wait3A] : memref<1x128xi32, #tpu.memory_space<vmem>> -> memref<1x128xi32, #tpu.memory_space<vmem>>
          %dma_wait3A_50 = tpu.memref_squeeze %dma_wait3A_49 : memref<1x128xi32, #tpu.memory_space<vmem>> -> memref<128xi32, #tpu.memory_space<vmem>>
          %dma_wait3A_51 = arith.constant 0 : i32
          %dma_wait3A_52 = arith.constant 0 : i32
          %dma_wait3A_53 = tpu.memref_slice %arg11[%dma_wait3A_51, %dma_wait3A_52] : memref<1024x16xf32, #tpu.memory_space<vmem_shared>> -> memref<1024x16xf32, #tpu.memory_space<vmem_shared>>
          tpu.wait_indirect_dma semaphore(%run_scoped3A_43 : memref<!tpu.dma_semaphore, #tpu.memory_space<semaphore_mem>>) src(%arg6 : memref<128x16xf32, #tpu.memory_space<vmem>>) dst(%dma_wait3A_53 : memref<1024x16xf32, #tpu.memory_space<vmem_shared>>)
          tpu.yield
        }) : () -> ()
        %run_scoped3A_42 = arith.constant 0 : i32
        "tpu.region"() ({
          %run_scoped3A_43 = tpu.sem_alloc : memref<!tpu.dma_semaphore, #tpu.memory_space<semaphore_mem>>
          %dma_start3A = arith.constant 0 : i32
          %dma_start3A_44 = tpu.memref_slice %arg7[%run_scoped3A_42, %dma_start3A] : memref<1x128xi32, #tpu.memory_space<vmem>> -> memref<1x128xi32, #tpu.memory_space<vmem>>
          %dma_start3A_45 = tpu.memref_squeeze %dma_start3A_44 : memref<1x128xi32, #tpu.memory_space<vmem>> -> memref<128xi32, #tpu.memory_space<vmem>>
          %dma_start3A_46 = arith.constant 0 : i32
          %dma_start3A_47 = tpu.memref_slice %arg12[%dma_start3A_46] : memref<1024xf32, #tpu.memory_space<vmem_shared>> -> memref<1024xf32, #tpu.memory_space<vmem_shared>>
          tpu.enqueue_indirect_dma source(%arg8 : memref<128xf32, #tpu.memory_space<vmem>>) target(%dma_start3A_47 : memref<1024xf32, #tpu.memory_space<vmem_shared>>) offsets(%dma_start3A_45 : memref<128xi32, #tpu.memory_space<vmem>>) semaphore(%run_scoped3A_43 : memref<!tpu.dma_semaphore, #tpu.memory_space<semaphore_mem>>) {add = true}
          %dma_wait3A = arith.constant 0 : i32
          %dma_wait3A_48 = tpu.memref_slice %arg7[%run_scoped3A_42, %dma_wait3A] : memref<1x128xi32, #tpu.memory_space<vmem>> -> memref<1x128xi32, #tpu.memory_space<vmem>>
          %dma_wait3A_49 = tpu.memref_squeeze %dma_wait3A_48 : memref<1x128xi32, #tpu.memory_space<vmem>> -> memref<128xi32, #tpu.memory_space<vmem>>
          %dma_wait3A_50 = arith.constant 0 : i32
          %dma_wait3A_51 = tpu.memref_slice %arg12[%dma_wait3A_50] : memref<1024xf32, #tpu.memory_space<vmem_shared>> -> memref<1024xf32, #tpu.memory_space<vmem_shared>>
          tpu.wait_indirect_dma semaphore(%run_scoped3A_43 : memref<!tpu.dma_semaphore, #tpu.memory_space<semaphore_mem>>) src(%arg8 : memref<128xf32, #tpu.memory_space<vmem>>) dst(%dma_wait3A_51 : memref<1024xf32, #tpu.memory_space<vmem_shared>>)
          tpu.yield
        }) : () -> ()
      }
      %scan3A_23 = arith.constant 50 : i32
      %barrier3A_24 = arith.constant 0 : index
      tpu.barrier barrier_id(%barrier3A_24)
      %mul3A_25 = arith.constant 64 : i32
      %mul3A_26 = arith.muli %arg1, %mul3A_25 : i32
      "tpu.region"() ({
        %run_scoped3A = tpu.sem_alloc : memref<!tpu.dma_semaphore, #tpu.memory_space<semaphore_mem>>
        %dma_start3A = arith.constant 0 : i32
        %dma_start3A_33 = tpu.memref_slice %arg11[%mul3A_26, %dma_start3A] : memref<1024x16xf32, #tpu.memory_space<vmem_shared>> -> memref<64x16xf32, #tpu.memory_space<vmem_shared>>
        %dma_start3A_34 = arith.constant 0 : i32
        %dma_start3A_35 = tpu.memref_slice %arg11[%mul3A_26, %dma_start3A_34] : memref<1024x16xf32, #tpu.memory_space<vmem_shared>> -> memref<64x16xf32, #tpu.memory_space<vmem_shared>>
        tpu.enqueue_dma source(%dma_start3A_35 : memref<64x16xf32, #tpu.memory_space<vmem_shared>>) target(%arg9 : memref<64x16xf32, #tpu.memory_space<vmem>>) target_semaphore(%run_scoped3A : memref<!tpu.dma_semaphore, #tpu.memory_space<semaphore_mem>>)
        %dma_wait3A = arith.constant 0 : i32
        %dma_wait3A_36 = tpu.memref_slice %arg11[%mul3A_26, %dma_wait3A] : memref<1024x16xf32, #tpu.memory_space<vmem_shared>> -> memref<64x16xf32, #tpu.memory_space<vmem_shared>>
        %dma_wait3A_37 = arith.constant 0 : i32
        %dma_wait3A_38 = tpu.memref_slice %arg11[%mul3A_26, %dma_wait3A_37] : memref<1024x16xf32, #tpu.memory_space<vmem_shared>> -> memref<64x16xf32, #tpu.memory_space<vmem_shared>>
        tpu.wait_dma2 semaphore(%run_scoped3A : memref<!tpu.dma_semaphore, #tpu.memory_space<semaphore_mem>>) src(%dma_wait3A_38 : memref<64x16xf32, #tpu.memory_space<vmem_shared>>) dst(%arg9 : memref<64x16xf32, #tpu.memory_space<vmem>>)
        tpu.yield
      }) : () -> ()
      %mul3A_27 = arith.constant 64 : i32
      %mul3A_28 = arith.muli %arg1, %mul3A_27 : i32
      "tpu.region"() ({
        %run_scoped3A = tpu.sem_alloc : memref<!tpu.dma_semaphore, #tpu.memory_space<semaphore_mem>>
        %dma_start3A = tpu.memref_slice %arg12[%mul3A_28] : memref<1024xf32, #tpu.memory_space<vmem_shared>> -> memref<64xf32, #tpu.memory_space<vmem_shared>>
        %dma_start3A_33 = tpu.memref_slice %arg12[%mul3A_28] : memref<1024xf32, #tpu.memory_space<vmem_shared>> -> memref<64xf32, #tpu.memory_space<vmem_shared>>
        tpu.enqueue_dma source(%dma_start3A_33 : memref<64xf32, #tpu.memory_space<vmem_shared>>) target(%arg10 : memref<64xf32, #tpu.memory_space<vmem>>) target_semaphore(%run_scoped3A : memref<!tpu.dma_semaphore, #tpu.memory_space<semaphore_mem>>)
        %dma_wait3A = tpu.memref_slice %arg12[%mul3A_28] : memref<1024xf32, #tpu.memory_space<vmem_shared>> -> memref<64xf32, #tpu.memory_space<vmem_shared>>
        %dma_wait3A_34 = tpu.memref_slice %arg12[%mul3A_28] : memref<1024xf32, #tpu.memory_space<vmem_shared>> -> memref<64xf32, #tpu.memory_space<vmem_shared>>
        tpu.wait_dma2 semaphore(%run_scoped3A : memref<!tpu.dma_semaphore, #tpu.memory_space<semaphore_mem>>) src(%dma_wait3A_34 : memref<64xf32, #tpu.memory_space<vmem_shared>>) dst(%arg10 : memref<64xf32, #tpu.memory_space<vmem>>)
        tpu.yield
      }) : () -> ()
      %mul3A_29 = arith.constant 64 : i32
      %mul3A_30 = arith.muli %arg1, %mul3A_29 : i32
      "tpu.region"() ({
        %run_scoped3A = tpu.sem_alloc : memref<!tpu.dma_semaphore, #tpu.memory_space<semaphore_mem>>
        %dma_start3A = arith.constant 0 : i32
        %dma_start3A_33 = tpu.memref_slice %arg4[%mul3A_30, %dma_start3A] : memref<1024x16xf32, #tpu.memory_space<hbm>> -> memref<64x16xf32, #tpu.memory_space<hbm>>
        %dma_start3A_34 = arith.constant 0 : i32
        %dma_start3A_35 = tpu.memref_slice %arg4[%mul3A_30, %dma_start3A_34] : memref<1024x16xf32, #tpu.memory_space<hbm>> -> memref<64x16xf32, #tpu.memory_space<hbm>>
        tpu.enqueue_dma source(%arg9 : memref<64x16xf32, #tpu.memory_space<vmem>>) target(%dma_start3A_35 : memref<64x16xf32, #tpu.memory_space<hbm>>) target_semaphore(%run_scoped3A : memref<!tpu.dma_semaphore, #tpu.memory_space<semaphore_mem>>)
        %dma_wait3A = arith.constant 0 : i32
        %dma_wait3A_36 = tpu.memref_slice %arg4[%mul3A_30, %dma_wait3A] : memref<1024x16xf32, #tpu.memory_space<hbm>> -> memref<64x16xf32, #tpu.memory_space<hbm>>
        %dma_wait3A_37 = arith.constant 0 : i32
        %dma_wait3A_38 = tpu.memref_slice %arg4[%mul3A_30, %dma_wait3A_37] : memref<1024x16xf32, #tpu.memory_space<hbm>> -> memref<64x16xf32, #tpu.memory_space<hbm>>
        tpu.wait_dma2 semaphore(%run_scoped3A : memref<!tpu.dma_semaphore, #tpu.memory_space<semaphore_mem>>) src(%arg9 : memref<64x16xf32, #tpu.memory_space<vmem>>) dst(%dma_wait3A_38 : memref<64x16xf32, #tpu.memory_space<hbm>>)
        tpu.yield
      }) : () -> ()
      %mul3A_31 = arith.constant 64 : i32
      %mul3A_32 = arith.muli %arg1, %mul3A_31 : i32
      "tpu.region"() ({
        %run_scoped3A = tpu.sem_alloc : memref<!tpu.dma_semaphore, #tpu.memory_space<semaphore_mem>>
        %dma_start3A = tpu.memref_slice %arg5[%mul3A_32] : memref<1024xf32, #tpu.memory_space<hbm>> -> memref<64xf32, #tpu.memory_space<hbm>>
        %dma_start3A_33 = tpu.memref_slice %arg5[%mul3A_32] : memref<1024xf32, #tpu.memory_space<hbm>> -> memref<64xf32, #tpu.memory_space<hbm>>
        tpu.enqueue_dma source(%arg10 : memref<64xf32, #tpu.memory_space<vmem>>) target(%dma_start3A_33 : memref<64xf32, #tpu.memory_space<hbm>>) target_semaphore(%run_scoped3A : memref<!tpu.dma_semaphore, #tpu.memory_space<semaphore_mem>>)
        %dma_wait3A = tpu.memref_slice %arg5[%mul3A_32] : memref<1024xf32, #tpu.memory_space<hbm>> -> memref<64xf32, #tpu.memory_space<hbm>>
        %dma_wait3A_34 = tpu.memref_slice %arg5[%mul3A_32] : memref<1024xf32, #tpu.memory_space<hbm>> -> memref<64xf32, #tpu.memory_space<hbm>>
        tpu.wait_dma2 semaphore(%run_scoped3A : memref<!tpu.dma_semaphore, #tpu.memory_space<semaphore_mem>>) src(%arg10 : memref<64xf32, #tpu.memory_space<vmem>>) dst(%dma_wait3A_34 : memref<64xf32, #tpu.memory_space<hbm>>)
        tpu.yield
      }) : () -> ()
    } else {
    }
    return
  }
}

#map = affine_map<(d0, d1) -> (0, 0)>
#map1 = affine_map<(d0, d1) -> (0, 0, 0)>
module attributes {stable_mosaic.version = 14 : i64} {
  func.func @edge_pass(%arg0: i32, %arg1: i32, %arg2: memref<100000x16xf32, #tpu.memory_space<hbm>>, %arg3: memref<25352x128xi32, #tpu.memory_space<hbm>>, %arg4: memref<25352x128xi32, #tpu.memory_space<hbm>>, %arg5: memref<2x100096x16xf32, #tpu.memory_space<hbm>>, %arg6: memref<6x128xi32, #tpu.memory_space<vmem>>, %arg7: memref<6x128xi32, #tpu.memory_space<vmem>>, %arg8: memref<768x16xf32, #tpu.memory_space<vmem>>, %arg9: memref<6x128xi32, #tpu.memory_space<vmem>>, %arg10: memref<6x128xi32, #tpu.memory_space<vmem>>, %arg11: memref<768x16xf32, #tpu.memory_space<vmem>>, %arg12: memref<100096x16xf32, #tpu.memory_space<vmem_shared>>, %arg13: memref<!tpu.dma_semaphore, #tpu.memory_space<semaphore_mem>>, %arg14: memref<!tpu.dma_semaphore, #tpu.memory_space<semaphore_mem>>, %arg15: memref<!tpu.dma_semaphore, #tpu.memory_space<semaphore_mem>>, %arg16: memref<!tpu.dma_semaphore, #tpu.memory_space<semaphore_mem>>, %arg17: memref<!tpu.dma_semaphore, #tpu.memory_space<semaphore_mem>>, %arg18: memref<!tpu.dma_semaphore, #tpu.memory_space<semaphore_mem>>) attributes {dimension_semantics = [#tpu.dimension_semantics<core_parallel>, #tpu.dimension_semantics<subcore_parallel>], iteration_bounds = array<i64: 2, 16>, scalar_prefetch = 0 : i64, scratch_operands = 13 : i64, tpu.core_type = #tpu.core_type<sc_vector_subcore>, window_params = [{transform_indices = #map}, {transform_indices = #map}, {transform_indices = #map}, {transform_indices = #map1}]} {
    %mul3A = arith.constant 16 : i32
    %mul3A_0 = arith.muli %arg0, %mul3A : i32
    %add3A = arith.addi %mul3A_0, %arg1 : i32
    %scan3A = arith.constant 0 : i32
    %scan3A_1 = arith.constant 1564 : i32
    %scan3A_2 = arith.addi %scan3A, %scan3A_1 : i32
    %scan3A_3 = arith.constant 1 : i32
    scf.for %scan3A_131 = %scan3A to %scan3A_2 step %scan3A_3  : i32 {
      %mul3A_132 = arith.constant 1 : i32
      %mul3A_133 = arith.muli %scan3A_131, %mul3A_132 : i32
      %add3A_134 = arith.constant 0 : i32
      %add3A_135 = arith.addi %add3A_134, %mul3A_133 : i32
      %broadcast_in_dim3A = arith.constant 0.000000e+00 : f32
      %broadcast_in_dim3A_136 = vector.broadcast %broadcast_in_dim3A : f32 to vector<16xf32>
      %swap3A = arith.index_cast %add3A_135 : i32 to index
      %swap3A_137 = arith.constant 0 : index
      %swap3A_138 = tpu.vector_load %arg8[%swap3A, %swap3A_137] {strides = array<i32>} : memref<768x16xf32, #tpu.memory_space<vmem>>, vector<1x16xf32>,
      %swap3A_139 = vector.shape_cast %swap3A_138 : vector<1x16xf32> to vector<16xf32>
      %swap3A_140 = vector.shape_cast %broadcast_in_dim3A_136 : vector<16xf32> to vector<1x16xf32>
      tpu.vector_store %arg8[%swap3A, %swap3A_137], %swap3A_140 {strides = array<i32>} : memref<768x16xf32, #tpu.memory_space<vmem>>, vector<1x16xf32>,
    }
    %scan3A_4 = arith.constant 1564 : i32
    %mul3A_5 = arith.constant 6256 : i32
    %mul3A_6 = arith.muli %arg1, %mul3A_5 : i32
    %add3A_7 = arith.constant 0 : i32
    %add3A_8 = arith.addi %mul3A_6, %add3A_7 : i32
    "tpu.region"() ({
      %run_scoped3A = tpu.sem_alloc : memref<!tpu.dma_semaphore, #tpu.memory_space<semaphore_mem>>
      %dma_start3A_131 = arith.constant 0 : i32
      %dma_start3A_132 = arith.constant 0 : i32
      %dma_start3A_133 = tpu.memref_slice %arg8[%dma_start3A_131, %dma_start3A_132] : memref<768x16xf32, #tpu.memory_space<vmem>> -> memref<1564x16xf32, #tpu.memory_space<vmem>>
      %dma_start3A_134 = arith.constant 0 : i32
      %dma_start3A_135 = tpu.memref_slice %arg12[%add3A_8, %dma_start3A_134] : memref<100096x16xf32, #tpu.memory_space<vmem_shared>> -> memref<1564x16xf32, #tpu.memory_space<vmem_shared>>
      %dma_start3A_136 = arith.constant 0 : i32
      %dma_start3A_137 = tpu.memref_slice %arg12[%add3A_8, %dma_start3A_136] : memref<100096x16xf32, #tpu.memory_space<vmem_shared>> -> memref<1564x16xf32, #tpu.memory_space<vmem_shared>>
      %dma_start3A_138 = arith.constant 0 : i32
      %dma_start3A_139 = arith.constant 0 : i32
      %dma_start3A_140 = tpu.memref_slice %arg8[%dma_start3A_138, %dma_start3A_139] : memref<768x16xf32, #tpu.memory_space<vmem>> -> memref<1564x16xf32, #tpu.memory_space<vmem>>
      tpu.enqueue_dma source(%dma_start3A_140 : memref<1564x16xf32, #tpu.memory_space<vmem>>) target(%dma_start3A_137 : memref<1564x16xf32, #tpu.memory_space<vmem_shared>>) target_semaphore(%run_scoped3A : memref<!tpu.dma_semaphore, #tpu.memory_space<semaphore_mem>>)
      %dma_wait3A_141 = arith.constant 0 : i32
      %dma_wait3A_142 = arith.constant 0 : i32
      %dma_wait3A_143 = tpu.memref_slice %arg8[%dma_wait3A_141, %dma_wait3A_142] : memref<768x16xf32, #tpu.memory_space<vmem>> -> memref<1564x16xf32, #tpu.memory_space<vmem>>
      %dma_wait3A_144 = arith.constant 0 : i32
      %dma_wait3A_145 = tpu.memref_slice %arg12[%add3A_8, %dma_wait3A_144] : memref<100096x16xf32, #tpu.memory_space<vmem_shared>> -> memref<1564x16xf32, #tpu.memory_space<vmem_shared>>
      %dma_wait3A_146 = arith.constant 0 : i32
      %dma_wait3A_147 = tpu.memref_slice %arg12[%add3A_8, %dma_wait3A_146] : memref<100096x16xf32, #tpu.memory_space<vmem_shared>> -> memref<1564x16xf32, #tpu.memory_space<vmem_shared>>
      %dma_wait3A_148 = arith.constant 0 : i32
      %dma_wait3A_149 = arith.constant 0 : i32
      %dma_wait3A_150 = tpu.memref_slice %arg8[%dma_wait3A_148, %dma_wait3A_149] : memref<768x16xf32, #tpu.memory_space<vmem>> -> memref<1564x16xf32, #tpu.memory_space<vmem>>
      tpu.wait_dma2 semaphore(%run_scoped3A : memref<!tpu.dma_semaphore, #tpu.memory_space<semaphore_mem>>) src(%dma_wait3A_150 : memref<1564x16xf32, #tpu.memory_space<vmem>>) dst(%dma_wait3A_147 : memref<1564x16xf32, #tpu.memory_space<vmem_shared>>)
      tpu.yield
    }) : () -> ()
    %mul3A_9 = arith.constant 6256 : i32
    %mul3A_10 = arith.muli %arg1, %mul3A_9 : i32
    %add3A_11 = arith.constant 1564 : i32
    %add3A_12 = arith.addi %mul3A_10, %add3A_11 : i32
    "tpu.region"() ({
      %run_scoped3A = tpu.sem_alloc : memref<!tpu.dma_semaphore, #tpu.memory_space<semaphore_mem>>
      %dma_start3A_131 = arith.constant 0 : i32
      %dma_start3A_132 = arith.constant 0 : i32
      %dma_start3A_133 = tpu.memref_slice %arg8[%dma_start3A_131, %dma_start3A_132] : memref<768x16xf32, #tpu.memory_space<vmem>> -> memref<1564x16xf32, #tpu.memory_space<vmem>>
      %dma_start3A_134 = arith.constant 0 : i32
      %dma_start3A_135 = tpu.memref_slice %arg12[%add3A_12, %dma_start3A_134] : memref<100096x16xf32, #tpu.memory_space<vmem_shared>> -> memref<1564x16xf32, #tpu.memory_space<vmem_shared>>
      %dma_start3A_136 = arith.constant 0 : i32
      %dma_start3A_137 = tpu.memref_slice %arg12[%add3A_12, %dma_start3A_136] : memref<100096x16xf32, #tpu.memory_space<vmem_shared>> -> memref<1564x16xf32, #tpu.memory_space<vmem_shared>>
      %dma_start3A_138 = arith.constant 0 : i32
      %dma_start3A_139 = arith.constant 0 : i32
      %dma_start3A_140 = tpu.memref_slice %arg8[%dma_start3A_138, %dma_start3A_139] : memref<768x16xf32, #tpu.memory_space<vmem>> -> memref<1564x16xf32, #tpu.memory_space<vmem>>
      tpu.enqueue_dma source(%dma_start3A_140 : memref<1564x16xf32, #tpu.memory_space<vmem>>) target(%dma_start3A_137 : memref<1564x16xf32, #tpu.memory_space<vmem_shared>>) target_semaphore(%run_scoped3A : memref<!tpu.dma_semaphore, #tpu.memory_space<semaphore_mem>>)
      %dma_wait3A_141 = arith.constant 0 : i32
      %dma_wait3A_142 = arith.constant 0 : i32
      %dma_wait3A_143 = tpu.memref_slice %arg8[%dma_wait3A_141, %dma_wait3A_142] : memref<768x16xf32, #tpu.memory_space<vmem>> -> memref<1564x16xf32, #tpu.memory_space<vmem>>
      %dma_wait3A_144 = arith.constant 0 : i32
      %dma_wait3A_145 = tpu.memref_slice %arg12[%add3A_12, %dma_wait3A_144] : memref<100096x16xf32, #tpu.memory_space<vmem_shared>> -> memref<1564x16xf32, #tpu.memory_space<vmem_shared>>
      %dma_wait3A_146 = arith.constant 0 : i32
      %dma_wait3A_147 = tpu.memref_slice %arg12[%add3A_12, %dma_wait3A_146] : memref<100096x16xf32, #tpu.memory_space<vmem_shared>> -> memref<1564x16xf32, #tpu.memory_space<vmem_shared>>
      %dma_wait3A_148 = arith.constant 0 : i32
      %dma_wait3A_149 = arith.constant 0 : i32
      %dma_wait3A_150 = tpu.memref_slice %arg8[%dma_wait3A_148, %dma_wait3A_149] : memref<768x16xf32, #tpu.memory_space<vmem>> -> memref<1564x16xf32, #tpu.memory_space<vmem>>
      tpu.wait_dma2 semaphore(%run_scoped3A : memref<!tpu.dma_semaphore, #tpu.memory_space<semaphore_mem>>) src(%dma_wait3A_150 : memref<1564x16xf32, #tpu.memory_space<vmem>>) dst(%dma_wait3A_147 : memref<1564x16xf32, #tpu.memory_space<vmem_shared>>)
      tpu.yield
    }) : () -> ()
    %mul3A_13 = arith.constant 6256 : i32
    %mul3A_14 = arith.muli %arg1, %mul3A_13 : i32
    %add3A_15 = arith.constant 3128 : i32
    %add3A_16 = arith.addi %mul3A_14, %add3A_15 : i32
    "tpu.region"() ({
      %run_scoped3A = tpu.sem_alloc : memref<!tpu.dma_semaphore, #tpu.memory_space<semaphore_mem>>
      %dma_start3A_131 = arith.constant 0 : i32
      %dma_start3A_132 = arith.constant 0 : i32
      %dma_start3A_133 = tpu.memref_slice %arg8[%dma_start3A_131, %dma_start3A_132] : memref<768x16xf32, #tpu.memory_space<vmem>> -> memref<1564x16xf32, #tpu.memory_space<vmem>>
      %dma_start3A_134 = arith.constant 0 : i32
      %dma_start3A_135 = tpu.memref_slice %arg12[%add3A_16, %dma_start3A_134] : memref<100096x16xf32, #tpu.memory_space<vmem_shared>> -> memref<1564x16xf32, #tpu.memory_space<vmem_shared>>
      %dma_start3A_136 = arith.constant 0 : i32
      %dma_start3A_137 = tpu.memref_slice %arg12[%add3A_16, %dma_start3A_136] : memref<100096x16xf32, #tpu.memory_space<vmem_shared>> -> memref<1564x16xf32, #tpu.memory_space<vmem_shared>>
      %dma_start3A_138 = arith.constant 0 : i32
      %dma_start3A_139 = arith.constant 0 : i32
      %dma_start3A_140 = tpu.memref_slice %arg8[%dma_start3A_138, %dma_start3A_139] : memref<768x16xf32, #tpu.memory_space<vmem>> -> memref<1564x16xf32, #tpu.memory_space<vmem>>
      tpu.enqueue_dma source(%dma_start3A_140 : memref<1564x16xf32, #tpu.memory_space<vmem>>) target(%dma_start3A_137 : memref<1564x16xf32, #tpu.memory_space<vmem_shared>>) target_semaphore(%run_scoped3A : memref<!tpu.dma_semaphore, #tpu.memory_space<semaphore_mem>>)
      %dma_wait3A_141 = arith.constant 0 : i32
      %dma_wait3A_142 = arith.constant 0 : i32
      %dma_wait3A_143 = tpu.memref_slice %arg8[%dma_wait3A_141, %dma_wait3A_142] : memref<768x16xf32, #tpu.memory_space<vmem>> -> memref<1564x16xf32, #tpu.memory_space<vmem>>
      %dma_wait3A_144 = arith.constant 0 : i32
      %dma_wait3A_145 = tpu.memref_slice %arg12[%add3A_16, %dma_wait3A_144] : memref<100096x16xf32, #tpu.memory_space<vmem_shared>> -> memref<1564x16xf32, #tpu.memory_space<vmem_shared>>
      %dma_wait3A_146 = arith.constant 0 : i32
      %dma_wait3A_147 = tpu.memref_slice %arg12[%add3A_16, %dma_wait3A_146] : memref<100096x16xf32, #tpu.memory_space<vmem_shared>> -> memref<1564x16xf32, #tpu.memory_space<vmem_shared>>
      %dma_wait3A_148 = arith.constant 0 : i32
      %dma_wait3A_149 = arith.constant 0 : i32
      %dma_wait3A_150 = tpu.memref_slice %arg8[%dma_wait3A_148, %dma_wait3A_149] : memref<768x16xf32, #tpu.memory_space<vmem>> -> memref<1564x16xf32, #tpu.memory_space<vmem>>
      tpu.wait_dma2 semaphore(%run_scoped3A : memref<!tpu.dma_semaphore, #tpu.memory_space<semaphore_mem>>) src(%dma_wait3A_150 : memref<1564x16xf32, #tpu.memory_space<vmem>>) dst(%dma_wait3A_147 : memref<1564x16xf32, #tpu.memory_space<vmem_shared>>)
      tpu.yield
    }) : () -> ()
    %mul3A_17 = arith.constant 6256 : i32
    %mul3A_18 = arith.muli %arg1, %mul3A_17 : i32
    %add3A_19 = arith.constant 4692 : i32
    %add3A_20 = arith.addi %mul3A_18, %add3A_19 : i32
    "tpu.region"() ({
      %run_scoped3A = tpu.sem_alloc : memref<!tpu.dma_semaphore, #tpu.memory_space<semaphore_mem>>
      %dma_start3A_131 = arith.constant 0 : i32
      %dma_start3A_132 = arith.constant 0 : i32
      %dma_start3A_133 = tpu.memref_slice %arg8[%dma_start3A_131, %dma_start3A_132] : memref<768x16xf32, #tpu.memory_space<vmem>> -> memref<1564x16xf32, #tpu.memory_space<vmem>>
      %dma_start3A_134 = arith.constant 0 : i32
      %dma_start3A_135 = tpu.memref_slice %arg12[%add3A_20, %dma_start3A_134] : memref<100096x16xf32, #tpu.memory_space<vmem_shared>> -> memref<1564x16xf32, #tpu.memory_space<vmem_shared>>
      %dma_start3A_136 = arith.constant 0 : i32
      %dma_start3A_137 = tpu.memref_slice %arg12[%add3A_20, %dma_start3A_136] : memref<100096x16xf32, #tpu.memory_space<vmem_shared>> -> memref<1564x16xf32, #tpu.memory_space<vmem_shared>>
      %dma_start3A_138 = arith.constant 0 : i32
      %dma_start3A_139 = arith.constant 0 : i32
      %dma_start3A_140 = tpu.memref_slice %arg8[%dma_start3A_138, %dma_start3A_139] : memref<768x16xf32, #tpu.memory_space<vmem>> -> memref<1564x16xf32, #tpu.memory_space<vmem>>
      tpu.enqueue_dma source(%dma_start3A_140 : memref<1564x16xf32, #tpu.memory_space<vmem>>) target(%dma_start3A_137 : memref<1564x16xf32, #tpu.memory_space<vmem_shared>>) target_semaphore(%run_scoped3A : memref<!tpu.dma_semaphore, #tpu.memory_space<semaphore_mem>>)
      %dma_wait3A_141 = arith.constant 0 : i32
      %dma_wait3A_142 = arith.constant 0 : i32
      %dma_wait3A_143 = tpu.memref_slice %arg8[%dma_wait3A_141, %dma_wait3A_142] : memref<768x16xf32, #tpu.memory_space<vmem>> -> memref<1564x16xf32, #tpu.memory_space<vmem>>
      %dma_wait3A_144 = arith.constant 0 : i32
      %dma_wait3A_145 = tpu.memref_slice %arg12[%add3A_20, %dma_wait3A_144] : memref<100096x16xf32, #tpu.memory_space<vmem_shared>> -> memref<1564x16xf32, #tpu.memory_space<vmem_shared>>
      %dma_wait3A_146 = arith.constant 0 : i32
      %dma_wait3A_147 = tpu.memref_slice %arg12[%add3A_20, %dma_wait3A_146] : memref<100096x16xf32, #tpu.memory_space<vmem_shared>> -> memref<1564x16xf32, #tpu.memory_space<vmem_shared>>
      %dma_wait3A_148 = arith.constant 0 : i32
      %dma_wait3A_149 = arith.constant 0 : i32
      %dma_wait3A_150 = tpu.memref_slice %arg8[%dma_wait3A_148, %dma_wait3A_149] : memref<768x16xf32, #tpu.memory_space<vmem>> -> memref<1564x16xf32, #tpu.memory_space<vmem>>
      tpu.wait_dma2 semaphore(%run_scoped3A : memref<!tpu.dma_semaphore, #tpu.memory_space<semaphore_mem>>) src(%dma_wait3A_150 : memref<1564x16xf32, #tpu.memory_space<vmem>>) dst(%dma_wait3A_147 : memref<1564x16xf32, #tpu.memory_space<vmem_shared>>)
      tpu.yield
    }) : () -> ()
    %barrier3A = arith.constant 0 : index
    tpu.barrier barrier_id(%barrier3A)
    %eq3A = arith.constant 0 : i32
    %eq3A_21 = arith.cmpi eq, %arg0, %eq3A : i32
    %mul3A_22 = arith.constant 1188 : i32
    %mul3A_23 = arith.muli %arg1, %mul3A_22 : i32
    %mul3A_24 = arith.constant 396 : i32
    %mul3A_25 = arith.muli %arg1, %mul3A_24 : i32
    %add3A_26 = arith.constant 19008 : i32
    %add3A_27 = arith.addi %add3A_26, %mul3A_25 : i32
    %select_n3A = arith.select %eq3A_21, %mul3A_23, %add3A_27 : i32
    %eq3A_28 = arith.constant 0 : i32
    %eq3A_29 = arith.cmpi eq, %arg0, %eq3A_28 : i32
    %jit3A = arith.constant 99 : i32
    %jit3A_30 = arith.constant 33 : i32
    %select_n3A_31 = arith.select %eq3A_29, %jit3A, %jit3A_30 : i32
    %add3A_32 = arith.constant 0 : i32
    %add3A_33 = arith.addi %select_n3A, %add3A_32 : i32
    %dma_start3A = arith.constant 0 : i32
    %dma_start3A_34 = tpu.memref_slice %arg3[%add3A_33, %dma_start3A] : memref<25352x128xi32, #tpu.memory_space<hbm>> -> memref<6x128xi32, #tpu.memory_space<hbm>>
    %dma_start3A_35 = arith.constant 0 : i32
    %dma_start3A_36 = tpu.memref_slice %arg3[%add3A_33, %dma_start3A_35] : memref<25352x128xi32, #tpu.memory_space<hbm>> -> memref<6x128xi32, #tpu.memory_space<hbm>>
    tpu.enqueue_dma source(%dma_start3A_36 : memref<6x128xi32, #tpu.memory_space<hbm>>) target(%arg6 : memref<6x128xi32, #tpu.memory_space<vmem>>) target_semaphore(%arg13 : memref<!tpu.dma_semaphore, #tpu.memory_space<semaphore_mem>>)
    %dma_start3A_37 = arith.constant 0 : i32
    %dma_start3A_38 = tpu.memref_slice %arg4[%add3A_33, %dma_start3A_37] : memref<25352x128xi32, #tpu.memory_space<hbm>> -> memref<6x128xi32, #tpu.memory_space<hbm>>
    %dma_start3A_39 = arith.constant 0 : i32
    %dma_start3A_40 = tpu.memref_slice %arg4[%add3A_33, %dma_start3A_39] : memref<25352x128xi32, #tpu.memory_space<hbm>> -> memref<6x128xi32, #tpu.memory_space<hbm>>
    tpu.enqueue_dma source(%dma_start3A_40 : memref<6x128xi32, #tpu.memory_space<hbm>>) target(%arg7 : memref<6x128xi32, #tpu.memory_space<vmem>>) target_semaphore(%arg13 : memref<!tpu.dma_semaphore, #tpu.memory_space<semaphore_mem>>)
    %sub3A = arith.constant 0 : i32
    %sub3A_41 = arith.subi %select_n3A_31, %sub3A : i32
    %sub3A_42 = arith.constant 1 : i32
    %sub3A_43 = arith.constant 1 : i32
    %sub3A_44 = arith.subi %sub3A_42, %sub3A_43 : i32
    %add3A_45 = arith.addi %sub3A_41, %sub3A_44 : i32
    %div3A = arith.constant 1 : i32
    %div3A_46 = arith.divsi %add3A_45, %div3A : i32
    %while3A = arith.constant 1 : i32
    %while3A_47 = arith.constant 0 : i32
    %while3A_48 = arith.constant 0 : i32
    %while3A_49 = arith.subi %div3A_46, %while3A_48 : i32
    %while3A_50 = arith.addi %while3A_48, %while3A_49 : i32
    %while3A_51 = arith.constant 1 : i32
    %while3A_52 = arith.divsi %while3A_49, %while3A_51 : i32
    %while3A_53 = arith.muli %while3A_52, %while3A_51 : i32
    %while3A_54 = arith.addi %while3A_48, %while3A_53 : i32
    %while3A_55 = arith.constant 1 : i32
    scf.for %while3A_131 = %while3A_48 to %while3A_54 step %while3A_55  : i32 {
      %mul3A_132 = arith.muli %while3A_131, %while3A : i32
      %add3A_133 = arith.addi %while3A_47, %mul3A_132 : i32
      %mul3A_134 = arith.constant 2 : i32
      %mul3A_135 = arith.muli %add3A_133, %mul3A_134 : i32
      %dma_wait3A_136 = arith.constant 0 : i32
      %dma_wait3A_137 = arith.constant 0 : i32
      %dma_wait3A_138 = tpu.memref_slice %arg3[%dma_wait3A_136, %dma_wait3A_137] : memref<25352x128xi32, #tpu.memory_space<hbm>> -> memref<6x128xi32, #tpu.memory_space<hbm>>
      %dma_wait3A_139 = arith.constant 0 : i32
      %dma_wait3A_140 = arith.constant 0 : i32
      %dma_wait3A_141 = tpu.memref_slice %arg3[%dma_wait3A_139, %dma_wait3A_140] : memref<25352x128xi32, #tpu.memory_space<hbm>> -> memref<6x128xi32, #tpu.memory_space<hbm>>
      tpu.wait_dma2 semaphore(%arg13 : memref<!tpu.dma_semaphore, #tpu.memory_space<semaphore_mem>>) src(%dma_wait3A_141 : memref<6x128xi32, #tpu.memory_space<hbm>>) dst(%arg6 : memref<6x128xi32, #tpu.memory_space<vmem>>)
      %dma_wait3A_142 = arith.constant 0 : i32
      %dma_wait3A_143 = arith.constant 0 : i32
      %dma_wait3A_144 = tpu.memref_slice %arg4[%dma_wait3A_142, %dma_wait3A_143] : memref<25352x128xi32, #tpu.memory_space<hbm>> -> memref<6x128xi32, #tpu.memory_space<hbm>>
      %dma_wait3A_145 = arith.constant 0 : i32
      %dma_wait3A_146 = arith.constant 0 : i32
      %dma_wait3A_147 = tpu.memref_slice %arg4[%dma_wait3A_145, %dma_wait3A_146] : memref<25352x128xi32, #tpu.memory_space<hbm>> -> memref<6x128xi32, #tpu.memory_space<hbm>>
      tpu.wait_dma2 semaphore(%arg13 : memref<!tpu.dma_semaphore, #tpu.memory_space<semaphore_mem>>) src(%dma_wait3A_147 : memref<6x128xi32, #tpu.memory_space<hbm>>) dst(%arg7 : memref<6x128xi32, #tpu.memory_space<vmem>>)
      %dma_start3A_148 = arith.constant 0 : i32
      %dma_start3A_149 = arith.constant 0 : i32
      %dma_start3A_150 = arith.constant 0 : i32
      %dma_start3A_151 = tpu.memref_slice %arg8[%dma_start3A_149, %dma_start3A_150] : memref<768x16xf32, #tpu.memory_space<vmem>> -> memref<128x16xf32, #tpu.memory_space<vmem>>
      %dma_start3A_152 = arith.constant 0 : i32
      %dma_start3A_153 = tpu.memref_slice %arg6[%dma_start3A_148, %dma_start3A_152] : memref<6x128xi32, #tpu.memory_space<vmem>> -> memref<1x128xi32, #tpu.memory_space<vmem>>
      %dma_start3A_154 = tpu.memref_squeeze %dma_start3A_153 : memref<1x128xi32, #tpu.memory_space<vmem>> -> memref<128xi32, #tpu.memory_space<vmem>>
      %dma_start3A_155 = arith.constant 0 : i32
      %dma_start3A_156 = arith.constant 0 : i32
      %dma_start3A_157 = tpu.memref_slice %arg2[%dma_start3A_155, %dma_start3A_156] : memref<100000x16xf32, #tpu.memory_space<hbm>> -> memref<100000x16xf32, #tpu.memory_space<hbm>>
      tpu.enqueue_indirect_dma source(%dma_start3A_157 : memref<100000x16xf32, #tpu.memory_space<hbm>>) target(%dma_start3A_151 : memref<128x16xf32, #tpu.memory_space<vmem>>) offsets(%dma_start3A_154 : memref<128xi32, #tpu.memory_space<vmem>>) semaphore(%arg15 : memref<!tpu.dma_semaphore, #tpu.memory_space<semaphore_mem>>)
      %dma_start3A_158 = arith.constant 1 : i32
      %dma_start3A_159 = arith.constant 128 : i32
      %dma_start3A_160 = arith.constant 0 : i32
      %dma_start3A_161 = tpu.memref_slice %arg8[%dma_start3A_159, %dma_start3A_160] : memref<768x16xf32, #tpu.memory_space<vmem>> -> memref<128x16xf32, #tpu.memory_space<vmem>>
      %dma_start3A_162 = arith.constant 0 : i32
      %dma_start3A_163 = tpu.memref_slice %arg6[%dma_start3A_158, %dma_start3A_162] : memref<6x128xi32, #tpu.memory_space<vmem>> -> memref<1x128xi32, #tpu.memory_space<vmem>>
      %dma_start3A_164 = tpu.memref_squeeze %dma_start3A_163 : memref<1x128xi32, #tpu.memory_space<vmem>> -> memref<128xi32, #tpu.memory_space<vmem>>
      %dma_start3A_165 = arith.constant 0 : i32
      %dma_start3A_166 = arith.constant 0 : i32
      %dma_start3A_167 = tpu.memref_slice %arg2[%dma_start3A_165, %dma_start3A_166] : memref<100000x16xf32, #tpu.memory_space<hbm>> -> memref<100000x16xf32, #tpu.memory_space<hbm>>
      tpu.enqueue_indirect_dma source(%dma_start3A_167 : memref<100000x16xf32, #tpu.memory_space<hbm>>) target(%dma_start3A_161 : memref<128x16xf32, #tpu.memory_space<vmem>>) offsets(%dma_start3A_164 : memref<128xi32, #tpu.memory_space<vmem>>) semaphore(%arg15 : memref<!tpu.dma_semaphore, #tpu.memory_space<semaphore_mem>>)
      %dma_start3A_168 = arith.constant 2 : i32
      %dma_start3A_169 = arith.constant 256 : i32
      %dma_start3A_170 = arith.constant 0 : i32
      %dma_start3A_171 = tpu.memref_slice %arg8[%dma_start3A_169, %dma_start3A_170] : memref<768x16xf32, #tpu.memory_space<vmem>> -> memref<128x16xf32, #tpu.memory_space<vmem>>
      %dma_start3A_172 = arith.constant 0 : i32
      %dma_start3A_173 = tpu.memref_slice %arg6[%dma_start3A_168, %dma_start3A_172] : memref<6x128xi32, #tpu.memory_space<vmem>> -> memref<1x128xi32, #tpu.memory_space<vmem>>
      %dma_start3A_174 = tpu.memref_squeeze %dma_start3A_173 : memref<1x128xi32, #tpu.memory_space<vmem>> -> memref<128xi32, #tpu.memory_space<vmem>>
      %dma_start3A_175 = arith.constant 0 : i32
      %dma_start3A_176 = arith.constant 0 : i32
      %dma_start3A_177 = tpu.memref_slice %arg2[%dma_start3A_175, %dma_start3A_176] : memref<100000x16xf32, #tpu.memory_space<hbm>> -> memref<100000x16xf32, #tpu.memory_space<hbm>>
      tpu.enqueue_indirect_dma source(%dma_start3A_177 : memref<100000x16xf32, #tpu.memory_space<hbm>>) target(%dma_start3A_171 : memref<128x16xf32, #tpu.memory_space<vmem>>) offsets(%dma_start3A_174 : memref<128xi32, #tpu.memory_space<vmem>>) semaphore(%arg15 : memref<!tpu.dma_semaphore, #tpu.memory_space<semaphore_mem>>)
      %dma_start3A_178 = arith.constant 3 : i32
      %dma_start3A_179 = arith.constant 384 : i32
      %dma_start3A_180 = arith.constant 0 : i32
      %dma_start3A_181 = tpu.memref_slice %arg8[%dma_start3A_179, %dma_start3A_180] : memref<768x16xf32, #tpu.memory_space<vmem>> -> memref<128x16xf32, #tpu.memory_space<vmem>>
      %dma_start3A_182 = arith.constant 0 : i32
      %dma_start3A_183 = tpu.memref_slice %arg6[%dma_start3A_178, %dma_start3A_182] : memref<6x128xi32, #tpu.memory_space<vmem>> -> memref<1x128xi32, #tpu.memory_space<vmem>>
      %dma_start3A_184 = tpu.memref_squeeze %dma_start3A_183 : memref<1x128xi32, #tpu.memory_space<vmem>> -> memref<128xi32, #tpu.memory_space<vmem>>
      %dma_start3A_185 = arith.constant 0 : i32
      %dma_start3A_186 = arith.constant 0 : i32
      %dma_start3A_187 = tpu.memref_slice %arg2[%dma_start3A_185, %dma_start3A_186] : memref<100000x16xf32, #tpu.memory_space<hbm>> -> memref<100000x16xf32, #tpu.memory_space<hbm>>
      tpu.enqueue_indirect_dma source(%dma_start3A_187 : memref<100000x16xf32, #tpu.memory_space<hbm>>) target(%dma_start3A_181 : memref<128x16xf32, #tpu.memory_space<vmem>>) offsets(%dma_start3A_184 : memref<128xi32, #tpu.memory_space<vmem>>) semaphore(%arg15 : memref<!tpu.dma_semaphore, #tpu.memory_space<semaphore_mem>>)
      %dma_start3A_188 = arith.constant 4 : i32
      %dma_start3A_189 = arith.constant 512 : i32
      %dma_start3A_190 = arith.constant 0 : i32
      %dma_start3A_191 = tpu.memref_slice %arg8[%dma_start3A_189, %dma_start3A_190] : memref<768x16xf32, #tpu.memory_space<vmem>> -> memref<128x16xf32, #tpu.memory_space<vmem>>
      %dma_start3A_192 = arith.constant 0 : i32
      %dma_start3A_193 = tpu.memref_slice %arg6[%dma_start3A_188, %dma_start3A_192] : memref<6x128xi32, #tpu.memory_space<vmem>> -> memref<1x128xi32, #tpu.memory_space<vmem>>
      %dma_start3A_194 = tpu.memref_squeeze %dma_start3A_193 : memref<1x128xi32, #tpu.memory_space<vmem>> -> memref<128xi32, #tpu.memory_space<vmem>>
      %dma_start3A_195 = arith.constant 0 : i32
      %dma_start3A_196 = arith.constant 0 : i32
      %dma_start3A_197 = tpu.memref_slice %arg2[%dma_start3A_195, %dma_start3A_196] : memref<100000x16xf32, #tpu.memory_space<hbm>> -> memref<100000x16xf32, #tpu.memory_space<hbm>>
      tpu.enqueue_indirect_dma source(%dma_start3A_197 : memref<100000x16xf32, #tpu.memory_space<hbm>>) target(%dma_start3A_191 : memref<128x16xf32, #tpu.memory_space<vmem>>) offsets(%dma_start3A_194 : memref<128xi32, #tpu.memory_space<vmem>>) semaphore(%arg15 : memref<!tpu.dma_semaphore, #tpu.memory_space<semaphore_mem>>)
      %dma_start3A_198 = arith.constant 5 : i32
      %dma_start3A_199 = arith.constant 640 : i32
      %dma_start3A_200 = arith.constant 0 : i32
      %dma_start3A_201 = tpu.memref_slice %arg8[%dma_start3A_199, %dma_start3A_200] : memref<768x16xf32, #tpu.memory_space<vmem>> -> memref<128x16xf32, #tpu.memory_space<vmem>>
      %dma_start3A_202 = arith.constant 0 : i32
      %dma_start3A_203 = tpu.memref_slice %arg6[%dma_start3A_198, %dma_start3A_202] : memref<6x128xi32, #tpu.memory_space<vmem>> -> memref<1x128xi32, #tpu.memory_space<vmem>>
      %dma_start3A_204 = tpu.memref_squeeze %dma_start3A_203 : memref<1x128xi32, #tpu.memory_space<vmem>> -> memref<128xi32, #tpu.memory_space<vmem>>
      %dma_start3A_205 = arith.constant 0 : i32
      %dma_start3A_206 = arith.constant 0 : i32
      %dma_start3A_207 = tpu.memref_slice %arg2[%dma_start3A_205, %dma_start3A_206] : memref<100000x16xf32, #tpu.memory_space<hbm>> -> memref<100000x16xf32, #tpu.memory_space<hbm>>
      tpu.enqueue_indirect_dma source(%dma_start3A_207 : memref<100000x16xf32, #tpu.memory_space<hbm>>) target(%dma_start3A_201 : memref<128x16xf32, #tpu.memory_space<vmem>>) offsets(%dma_start3A_204 : memref<128xi32, #tpu.memory_space<vmem>>) semaphore(%arg15 : memref<!tpu.dma_semaphore, #tpu.memory_space<semaphore_mem>>)
      %dma_wait3A_208 = arith.constant 0 : i32
      %dma_wait3A_209 = arith.constant 0 : i32
      %dma_wait3A_210 = arith.constant 0 : i32
      %dma_wait3A_211 = tpu.memref_slice %arg8[%dma_wait3A_209, %dma_wait3A_210] : memref<768x16xf32, #tpu.memory_space<vmem>> -> memref<128x16xf32, #tpu.memory_space<vmem>>
      %dma_wait3A_212 = arith.constant 0 : i32
      %dma_wait3A_213 = tpu.memref_slice %arg6[%dma_wait3A_208, %dma_wait3A_212] : memref<6x128xi32, #tpu.memory_space<vmem>> -> memref<1x128xi32, #tpu.memory_space<vmem>>
      %dma_wait3A_214 = tpu.memref_squeeze %dma_wait3A_213 : memref<1x128xi32, #tpu.memory_space<vmem>> -> memref<128xi32, #tpu.memory_space<vmem>>
      %dma_wait3A_215 = arith.constant 0 : i32
      %dma_wait3A_216 = arith.constant 0 : i32
      %dma_wait3A_217 = tpu.memref_slice %arg2[%dma_wait3A_215, %dma_wait3A_216] : memref<100000x16xf32, #tpu.memory_space<hbm>> -> memref<100000x16xf32, #tpu.memory_space<hbm>>
      tpu.wait_indirect_dma semaphore(%arg15 : memref<!tpu.dma_semaphore, #tpu.memory_space<semaphore_mem>>) src(%dma_wait3A_217 : memref<100000x16xf32, #tpu.memory_space<hbm>>) dst(%dma_wait3A_211 : memref<128x16xf32, #tpu.memory_space<vmem>>)
      %dma_wait3A_218 = arith.constant 1 : i32
      %dma_wait3A_219 = arith.constant 128 : i32
      %dma_wait3A_220 = arith.constant 0 : i32
      %dma_wait3A_221 = tpu.memref_slice %arg8[%dma_wait3A_219, %dma_wait3A_220] : memref<768x16xf32, #tpu.memory_space<vmem>> -> memref<128x16xf32, #tpu.memory_space<vmem>>
      %dma_wait3A_222 = arith.constant 0 : i32
      %dma_wait3A_223 = tpu.memref_slice %arg6[%dma_wait3A_218, %dma_wait3A_222] : memref<6x128xi32, #tpu.memory_space<vmem>> -> memref<1x128xi32, #tpu.memory_space<vmem>>
      %dma_wait3A_224 = tpu.memref_squeeze %dma_wait3A_223 : memref<1x128xi32, #tpu.memory_space<vmem>> -> memref<128xi32, #tpu.memory_space<vmem>>
      %dma_wait3A_225 = arith.constant 0 : i32
      %dma_wait3A_226 = arith.constant 0 : i32
      %dma_wait3A_227 = tpu.memref_slice %arg2[%dma_wait3A_225, %dma_wait3A_226] : memref<100000x16xf32, #tpu.memory_space<hbm>> -> memref<100000x16xf32, #tpu.memory_space<hbm>>
      tpu.wait_indirect_dma semaphore(%arg15 : memref<!tpu.dma_semaphore, #tpu.memory_space<semaphore_mem>>) src(%dma_wait3A_227 : memref<100000x16xf32, #tpu.memory_space<hbm>>) dst(%dma_wait3A_221 : memref<128x16xf32, #tpu.memory_space<vmem>>)
      %dma_wait3A_228 = arith.constant 2 : i32
      %dma_wait3A_229 = arith.constant 256 : i32
      %dma_wait3A_230 = arith.constant 0 : i32
      %dma_wait3A_231 = tpu.memref_slice %arg8[%dma_wait3A_229, %dma_wait3A_230] : memref<768x16xf32, #tpu.memory_space<vmem>> -> memref<128x16xf32, #tpu.memory_space<vmem>>
      %dma_wait3A_232 = arith.constant 0 : i32
      %dma_wait3A_233 = tpu.memref_slice %arg6[%dma_wait3A_228, %dma_wait3A_232] : memref<6x128xi32, #tpu.memory_space<vmem>> -> memref<1x128xi32, #tpu.memory_space<vmem>>
      %dma_wait3A_234 = tpu.memref_squeeze %dma_wait3A_233 : memref<1x128xi32, #tpu.memory_space<vmem>> -> memref<128xi32, #tpu.memory_space<vmem>>
      %dma_wait3A_235 = arith.constant 0 : i32
      %dma_wait3A_236 = arith.constant 0 : i32
      %dma_wait3A_237 = tpu.memref_slice %arg2[%dma_wait3A_235, %dma_wait3A_236] : memref<100000x16xf32, #tpu.memory_space<hbm>> -> memref<100000x16xf32, #tpu.memory_space<hbm>>
      tpu.wait_indirect_dma semaphore(%arg15 : memref<!tpu.dma_semaphore, #tpu.memory_space<semaphore_mem>>) src(%dma_wait3A_237 : memref<100000x16xf32, #tpu.memory_space<hbm>>) dst(%dma_wait3A_231 : memref<128x16xf32, #tpu.memory_space<vmem>>)
      %dma_wait3A_238 = arith.constant 3 : i32
      %dma_wait3A_239 = arith.constant 384 : i32
      %dma_wait3A_240 = arith.constant 0 : i32
      %dma_wait3A_241 = tpu.memref_slice %arg8[%dma_wait3A_239, %dma_wait3A_240] : memref<768x16xf32, #tpu.memory_space<vmem>> -> memref<128x16xf32, #tpu.memory_space<vmem>>
      %dma_wait3A_242 = arith.constant 0 : i32
      %dma_wait3A_243 = tpu.memref_slice %arg6[%dma_wait3A_238, %dma_wait3A_242] : memref<6x128xi32, #tpu.memory_space<vmem>> -> memref<1x128xi32, #tpu.memory_space<vmem>>
      %dma_wait3A_244 = tpu.memref_squeeze %dma_wait3A_243 : memref<1x128xi32, #tpu.memory_space<vmem>> -> memref<128xi32, #tpu.memory_space<vmem>>
      %dma_wait3A_245 = arith.constant 0 : i32
      %dma_wait3A_246 = arith.constant 0 : i32
      %dma_wait3A_247 = tpu.memref_slice %arg2[%dma_wait3A_245, %dma_wait3A_246] : memref<100000x16xf32, #tpu.memory_space<hbm>> -> memref<100000x16xf32, #tpu.memory_space<hbm>>
      tpu.wait_indirect_dma semaphore(%arg15 : memref<!tpu.dma_semaphore, #tpu.memory_space<semaphore_mem>>) src(%dma_wait3A_247 : memref<100000x16xf32, #tpu.memory_space<hbm>>) dst(%dma_wait3A_241 : memref<128x16xf32, #tpu.memory_space<vmem>>)
      %dma_wait3A_248 = arith.constant 4 : i32
      %dma_wait3A_249 = arith.constant 512 : i32
      %dma_wait3A_250 = arith.constant 0 : i32
      %dma_wait3A_251 = tpu.memref_slice %arg8[%dma_wait3A_249, %dma_wait3A_250] : memref<768x16xf32, #tpu.memory_space<vmem>> -> memref<128x16xf32, #tpu.memory_space<vmem>>
      %dma_wait3A_252 = arith.constant 0 : i32
      %dma_wait3A_253 = tpu.memref_slice %arg6[%dma_wait3A_248, %dma_wait3A_252] : memref<6x128xi32, #tpu.memory_space<vmem>> -> memref<1x128xi32, #tpu.memory_space<vmem>>
      %dma_wait3A_254 = tpu.memref_squeeze %dma_wait3A_253 : memref<1x128xi32, #tpu.memory_space<vmem>> -> memref<128xi32, #tpu.memory_space<vmem>>
      %dma_wait3A_255 = arith.constant 0 : i32
      %dma_wait3A_256 = arith.constant 0 : i32
      %dma_wait3A_257 = tpu.memref_slice %arg2[%dma_wait3A_255, %dma_wait3A_256] : memref<100000x16xf32, #tpu.memory_space<hbm>> -> memref<100000x16xf32, #tpu.memory_space<hbm>>
      tpu.wait_indirect_dma semaphore(%arg15 : memref<!tpu.dma_semaphore, #tpu.memory_space<semaphore_mem>>) src(%dma_wait3A_257 : memref<100000x16xf32, #tpu.memory_space<hbm>>) dst(%dma_wait3A_251 : memref<128x16xf32, #tpu.memory_space<vmem>>)
      %dma_wait3A_258 = arith.constant 5 : i32
      %dma_wait3A_259 = arith.constant 640 : i32
      %dma_wait3A_260 = arith.constant 0 : i32
      %dma_wait3A_261 = tpu.memref_slice %arg8[%dma_wait3A_259, %dma_wait3A_260] : memref<768x16xf32, #tpu.memory_space<vmem>> -> memref<128x16xf32, #tpu.memory_space<vmem>>
      %dma_wait3A_262 = arith.constant 0 : i32
      %dma_wait3A_263 = tpu.memref_slice %arg6[%dma_wait3A_258, %dma_wait3A_262] : memref<6x128xi32, #tpu.memory_space<vmem>> -> memref<1x128xi32, #tpu.memory_space<vmem>>
      %dma_wait3A_264 = tpu.memref_squeeze %dma_wait3A_263 : memref<1x128xi32, #tpu.memory_space<vmem>> -> memref<128xi32, #tpu.memory_space<vmem>>
      %dma_wait3A_265 = arith.constant 0 : i32
      %dma_wait3A_266 = arith.constant 0 : i32
      %dma_wait3A_267 = tpu.memref_slice %arg2[%dma_wait3A_265, %dma_wait3A_266] : memref<100000x16xf32, #tpu.memory_space<hbm>> -> memref<100000x16xf32, #tpu.memory_space<hbm>>
      tpu.wait_indirect_dma semaphore(%arg15 : memref<!tpu.dma_semaphore, #tpu.memory_space<semaphore_mem>>) src(%dma_wait3A_267 : memref<100000x16xf32, #tpu.memory_space<hbm>>) dst(%dma_wait3A_261 : memref<128x16xf32, #tpu.memory_space<vmem>>)
      %gt3A = arith.constant 0 : i32
      %gt3A_268 = arith.cmpi sgt, %add3A_133, %gt3A : i32
      %convert_element_type3A = arith.extui %gt3A_268 : i1 to i32
      %cond3A = arith.constant 0 : i32
      %cond3A_269 = arith.cmpi ne, %convert_element_type3A, %cond3A : i32
      scf.if %cond3A_269 {
        %dma_wait3A_608 = arith.constant 0 : i32
        %dma_wait3A_609 = arith.constant 0 : i32
        %dma_wait3A_610 = arith.constant 0 : i32
        %dma_wait3A_611 = tpu.memref_slice %arg11[%dma_wait3A_609, %dma_wait3A_610] : memref<768x16xf32, #tpu.memory_space<vmem>> -> memref<128x16xf32, #tpu.memory_space<vmem>>
        %dma_wait3A_612 = arith.constant 0 : i32
        %dma_wait3A_613 = tpu.memref_slice %arg10[%dma_wait3A_608, %dma_wait3A_612] : memref<6x128xi32, #tpu.memory_space<vmem>> -> memref<1x128xi32, #tpu.memory_space<vmem>>
        %dma_wait3A_614 = tpu.memref_squeeze %dma_wait3A_613 : memref<1x128xi32, #tpu.memory_space<vmem>> -> memref<128xi32, #tpu.memory_space<vmem>>
        %dma_wait3A_615 = arith.constant 0 : i32
        %dma_wait3A_616 = arith.constant 0 : i32
        %dma_wait3A_617 = tpu.memref_slice %arg12[%dma_wait3A_615, %dma_wait3A_616] : memref<100096x16xf32, #tpu.memory_space<vmem_shared>> -> memref<100096x16xf32, #tpu.memory_space<vmem_shared>>
        tpu.wait_indirect_dma semaphore(%arg18 : memref<!tpu.dma_semaphore, #tpu.memory_space<semaphore_mem>>) src(%dma_wait3A_611 : memref<128x16xf32, #tpu.memory_space<vmem>>) dst(%dma_wait3A_617 : memref<100096x16xf32, #tpu.memory_space<vmem_shared>>)
        %dma_wait3A_618 = arith.constant 1 : i32
        %dma_wait3A_619 = arith.constant 128 : i32
        %dma_wait3A_620 = arith.constant 0 : i32
        %dma_wait3A_621 = tpu.memref_slice %arg11[%dma_wait3A_619, %dma_wait3A_620] : memref<768x16xf32, #tpu.memory_space<vmem>> -> memref<128x16xf32, #tpu.memory_space<vmem>>
        %dma_wait3A_622 = arith.constant 0 : i32
        %dma_wait3A_623 = tpu.memref_slice %arg10[%dma_wait3A_618, %dma_wait3A_622] : memref<6x128xi32, #tpu.memory_space<vmem>> -> memref<1x128xi32, #tpu.memory_space<vmem>>
        %dma_wait3A_624 = tpu.memref_squeeze %dma_wait3A_623 : memref<1x128xi32, #tpu.memory_space<vmem>> -> memref<128xi32, #tpu.memory_space<vmem>>
        %dma_wait3A_625 = arith.constant 0 : i32
        %dma_wait3A_626 = arith.constant 0 : i32
        %dma_wait3A_627 = tpu.memref_slice %arg12[%dma_wait3A_625, %dma_wait3A_626] : memref<100096x16xf32, #tpu.memory_space<vmem_shared>> -> memref<100096x16xf32, #tpu.memory_space<vmem_shared>>
        tpu.wait_indirect_dma semaphore(%arg18 : memref<!tpu.dma_semaphore, #tpu.memory_space<semaphore_mem>>) src(%dma_wait3A_621 : memref<128x16xf32, #tpu.memory_space<vmem>>) dst(%dma_wait3A_627 : memref<100096x16xf32, #tpu.memory_space<vmem_shared>>)
        %dma_wait3A_628 = arith.constant 2 : i32
        %dma_wait3A_629 = arith.constant 256 : i32
        %dma_wait3A_630 = arith.constant 0 : i32
        %dma_wait3A_631 = tpu.memref_slice %arg11[%dma_wait3A_629, %dma_wait3A_630] : memref<768x16xf32, #tpu.memory_space<vmem>> -> memref<128x16xf32, #tpu.memory_space<vmem>>
        %dma_wait3A_632 = arith.constant 0 : i32
        %dma_wait3A_633 = tpu.memref_slice %arg10[%dma_wait3A_628, %dma_wait3A_632] : memref<6x128xi32, #tpu.memory_space<vmem>> -> memref<1x128xi32, #tpu.memory_space<vmem>>
        %dma_wait3A_634 = tpu.memref_squeeze %dma_wait3A_633 : memref<1x128xi32, #tpu.memory_space<vmem>> -> memref<128xi32, #tpu.memory_space<vmem>>
        %dma_wait3A_635 = arith.constant 0 : i32
        %dma_wait3A_636 = arith.constant 0 : i32
        %dma_wait3A_637 = tpu.memref_slice %arg12[%dma_wait3A_635, %dma_wait3A_636] : memref<100096x16xf32, #tpu.memory_space<vmem_shared>> -> memref<100096x16xf32, #tpu.memory_space<vmem_shared>>
        tpu.wait_indirect_dma semaphore(%arg18 : memref<!tpu.dma_semaphore, #tpu.memory_space<semaphore_mem>>) src(%dma_wait3A_631 : memref<128x16xf32, #tpu.memory_space<vmem>>) dst(%dma_wait3A_637 : memref<100096x16xf32, #tpu.memory_space<vmem_shared>>)
        %dma_wait3A_638 = arith.constant 3 : i32
        %dma_wait3A_639 = arith.constant 384 : i32
        %dma_wait3A_640 = arith.constant 0 : i32
        %dma_wait3A_641 = tpu.memref_slice %arg11[%dma_wait3A_639, %dma_wait3A_640] : memref<768x16xf32, #tpu.memory_space<vmem>> -> memref<128x16xf32, #tpu.memory_space<vmem>>
        %dma_wait3A_642 = arith.constant 0 : i32
        %dma_wait3A_643 = tpu.memref_slice %arg10[%dma_wait3A_638, %dma_wait3A_642] : memref<6x128xi32, #tpu.memory_space<vmem>> -> memref<1x128xi32, #tpu.memory_space<vmem>>
        %dma_wait3A_644 = tpu.memref_squeeze %dma_wait3A_643 : memref<1x128xi32, #tpu.memory_space<vmem>> -> memref<128xi32, #tpu.memory_space<vmem>>
        %dma_wait3A_645 = arith.constant 0 : i32
        %dma_wait3A_646 = arith.constant 0 : i32
        %dma_wait3A_647 = tpu.memref_slice %arg12[%dma_wait3A_645, %dma_wait3A_646] : memref<100096x16xf32, #tpu.memory_space<vmem_shared>> -> memref<100096x16xf32, #tpu.memory_space<vmem_shared>>
        tpu.wait_indirect_dma semaphore(%arg18 : memref<!tpu.dma_semaphore, #tpu.memory_space<semaphore_mem>>) src(%dma_wait3A_641 : memref<128x16xf32, #tpu.memory_space<vmem>>) dst(%dma_wait3A_647 : memref<100096x16xf32, #tpu.memory_space<vmem_shared>>)
        %dma_wait3A_648 = arith.constant 4 : i32
        %dma_wait3A_649 = arith.constant 512 : i32
        %dma_wait3A_650 = arith.constant 0 : i32
        %dma_wait3A_651 = tpu.memref_slice %arg11[%dma_wait3A_649, %dma_wait3A_650] : memref<768x16xf32, #tpu.memory_space<vmem>> -> memref<128x16xf32, #tpu.memory_space<vmem>>
        %dma_wait3A_652 = arith.constant 0 : i32
        %dma_wait3A_653 = tpu.memref_slice %arg10[%dma_wait3A_648, %dma_wait3A_652] : memref<6x128xi32, #tpu.memory_space<vmem>> -> memref<1x128xi32, #tpu.memory_space<vmem>>
        %dma_wait3A_654 = tpu.memref_squeeze %dma_wait3A_653 : memref<1x128xi32, #tpu.memory_space<vmem>> -> memref<128xi32, #tpu.memory_space<vmem>>
        %dma_wait3A_655 = arith.constant 0 : i32
        %dma_wait3A_656 = arith.constant 0 : i32
        %dma_wait3A_657 = tpu.memref_slice %arg12[%dma_wait3A_655, %dma_wait3A_656] : memref<100096x16xf32, #tpu.memory_space<vmem_shared>> -> memref<100096x16xf32, #tpu.memory_space<vmem_shared>>
        tpu.wait_indirect_dma semaphore(%arg18 : memref<!tpu.dma_semaphore, #tpu.memory_space<semaphore_mem>>) src(%dma_wait3A_651 : memref<128x16xf32, #tpu.memory_space<vmem>>) dst(%dma_wait3A_657 : memref<100096x16xf32, #tpu.memory_space<vmem_shared>>)
        %dma_wait3A_658 = arith.constant 5 : i32
        %dma_wait3A_659 = arith.constant 640 : i32
        %dma_wait3A_660 = arith.constant 0 : i32
        %dma_wait3A_661 = tpu.memref_slice %arg11[%dma_wait3A_659, %dma_wait3A_660] : memref<768x16xf32, #tpu.memory_space<vmem>> -> memref<128x16xf32, #tpu.memory_space<vmem>>
        %dma_wait3A_662 = arith.constant 0 : i32
        %dma_wait3A_663 = tpu.memref_slice %arg10[%dma_wait3A_658, %dma_wait3A_662] : memref<6x128xi32, #tpu.memory_space<vmem>> -> memref<1x128xi32, #tpu.memory_space<vmem>>
        %dma_wait3A_664 = tpu.memref_squeeze %dma_wait3A_663 : memref<1x128xi32, #tpu.memory_space<vmem>> -> memref<128xi32, #tpu.memory_space<vmem>>
        %dma_wait3A_665 = arith.constant 0 : i32
        %dma_wait3A_666 = arith.constant 0 : i32
        %dma_wait3A_667 = tpu.memref_slice %arg12[%dma_wait3A_665, %dma_wait3A_666] : memref<100096x16xf32, #tpu.memory_space<vmem_shared>> -> memref<100096x16xf32, #tpu.memory_space<vmem_shared>>
        tpu.wait_indirect_dma semaphore(%arg18 : memref<!tpu.dma_semaphore, #tpu.memory_space<semaphore_mem>>) src(%dma_wait3A_661 : memref<128x16xf32, #tpu.memory_space<vmem>>) dst(%dma_wait3A_667 : memref<100096x16xf32, #tpu.memory_space<vmem_shared>>)
      } else {
      }
      %add3A_270 = arith.constant 1 : i32
      %add3A_271 = arith.addi %mul3A_135, %add3A_270 : i32
      %mul3A_272 = arith.constant 6 : i32
      %mul3A_273 = arith.muli %add3A_271, %mul3A_272 : i32
      %add3A_274 = arith.addi %select_n3A, %mul3A_273 : i32
      %dma_start3A_275 = arith.constant 0 : i32
      %dma_start3A_276 = tpu.memref_slice %arg3[%add3A_274, %dma_start3A_275] : memref<25352x128xi32, #tpu.memory_space<hbm>> -> memref<6x128xi32, #tpu.memory_space<hbm>>
      %dma_start3A_277 = arith.constant 0 : i32
      %dma_start3A_278 = tpu.memref_slice %arg3[%add3A_274, %dma_start3A_277] : memref<25352x128xi32, #tpu.memory_space<hbm>> -> memref<6x128xi32, #tpu.memory_space<hbm>>
      tpu.enqueue_dma source(%dma_start3A_278 : memref<6x128xi32, #tpu.memory_space<hbm>>) target(%arg9 : memref<6x128xi32, #tpu.memory_space<vmem>>) target_semaphore(%arg14 : memref<!tpu.dma_semaphore, #tpu.memory_space<semaphore_mem>>)
      %dma_start3A_279 = arith.constant 0 : i32
      %dma_start3A_280 = tpu.memref_slice %arg4[%add3A_274, %dma_start3A_279] : memref<25352x128xi32, #tpu.memory_space<hbm>> -> memref<6x128xi32, #tpu.memory_space<hbm>>
      %dma_start3A_281 = arith.constant 0 : i32
      %dma_start3A_282 = tpu.memref_slice %arg4[%add3A_274, %dma_start3A_281] : memref<25352x128xi32, #tpu.memory_space<hbm>> -> memref<6x128xi32, #tpu.memory_space<hbm>>
      tpu.enqueue_dma source(%dma_start3A_282 : memref<6x128xi32, #tpu.memory_space<hbm>>) target(%arg10 : memref<6x128xi32, #tpu.memory_space<vmem>>) target_semaphore(%arg14 : memref<!tpu.dma_semaphore, #tpu.memory_space<semaphore_mem>>)
      %dma_start3A_283 = arith.constant 0 : i32
      %dma_start3A_284 = arith.constant 0 : i32
      %dma_start3A_285 = arith.constant 0 : i32
      %dma_start3A_286 = tpu.memref_slice %arg8[%dma_start3A_284, %dma_start3A_285] : memref<768x16xf32, #tpu.memory_space<vmem>> -> memref<128x16xf32, #tpu.memory_space<vmem>>
      %dma_start3A_287 = arith.constant 0 : i32
      %dma_start3A_288 = tpu.memref_slice %arg7[%dma_start3A_283, %dma_start3A_287] : memref<6x128xi32, #tpu.memory_space<vmem>> -> memref<1x128xi32, #tpu.memory_space<vmem>>
      %dma_start3A_289 = tpu.memref_squeeze %dma_start3A_288 : memref<1x128xi32, #tpu.memory_space<vmem>> -> memref<128xi32, #tpu.memory_space<vmem>>
      %dma_start3A_290 = arith.constant 0 : i32
      %dma_start3A_291 = arith.constant 0 : i32
      %dma_start3A_292 = tpu.memref_slice %arg12[%dma_start3A_290, %dma_start3A_291] : memref<100096x16xf32, #tpu.memory_space<vmem_shared>> -> memref<100096x16xf32, #tpu.memory_space<vmem_shared>>
      tpu.enqueue_indirect_dma source(%dma_start3A_286 : memref<128x16xf32, #tpu.memory_space<vmem>>) target(%dma_start3A_292 : memref<100096x16xf32, #tpu.memory_space<vmem_shared>>) offsets(%dma_start3A_289 : memref<128xi32, #tpu.memory_space<vmem>>) semaphore(%arg17 : memref<!tpu.dma_semaphore, #tpu.memory_space<semaphore_mem>>) {add = true}
      %dma_start3A_293 = arith.constant 1 : i32
      %dma_start3A_294 = arith.constant 128 : i32
      %dma_start3A_295 = arith.constant 0 : i32
      %dma_start3A_296 = tpu.memref_slice %arg8[%dma_start3A_294, %dma_start3A_295] : memref<768x16xf32, #tpu.memory_space<vmem>> -> memref<128x16xf32, #tpu.memory_space<vmem>>
      %dma_start3A_297 = arith.constant 0 : i32
      %dma_start3A_298 = tpu.memref_slice %arg7[%dma_start3A_293, %dma_start3A_297] : memref<6x128xi32, #tpu.memory_space<vmem>> -> memref<1x128xi32, #tpu.memory_space<vmem>>
      %dma_start3A_299 = tpu.memref_squeeze %dma_start3A_298 : memref<1x128xi32, #tpu.memory_space<vmem>> -> memref<128xi32, #tpu.memory_space<vmem>>
      %dma_start3A_300 = arith.constant 0 : i32
      %dma_start3A_301 = arith.constant 0 : i32
      %dma_start3A_302 = tpu.memref_slice %arg12[%dma_start3A_300, %dma_start3A_301] : memref<100096x16xf32, #tpu.memory_space<vmem_shared>> -> memref<100096x16xf32, #tpu.memory_space<vmem_shared>>
      tpu.enqueue_indirect_dma source(%dma_start3A_296 : memref<128x16xf32, #tpu.memory_space<vmem>>) target(%dma_start3A_302 : memref<100096x16xf32, #tpu.memory_space<vmem_shared>>) offsets(%dma_start3A_299 : memref<128xi32, #tpu.memory_space<vmem>>) semaphore(%arg17 : memref<!tpu.dma_semaphore, #tpu.memory_space<semaphore_mem>>) {add = true}
      %dma_start3A_303 = arith.constant 2 : i32
      %dma_start3A_304 = arith.constant 256 : i32
      %dma_start3A_305 = arith.constant 0 : i32
      %dma_start3A_306 = tpu.memref_slice %arg8[%dma_start3A_304, %dma_start3A_305] : memref<768x16xf32, #tpu.memory_space<vmem>> -> memref<128x16xf32, #tpu.memory_space<vmem>>
      %dma_start3A_307 = arith.constant 0 : i32
      %dma_start3A_308 = tpu.memref_slice %arg7[%dma_start3A_303, %dma_start3A_307] : memref<6x128xi32, #tpu.memory_space<vmem>> -> memref<1x128xi32, #tpu.memory_space<vmem>>
      %dma_start3A_309 = tpu.memref_squeeze %dma_start3A_308 : memref<1x128xi32, #tpu.memory_space<vmem>> -> memref<128xi32, #tpu.memory_space<vmem>>
      %dma_start3A_310 = arith.constant 0 : i32
      %dma_start3A_311 = arith.constant 0 : i32
      %dma_start3A_312 = tpu.memref_slice %arg12[%dma_start3A_310, %dma_start3A_311] : memref<100096x16xf32, #tpu.memory_space<vmem_shared>> -> memref<100096x16xf32, #tpu.memory_space<vmem_shared>>
      tpu.enqueue_indirect_dma source(%dma_start3A_306 : memref<128x16xf32, #tpu.memory_space<vmem>>) target(%dma_start3A_312 : memref<100096x16xf32, #tpu.memory_space<vmem_shared>>) offsets(%dma_start3A_309 : memref<128xi32, #tpu.memory_space<vmem>>) semaphore(%arg17 : memref<!tpu.dma_semaphore, #tpu.memory_space<semaphore_mem>>) {add = true}
      %dma_start3A_313 = arith.constant 3 : i32
      %dma_start3A_314 = arith.constant 384 : i32
      %dma_start3A_315 = arith.constant 0 : i32
      %dma_start3A_316 = tpu.memref_slice %arg8[%dma_start3A_314, %dma_start3A_315] : memref<768x16xf32, #tpu.memory_space<vmem>> -> memref<128x16xf32, #tpu.memory_space<vmem>>
      %dma_start3A_317 = arith.constant 0 : i32
      %dma_start3A_318 = tpu.memref_slice %arg7[%dma_start3A_313, %dma_start3A_317] : memref<6x128xi32, #tpu.memory_space<vmem>> -> memref<1x128xi32, #tpu.memory_space<vmem>>
      %dma_start3A_319 = tpu.memref_squeeze %dma_start3A_318 : memref<1x128xi32, #tpu.memory_space<vmem>> -> memref<128xi32, #tpu.memory_space<vmem>>
      %dma_start3A_320 = arith.constant 0 : i32
      %dma_start3A_321 = arith.constant 0 : i32
      %dma_start3A_322 = tpu.memref_slice %arg12[%dma_start3A_320, %dma_start3A_321] : memref<100096x16xf32, #tpu.memory_space<vmem_shared>> -> memref<100096x16xf32, #tpu.memory_space<vmem_shared>>
      tpu.enqueue_indirect_dma source(%dma_start3A_316 : memref<128x16xf32, #tpu.memory_space<vmem>>) target(%dma_start3A_322 : memref<100096x16xf32, #tpu.memory_space<vmem_shared>>) offsets(%dma_start3A_319 : memref<128xi32, #tpu.memory_space<vmem>>) semaphore(%arg17 : memref<!tpu.dma_semaphore, #tpu.memory_space<semaphore_mem>>) {add = true}
      %dma_start3A_323 = arith.constant 4 : i32
      %dma_start3A_324 = arith.constant 512 : i32
      %dma_start3A_325 = arith.constant 0 : i32
      %dma_start3A_326 = tpu.memref_slice %arg8[%dma_start3A_324, %dma_start3A_325] : memref<768x16xf32, #tpu.memory_space<vmem>> -> memref<128x16xf32, #tpu.memory_space<vmem>>
      %dma_start3A_327 = arith.constant 0 : i32
      %dma_start3A_328 = tpu.memref_slice %arg7[%dma_start3A_323, %dma_start3A_327] : memref<6x128xi32, #tpu.memory_space<vmem>> -> memref<1x128xi32, #tpu.memory_space<vmem>>
      %dma_start3A_329 = tpu.memref_squeeze %dma_start3A_328 : memref<1x128xi32, #tpu.memory_space<vmem>> -> memref<128xi32, #tpu.memory_space<vmem>>
      %dma_start3A_330 = arith.constant 0 : i32
      %dma_start3A_331 = arith.constant 0 : i32
      %dma_start3A_332 = tpu.memref_slice %arg12[%dma_start3A_330, %dma_start3A_331] : memref<100096x16xf32, #tpu.memory_space<vmem_shared>> -> memref<100096x16xf32, #tpu.memory_space<vmem_shared>>
      tpu.enqueue_indirect_dma source(%dma_start3A_326 : memref<128x16xf32, #tpu.memory_space<vmem>>) target(%dma_start3A_332 : memref<100096x16xf32, #tpu.memory_space<vmem_shared>>) offsets(%dma_start3A_329 : memref<128xi32, #tpu.memory_space<vmem>>) semaphore(%arg17 : memref<!tpu.dma_semaphore, #tpu.memory_space<semaphore_mem>>) {add = true}
      %dma_start3A_333 = arith.constant 5 : i32
      %dma_start3A_334 = arith.constant 640 : i32
      %dma_start3A_335 = arith.constant 0 : i32
      %dma_start3A_336 = tpu.memref_slice %arg8[%dma_start3A_334, %dma_start3A_335] : memref<768x16xf32, #tpu.memory_space<vmem>> -> memref<128x16xf32, #tpu.memory_space<vmem>>
      %dma_start3A_337 = arith.constant 0 : i32
      %dma_start3A_338 = tpu.memref_slice %arg7[%dma_start3A_333, %dma_start3A_337] : memref<6x128xi32, #tpu.memory_space<vmem>> -> memref<1x128xi32, #tpu.memory_space<vmem>>
      %dma_start3A_339 = tpu.memref_squeeze %dma_start3A_338 : memref<1x128xi32, #tpu.memory_space<vmem>> -> memref<128xi32, #tpu.memory_space<vmem>>
      %dma_start3A_340 = arith.constant 0 : i32
      %dma_start3A_341 = arith.constant 0 : i32
      %dma_start3A_342 = tpu.memref_slice %arg12[%dma_start3A_340, %dma_start3A_341] : memref<100096x16xf32, #tpu.memory_space<vmem_shared>> -> memref<100096x16xf32, #tpu.memory_space<vmem_shared>>
      tpu.enqueue_indirect_dma source(%dma_start3A_336 : memref<128x16xf32, #tpu.memory_space<vmem>>) target(%dma_start3A_342 : memref<100096x16xf32, #tpu.memory_space<vmem_shared>>) offsets(%dma_start3A_339 : memref<128xi32, #tpu.memory_space<vmem>>) semaphore(%arg17 : memref<!tpu.dma_semaphore, #tpu.memory_space<semaphore_mem>>) {add = true}
      %dma_wait3A_343 = arith.constant 0 : i32
      %dma_wait3A_344 = arith.constant 0 : i32
      %dma_wait3A_345 = tpu.memref_slice %arg3[%dma_wait3A_343, %dma_wait3A_344] : memref<25352x128xi32, #tpu.memory_space<hbm>> -> memref<6x128xi32, #tpu.memory_space<hbm>>
      %dma_wait3A_346 = arith.constant 0 : i32
      %dma_wait3A_347 = arith.constant 0 : i32
      %dma_wait3A_348 = tpu.memref_slice %arg3[%dma_wait3A_346, %dma_wait3A_347] : memref<25352x128xi32, #tpu.memory_space<hbm>> -> memref<6x128xi32, #tpu.memory_space<hbm>>
      tpu.wait_dma2 semaphore(%arg14 : memref<!tpu.dma_semaphore, #tpu.memory_space<semaphore_mem>>) src(%dma_wait3A_348 : memref<6x128xi32, #tpu.memory_space<hbm>>) dst(%arg9 : memref<6x128xi32, #tpu.memory_space<vmem>>)
      %dma_wait3A_349 = arith.constant 0 : i32
      %dma_wait3A_350 = arith.constant 0 : i32
      %dma_wait3A_351 = tpu.memref_slice %arg4[%dma_wait3A_349, %dma_wait3A_350] : memref<25352x128xi32, #tpu.memory_space<hbm>> -> memref<6x128xi32, #tpu.memory_space<hbm>>
      %dma_wait3A_352 = arith.constant 0 : i32
      %dma_wait3A_353 = arith.constant 0 : i32
      %dma_wait3A_354 = tpu.memref_slice %arg4[%dma_wait3A_352, %dma_wait3A_353] : memref<25352x128xi32, #tpu.memory_space<hbm>> -> memref<6x128xi32, #tpu.memory_space<hbm>>
      tpu.wait_dma2 semaphore(%arg14 : memref<!tpu.dma_semaphore, #tpu.memory_space<semaphore_mem>>) src(%dma_wait3A_354 : memref<6x128xi32, #tpu.memory_space<hbm>>) dst(%arg10 : memref<6x128xi32, #tpu.memory_space<vmem>>)
      %dma_start3A_355 = arith.constant 0 : i32
      %dma_start3A_356 = arith.constant 0 : i32
      %dma_start3A_357 = arith.constant 0 : i32
      %dma_start3A_358 = tpu.memref_slice %arg11[%dma_start3A_356, %dma_start3A_357] : memref<768x16xf32, #tpu.memory_space<vmem>> -> memref<128x16xf32, #tpu.memory_space<vmem>>
      %dma_start3A_359 = arith.constant 0 : i32
      %dma_start3A_360 = tpu.memref_slice %arg9[%dma_start3A_355, %dma_start3A_359] : memref<6x128xi32, #tpu.memory_space<vmem>> -> memref<1x128xi32, #tpu.memory_space<vmem>>
      %dma_start3A_361 = tpu.memref_squeeze %dma_start3A_360 : memref<1x128xi32, #tpu.memory_space<vmem>> -> memref<128xi32, #tpu.memory_space<vmem>>
      %dma_start3A_362 = arith.constant 0 : i32
      %dma_start3A_363 = arith.constant 0 : i32
      %dma_start3A_364 = tpu.memref_slice %arg2[%dma_start3A_362, %dma_start3A_363] : memref<100000x16xf32, #tpu.memory_space<hbm>> -> memref<100000x16xf32, #tpu.memory_space<hbm>>
      tpu.enqueue_indirect_dma source(%dma_start3A_364 : memref<100000x16xf32, #tpu.memory_space<hbm>>) target(%dma_start3A_358 : memref<128x16xf32, #tpu.memory_space<vmem>>) offsets(%dma_start3A_361 : memref<128xi32, #tpu.memory_space<vmem>>) semaphore(%arg16 : memref<!tpu.dma_semaphore, #tpu.memory_space<semaphore_mem>>)
      %dma_start3A_365 = arith.constant 1 : i32
      %dma_start3A_366 = arith.constant 128 : i32
      %dma_start3A_367 = arith.constant 0 : i32
      %dma_start3A_368 = tpu.memref_slice %arg11[%dma_start3A_366, %dma_start3A_367] : memref<768x16xf32, #tpu.memory_space<vmem>> -> memref<128x16xf32, #tpu.memory_space<vmem>>
      %dma_start3A_369 = arith.constant 0 : i32
      %dma_start3A_370 = tpu.memref_slice %arg9[%dma_start3A_365, %dma_start3A_369] : memref<6x128xi32, #tpu.memory_space<vmem>> -> memref<1x128xi32, #tpu.memory_space<vmem>>
      %dma_start3A_371 = tpu.memref_squeeze %dma_start3A_370 : memref<1x128xi32, #tpu.memory_space<vmem>> -> memref<128xi32, #tpu.memory_space<vmem>>
      %dma_start3A_372 = arith.constant 0 : i32
      %dma_start3A_373 = arith.constant 0 : i32
      %dma_start3A_374 = tpu.memref_slice %arg2[%dma_start3A_372, %dma_start3A_373] : memref<100000x16xf32, #tpu.memory_space<hbm>> -> memref<100000x16xf32, #tpu.memory_space<hbm>>
      tpu.enqueue_indirect_dma source(%dma_start3A_374 : memref<100000x16xf32, #tpu.memory_space<hbm>>) target(%dma_start3A_368 : memref<128x16xf32, #tpu.memory_space<vmem>>) offsets(%dma_start3A_371 : memref<128xi32, #tpu.memory_space<vmem>>) semaphore(%arg16 : memref<!tpu.dma_semaphore, #tpu.memory_space<semaphore_mem>>)
      %dma_start3A_375 = arith.constant 2 : i32
      %dma_start3A_376 = arith.constant 256 : i32
      %dma_start3A_377 = arith.constant 0 : i32
      %dma_start3A_378 = tpu.memref_slice %arg11[%dma_start3A_376, %dma_start3A_377] : memref<768x16xf32, #tpu.memory_space<vmem>> -> memref<128x16xf32, #tpu.memory_space<vmem>>
      %dma_start3A_379 = arith.constant 0 : i32
      %dma_start3A_380 = tpu.memref_slice %arg9[%dma_start3A_375, %dma_start3A_379] : memref<6x128xi32, #tpu.memory_space<vmem>> -> memref<1x128xi32, #tpu.memory_space<vmem>>
      %dma_start3A_381 = tpu.memref_squeeze %dma_start3A_380 : memref<1x128xi32, #tpu.memory_space<vmem>> -> memref<128xi32, #tpu.memory_space<vmem>>
      %dma_start3A_382 = arith.constant 0 : i32
      %dma_start3A_383 = arith.constant 0 : i32
      %dma_start3A_384 = tpu.memref_slice %arg2[%dma_start3A_382, %dma_start3A_383] : memref<100000x16xf32, #tpu.memory_space<hbm>> -> memref<100000x16xf32, #tpu.memory_space<hbm>>
      tpu.enqueue_indirect_dma source(%dma_start3A_384 : memref<100000x16xf32, #tpu.memory_space<hbm>>) target(%dma_start3A_378 : memref<128x16xf32, #tpu.memory_space<vmem>>) offsets(%dma_start3A_381 : memref<128xi32, #tpu.memory_space<vmem>>) semaphore(%arg16 : memref<!tpu.dma_semaphore, #tpu.memory_space<semaphore_mem>>)
      %dma_start3A_385 = arith.constant 3 : i32
      %dma_start3A_386 = arith.constant 384 : i32
      %dma_start3A_387 = arith.constant 0 : i32
      %dma_start3A_388 = tpu.memref_slice %arg11[%dma_start3A_386, %dma_start3A_387] : memref<768x16xf32, #tpu.memory_space<vmem>> -> memref<128x16xf32, #tpu.memory_space<vmem>>
      %dma_start3A_389 = arith.constant 0 : i32
      %dma_start3A_390 = tpu.memref_slice %arg9[%dma_start3A_385, %dma_start3A_389] : memref<6x128xi32, #tpu.memory_space<vmem>> -> memref<1x128xi32, #tpu.memory_space<vmem>>
      %dma_start3A_391 = tpu.memref_squeeze %dma_start3A_390 : memref<1x128xi32, #tpu.memory_space<vmem>> -> memref<128xi32, #tpu.memory_space<vmem>>
      %dma_start3A_392 = arith.constant 0 : i32
      %dma_start3A_393 = arith.constant 0 : i32
      %dma_start3A_394 = tpu.memref_slice %arg2[%dma_start3A_392, %dma_start3A_393] : memref<100000x16xf32, #tpu.memory_space<hbm>> -> memref<100000x16xf32, #tpu.memory_space<hbm>>
      tpu.enqueue_indirect_dma source(%dma_start3A_394 : memref<100000x16xf32, #tpu.memory_space<hbm>>) target(%dma_start3A_388 : memref<128x16xf32, #tpu.memory_space<vmem>>) offsets(%dma_start3A_391 : memref<128xi32, #tpu.memory_space<vmem>>) semaphore(%arg16 : memref<!tpu.dma_semaphore, #tpu.memory_space<semaphore_mem>>)
      %dma_start3A_395 = arith.constant 4 : i32
      %dma_start3A_396 = arith.constant 512 : i32
      %dma_start3A_397 = arith.constant 0 : i32
      %dma_start3A_398 = tpu.memref_slice %arg11[%dma_start3A_396, %dma_start3A_397] : memref<768x16xf32, #tpu.memory_space<vmem>> -> memref<128x16xf32, #tpu.memory_space<vmem>>
      %dma_start3A_399 = arith.constant 0 : i32
      %dma_start3A_400 = tpu.memref_slice %arg9[%dma_start3A_395, %dma_start3A_399] : memref<6x128xi32, #tpu.memory_space<vmem>> -> memref<1x128xi32, #tpu.memory_space<vmem>>
      %dma_start3A_401 = tpu.memref_squeeze %dma_start3A_400 : memref<1x128xi32, #tpu.memory_space<vmem>> -> memref<128xi32, #tpu.memory_space<vmem>>
      %dma_start3A_402 = arith.constant 0 : i32
      %dma_start3A_403 = arith.constant 0 : i32
      %dma_start3A_404 = tpu.memref_slice %arg2[%dma_start3A_402, %dma_start3A_403] : memref<100000x16xf32, #tpu.memory_space<hbm>> -> memref<100000x16xf32, #tpu.memory_space<hbm>>
      tpu.enqueue_indirect_dma source(%dma_start3A_404 : memref<100000x16xf32, #tpu.memory_space<hbm>>) target(%dma_start3A_398 : memref<128x16xf32, #tpu.memory_space<vmem>>) offsets(%dma_start3A_401 : memref<128xi32, #tpu.memory_space<vmem>>) semaphore(%arg16 : memref<!tpu.dma_semaphore, #tpu.memory_space<semaphore_mem>>)
      %dma_start3A_405 = arith.constant 5 : i32
      %dma_start3A_406 = arith.constant 640 : i32
      %dma_start3A_407 = arith.constant 0 : i32
      %dma_start3A_408 = tpu.memref_slice %arg11[%dma_start3A_406, %dma_start3A_407] : memref<768x16xf32, #tpu.memory_space<vmem>> -> memref<128x16xf32, #tpu.memory_space<vmem>>
      %dma_start3A_409 = arith.constant 0 : i32
      %dma_start3A_410 = tpu.memref_slice %arg9[%dma_start3A_405, %dma_start3A_409] : memref<6x128xi32, #tpu.memory_space<vmem>> -> memref<1x128xi32, #tpu.memory_space<vmem>>
      %dma_start3A_411 = tpu.memref_squeeze %dma_start3A_410 : memref<1x128xi32, #tpu.memory_space<vmem>> -> memref<128xi32, #tpu.memory_space<vmem>>
      %dma_start3A_412 = arith.constant 0 : i32
      %dma_start3A_413 = arith.constant 0 : i32
      %dma_start3A_414 = tpu.memref_slice %arg2[%dma_start3A_412, %dma_start3A_413] : memref<100000x16xf32, #tpu.memory_space<hbm>> -> memref<100000x16xf32, #tpu.memory_space<hbm>>
      tpu.enqueue_indirect_dma source(%dma_start3A_414 : memref<100000x16xf32, #tpu.memory_space<hbm>>) target(%dma_start3A_408 : memref<128x16xf32, #tpu.memory_space<vmem>>) offsets(%dma_start3A_411 : memref<128xi32, #tpu.memory_space<vmem>>) semaphore(%arg16 : memref<!tpu.dma_semaphore, #tpu.memory_space<semaphore_mem>>)
      %dma_wait3A_415 = arith.constant 0 : i32
      %dma_wait3A_416 = arith.constant 0 : i32
      %dma_wait3A_417 = arith.constant 0 : i32
      %dma_wait3A_418 = tpu.memref_slice %arg11[%dma_wait3A_416, %dma_wait3A_417] : memref<768x16xf32, #tpu.memory_space<vmem>> -> memref<128x16xf32, #tpu.memory_space<vmem>>
      %dma_wait3A_419 = arith.constant 0 : i32
      %dma_wait3A_420 = tpu.memref_slice %arg9[%dma_wait3A_415, %dma_wait3A_419] : memref<6x128xi32, #tpu.memory_space<vmem>> -> memref<1x128xi32, #tpu.memory_space<vmem>>
      %dma_wait3A_421 = tpu.memref_squeeze %dma_wait3A_420 : memref<1x128xi32, #tpu.memory_space<vmem>> -> memref<128xi32, #tpu.memory_space<vmem>>
      %dma_wait3A_422 = arith.constant 0 : i32
      %dma_wait3A_423 = arith.constant 0 : i32
      %dma_wait3A_424 = tpu.memref_slice %arg2[%dma_wait3A_422, %dma_wait3A_423] : memref<100000x16xf32, #tpu.memory_space<hbm>> -> memref<100000x16xf32, #tpu.memory_space<hbm>>
      tpu.wait_indirect_dma semaphore(%arg16 : memref<!tpu.dma_semaphore, #tpu.memory_space<semaphore_mem>>) src(%dma_wait3A_424 : memref<100000x16xf32, #tpu.memory_space<hbm>>) dst(%dma_wait3A_418 : memref<128x16xf32, #tpu.memory_space<vmem>>)
      %dma_wait3A_425 = arith.constant 1 : i32
      %dma_wait3A_426 = arith.constant 128 : i32
      %dma_wait3A_427 = arith.constant 0 : i32
      %dma_wait3A_428 = tpu.memref_slice %arg11[%dma_wait3A_426, %dma_wait3A_427] : memref<768x16xf32, #tpu.memory_space<vmem>> -> memref<128x16xf32, #tpu.memory_space<vmem>>
      %dma_wait3A_429 = arith.constant 0 : i32
      %dma_wait3A_430 = tpu.memref_slice %arg9[%dma_wait3A_425, %dma_wait3A_429] : memref<6x128xi32, #tpu.memory_space<vmem>> -> memref<1x128xi32, #tpu.memory_space<vmem>>
      %dma_wait3A_431 = tpu.memref_squeeze %dma_wait3A_430 : memref<1x128xi32, #tpu.memory_space<vmem>> -> memref<128xi32, #tpu.memory_space<vmem>>
      %dma_wait3A_432 = arith.constant 0 : i32
      %dma_wait3A_433 = arith.constant 0 : i32
      %dma_wait3A_434 = tpu.memref_slice %arg2[%dma_wait3A_432, %dma_wait3A_433] : memref<100000x16xf32, #tpu.memory_space<hbm>> -> memref<100000x16xf32, #tpu.memory_space<hbm>>
      tpu.wait_indirect_dma semaphore(%arg16 : memref<!tpu.dma_semaphore, #tpu.memory_space<semaphore_mem>>) src(%dma_wait3A_434 : memref<100000x16xf32, #tpu.memory_space<hbm>>) dst(%dma_wait3A_428 : memref<128x16xf32, #tpu.memory_space<vmem>>)
      %dma_wait3A_435 = arith.constant 2 : i32
      %dma_wait3A_436 = arith.constant 256 : i32
      %dma_wait3A_437 = arith.constant 0 : i32
      %dma_wait3A_438 = tpu.memref_slice %arg11[%dma_wait3A_436, %dma_wait3A_437] : memref<768x16xf32, #tpu.memory_space<vmem>> -> memref<128x16xf32, #tpu.memory_space<vmem>>
      %dma_wait3A_439 = arith.constant 0 : i32
      %dma_wait3A_440 = tpu.memref_slice %arg9[%dma_wait3A_435, %dma_wait3A_439] : memref<6x128xi32, #tpu.memory_space<vmem>> -> memref<1x128xi32, #tpu.memory_space<vmem>>
      %dma_wait3A_441 = tpu.memref_squeeze %dma_wait3A_440 : memref<1x128xi32, #tpu.memory_space<vmem>> -> memref<128xi32, #tpu.memory_space<vmem>>
      %dma_wait3A_442 = arith.constant 0 : i32
      %dma_wait3A_443 = arith.constant 0 : i32
      %dma_wait3A_444 = tpu.memref_slice %arg2[%dma_wait3A_442, %dma_wait3A_443] : memref<100000x16xf32, #tpu.memory_space<hbm>> -> memref<100000x16xf32, #tpu.memory_space<hbm>>
      tpu.wait_indirect_dma semaphore(%arg16 : memref<!tpu.dma_semaphore, #tpu.memory_space<semaphore_mem>>) src(%dma_wait3A_444 : memref<100000x16xf32, #tpu.memory_space<hbm>>) dst(%dma_wait3A_438 : memref<128x16xf32, #tpu.memory_space<vmem>>)
      %dma_wait3A_445 = arith.constant 3 : i32
      %dma_wait3A_446 = arith.constant 384 : i32
      %dma_wait3A_447 = arith.constant 0 : i32
      %dma_wait3A_448 = tpu.memref_slice %arg11[%dma_wait3A_446, %dma_wait3A_447] : memref<768x16xf32, #tpu.memory_space<vmem>> -> memref<128x16xf32, #tpu.memory_space<vmem>>
      %dma_wait3A_449 = arith.constant 0 : i32
      %dma_wait3A_450 = tpu.memref_slice %arg9[%dma_wait3A_445, %dma_wait3A_449] : memref<6x128xi32, #tpu.memory_space<vmem>> -> memref<1x128xi32, #tpu.memory_space<vmem>>
      %dma_wait3A_451 = tpu.memref_squeeze %dma_wait3A_450 : memref<1x128xi32, #tpu.memory_space<vmem>> -> memref<128xi32, #tpu.memory_space<vmem>>
      %dma_wait3A_452 = arith.constant 0 : i32
      %dma_wait3A_453 = arith.constant 0 : i32
      %dma_wait3A_454 = tpu.memref_slice %arg2[%dma_wait3A_452, %dma_wait3A_453] : memref<100000x16xf32, #tpu.memory_space<hbm>> -> memref<100000x16xf32, #tpu.memory_space<hbm>>
      tpu.wait_indirect_dma semaphore(%arg16 : memref<!tpu.dma_semaphore, #tpu.memory_space<semaphore_mem>>) src(%dma_wait3A_454 : memref<100000x16xf32, #tpu.memory_space<hbm>>) dst(%dma_wait3A_448 : memref<128x16xf32, #tpu.memory_space<vmem>>)
      %dma_wait3A_455 = arith.constant 4 : i32
      %dma_wait3A_456 = arith.constant 512 : i32
      %dma_wait3A_457 = arith.constant 0 : i32
      %dma_wait3A_458 = tpu.memref_slice %arg11[%dma_wait3A_456, %dma_wait3A_457] : memref<768x16xf32, #tpu.memory_space<vmem>> -> memref<128x16xf32, #tpu.memory_space<vmem>>
      %dma_wait3A_459 = arith.constant 0 : i32
      %dma_wait3A_460 = tpu.memref_slice %arg9[%dma_wait3A_455, %dma_wait3A_459] : memref<6x128xi32, #tpu.memory_space<vmem>> -> memref<1x128xi32, #tpu.memory_space<vmem>>
      %dma_wait3A_461 = tpu.memref_squeeze %dma_wait3A_460 : memref<1x128xi32, #tpu.memory_space<vmem>> -> memref<128xi32, #tpu.memory_space<vmem>>
      %dma_wait3A_462 = arith.constant 0 : i32
      %dma_wait3A_463 = arith.constant 0 : i32
      %dma_wait3A_464 = tpu.memref_slice %arg2[%dma_wait3A_462, %dma_wait3A_463] : memref<100000x16xf32, #tpu.memory_space<hbm>> -> memref<100000x16xf32, #tpu.memory_space<hbm>>
      tpu.wait_indirect_dma semaphore(%arg16 : memref<!tpu.dma_semaphore, #tpu.memory_space<semaphore_mem>>) src(%dma_wait3A_464 : memref<100000x16xf32, #tpu.memory_space<hbm>>) dst(%dma_wait3A_458 : memref<128x16xf32, #tpu.memory_space<vmem>>)
      %dma_wait3A_465 = arith.constant 5 : i32
      %dma_wait3A_466 = arith.constant 640 : i32
      %dma_wait3A_467 = arith.constant 0 : i32
      %dma_wait3A_468 = tpu.memref_slice %arg11[%dma_wait3A_466, %dma_wait3A_467] : memref<768x16xf32, #tpu.memory_space<vmem>> -> memref<128x16xf32, #tpu.memory_space<vmem>>
      %dma_wait3A_469 = arith.constant 0 : i32
      %dma_wait3A_470 = tpu.memref_slice %arg9[%dma_wait3A_465, %dma_wait3A_469] : memref<6x128xi32, #tpu.memory_space<vmem>> -> memref<1x128xi32, #tpu.memory_space<vmem>>
      %dma_wait3A_471 = tpu.memref_squeeze %dma_wait3A_470 : memref<1x128xi32, #tpu.memory_space<vmem>> -> memref<128xi32, #tpu.memory_space<vmem>>
      %dma_wait3A_472 = arith.constant 0 : i32
      %dma_wait3A_473 = arith.constant 0 : i32
      %dma_wait3A_474 = tpu.memref_slice %arg2[%dma_wait3A_472, %dma_wait3A_473] : memref<100000x16xf32, #tpu.memory_space<hbm>> -> memref<100000x16xf32, #tpu.memory_space<hbm>>
      tpu.wait_indirect_dma semaphore(%arg16 : memref<!tpu.dma_semaphore, #tpu.memory_space<semaphore_mem>>) src(%dma_wait3A_474 : memref<100000x16xf32, #tpu.memory_space<hbm>>) dst(%dma_wait3A_468 : memref<128x16xf32, #tpu.memory_space<vmem>>)
      %dma_wait3A_475 = arith.constant 0 : i32
      %dma_wait3A_476 = arith.constant 0 : i32
      %dma_wait3A_477 = arith.constant 0 : i32
      %dma_wait3A_478 = tpu.memref_slice %arg8[%dma_wait3A_476, %dma_wait3A_477] : memref<768x16xf32, #tpu.memory_space<vmem>> -> memref<128x16xf32, #tpu.memory_space<vmem>>
      %dma_wait3A_479 = arith.constant 0 : i32
      %dma_wait3A_480 = tpu.memref_slice %arg7[%dma_wait3A_475, %dma_wait3A_479] : memref<6x128xi32, #tpu.memory_space<vmem>> -> memref<1x128xi32, #tpu.memory_space<vmem>>
      %dma_wait3A_481 = tpu.memref_squeeze %dma_wait3A_480 : memref<1x128xi32, #tpu.memory_space<vmem>> -> memref<128xi32, #tpu.memory_space<vmem>>
      %dma_wait3A_482 = arith.constant 0 : i32
      %dma_wait3A_483 = arith.constant 0 : i32
      %dma_wait3A_484 = tpu.memref_slice %arg12[%dma_wait3A_482, %dma_wait3A_483] : memref<100096x16xf32, #tpu.memory_space<vmem_shared>> -> memref<100096x16xf32, #tpu.memory_space<vmem_shared>>
      tpu.wait_indirect_dma semaphore(%arg17 : memref<!tpu.dma_semaphore, #tpu.memory_space<semaphore_mem>>) src(%dma_wait3A_478 : memref<128x16xf32, #tpu.memory_space<vmem>>) dst(%dma_wait3A_484 : memref<100096x16xf32, #tpu.memory_space<vmem_shared>>)
      %dma_wait3A_485 = arith.constant 1 : i32
      %dma_wait3A_486 = arith.constant 128 : i32
      %dma_wait3A_487 = arith.constant 0 : i32
      %dma_wait3A_488 = tpu.memref_slice %arg8[%dma_wait3A_486, %dma_wait3A_487] : memref<768x16xf32, #tpu.memory_space<vmem>> -> memref<128x16xf32, #tpu.memory_space<vmem>>
      %dma_wait3A_489 = arith.constant 0 : i32
      %dma_wait3A_490 = tpu.memref_slice %arg7[%dma_wait3A_485, %dma_wait3A_489] : memref<6x128xi32, #tpu.memory_space<vmem>> -> memref<1x128xi32, #tpu.memory_space<vmem>>
      %dma_wait3A_491 = tpu.memref_squeeze %dma_wait3A_490 : memref<1x128xi32, #tpu.memory_space<vmem>> -> memref<128xi32, #tpu.memory_space<vmem>>
      %dma_wait3A_492 = arith.constant 0 : i32
      %dma_wait3A_493 = arith.constant 0 : i32
      %dma_wait3A_494 = tpu.memref_slice %arg12[%dma_wait3A_492, %dma_wait3A_493] : memref<100096x16xf32, #tpu.memory_space<vmem_shared>> -> memref<100096x16xf32, #tpu.memory_space<vmem_shared>>
      tpu.wait_indirect_dma semaphore(%arg17 : memref<!tpu.dma_semaphore, #tpu.memory_space<semaphore_mem>>) src(%dma_wait3A_488 : memref<128x16xf32, #tpu.memory_space<vmem>>) dst(%dma_wait3A_494 : memref<100096x16xf32, #tpu.memory_space<vmem_shared>>)
      %dma_wait3A_495 = arith.constant 2 : i32
      %dma_wait3A_496 = arith.constant 256 : i32
      %dma_wait3A_497 = arith.constant 0 : i32
      %dma_wait3A_498 = tpu.memref_slice %arg8[%dma_wait3A_496, %dma_wait3A_497] : memref<768x16xf32, #tpu.memory_space<vmem>> -> memref<128x16xf32, #tpu.memory_space<vmem>>
      %dma_wait3A_499 = arith.constant 0 : i32
      %dma_wait3A_500 = tpu.memref_slice %arg7[%dma_wait3A_495, %dma_wait3A_499] : memref<6x128xi32, #tpu.memory_space<vmem>> -> memref<1x128xi32, #tpu.memory_space<vmem>>
      %dma_wait3A_501 = tpu.memref_squeeze %dma_wait3A_500 : memref<1x128xi32, #tpu.memory_space<vmem>> -> memref<128xi32, #tpu.memory_space<vmem>>
      %dma_wait3A_502 = arith.constant 0 : i32
      %dma_wait3A_503 = arith.constant 0 : i32
      %dma_wait3A_504 = tpu.memref_slice %arg12[%dma_wait3A_502, %dma_wait3A_503] : memref<100096x16xf32, #tpu.memory_space<vmem_shared>> -> memref<100096x16xf32, #tpu.memory_space<vmem_shared>>
      tpu.wait_indirect_dma semaphore(%arg17 : memref<!tpu.dma_semaphore, #tpu.memory_space<semaphore_mem>>) src(%dma_wait3A_498 : memref<128x16xf32, #tpu.memory_space<vmem>>) dst(%dma_wait3A_504 : memref<100096x16xf32, #tpu.memory_space<vmem_shared>>)
      %dma_wait3A_505 = arith.constant 3 : i32
      %dma_wait3A_506 = arith.constant 384 : i32
      %dma_wait3A_507 = arith.constant 0 : i32
      %dma_wait3A_508 = tpu.memref_slice %arg8[%dma_wait3A_506, %dma_wait3A_507] : memref<768x16xf32, #tpu.memory_space<vmem>> -> memref<128x16xf32, #tpu.memory_space<vmem>>
      %dma_wait3A_509 = arith.constant 0 : i32
      %dma_wait3A_510 = tpu.memref_slice %arg7[%dma_wait3A_505, %dma_wait3A_509] : memref<6x128xi32, #tpu.memory_space<vmem>> -> memref<1x128xi32, #tpu.memory_space<vmem>>
      %dma_wait3A_511 = tpu.memref_squeeze %dma_wait3A_510 : memref<1x128xi32, #tpu.memory_space<vmem>> -> memref<128xi32, #tpu.memory_space<vmem>>
      %dma_wait3A_512 = arith.constant 0 : i32
      %dma_wait3A_513 = arith.constant 0 : i32
      %dma_wait3A_514 = tpu.memref_slice %arg12[%dma_wait3A_512, %dma_wait3A_513] : memref<100096x16xf32, #tpu.memory_space<vmem_shared>> -> memref<100096x16xf32, #tpu.memory_space<vmem_shared>>
      tpu.wait_indirect_dma semaphore(%arg17 : memref<!tpu.dma_semaphore, #tpu.memory_space<semaphore_mem>>) src(%dma_wait3A_508 : memref<128x16xf32, #tpu.memory_space<vmem>>) dst(%dma_wait3A_514 : memref<100096x16xf32, #tpu.memory_space<vmem_shared>>)
      %dma_wait3A_515 = arith.constant 4 : i32
      %dma_wait3A_516 = arith.constant 512 : i32
      %dma_wait3A_517 = arith.constant 0 : i32
      %dma_wait3A_518 = tpu.memref_slice %arg8[%dma_wait3A_516, %dma_wait3A_517] : memref<768x16xf32, #tpu.memory_space<vmem>> -> memref<128x16xf32, #tpu.memory_space<vmem>>
      %dma_wait3A_519 = arith.constant 0 : i32
      %dma_wait3A_520 = tpu.memref_slice %arg7[%dma_wait3A_515, %dma_wait3A_519] : memref<6x128xi32, #tpu.memory_space<vmem>> -> memref<1x128xi32, #tpu.memory_space<vmem>>
      %dma_wait3A_521 = tpu.memref_squeeze %dma_wait3A_520 : memref<1x128xi32, #tpu.memory_space<vmem>> -> memref<128xi32, #tpu.memory_space<vmem>>
      %dma_wait3A_522 = arith.constant 0 : i32
      %dma_wait3A_523 = arith.constant 0 : i32
      %dma_wait3A_524 = tpu.memref_slice %arg12[%dma_wait3A_522, %dma_wait3A_523] : memref<100096x16xf32, #tpu.memory_space<vmem_shared>> -> memref<100096x16xf32, #tpu.memory_space<vmem_shared>>
      tpu.wait_indirect_dma semaphore(%arg17 : memref<!tpu.dma_semaphore, #tpu.memory_space<semaphore_mem>>) src(%dma_wait3A_518 : memref<128x16xf32, #tpu.memory_space<vmem>>) dst(%dma_wait3A_524 : memref<100096x16xf32, #tpu.memory_space<vmem_shared>>)
      %dma_wait3A_525 = arith.constant 5 : i32
      %dma_wait3A_526 = arith.constant 640 : i32
      %dma_wait3A_527 = arith.constant 0 : i32
      %dma_wait3A_528 = tpu.memref_slice %arg8[%dma_wait3A_526, %dma_wait3A_527] : memref<768x16xf32, #tpu.memory_space<vmem>> -> memref<128x16xf32, #tpu.memory_space<vmem>>
      %dma_wait3A_529 = arith.constant 0 : i32
      %dma_wait3A_530 = tpu.memref_slice %arg7[%dma_wait3A_525, %dma_wait3A_529] : memref<6x128xi32, #tpu.memory_space<vmem>> -> memref<1x128xi32, #tpu.memory_space<vmem>>
      %dma_wait3A_531 = tpu.memref_squeeze %dma_wait3A_530 : memref<1x128xi32, #tpu.memory_space<vmem>> -> memref<128xi32, #tpu.memory_space<vmem>>
      %dma_wait3A_532 = arith.constant 0 : i32
      %dma_wait3A_533 = arith.constant 0 : i32
      %dma_wait3A_534 = tpu.memref_slice %arg12[%dma_wait3A_532, %dma_wait3A_533] : memref<100096x16xf32, #tpu.memory_space<vmem_shared>> -> memref<100096x16xf32, #tpu.memory_space<vmem_shared>>
      tpu.wait_indirect_dma semaphore(%arg17 : memref<!tpu.dma_semaphore, #tpu.memory_space<semaphore_mem>>) src(%dma_wait3A_528 : memref<128x16xf32, #tpu.memory_space<vmem>>) dst(%dma_wait3A_534 : memref<100096x16xf32, #tpu.memory_space<vmem_shared>>)
      %add3A_535 = arith.constant 2 : i32
      %add3A_536 = arith.addi %mul3A_135, %add3A_535 : i32
      %mul3A_537 = arith.constant 6 : i32
      %mul3A_538 = arith.muli %add3A_536, %mul3A_537 : i32
      %add3A_539 = arith.addi %select_n3A, %mul3A_538 : i32
      %dma_start3A_540 = arith.constant 0 : i32
      %dma_start3A_541 = tpu.memref_slice %arg3[%add3A_539, %dma_start3A_540] : memref<25352x128xi32, #tpu.memory_space<hbm>> -> memref<6x128xi32, #tpu.memory_space<hbm>>
      %dma_start3A_542 = arith.constant 0 : i32
      %dma_start3A_543 = tpu.memref_slice %arg3[%add3A_539, %dma_start3A_542] : memref<25352x128xi32, #tpu.memory_space<hbm>> -> memref<6x128xi32, #tpu.memory_space<hbm>>
      tpu.enqueue_dma source(%dma_start3A_543 : memref<6x128xi32, #tpu.memory_space<hbm>>) target(%arg6 : memref<6x128xi32, #tpu.memory_space<vmem>>) target_semaphore(%arg13 : memref<!tpu.dma_semaphore, #tpu.memory_space<semaphore_mem>>)
      %dma_start3A_544 = arith.constant 0 : i32
      %dma_start3A_545 = tpu.memref_slice %arg4[%add3A_539, %dma_start3A_544] : memref<25352x128xi32, #tpu.memory_space<hbm>> -> memref<6x128xi32, #tpu.memory_space<hbm>>
      %dma_start3A_546 = arith.constant 0 : i32
      %dma_start3A_547 = tpu.memref_slice %arg4[%add3A_539, %dma_start3A_546] : memref<25352x128xi32, #tpu.memory_space<hbm>> -> memref<6x128xi32, #tpu.memory_space<hbm>>
      tpu.enqueue_dma source(%dma_start3A_547 : memref<6x128xi32, #tpu.memory_space<hbm>>) target(%arg7 : memref<6x128xi32, #tpu.memory_space<vmem>>) target_semaphore(%arg13 : memref<!tpu.dma_semaphore, #tpu.memory_space<semaphore_mem>>)
      %dma_start3A_548 = arith.constant 0 : i32
      %dma_start3A_549 = arith.constant 0 : i32
      %dma_start3A_550 = arith.constant 0 : i32
      %dma_start3A_551 = tpu.memref_slice %arg11[%dma_start3A_549, %dma_start3A_550] : memref<768x16xf32, #tpu.memory_space<vmem>> -> memref<128x16xf32, #tpu.memory_space<vmem>>
      %dma_start3A_552 = arith.constant 0 : i32
      %dma_start3A_553 = tpu.memref_slice %arg10[%dma_start3A_548, %dma_start3A_552] : memref<6x128xi32, #tpu.memory_space<vmem>> -> memref<1x128xi32, #tpu.memory_space<vmem>>
      %dma_start3A_554 = tpu.memref_squeeze %dma_start3A_553 : memref<1x128xi32, #tpu.memory_space<vmem>> -> memref<128xi32, #tpu.memory_space<vmem>>
      %dma_start3A_555 = arith.constant 0 : i32
      %dma_start3A_556 = arith.constant 0 : i32
      %dma_start3A_557 = tpu.memref_slice %arg12[%dma_start3A_555, %dma_start3A_556] : memref<100096x16xf32, #tpu.memory_space<vmem_shared>> -> memref<100096x16xf32, #tpu.memory_space<vmem_shared>>
      tpu.enqueue_indirect_dma source(%dma_start3A_551 : memref<128x16xf32, #tpu.memory_space<vmem>>) target(%dma_start3A_557 : memref<100096x16xf32, #tpu.memory_space<vmem_shared>>) offsets(%dma_start3A_554 : memref<128xi32, #tpu.memory_space<vmem>>) semaphore(%arg18 : memref<!tpu.dma_semaphore, #tpu.memory_space<semaphore_mem>>) {add = true}
      %dma_start3A_558 = arith.constant 1 : i32
      %dma_start3A_559 = arith.constant 128 : i32
      %dma_start3A_560 = arith.constant 0 : i32
      %dma_start3A_561 = tpu.memref_slice %arg11[%dma_start3A_559, %dma_start3A_560] : memref<768x16xf32, #tpu.memory_space<vmem>> -> memref<128x16xf32, #tpu.memory_space<vmem>>
      %dma_start3A_562 = arith.constant 0 : i32
      %dma_start3A_563 = tpu.memref_slice %arg10[%dma_start3A_558, %dma_start3A_562] : memref<6x128xi32, #tpu.memory_space<vmem>> -> memref<1x128xi32, #tpu.memory_space<vmem>>
      %dma_start3A_564 = tpu.memref_squeeze %dma_start3A_563 : memref<1x128xi32, #tpu.memory_space<vmem>> -> memref<128xi32, #tpu.memory_space<vmem>>
      %dma_start3A_565 = arith.constant 0 : i32
      %dma_start3A_566 = arith.constant 0 : i32
      %dma_start3A_567 = tpu.memref_slice %arg12[%dma_start3A_565, %dma_start3A_566] : memref<100096x16xf32, #tpu.memory_space<vmem_shared>> -> memref<100096x16xf32, #tpu.memory_space<vmem_shared>>
      tpu.enqueue_indirect_dma source(%dma_start3A_561 : memref<128x16xf32, #tpu.memory_space<vmem>>) target(%dma_start3A_567 : memref<100096x16xf32, #tpu.memory_space<vmem_shared>>) offsets(%dma_start3A_564 : memref<128xi32, #tpu.memory_space<vmem>>) semaphore(%arg18 : memref<!tpu.dma_semaphore, #tpu.memory_space<semaphore_mem>>) {add = true}
      %dma_start3A_568 = arith.constant 2 : i32
      %dma_start3A_569 = arith.constant 256 : i32
      %dma_start3A_570 = arith.constant 0 : i32
      %dma_start3A_571 = tpu.memref_slice %arg11[%dma_start3A_569, %dma_start3A_570] : memref<768x16xf32, #tpu.memory_space<vmem>> -> memref<128x16xf32, #tpu.memory_space<vmem>>
      %dma_start3A_572 = arith.constant 0 : i32
      %dma_start3A_573 = tpu.memref_slice %arg10[%dma_start3A_568, %dma_start3A_572] : memref<6x128xi32, #tpu.memory_space<vmem>> -> memref<1x128xi32, #tpu.memory_space<vmem>>
      %dma_start3A_574 = tpu.memref_squeeze %dma_start3A_573 : memref<1x128xi32, #tpu.memory_space<vmem>> -> memref<128xi32, #tpu.memory_space<vmem>>
      %dma_start3A_575 = arith.constant 0 : i32
      %dma_start3A_576 = arith.constant 0 : i32
      %dma_start3A_577 = tpu.memref_slice %arg12[%dma_start3A_575, %dma_start3A_576] : memref<100096x16xf32, #tpu.memory_space<vmem_shared>> -> memref<100096x16xf32, #tpu.memory_space<vmem_shared>>
      tpu.enqueue_indirect_dma source(%dma_start3A_571 : memref<128x16xf32, #tpu.memory_space<vmem>>) target(%dma_start3A_577 : memref<100096x16xf32, #tpu.memory_space<vmem_shared>>) offsets(%dma_start3A_574 : memref<128xi32, #tpu.memory_space<vmem>>) semaphore(%arg18 : memref<!tpu.dma_semaphore, #tpu.memory_space<semaphore_mem>>) {add = true}
      %dma_start3A_578 = arith.constant 3 : i32
      %dma_start3A_579 = arith.constant 384 : i32
      %dma_start3A_580 = arith.constant 0 : i32
      %dma_start3A_581 = tpu.memref_slice %arg11[%dma_start3A_579, %dma_start3A_580] : memref<768x16xf32, #tpu.memory_space<vmem>> -> memref<128x16xf32, #tpu.memory_space<vmem>>
      %dma_start3A_582 = arith.constant 0 : i32
      %dma_start3A_583 = tpu.memref_slice %arg10[%dma_start3A_578, %dma_start3A_582] : memref<6x128xi32, #tpu.memory_space<vmem>> -> memref<1x128xi32, #tpu.memory_space<vmem>>
      %dma_start3A_584 = tpu.memref_squeeze %dma_start3A_583 : memref<1x128xi32, #tpu.memory_space<vmem>> -> memref<128xi32, #tpu.memory_space<vmem>>
      %dma_start3A_585 = arith.constant 0 : i32
      %dma_start3A_586 = arith.constant 0 : i32
      %dma_start3A_587 = tpu.memref_slice %arg12[%dma_start3A_585, %dma_start3A_586] : memref<100096x16xf32, #tpu.memory_space<vmem_shared>> -> memref<100096x16xf32, #tpu.memory_space<vmem_shared>>
      tpu.enqueue_indirect_dma source(%dma_start3A_581 : memref<128x16xf32, #tpu.memory_space<vmem>>) target(%dma_start3A_587 : memref<100096x16xf32, #tpu.memory_space<vmem_shared>>) offsets(%dma_start3A_584 : memref<128xi32, #tpu.memory_space<vmem>>) semaphore(%arg18 : memref<!tpu.dma_semaphore, #tpu.memory_space<semaphore_mem>>) {add = true}
      %dma_start3A_588 = arith.constant 4 : i32
      %dma_start3A_589 = arith.constant 512 : i32
      %dma_start3A_590 = arith.constant 0 : i32
      %dma_start3A_591 = tpu.memref_slice %arg11[%dma_start3A_589, %dma_start3A_590] : memref<768x16xf32, #tpu.memory_space<vmem>> -> memref<128x16xf32, #tpu.memory_space<vmem>>
      %dma_start3A_592 = arith.constant 0 : i32
      %dma_start3A_593 = tpu.memref_slice %arg10[%dma_start3A_588, %dma_start3A_592] : memref<6x128xi32, #tpu.memory_space<vmem>> -> memref<1x128xi32, #tpu.memory_space<vmem>>
      %dma_start3A_594 = tpu.memref_squeeze %dma_start3A_593 : memref<1x128xi32, #tpu.memory_space<vmem>> -> memref<128xi32, #tpu.memory_space<vmem>>
      %dma_start3A_595 = arith.constant 0 : i32
      %dma_start3A_596 = arith.constant 0 : i32
      %dma_start3A_597 = tpu.memref_slice %arg12[%dma_start3A_595, %dma_start3A_596] : memref<100096x16xf32, #tpu.memory_space<vmem_shared>> -> memref<100096x16xf32, #tpu.memory_space<vmem_shared>>
      tpu.enqueue_indirect_dma source(%dma_start3A_591 : memref<128x16xf32, #tpu.memory_space<vmem>>) target(%dma_start3A_597 : memref<100096x16xf32, #tpu.memory_space<vmem_shared>>) offsets(%dma_start3A_594 : memref<128xi32, #tpu.memory_space<vmem>>) semaphore(%arg18 : memref<!tpu.dma_semaphore, #tpu.memory_space<semaphore_mem>>) {add = true}
      %dma_start3A_598 = arith.constant 5 : i32
      %dma_start3A_599 = arith.constant 640 : i32
      %dma_start3A_600 = arith.constant 0 : i32
      %dma_start3A_601 = tpu.memref_slice %arg11[%dma_start3A_599, %dma_start3A_600] : memref<768x16xf32, #tpu.memory_space<vmem>> -> memref<128x16xf32, #tpu.memory_space<vmem>>
      %dma_start3A_602 = arith.constant 0 : i32
      %dma_start3A_603 = tpu.memref_slice %arg10[%dma_start3A_598, %dma_start3A_602] : memref<6x128xi32, #tpu.memory_space<vmem>> -> memref<1x128xi32, #tpu.memory_space<vmem>>
      %dma_start3A_604 = tpu.memref_squeeze %dma_start3A_603 : memref<1x128xi32, #tpu.memory_space<vmem>> -> memref<128xi32, #tpu.memory_space<vmem>>
      %dma_start3A_605 = arith.constant 0 : i32
      %dma_start3A_606 = arith.constant 0 : i32
      %dma_start3A_607 = tpu.memref_slice %arg12[%dma_start3A_605, %dma_start3A_606] : memref<100096x16xf32, #tpu.memory_space<vmem_shared>> -> memref<100096x16xf32, #tpu.memory_space<vmem_shared>>
      tpu.enqueue_indirect_dma source(%dma_start3A_601 : memref<128x16xf32, #tpu.memory_space<vmem>>) target(%dma_start3A_607 : memref<100096x16xf32, #tpu.memory_space<vmem_shared>>) offsets(%dma_start3A_604 : memref<128xi32, #tpu.memory_space<vmem>>) semaphore(%arg18 : memref<!tpu.dma_semaphore, #tpu.memory_space<semaphore_mem>>) {add = true}
    }
    %while3A_56 = arith.constant 1 : i32
    scf.for %while3A_131 = %while3A_54 to %while3A_50 step %while3A_56  : i32 {
      %mul3A_132 = arith.muli %while3A_131, %while3A : i32
      %add3A_133 = arith.addi %while3A_47, %mul3A_132 : i32
      %mul3A_134 = arith.constant 2 : i32
      %mul3A_135 = arith.muli %add3A_133, %mul3A_134 : i32
      %dma_wait3A_136 = arith.constant 0 : i32
      %dma_wait3A_137 = arith.constant 0 : i32
      %dma_wait3A_138 = tpu.memref_slice %arg3[%dma_wait3A_136, %dma_wait3A_137] : memref<25352x128xi32, #tpu.memory_space<hbm>> -> memref<6x128xi32, #tpu.memory_space<hbm>>
      %dma_wait3A_139 = arith.constant 0 : i32
      %dma_wait3A_140 = arith.constant 0 : i32
      %dma_wait3A_141 = tpu.memref_slice %arg3[%dma_wait3A_139, %dma_wait3A_140] : memref<25352x128xi32, #tpu.memory_space<hbm>> -> memref<6x128xi32, #tpu.memory_space<hbm>>
      tpu.wait_dma2 semaphore(%arg13 : memref<!tpu.dma_semaphore, #tpu.memory_space<semaphore_mem>>) src(%dma_wait3A_141 : memref<6x128xi32, #tpu.memory_space<hbm>>) dst(%arg6 : memref<6x128xi32, #tpu.memory_space<vmem>>)
      %dma_wait3A_142 = arith.constant 0 : i32
      %dma_wait3A_143 = arith.constant 0 : i32
      %dma_wait3A_144 = tpu.memref_slice %arg4[%dma_wait3A_142, %dma_wait3A_143] : memref<25352x128xi32, #tpu.memory_space<hbm>> -> memref<6x128xi32, #tpu.memory_space<hbm>>
      %dma_wait3A_145 = arith.constant 0 : i32
      %dma_wait3A_146 = arith.constant 0 : i32
      %dma_wait3A_147 = tpu.memref_slice %arg4[%dma_wait3A_145, %dma_wait3A_146] : memref<25352x128xi32, #tpu.memory_space<hbm>> -> memref<6x128xi32, #tpu.memory_space<hbm>>
      tpu.wait_dma2 semaphore(%arg13 : memref<!tpu.dma_semaphore, #tpu.memory_space<semaphore_mem>>) src(%dma_wait3A_147 : memref<6x128xi32, #tpu.memory_space<hbm>>) dst(%arg7 : memref<6x128xi32, #tpu.memory_space<vmem>>)
      %dma_start3A_148 = arith.constant 0 : i32
      %dma_start3A_149 = arith.constant 0 : i32
      %dma_start3A_150 = arith.constant 0 : i32
      %dma_start3A_151 = tpu.memref_slice %arg8[%dma_start3A_149, %dma_start3A_150] : memref<768x16xf32, #tpu.memory_space<vmem>> -> memref<128x16xf32, #tpu.memory_space<vmem>>
      %dma_start3A_152 = arith.constant 0 : i32
      %dma_start3A_153 = tpu.memref_slice %arg6[%dma_start3A_148, %dma_start3A_152] : memref<6x128xi32, #tpu.memory_space<vmem>> -> memref<1x128xi32, #tpu.memory_space<vmem>>
      %dma_start3A_154 = tpu.memref_squeeze %dma_start3A_153 : memref<1x128xi32, #tpu.memory_space<vmem>> -> memref<128xi32, #tpu.memory_space<vmem>>
      %dma_start3A_155 = arith.constant 0 : i32
      %dma_start3A_156 = arith.constant 0 : i32
      %dma_start3A_157 = tpu.memref_slice %arg2[%dma_start3A_155, %dma_start3A_156] : memref<100000x16xf32, #tpu.memory_space<hbm>> -> memref<100000x16xf32, #tpu.memory_space<hbm>>
      tpu.enqueue_indirect_dma source(%dma_start3A_157 : memref<100000x16xf32, #tpu.memory_space<hbm>>) target(%dma_start3A_151 : memref<128x16xf32, #tpu.memory_space<vmem>>) offsets(%dma_start3A_154 : memref<128xi32, #tpu.memory_space<vmem>>) semaphore(%arg15 : memref<!tpu.dma_semaphore, #tpu.memory_space<semaphore_mem>>)
      %dma_start3A_158 = arith.constant 1 : i32
      %dma_start3A_159 = arith.constant 128 : i32
      %dma_start3A_160 = arith.constant 0 : i32
      %dma_start3A_161 = tpu.memref_slice %arg8[%dma_start3A_159, %dma_start3A_160] : memref<768x16xf32, #tpu.memory_space<vmem>> -> memref<128x16xf32, #tpu.memory_space<vmem>>
      %dma_start3A_162 = arith.constant 0 : i32
      %dma_start3A_163 = tpu.memref_slice %arg6[%dma_start3A_158, %dma_start3A_162] : memref<6x128xi32, #tpu.memory_space<vmem>> -> memref<1x128xi32, #tpu.memory_space<vmem>>
      %dma_start3A_164 = tpu.memref_squeeze %dma_start3A_163 : memref<1x128xi32, #tpu.memory_space<vmem>> -> memref<128xi32, #tpu.memory_space<vmem>>
      %dma_start3A_165 = arith.constant 0 : i32
      %dma_start3A_166 = arith.constant 0 : i32
      %dma_start3A_167 = tpu.memref_slice %arg2[%dma_start3A_165, %dma_start3A_166] : memref<100000x16xf32, #tpu.memory_space<hbm>> -> memref<100000x16xf32, #tpu.memory_space<hbm>>
      tpu.enqueue_indirect_dma source(%dma_start3A_167 : memref<100000x16xf32, #tpu.memory_space<hbm>>) target(%dma_start3A_161 : memref<128x16xf32, #tpu.memory_space<vmem>>) offsets(%dma_start3A_164 : memref<128xi32, #tpu.memory_space<vmem>>) semaphore(%arg15 : memref<!tpu.dma_semaphore, #tpu.memory_space<semaphore_mem>>)
      %dma_start3A_168 = arith.constant 2 : i32
      %dma_start3A_169 = arith.constant 256 : i32
      %dma_start3A_170 = arith.constant 0 : i32
      %dma_start3A_171 = tpu.memref_slice %arg8[%dma_start3A_169, %dma_start3A_170] : memref<768x16xf32, #tpu.memory_space<vmem>> -> memref<128x16xf32, #tpu.memory_space<vmem>>
      %dma_start3A_172 = arith.constant 0 : i32
      %dma_start3A_173 = tpu.memref_slice %arg6[%dma_start3A_168, %dma_start3A_172] : memref<6x128xi32, #tpu.memory_space<vmem>> -> memref<1x128xi32, #tpu.memory_space<vmem>>
      %dma_start3A_174 = tpu.memref_squeeze %dma_start3A_173 : memref<1x128xi32, #tpu.memory_space<vmem>> -> memref<128xi32, #tpu.memory_space<vmem>>
      %dma_start3A_175 = arith.constant 0 : i32
      %dma_start3A_176 = arith.constant 0 : i32
      %dma_start3A_177 = tpu.memref_slice %arg2[%dma_start3A_175, %dma_start3A_176] : memref<100000x16xf32, #tpu.memory_space<hbm>> -> memref<100000x16xf32, #tpu.memory_space<hbm>>
      tpu.enqueue_indirect_dma source(%dma_start3A_177 : memref<100000x16xf32, #tpu.memory_space<hbm>>) target(%dma_start3A_171 : memref<128x16xf32, #tpu.memory_space<vmem>>) offsets(%dma_start3A_174 : memref<128xi32, #tpu.memory_space<vmem>>) semaphore(%arg15 : memref<!tpu.dma_semaphore, #tpu.memory_space<semaphore_mem>>)
      %dma_start3A_178 = arith.constant 3 : i32
      %dma_start3A_179 = arith.constant 384 : i32
      %dma_start3A_180 = arith.constant 0 : i32
      %dma_start3A_181 = tpu.memref_slice %arg8[%dma_start3A_179, %dma_start3A_180] : memref<768x16xf32, #tpu.memory_space<vmem>> -> memref<128x16xf32, #tpu.memory_space<vmem>>
      %dma_start3A_182 = arith.constant 0 : i32
      %dma_start3A_183 = tpu.memref_slice %arg6[%dma_start3A_178, %dma_start3A_182] : memref<6x128xi32, #tpu.memory_space<vmem>> -> memref<1x128xi32, #tpu.memory_space<vmem>>
      %dma_start3A_184 = tpu.memref_squeeze %dma_start3A_183 : memref<1x128xi32, #tpu.memory_space<vmem>> -> memref<128xi32, #tpu.memory_space<vmem>>
      %dma_start3A_185 = arith.constant 0 : i32
      %dma_start3A_186 = arith.constant 0 : i32
      %dma_start3A_187 = tpu.memref_slice %arg2[%dma_start3A_185, %dma_start3A_186] : memref<100000x16xf32, #tpu.memory_space<hbm>> -> memref<100000x16xf32, #tpu.memory_space<hbm>>
      tpu.enqueue_indirect_dma source(%dma_start3A_187 : memref<100000x16xf32, #tpu.memory_space<hbm>>) target(%dma_start3A_181 : memref<128x16xf32, #tpu.memory_space<vmem>>) offsets(%dma_start3A_184 : memref<128xi32, #tpu.memory_space<vmem>>) semaphore(%arg15 : memref<!tpu.dma_semaphore, #tpu.memory_space<semaphore_mem>>)
      %dma_start3A_188 = arith.constant 4 : i32
      %dma_start3A_189 = arith.constant 512 : i32
      %dma_start3A_190 = arith.constant 0 : i32
      %dma_start3A_191 = tpu.memref_slice %arg8[%dma_start3A_189, %dma_start3A_190] : memref<768x16xf32, #tpu.memory_space<vmem>> -> memref<128x16xf32, #tpu.memory_space<vmem>>
      %dma_start3A_192 = arith.constant 0 : i32
      %dma_start3A_193 = tpu.memref_slice %arg6[%dma_start3A_188, %dma_start3A_192] : memref<6x128xi32, #tpu.memory_space<vmem>> -> memref<1x128xi32, #tpu.memory_space<vmem>>
      %dma_start3A_194 = tpu.memref_squeeze %dma_start3A_193 : memref<1x128xi32, #tpu.memory_space<vmem>> -> memref<128xi32, #tpu.memory_space<vmem>>
      %dma_start3A_195 = arith.constant 0 : i32
      %dma_start3A_196 = arith.constant 0 : i32
      %dma_start3A_197 = tpu.memref_slice %arg2[%dma_start3A_195, %dma_start3A_196] : memref<100000x16xf32, #tpu.memory_space<hbm>> -> memref<100000x16xf32, #tpu.memory_space<hbm>>
      tpu.enqueue_indirect_dma source(%dma_start3A_197 : memref<100000x16xf32, #tpu.memory_space<hbm>>) target(%dma_start3A_191 : memref<128x16xf32, #tpu.memory_space<vmem>>) offsets(%dma_start3A_194 : memref<128xi32, #tpu.memory_space<vmem>>) semaphore(%arg15 : memref<!tpu.dma_semaphore, #tpu.memory_space<semaphore_mem>>)
      %dma_start3A_198 = arith.constant 5 : i32
      %dma_start3A_199 = arith.constant 640 : i32
      %dma_start3A_200 = arith.constant 0 : i32
      %dma_start3A_201 = tpu.memref_slice %arg8[%dma_start3A_199, %dma_start3A_200] : memref<768x16xf32, #tpu.memory_space<vmem>> -> memref<128x16xf32, #tpu.memory_space<vmem>>
      %dma_start3A_202 = arith.constant 0 : i32
      %dma_start3A_203 = tpu.memref_slice %arg6[%dma_start3A_198, %dma_start3A_202] : memref<6x128xi32, #tpu.memory_space<vmem>> -> memref<1x128xi32, #tpu.memory_space<vmem>>
      %dma_start3A_204 = tpu.memref_squeeze %dma_start3A_203 : memref<1x128xi32, #tpu.memory_space<vmem>> -> memref<128xi32, #tpu.memory_space<vmem>>
      %dma_start3A_205 = arith.constant 0 : i32
      %dma_start3A_206 = arith.constant 0 : i32
      %dma_start3A_207 = tpu.memref_slice %arg2[%dma_start3A_205, %dma_start3A_206] : memref<100000x16xf32, #tpu.memory_space<hbm>> -> memref<100000x16xf32, #tpu.memory_space<hbm>>
      tpu.enqueue_indirect_dma source(%dma_start3A_207 : memref<100000x16xf32, #tpu.memory_space<hbm>>) target(%dma_start3A_201 : memref<128x16xf32, #tpu.memory_space<vmem>>) offsets(%dma_start3A_204 : memref<128xi32, #tpu.memory_space<vmem>>) semaphore(%arg15 : memref<!tpu.dma_semaphore, #tpu.memory_space<semaphore_mem>>)
      %dma_wait3A_208 = arith.constant 0 : i32
      %dma_wait3A_209 = arith.constant 0 : i32
      %dma_wait3A_210 = arith.constant 0 : i32
      %dma_wait3A_211 = tpu.memref_slice %arg8[%dma_wait3A_209, %dma_wait3A_210] : memref<768x16xf32, #tpu.memory_space<vmem>> -> memref<128x16xf32, #tpu.memory_space<vmem>>
      %dma_wait3A_212 = arith.constant 0 : i32
      %dma_wait3A_213 = tpu.memref_slice %arg6[%dma_wait3A_208, %dma_wait3A_212] : memref<6x128xi32, #tpu.memory_space<vmem>> -> memref<1x128xi32, #tpu.memory_space<vmem>>
      %dma_wait3A_214 = tpu.memref_squeeze %dma_wait3A_213 : memref<1x128xi32, #tpu.memory_space<vmem>> -> memref<128xi32, #tpu.memory_space<vmem>>
      %dma_wait3A_215 = arith.constant 0 : i32
      %dma_wait3A_216 = arith.constant 0 : i32
      %dma_wait3A_217 = tpu.memref_slice %arg2[%dma_wait3A_215, %dma_wait3A_216] : memref<100000x16xf32, #tpu.memory_space<hbm>> -> memref<100000x16xf32, #tpu.memory_space<hbm>>
      tpu.wait_indirect_dma semaphore(%arg15 : memref<!tpu.dma_semaphore, #tpu.memory_space<semaphore_mem>>) src(%dma_wait3A_217 : memref<100000x16xf32, #tpu.memory_space<hbm>>) dst(%dma_wait3A_211 : memref<128x16xf32, #tpu.memory_space<vmem>>)
      %dma_wait3A_218 = arith.constant 1 : i32
      %dma_wait3A_219 = arith.constant 128 : i32
      %dma_wait3A_220 = arith.constant 0 : i32
      %dma_wait3A_221 = tpu.memref_slice %arg8[%dma_wait3A_219, %dma_wait3A_220] : memref<768x16xf32, #tpu.memory_space<vmem>> -> memref<128x16xf32, #tpu.memory_space<vmem>>
      %dma_wait3A_222 = arith.constant 0 : i32
      %dma_wait3A_223 = tpu.memref_slice %arg6[%dma_wait3A_218, %dma_wait3A_222] : memref<6x128xi32, #tpu.memory_space<vmem>> -> memref<1x128xi32, #tpu.memory_space<vmem>>
      %dma_wait3A_224 = tpu.memref_squeeze %dma_wait3A_223 : memref<1x128xi32, #tpu.memory_space<vmem>> -> memref<128xi32, #tpu.memory_space<vmem>>
      %dma_wait3A_225 = arith.constant 0 : i32
      %dma_wait3A_226 = arith.constant 0 : i32
      %dma_wait3A_227 = tpu.memref_slice %arg2[%dma_wait3A_225, %dma_wait3A_226] : memref<100000x16xf32, #tpu.memory_space<hbm>> -> memref<100000x16xf32, #tpu.memory_space<hbm>>
      tpu.wait_indirect_dma semaphore(%arg15 : memref<!tpu.dma_semaphore, #tpu.memory_space<semaphore_mem>>) src(%dma_wait3A_227 : memref<100000x16xf32, #tpu.memory_space<hbm>>) dst(%dma_wait3A_221 : memref<128x16xf32, #tpu.memory_space<vmem>>)
      %dma_wait3A_228 = arith.constant 2 : i32
      %dma_wait3A_229 = arith.constant 256 : i32
      %dma_wait3A_230 = arith.constant 0 : i32
      %dma_wait3A_231 = tpu.memref_slice %arg8[%dma_wait3A_229, %dma_wait3A_230] : memref<768x16xf32, #tpu.memory_space<vmem>> -> memref<128x16xf32, #tpu.memory_space<vmem>>
      %dma_wait3A_232 = arith.constant 0 : i32
      %dma_wait3A_233 = tpu.memref_slice %arg6[%dma_wait3A_228, %dma_wait3A_232] : memref<6x128xi32, #tpu.memory_space<vmem>> -> memref<1x128xi32, #tpu.memory_space<vmem>>
      %dma_wait3A_234 = tpu.memref_squeeze %dma_wait3A_233 : memref<1x128xi32, #tpu.memory_space<vmem>> -> memref<128xi32, #tpu.memory_space<vmem>>
      %dma_wait3A_235 = arith.constant 0 : i32
      %dma_wait3A_236 = arith.constant 0 : i32
      %dma_wait3A_237 = tpu.memref_slice %arg2[%dma_wait3A_235, %dma_wait3A_236] : memref<100000x16xf32, #tpu.memory_space<hbm>> -> memref<100000x16xf32, #tpu.memory_space<hbm>>
      tpu.wait_indirect_dma semaphore(%arg15 : memref<!tpu.dma_semaphore, #tpu.memory_space<semaphore_mem>>) src(%dma_wait3A_237 : memref<100000x16xf32, #tpu.memory_space<hbm>>) dst(%dma_wait3A_231 : memref<128x16xf32, #tpu.memory_space<vmem>>)
      %dma_wait3A_238 = arith.constant 3 : i32
      %dma_wait3A_239 = arith.constant 384 : i32
      %dma_wait3A_240 = arith.constant 0 : i32
      %dma_wait3A_241 = tpu.memref_slice %arg8[%dma_wait3A_239, %dma_wait3A_240] : memref<768x16xf32, #tpu.memory_space<vmem>> -> memref<128x16xf32, #tpu.memory_space<vmem>>
      %dma_wait3A_242 = arith.constant 0 : i32
      %dma_wait3A_243 = tpu.memref_slice %arg6[%dma_wait3A_238, %dma_wait3A_242] : memref<6x128xi32, #tpu.memory_space<vmem>> -> memref<1x128xi32, #tpu.memory_space<vmem>>
      %dma_wait3A_244 = tpu.memref_squeeze %dma_wait3A_243 : memref<1x128xi32, #tpu.memory_space<vmem>> -> memref<128xi32, #tpu.memory_space<vmem>>
      %dma_wait3A_245 = arith.constant 0 : i32
      %dma_wait3A_246 = arith.constant 0 : i32
      %dma_wait3A_247 = tpu.memref_slice %arg2[%dma_wait3A_245, %dma_wait3A_246] : memref<100000x16xf32, #tpu.memory_space<hbm>> -> memref<100000x16xf32, #tpu.memory_space<hbm>>
      tpu.wait_indirect_dma semaphore(%arg15 : memref<!tpu.dma_semaphore, #tpu.memory_space<semaphore_mem>>) src(%dma_wait3A_247 : memref<100000x16xf32, #tpu.memory_space<hbm>>) dst(%dma_wait3A_241 : memref<128x16xf32, #tpu.memory_space<vmem>>)
      %dma_wait3A_248 = arith.constant 4 : i32
      %dma_wait3A_249 = arith.constant 512 : i32
      %dma_wait3A_250 = arith.constant 0 : i32
      %dma_wait3A_251 = tpu.memref_slice %arg8[%dma_wait3A_249, %dma_wait3A_250] : memref<768x16xf32, #tpu.memory_space<vmem>> -> memref<128x16xf32, #tpu.memory_space<vmem>>
      %dma_wait3A_252 = arith.constant 0 : i32
      %dma_wait3A_253 = tpu.memref_slice %arg6[%dma_wait3A_248, %dma_wait3A_252] : memref<6x128xi32, #tpu.memory_space<vmem>> -> memref<1x128xi32, #tpu.memory_space<vmem>>
      %dma_wait3A_254 = tpu.memref_squeeze %dma_wait3A_253 : memref<1x128xi32, #tpu.memory_space<vmem>> -> memref<128xi32, #tpu.memory_space<vmem>>
      %dma_wait3A_255 = arith.constant 0 : i32
      %dma_wait3A_256 = arith.constant 0 : i32
      %dma_wait3A_257 = tpu.memref_slice %arg2[%dma_wait3A_255, %dma_wait3A_256] : memref<100000x16xf32, #tpu.memory_space<hbm>> -> memref<100000x16xf32, #tpu.memory_space<hbm>>
      tpu.wait_indirect_dma semaphore(%arg15 : memref<!tpu.dma_semaphore, #tpu.memory_space<semaphore_mem>>) src(%dma_wait3A_257 : memref<100000x16xf32, #tpu.memory_space<hbm>>) dst(%dma_wait3A_251 : memref<128x16xf32, #tpu.memory_space<vmem>>)
      %dma_wait3A_258 = arith.constant 5 : i32
      %dma_wait3A_259 = arith.constant 640 : i32
      %dma_wait3A_260 = arith.constant 0 : i32
      %dma_wait3A_261 = tpu.memref_slice %arg8[%dma_wait3A_259, %dma_wait3A_260] : memref<768x16xf32, #tpu.memory_space<vmem>> -> memref<128x16xf32, #tpu.memory_space<vmem>>
      %dma_wait3A_262 = arith.constant 0 : i32
      %dma_wait3A_263 = tpu.memref_slice %arg6[%dma_wait3A_258, %dma_wait3A_262] : memref<6x128xi32, #tpu.memory_space<vmem>> -> memref<1x128xi32, #tpu.memory_space<vmem>>
      %dma_wait3A_264 = tpu.memref_squeeze %dma_wait3A_263 : memref<1x128xi32, #tpu.memory_space<vmem>> -> memref<128xi32, #tpu.memory_space<vmem>>
      %dma_wait3A_265 = arith.constant 0 : i32
      %dma_wait3A_266 = arith.constant 0 : i32
      %dma_wait3A_267 = tpu.memref_slice %arg2[%dma_wait3A_265, %dma_wait3A_266] : memref<100000x16xf32, #tpu.memory_space<hbm>> -> memref<100000x16xf32, #tpu.memory_space<hbm>>
      tpu.wait_indirect_dma semaphore(%arg15 : memref<!tpu.dma_semaphore, #tpu.memory_space<semaphore_mem>>) src(%dma_wait3A_267 : memref<100000x16xf32, #tpu.memory_space<hbm>>) dst(%dma_wait3A_261 : memref<128x16xf32, #tpu.memory_space<vmem>>)
      %gt3A = arith.constant 0 : i32
      %gt3A_268 = arith.cmpi sgt, %add3A_133, %gt3A : i32
      %convert_element_type3A = arith.extui %gt3A_268 : i1 to i32
      %cond3A = arith.constant 0 : i32
      %cond3A_269 = arith.cmpi ne, %convert_element_type3A, %cond3A : i32
      scf.if %cond3A_269 {
        %dma_wait3A_608 = arith.constant 0 : i32
        %dma_wait3A_609 = arith.constant 0 : i32
        %dma_wait3A_610 = arith.constant 0 : i32
        %dma_wait3A_611 = tpu.memref_slice %arg11[%dma_wait3A_609, %dma_wait3A_610] : memref<768x16xf32, #tpu.memory_space<vmem>> -> memref<128x16xf32, #tpu.memory_space<vmem>>
        %dma_wait3A_612 = arith.constant 0 : i32
        %dma_wait3A_613 = tpu.memref_slice %arg10[%dma_wait3A_608, %dma_wait3A_612] : memref<6x128xi32, #tpu.memory_space<vmem>> -> memref<1x128xi32, #tpu.memory_space<vmem>>
        %dma_wait3A_614 = tpu.memref_squeeze %dma_wait3A_613 : memref<1x128xi32, #tpu.memory_space<vmem>> -> memref<128xi32, #tpu.memory_space<vmem>>
        %dma_wait3A_615 = arith.constant 0 : i32
        %dma_wait3A_616 = arith.constant 0 : i32
        %dma_wait3A_617 = tpu.memref_slice %arg12[%dma_wait3A_615, %dma_wait3A_616] : memref<100096x16xf32, #tpu.memory_space<vmem_shared>> -> memref<100096x16xf32, #tpu.memory_space<vmem_shared>>
        tpu.wait_indirect_dma semaphore(%arg18 : memref<!tpu.dma_semaphore, #tpu.memory_space<semaphore_mem>>) src(%dma_wait3A_611 : memref<128x16xf32, #tpu.memory_space<vmem>>) dst(%dma_wait3A_617 : memref<100096x16xf32, #tpu.memory_space<vmem_shared>>)
        %dma_wait3A_618 = arith.constant 1 : i32
        %dma_wait3A_619 = arith.constant 128 : i32
        %dma_wait3A_620 = arith.constant 0 : i32
        %dma_wait3A_621 = tpu.memref_slice %arg11[%dma_wait3A_619, %dma_wait3A_620] : memref<768x16xf32, #tpu.memory_space<vmem>> -> memref<128x16xf32, #tpu.memory_space<vmem>>
        %dma_wait3A_622 = arith.constant 0 : i32
        %dma_wait3A_623 = tpu.memref_slice %arg10[%dma_wait3A_618, %dma_wait3A_622] : memref<6x128xi32, #tpu.memory_space<vmem>> -> memref<1x128xi32, #tpu.memory_space<vmem>>
        %dma_wait3A_624 = tpu.memref_squeeze %dma_wait3A_623 : memref<1x128xi32, #tpu.memory_space<vmem>> -> memref<128xi32, #tpu.memory_space<vmem>>
        %dma_wait3A_625 = arith.constant 0 : i32
        %dma_wait3A_626 = arith.constant 0 : i32
        %dma_wait3A_627 = tpu.memref_slice %arg12[%dma_wait3A_625, %dma_wait3A_626] : memref<100096x16xf32, #tpu.memory_space<vmem_shared>> -> memref<100096x16xf32, #tpu.memory_space<vmem_shared>>
        tpu.wait_indirect_dma semaphore(%arg18 : memref<!tpu.dma_semaphore, #tpu.memory_space<semaphore_mem>>) src(%dma_wait3A_621 : memref<128x16xf32, #tpu.memory_space<vmem>>) dst(%dma_wait3A_627 : memref<100096x16xf32, #tpu.memory_space<vmem_shared>>)
        %dma_wait3A_628 = arith.constant 2 : i32
        %dma_wait3A_629 = arith.constant 256 : i32
        %dma_wait3A_630 = arith.constant 0 : i32
        %dma_wait3A_631 = tpu.memref_slice %arg11[%dma_wait3A_629, %dma_wait3A_630] : memref<768x16xf32, #tpu.memory_space<vmem>> -> memref<128x16xf32, #tpu.memory_space<vmem>>
        %dma_wait3A_632 = arith.constant 0 : i32
        %dma_wait3A_633 = tpu.memref_slice %arg10[%dma_wait3A_628, %dma_wait3A_632] : memref<6x128xi32, #tpu.memory_space<vmem>> -> memref<1x128xi32, #tpu.memory_space<vmem>>
        %dma_wait3A_634 = tpu.memref_squeeze %dma_wait3A_633 : memref<1x128xi32, #tpu.memory_space<vmem>> -> memref<128xi32, #tpu.memory_space<vmem>>
        %dma_wait3A_635 = arith.constant 0 : i32
        %dma_wait3A_636 = arith.constant 0 : i32
        %dma_wait3A_637 = tpu.memref_slice %arg12[%dma_wait3A_635, %dma_wait3A_636] : memref<100096x16xf32, #tpu.memory_space<vmem_shared>> -> memref<100096x16xf32, #tpu.memory_space<vmem_shared>>
        tpu.wait_indirect_dma semaphore(%arg18 : memref<!tpu.dma_semaphore, #tpu.memory_space<semaphore_mem>>) src(%dma_wait3A_631 : memref<128x16xf32, #tpu.memory_space<vmem>>) dst(%dma_wait3A_637 : memref<100096x16xf32, #tpu.memory_space<vmem_shared>>)
        %dma_wait3A_638 = arith.constant 3 : i32
        %dma_wait3A_639 = arith.constant 384 : i32
        %dma_wait3A_640 = arith.constant 0 : i32
        %dma_wait3A_641 = tpu.memref_slice %arg11[%dma_wait3A_639, %dma_wait3A_640] : memref<768x16xf32, #tpu.memory_space<vmem>> -> memref<128x16xf32, #tpu.memory_space<vmem>>
        %dma_wait3A_642 = arith.constant 0 : i32
        %dma_wait3A_643 = tpu.memref_slice %arg10[%dma_wait3A_638, %dma_wait3A_642] : memref<6x128xi32, #tpu.memory_space<vmem>> -> memref<1x128xi32, #tpu.memory_space<vmem>>
        %dma_wait3A_644 = tpu.memref_squeeze %dma_wait3A_643 : memref<1x128xi32, #tpu.memory_space<vmem>> -> memref<128xi32, #tpu.memory_space<vmem>>
        %dma_wait3A_645 = arith.constant 0 : i32
        %dma_wait3A_646 = arith.constant 0 : i32
        %dma_wait3A_647 = tpu.memref_slice %arg12[%dma_wait3A_645, %dma_wait3A_646] : memref<100096x16xf32, #tpu.memory_space<vmem_shared>> -> memref<100096x16xf32, #tpu.memory_space<vmem_shared>>
        tpu.wait_indirect_dma semaphore(%arg18 : memref<!tpu.dma_semaphore, #tpu.memory_space<semaphore_mem>>) src(%dma_wait3A_641 : memref<128x16xf32, #tpu.memory_space<vmem>>) dst(%dma_wait3A_647 : memref<100096x16xf32, #tpu.memory_space<vmem_shared>>)
        %dma_wait3A_648 = arith.constant 4 : i32
        %dma_wait3A_649 = arith.constant 512 : i32
        %dma_wait3A_650 = arith.constant 0 : i32
        %dma_wait3A_651 = tpu.memref_slice %arg11[%dma_wait3A_649, %dma_wait3A_650] : memref<768x16xf32, #tpu.memory_space<vmem>> -> memref<128x16xf32, #tpu.memory_space<vmem>>
        %dma_wait3A_652 = arith.constant 0 : i32
        %dma_wait3A_653 = tpu.memref_slice %arg10[%dma_wait3A_648, %dma_wait3A_652] : memref<6x128xi32, #tpu.memory_space<vmem>> -> memref<1x128xi32, #tpu.memory_space<vmem>>
        %dma_wait3A_654 = tpu.memref_squeeze %dma_wait3A_653 : memref<1x128xi32, #tpu.memory_space<vmem>> -> memref<128xi32, #tpu.memory_space<vmem>>
        %dma_wait3A_655 = arith.constant 0 : i32
        %dma_wait3A_656 = arith.constant 0 : i32
        %dma_wait3A_657 = tpu.memref_slice %arg12[%dma_wait3A_655, %dma_wait3A_656] : memref<100096x16xf32, #tpu.memory_space<vmem_shared>> -> memref<100096x16xf32, #tpu.memory_space<vmem_shared>>
        tpu.wait_indirect_dma semaphore(%arg18 : memref<!tpu.dma_semaphore, #tpu.memory_space<semaphore_mem>>) src(%dma_wait3A_651 : memref<128x16xf32, #tpu.memory_space<vmem>>) dst(%dma_wait3A_657 : memref<100096x16xf32, #tpu.memory_space<vmem_shared>>)
        %dma_wait3A_658 = arith.constant 5 : i32
        %dma_wait3A_659 = arith.constant 640 : i32
        %dma_wait3A_660 = arith.constant 0 : i32
        %dma_wait3A_661 = tpu.memref_slice %arg11[%dma_wait3A_659, %dma_wait3A_660] : memref<768x16xf32, #tpu.memory_space<vmem>> -> memref<128x16xf32, #tpu.memory_space<vmem>>
        %dma_wait3A_662 = arith.constant 0 : i32
        %dma_wait3A_663 = tpu.memref_slice %arg10[%dma_wait3A_658, %dma_wait3A_662] : memref<6x128xi32, #tpu.memory_space<vmem>> -> memref<1x128xi32, #tpu.memory_space<vmem>>
        %dma_wait3A_664 = tpu.memref_squeeze %dma_wait3A_663 : memref<1x128xi32, #tpu.memory_space<vmem>> -> memref<128xi32, #tpu.memory_space<vmem>>
        %dma_wait3A_665 = arith.constant 0 : i32
        %dma_wait3A_666 = arith.constant 0 : i32
        %dma_wait3A_667 = tpu.memref_slice %arg12[%dma_wait3A_665, %dma_wait3A_666] : memref<100096x16xf32, #tpu.memory_space<vmem_shared>> -> memref<100096x16xf32, #tpu.memory_space<vmem_shared>>
        tpu.wait_indirect_dma semaphore(%arg18 : memref<!tpu.dma_semaphore, #tpu.memory_space<semaphore_mem>>) src(%dma_wait3A_661 : memref<128x16xf32, #tpu.memory_space<vmem>>) dst(%dma_wait3A_667 : memref<100096x16xf32, #tpu.memory_space<vmem_shared>>)
      } else {
      }
      %add3A_270 = arith.constant 1 : i32
      %add3A_271 = arith.addi %mul3A_135, %add3A_270 : i32
      %mul3A_272 = arith.constant 6 : i32
      %mul3A_273 = arith.muli %add3A_271, %mul3A_272 : i32
      %add3A_274 = arith.addi %select_n3A, %mul3A_273 : i32
      %dma_start3A_275 = arith.constant 0 : i32
      %dma_start3A_276 = tpu.memref_slice %arg3[%add3A_274, %dma_start3A_275] : memref<25352x128xi32, #tpu.memory_space<hbm>> -> memref<6x128xi32, #tpu.memory_space<hbm>>
      %dma_start3A_277 = arith.constant 0 : i32
      %dma_start3A_278 = tpu.memref_slice %arg3[%add3A_274, %dma_start3A_277] : memref<25352x128xi32, #tpu.memory_space<hbm>> -> memref<6x128xi32, #tpu.memory_space<hbm>>
      tpu.enqueue_dma source(%dma_start3A_278 : memref<6x128xi32, #tpu.memory_space<hbm>>) target(%arg9 : memref<6x128xi32, #tpu.memory_space<vmem>>) target_semaphore(%arg14 : memref<!tpu.dma_semaphore, #tpu.memory_space<semaphore_mem>>)
      %dma_start3A_279 = arith.constant 0 : i32
      %dma_start3A_280 = tpu.memref_slice %arg4[%add3A_274, %dma_start3A_279] : memref<25352x128xi32, #tpu.memory_space<hbm>> -> memref<6x128xi32, #tpu.memory_space<hbm>>
      %dma_start3A_281 = arith.constant 0 : i32
      %dma_start3A_282 = tpu.memref_slice %arg4[%add3A_274, %dma_start3A_281] : memref<25352x128xi32, #tpu.memory_space<hbm>> -> memref<6x128xi32, #tpu.memory_space<hbm>>
      tpu.enqueue_dma source(%dma_start3A_282 : memref<6x128xi32, #tpu.memory_space<hbm>>) target(%arg10 : memref<6x128xi32, #tpu.memory_space<vmem>>) target_semaphore(%arg14 : memref<!tpu.dma_semaphore, #tpu.memory_space<semaphore_mem>>)
      %dma_start3A_283 = arith.constant 0 : i32
      %dma_start3A_284 = arith.constant 0 : i32
      %dma_start3A_285 = arith.constant 0 : i32
      %dma_start3A_286 = tpu.memref_slice %arg8[%dma_start3A_284, %dma_start3A_285] : memref<768x16xf32, #tpu.memory_space<vmem>> -> memref<128x16xf32, #tpu.memory_space<vmem>>
      %dma_start3A_287 = arith.constant 0 : i32
      %dma_start3A_288 = tpu.memref_slice %arg7[%dma_start3A_283, %dma_start3A_287] : memref<6x128xi32, #tpu.memory_space<vmem>> -> memref<1x128xi32, #tpu.memory_space<vmem>>
      %dma_start3A_289 = tpu.memref_squeeze %dma_start3A_288 : memref<1x128xi32, #tpu.memory_space<vmem>> -> memref<128xi32, #tpu.memory_space<vmem>>
      %dma_start3A_290 = arith.constant 0 : i32
      %dma_start3A_291 = arith.constant 0 : i32
      %dma_start3A_292 = tpu.memref_slice %arg12[%dma_start3A_290, %dma_start3A_291] : memref<100096x16xf32, #tpu.memory_space<vmem_shared>> -> memref<100096x16xf32, #tpu.memory_space<vmem_shared>>
      tpu.enqueue_indirect_dma source(%dma_start3A_286 : memref<128x16xf32, #tpu.memory_space<vmem>>) target(%dma_start3A_292 : memref<100096x16xf32, #tpu.memory_space<vmem_shared>>) offsets(%dma_start3A_289 : memref<128xi32, #tpu.memory_space<vmem>>) semaphore(%arg17 : memref<!tpu.dma_semaphore, #tpu.memory_space<semaphore_mem>>) {add = true}
      %dma_start3A_293 = arith.constant 1 : i32
      %dma_start3A_294 = arith.constant 128 : i32
      %dma_start3A_295 = arith.constant 0 : i32
      %dma_start3A_296 = tpu.memref_slice %arg8[%dma_start3A_294, %dma_start3A_295] : memref<768x16xf32, #tpu.memory_space<vmem>> -> memref<128x16xf32, #tpu.memory_space<vmem>>
      %dma_start3A_297 = arith.constant 0 : i32
      %dma_start3A_298 = tpu.memref_slice %arg7[%dma_start3A_293, %dma_start3A_297] : memref<6x128xi32, #tpu.memory_space<vmem>> -> memref<1x128xi32, #tpu.memory_space<vmem>>
      %dma_start3A_299 = tpu.memref_squeeze %dma_start3A_298 : memref<1x128xi32, #tpu.memory_space<vmem>> -> memref<128xi32, #tpu.memory_space<vmem>>
      %dma_start3A_300 = arith.constant 0 : i32
      %dma_start3A_301 = arith.constant 0 : i32
      %dma_start3A_302 = tpu.memref_slice %arg12[%dma_start3A_300, %dma_start3A_301] : memref<100096x16xf32, #tpu.memory_space<vmem_shared>> -> memref<100096x16xf32, #tpu.memory_space<vmem_shared>>
      tpu.enqueue_indirect_dma source(%dma_start3A_296 : memref<128x16xf32, #tpu.memory_space<vmem>>) target(%dma_start3A_302 : memref<100096x16xf32, #tpu.memory_space<vmem_shared>>) offsets(%dma_start3A_299 : memref<128xi32, #tpu.memory_space<vmem>>) semaphore(%arg17 : memref<!tpu.dma_semaphore, #tpu.memory_space<semaphore_mem>>) {add = true}
      %dma_start3A_303 = arith.constant 2 : i32
      %dma_start3A_304 = arith.constant 256 : i32
      %dma_start3A_305 = arith.constant 0 : i32
      %dma_start3A_306 = tpu.memref_slice %arg8[%dma_start3A_304, %dma_start3A_305] : memref<768x16xf32, #tpu.memory_space<vmem>> -> memref<128x16xf32, #tpu.memory_space<vmem>>
      %dma_start3A_307 = arith.constant 0 : i32
      %dma_start3A_308 = tpu.memref_slice %arg7[%dma_start3A_303, %dma_start3A_307] : memref<6x128xi32, #tpu.memory_space<vmem>> -> memref<1x128xi32, #tpu.memory_space<vmem>>
      %dma_start3A_309 = tpu.memref_squeeze %dma_start3A_308 : memref<1x128xi32, #tpu.memory_space<vmem>> -> memref<128xi32, #tpu.memory_space<vmem>>
      %dma_start3A_310 = arith.constant 0 : i32
      %dma_start3A_311 = arith.constant 0 : i32
      %dma_start3A_312 = tpu.memref_slice %arg12[%dma_start3A_310, %dma_start3A_311] : memref<100096x16xf32, #tpu.memory_space<vmem_shared>> -> memref<100096x16xf32, #tpu.memory_space<vmem_shared>>
      tpu.enqueue_indirect_dma source(%dma_start3A_306 : memref<128x16xf32, #tpu.memory_space<vmem>>) target(%dma_start3A_312 : memref<100096x16xf32, #tpu.memory_space<vmem_shared>>) offsets(%dma_start3A_309 : memref<128xi32, #tpu.memory_space<vmem>>) semaphore(%arg17 : memref<!tpu.dma_semaphore, #tpu.memory_space<semaphore_mem>>) {add = true}
      %dma_start3A_313 = arith.constant 3 : i32
      %dma_start3A_314 = arith.constant 384 : i32
      %dma_start3A_315 = arith.constant 0 : i32
      %dma_start3A_316 = tpu.memref_slice %arg8[%dma_start3A_314, %dma_start3A_315] : memref<768x16xf32, #tpu.memory_space<vmem>> -> memref<128x16xf32, #tpu.memory_space<vmem>>
      %dma_start3A_317 = arith.constant 0 : i32
      %dma_start3A_318 = tpu.memref_slice %arg7[%dma_start3A_313, %dma_start3A_317] : memref<6x128xi32, #tpu.memory_space<vmem>> -> memref<1x128xi32, #tpu.memory_space<vmem>>
      %dma_start3A_319 = tpu.memref_squeeze %dma_start3A_318 : memref<1x128xi32, #tpu.memory_space<vmem>> -> memref<128xi32, #tpu.memory_space<vmem>>
      %dma_start3A_320 = arith.constant 0 : i32
      %dma_start3A_321 = arith.constant 0 : i32
      %dma_start3A_322 = tpu.memref_slice %arg12[%dma_start3A_320, %dma_start3A_321] : memref<100096x16xf32, #tpu.memory_space<vmem_shared>> -> memref<100096x16xf32, #tpu.memory_space<vmem_shared>>
      tpu.enqueue_indirect_dma source(%dma_start3A_316 : memref<128x16xf32, #tpu.memory_space<vmem>>) target(%dma_start3A_322 : memref<100096x16xf32, #tpu.memory_space<vmem_shared>>) offsets(%dma_start3A_319 : memref<128xi32, #tpu.memory_space<vmem>>) semaphore(%arg17 : memref<!tpu.dma_semaphore, #tpu.memory_space<semaphore_mem>>) {add = true}
      %dma_start3A_323 = arith.constant 4 : i32
      %dma_start3A_324 = arith.constant 512 : i32
      %dma_start3A_325 = arith.constant 0 : i32
      %dma_start3A_326 = tpu.memref_slice %arg8[%dma_start3A_324, %dma_start3A_325] : memref<768x16xf32, #tpu.memory_space<vmem>> -> memref<128x16xf32, #tpu.memory_space<vmem>>
      %dma_start3A_327 = arith.constant 0 : i32
      %dma_start3A_328 = tpu.memref_slice %arg7[%dma_start3A_323, %dma_start3A_327] : memref<6x128xi32, #tpu.memory_space<vmem>> -> memref<1x128xi32, #tpu.memory_space<vmem>>
      %dma_start3A_329 = tpu.memref_squeeze %dma_start3A_328 : memref<1x128xi32, #tpu.memory_space<vmem>> -> memref<128xi32, #tpu.memory_space<vmem>>
      %dma_start3A_330 = arith.constant 0 : i32
      %dma_start3A_331 = arith.constant 0 : i32
      %dma_start3A_332 = tpu.memref_slice %arg12[%dma_start3A_330, %dma_start3A_331] : memref<100096x16xf32, #tpu.memory_space<vmem_shared>> -> memref<100096x16xf32, #tpu.memory_space<vmem_shared>>
      tpu.enqueue_indirect_dma source(%dma_start3A_326 : memref<128x16xf32, #tpu.memory_space<vmem>>) target(%dma_start3A_332 : memref<100096x16xf32, #tpu.memory_space<vmem_shared>>) offsets(%dma_start3A_329 : memref<128xi32, #tpu.memory_space<vmem>>) semaphore(%arg17 : memref<!tpu.dma_semaphore, #tpu.memory_space<semaphore_mem>>) {add = true}
      %dma_start3A_333 = arith.constant 5 : i32
      %dma_start3A_334 = arith.constant 640 : i32
      %dma_start3A_335 = arith.constant 0 : i32
      %dma_start3A_336 = tpu.memref_slice %arg8[%dma_start3A_334, %dma_start3A_335] : memref<768x16xf32, #tpu.memory_space<vmem>> -> memref<128x16xf32, #tpu.memory_space<vmem>>
      %dma_start3A_337 = arith.constant 0 : i32
      %dma_start3A_338 = tpu.memref_slice %arg7[%dma_start3A_333, %dma_start3A_337] : memref<6x128xi32, #tpu.memory_space<vmem>> -> memref<1x128xi32, #tpu.memory_space<vmem>>
      %dma_start3A_339 = tpu.memref_squeeze %dma_start3A_338 : memref<1x128xi32, #tpu.memory_space<vmem>> -> memref<128xi32, #tpu.memory_space<vmem>>
      %dma_start3A_340 = arith.constant 0 : i32
      %dma_start3A_341 = arith.constant 0 : i32
      %dma_start3A_342 = tpu.memref_slice %arg12[%dma_start3A_340, %dma_start3A_341] : memref<100096x16xf32, #tpu.memory_space<vmem_shared>> -> memref<100096x16xf32, #tpu.memory_space<vmem_shared>>
      tpu.enqueue_indirect_dma source(%dma_start3A_336 : memref<128x16xf32, #tpu.memory_space<vmem>>) target(%dma_start3A_342 : memref<100096x16xf32, #tpu.memory_space<vmem_shared>>) offsets(%dma_start3A_339 : memref<128xi32, #tpu.memory_space<vmem>>) semaphore(%arg17 : memref<!tpu.dma_semaphore, #tpu.memory_space<semaphore_mem>>) {add = true}
      %dma_wait3A_343 = arith.constant 0 : i32
      %dma_wait3A_344 = arith.constant 0 : i32
      %dma_wait3A_345 = tpu.memref_slice %arg3[%dma_wait3A_343, %dma_wait3A_344] : memref<25352x128xi32, #tpu.memory_space<hbm>> -> memref<6x128xi32, #tpu.memory_space<hbm>>
      %dma_wait3A_346 = arith.constant 0 : i32
      %dma_wait3A_347 = arith.constant 0 : i32
      %dma_wait3A_348 = tpu.memref_slice %arg3[%dma_wait3A_346, %dma_wait3A_347] : memref<25352x128xi32, #tpu.memory_space<hbm>> -> memref<6x128xi32, #tpu.memory_space<hbm>>
      tpu.wait_dma2 semaphore(%arg14 : memref<!tpu.dma_semaphore, #tpu.memory_space<semaphore_mem>>) src(%dma_wait3A_348 : memref<6x128xi32, #tpu.memory_space<hbm>>) dst(%arg9 : memref<6x128xi32, #tpu.memory_space<vmem>>)
      %dma_wait3A_349 = arith.constant 0 : i32
      %dma_wait3A_350 = arith.constant 0 : i32
      %dma_wait3A_351 = tpu.memref_slice %arg4[%dma_wait3A_349, %dma_wait3A_350] : memref<25352x128xi32, #tpu.memory_space<hbm>> -> memref<6x128xi32, #tpu.memory_space<hbm>>
      %dma_wait3A_352 = arith.constant 0 : i32
      %dma_wait3A_353 = arith.constant 0 : i32
      %dma_wait3A_354 = tpu.memref_slice %arg4[%dma_wait3A_352, %dma_wait3A_353] : memref<25352x128xi32, #tpu.memory_space<hbm>> -> memref<6x128xi32, #tpu.memory_space<hbm>>
      tpu.wait_dma2 semaphore(%arg14 : memref<!tpu.dma_semaphore, #tpu.memory_space<semaphore_mem>>) src(%dma_wait3A_354 : memref<6x128xi32, #tpu.memory_space<hbm>>) dst(%arg10 : memref<6x128xi32, #tpu.memory_space<vmem>>)
      %dma_start3A_355 = arith.constant 0 : i32
      %dma_start3A_356 = arith.constant 0 : i32
      %dma_start3A_357 = arith.constant 0 : i32
      %dma_start3A_358 = tpu.memref_slice %arg11[%dma_start3A_356, %dma_start3A_357] : memref<768x16xf32, #tpu.memory_space<vmem>> -> memref<128x16xf32, #tpu.memory_space<vmem>>
      %dma_start3A_359 = arith.constant 0 : i32
      %dma_start3A_360 = tpu.memref_slice %arg9[%dma_start3A_355, %dma_start3A_359] : memref<6x128xi32, #tpu.memory_space<vmem>> -> memref<1x128xi32, #tpu.memory_space<vmem>>
      %dma_start3A_361 = tpu.memref_squeeze %dma_start3A_360 : memref<1x128xi32, #tpu.memory_space<vmem>> -> memref<128xi32, #tpu.memory_space<vmem>>
      %dma_start3A_362 = arith.constant 0 : i32
      %dma_start3A_363 = arith.constant 0 : i32
      %dma_start3A_364 = tpu.memref_slice %arg2[%dma_start3A_362, %dma_start3A_363] : memref<100000x16xf32, #tpu.memory_space<hbm>> -> memref<100000x16xf32, #tpu.memory_space<hbm>>
      tpu.enqueue_indirect_dma source(%dma_start3A_364 : memref<100000x16xf32, #tpu.memory_space<hbm>>) target(%dma_start3A_358 : memref<128x16xf32, #tpu.memory_space<vmem>>) offsets(%dma_start3A_361 : memref<128xi32, #tpu.memory_space<vmem>>) semaphore(%arg16 : memref<!tpu.dma_semaphore, #tpu.memory_space<semaphore_mem>>)
      %dma_start3A_365 = arith.constant 1 : i32
      %dma_start3A_366 = arith.constant 128 : i32
      %dma_start3A_367 = arith.constant 0 : i32
      %dma_start3A_368 = tpu.memref_slice %arg11[%dma_start3A_366, %dma_start3A_367] : memref<768x16xf32, #tpu.memory_space<vmem>> -> memref<128x16xf32, #tpu.memory_space<vmem>>
      %dma_start3A_369 = arith.constant 0 : i32
      %dma_start3A_370 = tpu.memref_slice %arg9[%dma_start3A_365, %dma_start3A_369] : memref<6x128xi32, #tpu.memory_space<vmem>> -> memref<1x128xi32, #tpu.memory_space<vmem>>
      %dma_start3A_371 = tpu.memref_squeeze %dma_start3A_370 : memref<1x128xi32, #tpu.memory_space<vmem>> -> memref<128xi32, #tpu.memory_space<vmem>>
      %dma_start3A_372 = arith.constant 0 : i32
      %dma_start3A_373 = arith.constant 0 : i32
      %dma_start3A_374 = tpu.memref_slice %arg2[%dma_start3A_372, %dma_start3A_373] : memref<100000x16xf32, #tpu.memory_space<hbm>> -> memref<100000x16xf32, #tpu.memory_space<hbm>>
      tpu.enqueue_indirect_dma source(%dma_start3A_374 : memref<100000x16xf32, #tpu.memory_space<hbm>>) target(%dma_start3A_368 : memref<128x16xf32, #tpu.memory_space<vmem>>) offsets(%dma_start3A_371 : memref<128xi32, #tpu.memory_space<vmem>>) semaphore(%arg16 : memref<!tpu.dma_semaphore, #tpu.memory_space<semaphore_mem>>)
      %dma_start3A_375 = arith.constant 2 : i32
      %dma_start3A_376 = arith.constant 256 : i32
      %dma_start3A_377 = arith.constant 0 : i32
      %dma_start3A_378 = tpu.memref_slice %arg11[%dma_start3A_376, %dma_start3A_377] : memref<768x16xf32, #tpu.memory_space<vmem>> -> memref<128x16xf32, #tpu.memory_space<vmem>>
      %dma_start3A_379 = arith.constant 0 : i32
      %dma_start3A_380 = tpu.memref_slice %arg9[%dma_start3A_375, %dma_start3A_379] : memref<6x128xi32, #tpu.memory_space<vmem>> -> memref<1x128xi32, #tpu.memory_space<vmem>>
      %dma_start3A_381 = tpu.memref_squeeze %dma_start3A_380 : memref<1x128xi32, #tpu.memory_space<vmem>> -> memref<128xi32, #tpu.memory_space<vmem>>
      %dma_start3A_382 = arith.constant 0 : i32
      %dma_start3A_383 = arith.constant 0 : i32
      %dma_start3A_384 = tpu.memref_slice %arg2[%dma_start3A_382, %dma_start3A_383] : memref<100000x16xf32, #tpu.memory_space<hbm>> -> memref<100000x16xf32, #tpu.memory_space<hbm>>
      tpu.enqueue_indirect_dma source(%dma_start3A_384 : memref<100000x16xf32, #tpu.memory_space<hbm>>) target(%dma_start3A_378 : memref<128x16xf32, #tpu.memory_space<vmem>>) offsets(%dma_start3A_381 : memref<128xi32, #tpu.memory_space<vmem>>) semaphore(%arg16 : memref<!tpu.dma_semaphore, #tpu.memory_space<semaphore_mem>>)
      %dma_start3A_385 = arith.constant 3 : i32
      %dma_start3A_386 = arith.constant 384 : i32
      %dma_start3A_387 = arith.constant 0 : i32
      %dma_start3A_388 = tpu.memref_slice %arg11[%dma_start3A_386, %dma_start3A_387] : memref<768x16xf32, #tpu.memory_space<vmem>> -> memref<128x16xf32, #tpu.memory_space<vmem>>
      %dma_start3A_389 = arith.constant 0 : i32
      %dma_start3A_390 = tpu.memref_slice %arg9[%dma_start3A_385, %dma_start3A_389] : memref<6x128xi32, #tpu.memory_space<vmem>> -> memref<1x128xi32, #tpu.memory_space<vmem>>
      %dma_start3A_391 = tpu.memref_squeeze %dma_start3A_390 : memref<1x128xi32, #tpu.memory_space<vmem>> -> memref<128xi32, #tpu.memory_space<vmem>>
      %dma_start3A_392 = arith.constant 0 : i32
      %dma_start3A_393 = arith.constant 0 : i32
      %dma_start3A_394 = tpu.memref_slice %arg2[%dma_start3A_392, %dma_start3A_393] : memref<100000x16xf32, #tpu.memory_space<hbm>> -> memref<100000x16xf32, #tpu.memory_space<hbm>>
      tpu.enqueue_indirect_dma source(%dma_start3A_394 : memref<100000x16xf32, #tpu.memory_space<hbm>>) target(%dma_start3A_388 : memref<128x16xf32, #tpu.memory_space<vmem>>) offsets(%dma_start3A_391 : memref<128xi32, #tpu.memory_space<vmem>>) semaphore(%arg16 : memref<!tpu.dma_semaphore, #tpu.memory_space<semaphore_mem>>)
      %dma_start3A_395 = arith.constant 4 : i32
      %dma_start3A_396 = arith.constant 512 : i32
      %dma_start3A_397 = arith.constant 0 : i32
      %dma_start3A_398 = tpu.memref_slice %arg11[%dma_start3A_396, %dma_start3A_397] : memref<768x16xf32, #tpu.memory_space<vmem>> -> memref<128x16xf32, #tpu.memory_space<vmem>>
      %dma_start3A_399 = arith.constant 0 : i32
      %dma_start3A_400 = tpu.memref_slice %arg9[%dma_start3A_395, %dma_start3A_399] : memref<6x128xi32, #tpu.memory_space<vmem>> -> memref<1x128xi32, #tpu.memory_space<vmem>>
      %dma_start3A_401 = tpu.memref_squeeze %dma_start3A_400 : memref<1x128xi32, #tpu.memory_space<vmem>> -> memref<128xi32, #tpu.memory_space<vmem>>
      %dma_start3A_402 = arith.constant 0 : i32
      %dma_start3A_403 = arith.constant 0 : i32
      %dma_start3A_404 = tpu.memref_slice %arg2[%dma_start3A_402, %dma_start3A_403] : memref<100000x16xf32, #tpu.memory_space<hbm>> -> memref<100000x16xf32, #tpu.memory_space<hbm>>
      tpu.enqueue_indirect_dma source(%dma_start3A_404 : memref<100000x16xf32, #tpu.memory_space<hbm>>) target(%dma_start3A_398 : memref<128x16xf32, #tpu.memory_space<vmem>>) offsets(%dma_start3A_401 : memref<128xi32, #tpu.memory_space<vmem>>) semaphore(%arg16 : memref<!tpu.dma_semaphore, #tpu.memory_space<semaphore_mem>>)
      %dma_start3A_405 = arith.constant 5 : i32
      %dma_start3A_406 = arith.constant 640 : i32
      %dma_start3A_407 = arith.constant 0 : i32
      %dma_start3A_408 = tpu.memref_slice %arg11[%dma_start3A_406, %dma_start3A_407] : memref<768x16xf32, #tpu.memory_space<vmem>> -> memref<128x16xf32, #tpu.memory_space<vmem>>
      %dma_start3A_409 = arith.constant 0 : i32
      %dma_start3A_410 = tpu.memref_slice %arg9[%dma_start3A_405, %dma_start3A_409] : memref<6x128xi32, #tpu.memory_space<vmem>> -> memref<1x128xi32, #tpu.memory_space<vmem>>
      %dma_start3A_411 = tpu.memref_squeeze %dma_start3A_410 : memref<1x128xi32, #tpu.memory_space<vmem>> -> memref<128xi32, #tpu.memory_space<vmem>>
      %dma_start3A_412 = arith.constant 0 : i32
      %dma_start3A_413 = arith.constant 0 : i32
      %dma_start3A_414 = tpu.memref_slice %arg2[%dma_start3A_412, %dma_start3A_413] : memref<100000x16xf32, #tpu.memory_space<hbm>> -> memref<100000x16xf32, #tpu.memory_space<hbm>>
      tpu.enqueue_indirect_dma source(%dma_start3A_414 : memref<100000x16xf32, #tpu.memory_space<hbm>>) target(%dma_start3A_408 : memref<128x16xf32, #tpu.memory_space<vmem>>) offsets(%dma_start3A_411 : memref<128xi32, #tpu.memory_space<vmem>>) semaphore(%arg16 : memref<!tpu.dma_semaphore, #tpu.memory_space<semaphore_mem>>)
      %dma_wait3A_415 = arith.constant 0 : i32
      %dma_wait3A_416 = arith.constant 0 : i32
      %dma_wait3A_417 = arith.constant 0 : i32
      %dma_wait3A_418 = tpu.memref_slice %arg11[%dma_wait3A_416, %dma_wait3A_417] : memref<768x16xf32, #tpu.memory_space<vmem>> -> memref<128x16xf32, #tpu.memory_space<vmem>>
      %dma_wait3A_419 = arith.constant 0 : i32
      %dma_wait3A_420 = tpu.memref_slice %arg9[%dma_wait3A_415, %dma_wait3A_419] : memref<6x128xi32, #tpu.memory_space<vmem>> -> memref<1x128xi32, #tpu.memory_space<vmem>>
      %dma_wait3A_421 = tpu.memref_squeeze %dma_wait3A_420 : memref<1x128xi32, #tpu.memory_space<vmem>> -> memref<128xi32, #tpu.memory_space<vmem>>
      %dma_wait3A_422 = arith.constant 0 : i32
      %dma_wait3A_423 = arith.constant 0 : i32
      %dma_wait3A_424 = tpu.memref_slice %arg2[%dma_wait3A_422, %dma_wait3A_423] : memref<100000x16xf32, #tpu.memory_space<hbm>> -> memref<100000x16xf32, #tpu.memory_space<hbm>>
      tpu.wait_indirect_dma semaphore(%arg16 : memref<!tpu.dma_semaphore, #tpu.memory_space<semaphore_mem>>) src(%dma_wait3A_424 : memref<100000x16xf32, #tpu.memory_space<hbm>>) dst(%dma_wait3A_418 : memref<128x16xf32, #tpu.memory_space<vmem>>)
      %dma_wait3A_425 = arith.constant 1 : i32
      %dma_wait3A_426 = arith.constant 128 : i32
      %dma_wait3A_427 = arith.constant 0 : i32
      %dma_wait3A_428 = tpu.memref_slice %arg11[%dma_wait3A_426, %dma_wait3A_427] : memref<768x16xf32, #tpu.memory_space<vmem>> -> memref<128x16xf32, #tpu.memory_space<vmem>>
      %dma_wait3A_429 = arith.constant 0 : i32
      %dma_wait3A_430 = tpu.memref_slice %arg9[%dma_wait3A_425, %dma_wait3A_429] : memref<6x128xi32, #tpu.memory_space<vmem>> -> memref<1x128xi32, #tpu.memory_space<vmem>>
      %dma_wait3A_431 = tpu.memref_squeeze %dma_wait3A_430 : memref<1x128xi32, #tpu.memory_space<vmem>> -> memref<128xi32, #tpu.memory_space<vmem>>
      %dma_wait3A_432 = arith.constant 0 : i32
      %dma_wait3A_433 = arith.constant 0 : i32
      %dma_wait3A_434 = tpu.memref_slice %arg2[%dma_wait3A_432, %dma_wait3A_433] : memref<100000x16xf32, #tpu.memory_space<hbm>> -> memref<100000x16xf32, #tpu.memory_space<hbm>>
      tpu.wait_indirect_dma semaphore(%arg16 : memref<!tpu.dma_semaphore, #tpu.memory_space<semaphore_mem>>) src(%dma_wait3A_434 : memref<100000x16xf32, #tpu.memory_space<hbm>>) dst(%dma_wait3A_428 : memref<128x16xf32, #tpu.memory_space<vmem>>)
      %dma_wait3A_435 = arith.constant 2 : i32
      %dma_wait3A_436 = arith.constant 256 : i32
      %dma_wait3A_437 = arith.constant 0 : i32
      %dma_wait3A_438 = tpu.memref_slice %arg11[%dma_wait3A_436, %dma_wait3A_437] : memref<768x16xf32, #tpu.memory_space<vmem>> -> memref<128x16xf32, #tpu.memory_space<vmem>>
      %dma_wait3A_439 = arith.constant 0 : i32
      %dma_wait3A_440 = tpu.memref_slice %arg9[%dma_wait3A_435, %dma_wait3A_439] : memref<6x128xi32, #tpu.memory_space<vmem>> -> memref<1x128xi32, #tpu.memory_space<vmem>>
      %dma_wait3A_441 = tpu.memref_squeeze %dma_wait3A_440 : memref<1x128xi32, #tpu.memory_space<vmem>> -> memref<128xi32, #tpu.memory_space<vmem>>
      %dma_wait3A_442 = arith.constant 0 : i32
      %dma_wait3A_443 = arith.constant 0 : i32
      %dma_wait3A_444 = tpu.memref_slice %arg2[%dma_wait3A_442, %dma_wait3A_443] : memref<100000x16xf32, #tpu.memory_space<hbm>> -> memref<100000x16xf32, #tpu.memory_space<hbm>>
      tpu.wait_indirect_dma semaphore(%arg16 : memref<!tpu.dma_semaphore, #tpu.memory_space<semaphore_mem>>) src(%dma_wait3A_444 : memref<100000x16xf32, #tpu.memory_space<hbm>>) dst(%dma_wait3A_438 : memref<128x16xf32, #tpu.memory_space<vmem>>)
      %dma_wait3A_445 = arith.constant 3 : i32
      %dma_wait3A_446 = arith.constant 384 : i32
      %dma_wait3A_447 = arith.constant 0 : i32
      %dma_wait3A_448 = tpu.memref_slice %arg11[%dma_wait3A_446, %dma_wait3A_447] : memref<768x16xf32, #tpu.memory_space<vmem>> -> memref<128x16xf32, #tpu.memory_space<vmem>>
      %dma_wait3A_449 = arith.constant 0 : i32
      %dma_wait3A_450 = tpu.memref_slice %arg9[%dma_wait3A_445, %dma_wait3A_449] : memref<6x128xi32, #tpu.memory_space<vmem>> -> memref<1x128xi32, #tpu.memory_space<vmem>>
      %dma_wait3A_451 = tpu.memref_squeeze %dma_wait3A_450 : memref<1x128xi32, #tpu.memory_space<vmem>> -> memref<128xi32, #tpu.memory_space<vmem>>
      %dma_wait3A_452 = arith.constant 0 : i32
      %dma_wait3A_453 = arith.constant 0 : i32
      %dma_wait3A_454 = tpu.memref_slice %arg2[%dma_wait3A_452, %dma_wait3A_453] : memref<100000x16xf32, #tpu.memory_space<hbm>> -> memref<100000x16xf32, #tpu.memory_space<hbm>>
      tpu.wait_indirect_dma semaphore(%arg16 : memref<!tpu.dma_semaphore, #tpu.memory_space<semaphore_mem>>) src(%dma_wait3A_454 : memref<100000x16xf32, #tpu.memory_space<hbm>>) dst(%dma_wait3A_448 : memref<128x16xf32, #tpu.memory_space<vmem>>)
      %dma_wait3A_455 = arith.constant 4 : i32
      %dma_wait3A_456 = arith.constant 512 : i32
      %dma_wait3A_457 = arith.constant 0 : i32
      %dma_wait3A_458 = tpu.memref_slice %arg11[%dma_wait3A_456, %dma_wait3A_457] : memref<768x16xf32, #tpu.memory_space<vmem>> -> memref<128x16xf32, #tpu.memory_space<vmem>>
      %dma_wait3A_459 = arith.constant 0 : i32
      %dma_wait3A_460 = tpu.memref_slice %arg9[%dma_wait3A_455, %dma_wait3A_459] : memref<6x128xi32, #tpu.memory_space<vmem>> -> memref<1x128xi32, #tpu.memory_space<vmem>>
      %dma_wait3A_461 = tpu.memref_squeeze %dma_wait3A_460 : memref<1x128xi32, #tpu.memory_space<vmem>> -> memref<128xi32, #tpu.memory_space<vmem>>
      %dma_wait3A_462 = arith.constant 0 : i32
      %dma_wait3A_463 = arith.constant 0 : i32
      %dma_wait3A_464 = tpu.memref_slice %arg2[%dma_wait3A_462, %dma_wait3A_463] : memref<100000x16xf32, #tpu.memory_space<hbm>> -> memref<100000x16xf32, #tpu.memory_space<hbm>>
      tpu.wait_indirect_dma semaphore(%arg16 : memref<!tpu.dma_semaphore, #tpu.memory_space<semaphore_mem>>) src(%dma_wait3A_464 : memref<100000x16xf32, #tpu.memory_space<hbm>>) dst(%dma_wait3A_458 : memref<128x16xf32, #tpu.memory_space<vmem>>)
      %dma_wait3A_465 = arith.constant 5 : i32
      %dma_wait3A_466 = arith.constant 640 : i32
      %dma_wait3A_467 = arith.constant 0 : i32
      %dma_wait3A_468 = tpu.memref_slice %arg11[%dma_wait3A_466, %dma_wait3A_467] : memref<768x16xf32, #tpu.memory_space<vmem>> -> memref<128x16xf32, #tpu.memory_space<vmem>>
      %dma_wait3A_469 = arith.constant 0 : i32
      %dma_wait3A_470 = tpu.memref_slice %arg9[%dma_wait3A_465, %dma_wait3A_469] : memref<6x128xi32, #tpu.memory_space<vmem>> -> memref<1x128xi32, #tpu.memory_space<vmem>>
      %dma_wait3A_471 = tpu.memref_squeeze %dma_wait3A_470 : memref<1x128xi32, #tpu.memory_space<vmem>> -> memref<128xi32, #tpu.memory_space<vmem>>
      %dma_wait3A_472 = arith.constant 0 : i32
      %dma_wait3A_473 = arith.constant 0 : i32
      %dma_wait3A_474 = tpu.memref_slice %arg2[%dma_wait3A_472, %dma_wait3A_473] : memref<100000x16xf32, #tpu.memory_space<hbm>> -> memref<100000x16xf32, #tpu.memory_space<hbm>>
      tpu.wait_indirect_dma semaphore(%arg16 : memref<!tpu.dma_semaphore, #tpu.memory_space<semaphore_mem>>) src(%dma_wait3A_474 : memref<100000x16xf32, #tpu.memory_space<hbm>>) dst(%dma_wait3A_468 : memref<128x16xf32, #tpu.memory_space<vmem>>)
      %dma_wait3A_475 = arith.constant 0 : i32
      %dma_wait3A_476 = arith.constant 0 : i32
      %dma_wait3A_477 = arith.constant 0 : i32
      %dma_wait3A_478 = tpu.memref_slice %arg8[%dma_wait3A_476, %dma_wait3A_477] : memref<768x16xf32, #tpu.memory_space<vmem>> -> memref<128x16xf32, #tpu.memory_space<vmem>>
      %dma_wait3A_479 = arith.constant 0 : i32
      %dma_wait3A_480 = tpu.memref_slice %arg7[%dma_wait3A_475, %dma_wait3A_479] : memref<6x128xi32, #tpu.memory_space<vmem>> -> memref<1x128xi32, #tpu.memory_space<vmem>>
      %dma_wait3A_481 = tpu.memref_squeeze %dma_wait3A_480 : memref<1x128xi32, #tpu.memory_space<vmem>> -> memref<128xi32, #tpu.memory_space<vmem>>
      %dma_wait3A_482 = arith.constant 0 : i32
      %dma_wait3A_483 = arith.constant 0 : i32
      %dma_wait3A_484 = tpu.memref_slice %arg12[%dma_wait3A_482, %dma_wait3A_483] : memref<100096x16xf32, #tpu.memory_space<vmem_shared>> -> memref<100096x16xf32, #tpu.memory_space<vmem_shared>>
      tpu.wait_indirect_dma semaphore(%arg17 : memref<!tpu.dma_semaphore, #tpu.memory_space<semaphore_mem>>) src(%dma_wait3A_478 : memref<128x16xf32, #tpu.memory_space<vmem>>) dst(%dma_wait3A_484 : memref<100096x16xf32, #tpu.memory_space<vmem_shared>>)
      %dma_wait3A_485 = arith.constant 1 : i32
      %dma_wait3A_486 = arith.constant 128 : i32
      %dma_wait3A_487 = arith.constant 0 : i32
      %dma_wait3A_488 = tpu.memref_slice %arg8[%dma_wait3A_486, %dma_wait3A_487] : memref<768x16xf32, #tpu.memory_space<vmem>> -> memref<128x16xf32, #tpu.memory_space<vmem>>
      %dma_wait3A_489 = arith.constant 0 : i32
      %dma_wait3A_490 = tpu.memref_slice %arg7[%dma_wait3A_485, %dma_wait3A_489] : memref<6x128xi32, #tpu.memory_space<vmem>> -> memref<1x128xi32, #tpu.memory_space<vmem>>
      %dma_wait3A_491 = tpu.memref_squeeze %dma_wait3A_490 : memref<1x128xi32, #tpu.memory_space<vmem>> -> memref<128xi32, #tpu.memory_space<vmem>>
      %dma_wait3A_492 = arith.constant 0 : i32
      %dma_wait3A_493 = arith.constant 0 : i32
      %dma_wait3A_494 = tpu.memref_slice %arg12[%dma_wait3A_492, %dma_wait3A_493] : memref<100096x16xf32, #tpu.memory_space<vmem_shared>> -> memref<100096x16xf32, #tpu.memory_space<vmem_shared>>
      tpu.wait_indirect_dma semaphore(%arg17 : memref<!tpu.dma_semaphore, #tpu.memory_space<semaphore_mem>>) src(%dma_wait3A_488 : memref<128x16xf32, #tpu.memory_space<vmem>>) dst(%dma_wait3A_494 : memref<100096x16xf32, #tpu.memory_space<vmem_shared>>)
      %dma_wait3A_495 = arith.constant 2 : i32
      %dma_wait3A_496 = arith.constant 256 : i32
      %dma_wait3A_497 = arith.constant 0 : i32
      %dma_wait3A_498 = tpu.memref_slice %arg8[%dma_wait3A_496, %dma_wait3A_497] : memref<768x16xf32, #tpu.memory_space<vmem>> -> memref<128x16xf32, #tpu.memory_space<vmem>>
      %dma_wait3A_499 = arith.constant 0 : i32
      %dma_wait3A_500 = tpu.memref_slice %arg7[%dma_wait3A_495, %dma_wait3A_499] : memref<6x128xi32, #tpu.memory_space<vmem>> -> memref<1x128xi32, #tpu.memory_space<vmem>>
      %dma_wait3A_501 = tpu.memref_squeeze %dma_wait3A_500 : memref<1x128xi32, #tpu.memory_space<vmem>> -> memref<128xi32, #tpu.memory_space<vmem>>
      %dma_wait3A_502 = arith.constant 0 : i32
      %dma_wait3A_503 = arith.constant 0 : i32
      %dma_wait3A_504 = tpu.memref_slice %arg12[%dma_wait3A_502, %dma_wait3A_503] : memref<100096x16xf32, #tpu.memory_space<vmem_shared>> -> memref<100096x16xf32, #tpu.memory_space<vmem_shared>>
      tpu.wait_indirect_dma semaphore(%arg17 : memref<!tpu.dma_semaphore, #tpu.memory_space<semaphore_mem>>) src(%dma_wait3A_498 : memref<128x16xf32, #tpu.memory_space<vmem>>) dst(%dma_wait3A_504 : memref<100096x16xf32, #tpu.memory_space<vmem_shared>>)
      %dma_wait3A_505 = arith.constant 3 : i32
      %dma_wait3A_506 = arith.constant 384 : i32
      %dma_wait3A_507 = arith.constant 0 : i32
      %dma_wait3A_508 = tpu.memref_slice %arg8[%dma_wait3A_506, %dma_wait3A_507] : memref<768x16xf32, #tpu.memory_space<vmem>> -> memref<128x16xf32, #tpu.memory_space<vmem>>
      %dma_wait3A_509 = arith.constant 0 : i32
      %dma_wait3A_510 = tpu.memref_slice %arg7[%dma_wait3A_505, %dma_wait3A_509] : memref<6x128xi32, #tpu.memory_space<vmem>> -> memref<1x128xi32, #tpu.memory_space<vmem>>
      %dma_wait3A_511 = tpu.memref_squeeze %dma_wait3A_510 : memref<1x128xi32, #tpu.memory_space<vmem>> -> memref<128xi32, #tpu.memory_space<vmem>>
      %dma_wait3A_512 = arith.constant 0 : i32
      %dma_wait3A_513 = arith.constant 0 : i32
      %dma_wait3A_514 = tpu.memref_slice %arg12[%dma_wait3A_512, %dma_wait3A_513] : memref<100096x16xf32, #tpu.memory_space<vmem_shared>> -> memref<100096x16xf32, #tpu.memory_space<vmem_shared>>
      tpu.wait_indirect_dma semaphore(%arg17 : memref<!tpu.dma_semaphore, #tpu.memory_space<semaphore_mem>>) src(%dma_wait3A_508 : memref<128x16xf32, #tpu.memory_space<vmem>>) dst(%dma_wait3A_514 : memref<100096x16xf32, #tpu.memory_space<vmem_shared>>)
      %dma_wait3A_515 = arith.constant 4 : i32
      %dma_wait3A_516 = arith.constant 512 : i32
      %dma_wait3A_517 = arith.constant 0 : i32
      %dma_wait3A_518 = tpu.memref_slice %arg8[%dma_wait3A_516, %dma_wait3A_517] : memref<768x16xf32, #tpu.memory_space<vmem>> -> memref<128x16xf32, #tpu.memory_space<vmem>>
      %dma_wait3A_519 = arith.constant 0 : i32
      %dma_wait3A_520 = tpu.memref_slice %arg7[%dma_wait3A_515, %dma_wait3A_519] : memref<6x128xi32, #tpu.memory_space<vmem>> -> memref<1x128xi32, #tpu.memory_space<vmem>>
      %dma_wait3A_521 = tpu.memref_squeeze %dma_wait3A_520 : memref<1x128xi32, #tpu.memory_space<vmem>> -> memref<128xi32, #tpu.memory_space<vmem>>
      %dma_wait3A_522 = arith.constant 0 : i32
      %dma_wait3A_523 = arith.constant 0 : i32
      %dma_wait3A_524 = tpu.memref_slice %arg12[%dma_wait3A_522, %dma_wait3A_523] : memref<100096x16xf32, #tpu.memory_space<vmem_shared>> -> memref<100096x16xf32, #tpu.memory_space<vmem_shared>>
      tpu.wait_indirect_dma semaphore(%arg17 : memref<!tpu.dma_semaphore, #tpu.memory_space<semaphore_mem>>) src(%dma_wait3A_518 : memref<128x16xf32, #tpu.memory_space<vmem>>) dst(%dma_wait3A_524 : memref<100096x16xf32, #tpu.memory_space<vmem_shared>>)
      %dma_wait3A_525 = arith.constant 5 : i32
      %dma_wait3A_526 = arith.constant 640 : i32
      %dma_wait3A_527 = arith.constant 0 : i32
      %dma_wait3A_528 = tpu.memref_slice %arg8[%dma_wait3A_526, %dma_wait3A_527] : memref<768x16xf32, #tpu.memory_space<vmem>> -> memref<128x16xf32, #tpu.memory_space<vmem>>
      %dma_wait3A_529 = arith.constant 0 : i32
      %dma_wait3A_530 = tpu.memref_slice %arg7[%dma_wait3A_525, %dma_wait3A_529] : memref<6x128xi32, #tpu.memory_space<vmem>> -> memref<1x128xi32, #tpu.memory_space<vmem>>
      %dma_wait3A_531 = tpu.memref_squeeze %dma_wait3A_530 : memref<1x128xi32, #tpu.memory_space<vmem>> -> memref<128xi32, #tpu.memory_space<vmem>>
      %dma_wait3A_532 = arith.constant 0 : i32
      %dma_wait3A_533 = arith.constant 0 : i32
      %dma_wait3A_534 = tpu.memref_slice %arg12[%dma_wait3A_532, %dma_wait3A_533] : memref<100096x16xf32, #tpu.memory_space<vmem_shared>> -> memref<100096x16xf32, #tpu.memory_space<vmem_shared>>
      tpu.wait_indirect_dma semaphore(%arg17 : memref<!tpu.dma_semaphore, #tpu.memory_space<semaphore_mem>>) src(%dma_wait3A_528 : memref<128x16xf32, #tpu.memory_space<vmem>>) dst(%dma_wait3A_534 : memref<100096x16xf32, #tpu.memory_space<vmem_shared>>)
      %add3A_535 = arith.constant 2 : i32
      %add3A_536 = arith.addi %mul3A_135, %add3A_535 : i32
      %mul3A_537 = arith.constant 6 : i32
      %mul3A_538 = arith.muli %add3A_536, %mul3A_537 : i32
      %add3A_539 = arith.addi %select_n3A, %mul3A_538 : i32
      %dma_start3A_540 = arith.constant 0 : i32
      %dma_start3A_541 = tpu.memref_slice %arg3[%add3A_539, %dma_start3A_540] : memref<25352x128xi32, #tpu.memory_space<hbm>> -> memref<6x128xi32, #tpu.memory_space<hbm>>
      %dma_start3A_542 = arith.constant 0 : i32
      %dma_start3A_543 = tpu.memref_slice %arg3[%add3A_539, %dma_start3A_542] : memref<25352x128xi32, #tpu.memory_space<hbm>> -> memref<6x128xi32, #tpu.memory_space<hbm>>
      tpu.enqueue_dma source(%dma_start3A_543 : memref<6x128xi32, #tpu.memory_space<hbm>>) target(%arg6 : memref<6x128xi32, #tpu.memory_space<vmem>>) target_semaphore(%arg13 : memref<!tpu.dma_semaphore, #tpu.memory_space<semaphore_mem>>)
      %dma_start3A_544 = arith.constant 0 : i32
      %dma_start3A_545 = tpu.memref_slice %arg4[%add3A_539, %dma_start3A_544] : memref<25352x128xi32, #tpu.memory_space<hbm>> -> memref<6x128xi32, #tpu.memory_space<hbm>>
      %dma_start3A_546 = arith.constant 0 : i32
      %dma_start3A_547 = tpu.memref_slice %arg4[%add3A_539, %dma_start3A_546] : memref<25352x128xi32, #tpu.memory_space<hbm>> -> memref<6x128xi32, #tpu.memory_space<hbm>>
      tpu.enqueue_dma source(%dma_start3A_547 : memref<6x128xi32, #tpu.memory_space<hbm>>) target(%arg7 : memref<6x128xi32, #tpu.memory_space<vmem>>) target_semaphore(%arg13 : memref<!tpu.dma_semaphore, #tpu.memory_space<semaphore_mem>>)
      %dma_start3A_548 = arith.constant 0 : i32
      %dma_start3A_549 = arith.constant 0 : i32
      %dma_start3A_550 = arith.constant 0 : i32
      %dma_start3A_551 = tpu.memref_slice %arg11[%dma_start3A_549, %dma_start3A_550] : memref<768x16xf32, #tpu.memory_space<vmem>> -> memref<128x16xf32, #tpu.memory_space<vmem>>
      %dma_start3A_552 = arith.constant 0 : i32
      %dma_start3A_553 = tpu.memref_slice %arg10[%dma_start3A_548, %dma_start3A_552] : memref<6x128xi32, #tpu.memory_space<vmem>> -> memref<1x128xi32, #tpu.memory_space<vmem>>
      %dma_start3A_554 = tpu.memref_squeeze %dma_start3A_553 : memref<1x128xi32, #tpu.memory_space<vmem>> -> memref<128xi32, #tpu.memory_space<vmem>>
      %dma_start3A_555 = arith.constant 0 : i32
      %dma_start3A_556 = arith.constant 0 : i32
      %dma_start3A_557 = tpu.memref_slice %arg12[%dma_start3A_555, %dma_start3A_556] : memref<100096x16xf32, #tpu.memory_space<vmem_shared>> -> memref<100096x16xf32, #tpu.memory_space<vmem_shared>>
      tpu.enqueue_indirect_dma source(%dma_start3A_551 : memref<128x16xf32, #tpu.memory_space<vmem>>) target(%dma_start3A_557 : memref<100096x16xf32, #tpu.memory_space<vmem_shared>>) offsets(%dma_start3A_554 : memref<128xi32, #tpu.memory_space<vmem>>) semaphore(%arg18 : memref<!tpu.dma_semaphore, #tpu.memory_space<semaphore_mem>>) {add = true}
      %dma_start3A_558 = arith.constant 1 : i32
      %dma_start3A_559 = arith.constant 128 : i32
      %dma_start3A_560 = arith.constant 0 : i32
      %dma_start3A_561 = tpu.memref_slice %arg11[%dma_start3A_559, %dma_start3A_560] : memref<768x16xf32, #tpu.memory_space<vmem>> -> memref<128x16xf32, #tpu.memory_space<vmem>>
      %dma_start3A_562 = arith.constant 0 : i32
      %dma_start3A_563 = tpu.memref_slice %arg10[%dma_start3A_558, %dma_start3A_562] : memref<6x128xi32, #tpu.memory_space<vmem>> -> memref<1x128xi32, #tpu.memory_space<vmem>>
      %dma_start3A_564 = tpu.memref_squeeze %dma_start3A_563 : memref<1x128xi32, #tpu.memory_space<vmem>> -> memref<128xi32, #tpu.memory_space<vmem>>
      %dma_start3A_565 = arith.constant 0 : i32
      %dma_start3A_566 = arith.constant 0 : i32
      %dma_start3A_567 = tpu.memref_slice %arg12[%dma_start3A_565, %dma_start3A_566] : memref<100096x16xf32, #tpu.memory_space<vmem_shared>> -> memref<100096x16xf32, #tpu.memory_space<vmem_shared>>
      tpu.enqueue_indirect_dma source(%dma_start3A_561 : memref<128x16xf32, #tpu.memory_space<vmem>>) target(%dma_start3A_567 : memref<100096x16xf32, #tpu.memory_space<vmem_shared>>) offsets(%dma_start3A_564 : memref<128xi32, #tpu.memory_space<vmem>>) semaphore(%arg18 : memref<!tpu.dma_semaphore, #tpu.memory_space<semaphore_mem>>) {add = true}
      %dma_start3A_568 = arith.constant 2 : i32
      %dma_start3A_569 = arith.constant 256 : i32
      %dma_start3A_570 = arith.constant 0 : i32
      %dma_start3A_571 = tpu.memref_slice %arg11[%dma_start3A_569, %dma_start3A_570] : memref<768x16xf32, #tpu.memory_space<vmem>> -> memref<128x16xf32, #tpu.memory_space<vmem>>
      %dma_start3A_572 = arith.constant 0 : i32
      %dma_start3A_573 = tpu.memref_slice %arg10[%dma_start3A_568, %dma_start3A_572] : memref<6x128xi32, #tpu.memory_space<vmem>> -> memref<1x128xi32, #tpu.memory_space<vmem>>
      %dma_start3A_574 = tpu.memref_squeeze %dma_start3A_573 : memref<1x128xi32, #tpu.memory_space<vmem>> -> memref<128xi32, #tpu.memory_space<vmem>>
      %dma_start3A_575 = arith.constant 0 : i32
      %dma_start3A_576 = arith.constant 0 : i32
      %dma_start3A_577 = tpu.memref_slice %arg12[%dma_start3A_575, %dma_start3A_576] : memref<100096x16xf32, #tpu.memory_space<vmem_shared>> -> memref<100096x16xf32, #tpu.memory_space<vmem_shared>>
      tpu.enqueue_indirect_dma source(%dma_start3A_571 : memref<128x16xf32, #tpu.memory_space<vmem>>) target(%dma_start3A_577 : memref<100096x16xf32, #tpu.memory_space<vmem_shared>>) offsets(%dma_start3A_574 : memref<128xi32, #tpu.memory_space<vmem>>) semaphore(%arg18 : memref<!tpu.dma_semaphore, #tpu.memory_space<semaphore_mem>>) {add = true}
      %dma_start3A_578 = arith.constant 3 : i32
      %dma_start3A_579 = arith.constant 384 : i32
      %dma_start3A_580 = arith.constant 0 : i32
      %dma_start3A_581 = tpu.memref_slice %arg11[%dma_start3A_579, %dma_start3A_580] : memref<768x16xf32, #tpu.memory_space<vmem>> -> memref<128x16xf32, #tpu.memory_space<vmem>>
      %dma_start3A_582 = arith.constant 0 : i32
      %dma_start3A_583 = tpu.memref_slice %arg10[%dma_start3A_578, %dma_start3A_582] : memref<6x128xi32, #tpu.memory_space<vmem>> -> memref<1x128xi32, #tpu.memory_space<vmem>>
      %dma_start3A_584 = tpu.memref_squeeze %dma_start3A_583 : memref<1x128xi32, #tpu.memory_space<vmem>> -> memref<128xi32, #tpu.memory_space<vmem>>
      %dma_start3A_585 = arith.constant 0 : i32
      %dma_start3A_586 = arith.constant 0 : i32
      %dma_start3A_587 = tpu.memref_slice %arg12[%dma_start3A_585, %dma_start3A_586] : memref<100096x16xf32, #tpu.memory_space<vmem_shared>> -> memref<100096x16xf32, #tpu.memory_space<vmem_shared>>
      tpu.enqueue_indirect_dma source(%dma_start3A_581 : memref<128x16xf32, #tpu.memory_space<vmem>>) target(%dma_start3A_587 : memref<100096x16xf32, #tpu.memory_space<vmem_shared>>) offsets(%dma_start3A_584 : memref<128xi32, #tpu.memory_space<vmem>>) semaphore(%arg18 : memref<!tpu.dma_semaphore, #tpu.memory_space<semaphore_mem>>) {add = true}
      %dma_start3A_588 = arith.constant 4 : i32
      %dma_start3A_589 = arith.constant 512 : i32
      %dma_start3A_590 = arith.constant 0 : i32
      %dma_start3A_591 = tpu.memref_slice %arg11[%dma_start3A_589, %dma_start3A_590] : memref<768x16xf32, #tpu.memory_space<vmem>> -> memref<128x16xf32, #tpu.memory_space<vmem>>
      %dma_start3A_592 = arith.constant 0 : i32
      %dma_start3A_593 = tpu.memref_slice %arg10[%dma_start3A_588, %dma_start3A_592] : memref<6x128xi32, #tpu.memory_space<vmem>> -> memref<1x128xi32, #tpu.memory_space<vmem>>
      %dma_start3A_594 = tpu.memref_squeeze %dma_start3A_593 : memref<1x128xi32, #tpu.memory_space<vmem>> -> memref<128xi32, #tpu.memory_space<vmem>>
      %dma_start3A_595 = arith.constant 0 : i32
      %dma_start3A_596 = arith.constant 0 : i32
      %dma_start3A_597 = tpu.memref_slice %arg12[%dma_start3A_595, %dma_start3A_596] : memref<100096x16xf32, #tpu.memory_space<vmem_shared>> -> memref<100096x16xf32, #tpu.memory_space<vmem_shared>>
      tpu.enqueue_indirect_dma source(%dma_start3A_591 : memref<128x16xf32, #tpu.memory_space<vmem>>) target(%dma_start3A_597 : memref<100096x16xf32, #tpu.memory_space<vmem_shared>>) offsets(%dma_start3A_594 : memref<128xi32, #tpu.memory_space<vmem>>) semaphore(%arg18 : memref<!tpu.dma_semaphore, #tpu.memory_space<semaphore_mem>>) {add = true}
      %dma_start3A_598 = arith.constant 5 : i32
      %dma_start3A_599 = arith.constant 640 : i32
      %dma_start3A_600 = arith.constant 0 : i32
      %dma_start3A_601 = tpu.memref_slice %arg11[%dma_start3A_599, %dma_start3A_600] : memref<768x16xf32, #tpu.memory_space<vmem>> -> memref<128x16xf32, #tpu.memory_space<vmem>>
      %dma_start3A_602 = arith.constant 0 : i32
      %dma_start3A_603 = tpu.memref_slice %arg10[%dma_start3A_598, %dma_start3A_602] : memref<6x128xi32, #tpu.memory_space<vmem>> -> memref<1x128xi32, #tpu.memory_space<vmem>>
      %dma_start3A_604 = tpu.memref_squeeze %dma_start3A_603 : memref<1x128xi32, #tpu.memory_space<vmem>> -> memref<128xi32, #tpu.memory_space<vmem>>
      %dma_start3A_605 = arith.constant 0 : i32
      %dma_start3A_606 = arith.constant 0 : i32
      %dma_start3A_607 = tpu.memref_slice %arg12[%dma_start3A_605, %dma_start3A_606] : memref<100096x16xf32, #tpu.memory_space<vmem_shared>> -> memref<100096x16xf32, #tpu.memory_space<vmem_shared>>
      tpu.enqueue_indirect_dma source(%dma_start3A_601 : memref<128x16xf32, #tpu.memory_space<vmem>>) target(%dma_start3A_607 : memref<100096x16xf32, #tpu.memory_space<vmem_shared>>) offsets(%dma_start3A_604 : memref<128xi32, #tpu.memory_space<vmem>>) semaphore(%arg18 : memref<!tpu.dma_semaphore, #tpu.memory_space<semaphore_mem>>) {add = true}
    }
    %dma_wait3A = arith.constant 0 : i32
    %dma_wait3A_57 = arith.constant 0 : i32
    %dma_wait3A_58 = arith.constant 0 : i32
    %dma_wait3A_59 = tpu.memref_slice %arg11[%dma_wait3A_57, %dma_wait3A_58] : memref<768x16xf32, #tpu.memory_space<vmem>> -> memref<128x16xf32, #tpu.memory_space<vmem>>
    %dma_wait3A_60 = arith.constant 0 : i32
    %dma_wait3A_61 = tpu.memref_slice %arg10[%dma_wait3A, %dma_wait3A_60] : memref<6x128xi32, #tpu.memory_space<vmem>> -> memref<1x128xi32, #tpu.memory_space<vmem>>
    %dma_wait3A_62 = tpu.memref_squeeze %dma_wait3A_61 : memref<1x128xi32, #tpu.memory_space<vmem>> -> memref<128xi32, #tpu.memory_space<vmem>>
    %dma_wait3A_63 = arith.constant 0 : i32
    %dma_wait3A_64 = arith.constant 0 : i32
    %dma_wait3A_65 = tpu.memref_slice %arg12[%dma_wait3A_63, %dma_wait3A_64] : memref<100096x16xf32, #tpu.memory_space<vmem_shared>> -> memref<100096x16xf32, #tpu.memory_space<vmem_shared>>
    tpu.wait_indirect_dma semaphore(%arg18 : memref<!tpu.dma_semaphore, #tpu.memory_space<semaphore_mem>>) src(%dma_wait3A_59 : memref<128x16xf32, #tpu.memory_space<vmem>>) dst(%dma_wait3A_65 : memref<100096x16xf32, #tpu.memory_space<vmem_shared>>)
    %dma_wait3A_66 = arith.constant 1 : i32
    %dma_wait3A_67 = arith.constant 128 : i32
    %dma_wait3A_68 = arith.constant 0 : i32
    %dma_wait3A_69 = tpu.memref_slice %arg11[%dma_wait3A_67, %dma_wait3A_68] : memref<768x16xf32, #tpu.memory_space<vmem>> -> memref<128x16xf32, #tpu.memory_space<vmem>>
    %dma_wait3A_70 = arith.constant 0 : i32
    %dma_wait3A_71 = tpu.memref_slice %arg10[%dma_wait3A_66, %dma_wait3A_70] : memref<6x128xi32, #tpu.memory_space<vmem>> -> memref<1x128xi32, #tpu.memory_space<vmem>>
    %dma_wait3A_72 = tpu.memref_squeeze %dma_wait3A_71 : memref<1x128xi32, #tpu.memory_space<vmem>> -> memref<128xi32, #tpu.memory_space<vmem>>
    %dma_wait3A_73 = arith.constant 0 : i32
    %dma_wait3A_74 = arith.constant 0 : i32
    %dma_wait3A_75 = tpu.memref_slice %arg12[%dma_wait3A_73, %dma_wait3A_74] : memref<100096x16xf32, #tpu.memory_space<vmem_shared>> -> memref<100096x16xf32, #tpu.memory_space<vmem_shared>>
    tpu.wait_indirect_dma semaphore(%arg18 : memref<!tpu.dma_semaphore, #tpu.memory_space<semaphore_mem>>) src(%dma_wait3A_69 : memref<128x16xf32, #tpu.memory_space<vmem>>) dst(%dma_wait3A_75 : memref<100096x16xf32, #tpu.memory_space<vmem_shared>>)
    %dma_wait3A_76 = arith.constant 2 : i32
    %dma_wait3A_77 = arith.constant 256 : i32
    %dma_wait3A_78 = arith.constant 0 : i32
    %dma_wait3A_79 = tpu.memref_slice %arg11[%dma_wait3A_77, %dma_wait3A_78] : memref<768x16xf32, #tpu.memory_space<vmem>> -> memref<128x16xf32, #tpu.memory_space<vmem>>
    %dma_wait3A_80 = arith.constant 0 : i32
    %dma_wait3A_81 = tpu.memref_slice %arg10[%dma_wait3A_76, %dma_wait3A_80] : memref<6x128xi32, #tpu.memory_space<vmem>> -> memref<1x128xi32, #tpu.memory_space<vmem>>
    %dma_wait3A_82 = tpu.memref_squeeze %dma_wait3A_81 : memref<1x128xi32, #tpu.memory_space<vmem>> -> memref<128xi32, #tpu.memory_space<vmem>>
    %dma_wait3A_83 = arith.constant 0 : i32
    %dma_wait3A_84 = arith.constant 0 : i32
    %dma_wait3A_85 = tpu.memref_slice %arg12[%dma_wait3A_83, %dma_wait3A_84] : memref<100096x16xf32, #tpu.memory_space<vmem_shared>> -> memref<100096x16xf32, #tpu.memory_space<vmem_shared>>
    tpu.wait_indirect_dma semaphore(%arg18 : memref<!tpu.dma_semaphore, #tpu.memory_space<semaphore_mem>>) src(%dma_wait3A_79 : memref<128x16xf32, #tpu.memory_space<vmem>>) dst(%dma_wait3A_85 : memref<100096x16xf32, #tpu.memory_space<vmem_shared>>)
    %dma_wait3A_86 = arith.constant 3 : i32
    %dma_wait3A_87 = arith.constant 384 : i32
    %dma_wait3A_88 = arith.constant 0 : i32
    %dma_wait3A_89 = tpu.memref_slice %arg11[%dma_wait3A_87, %dma_wait3A_88] : memref<768x16xf32, #tpu.memory_space<vmem>> -> memref<128x16xf32, #tpu.memory_space<vmem>>
    %dma_wait3A_90 = arith.constant 0 : i32
    %dma_wait3A_91 = tpu.memref_slice %arg10[%dma_wait3A_86, %dma_wait3A_90] : memref<6x128xi32, #tpu.memory_space<vmem>> -> memref<1x128xi32, #tpu.memory_space<vmem>>
    %dma_wait3A_92 = tpu.memref_squeeze %dma_wait3A_91 : memref<1x128xi32, #tpu.memory_space<vmem>> -> memref<128xi32, #tpu.memory_space<vmem>>
    %dma_wait3A_93 = arith.constant 0 : i32
    %dma_wait3A_94 = arith.constant 0 : i32
    %dma_wait3A_95 = tpu.memref_slice %arg12[%dma_wait3A_93, %dma_wait3A_94] : memref<100096x16xf32, #tpu.memory_space<vmem_shared>> -> memref<100096x16xf32, #tpu.memory_space<vmem_shared>>
    tpu.wait_indirect_dma semaphore(%arg18 : memref<!tpu.dma_semaphore, #tpu.memory_space<semaphore_mem>>) src(%dma_wait3A_89 : memref<128x16xf32, #tpu.memory_space<vmem>>) dst(%dma_wait3A_95 : memref<100096x16xf32, #tpu.memory_space<vmem_shared>>)
    %dma_wait3A_96 = arith.constant 4 : i32
    %dma_wait3A_97 = arith.constant 512 : i32
    %dma_wait3A_98 = arith.constant 0 : i32
    %dma_wait3A_99 = tpu.memref_slice %arg11[%dma_wait3A_97, %dma_wait3A_98] : memref<768x16xf32, #tpu.memory_space<vmem>> -> memref<128x16xf32, #tpu.memory_space<vmem>>
    %dma_wait3A_100 = arith.constant 0 : i32
    %dma_wait3A_101 = tpu.memref_slice %arg10[%dma_wait3A_96, %dma_wait3A_100] : memref<6x128xi32, #tpu.memory_space<vmem>> -> memref<1x128xi32, #tpu.memory_space<vmem>>
    %dma_wait3A_102 = tpu.memref_squeeze %dma_wait3A_101 : memref<1x128xi32, #tpu.memory_space<vmem>> -> memref<128xi32, #tpu.memory_space<vmem>>
    %dma_wait3A_103 = arith.constant 0 : i32
    %dma_wait3A_104 = arith.constant 0 : i32
    %dma_wait3A_105 = tpu.memref_slice %arg12[%dma_wait3A_103, %dma_wait3A_104] : memref<100096x16xf32, #tpu.memory_space<vmem_shared>> -> memref<100096x16xf32, #tpu.memory_space<vmem_shared>>
    tpu.wait_indirect_dma semaphore(%arg18 : memref<!tpu.dma_semaphore, #tpu.memory_space<semaphore_mem>>) src(%dma_wait3A_99 : memref<128x16xf32, #tpu.memory_space<vmem>>) dst(%dma_wait3A_105 : memref<100096x16xf32, #tpu.memory_space<vmem_shared>>)
    %dma_wait3A_106 = arith.constant 5 : i32
    %dma_wait3A_107 = arith.constant 640 : i32
    %dma_wait3A_108 = arith.constant 0 : i32
    %dma_wait3A_109 = tpu.memref_slice %arg11[%dma_wait3A_107, %dma_wait3A_108] : memref<768x16xf32, #tpu.memory_space<vmem>> -> memref<128x16xf32, #tpu.memory_space<vmem>>
    %dma_wait3A_110 = arith.constant 0 : i32
    %dma_wait3A_111 = tpu.memref_slice %arg10[%dma_wait3A_106, %dma_wait3A_110] : memref<6x128xi32, #tpu.memory_space<vmem>> -> memref<1x128xi32, #tpu.memory_space<vmem>>
    %dma_wait3A_112 = tpu.memref_squeeze %dma_wait3A_111 : memref<1x128xi32, #tpu.memory_space<vmem>> -> memref<128xi32, #tpu.memory_space<vmem>>
    %dma_wait3A_113 = arith.constant 0 : i32
    %dma_wait3A_114 = arith.constant 0 : i32
    %dma_wait3A_115 = tpu.memref_slice %arg12[%dma_wait3A_113, %dma_wait3A_114] : memref<100096x16xf32, #tpu.memory_space<vmem_shared>> -> memref<100096x16xf32, #tpu.memory_space<vmem_shared>>
    tpu.wait_indirect_dma semaphore(%arg18 : memref<!tpu.dma_semaphore, #tpu.memory_space<semaphore_mem>>) src(%dma_wait3A_109 : memref<128x16xf32, #tpu.memory_space<vmem>>) dst(%dma_wait3A_115 : memref<100096x16xf32, #tpu.memory_space<vmem_shared>>)
    %dma_wait3A_116 = arith.constant 0 : i32
    %dma_wait3A_117 = arith.constant 0 : i32
    %dma_wait3A_118 = tpu.memref_slice %arg3[%dma_wait3A_116, %dma_wait3A_117] : memref<25352x128xi32, #tpu.memory_space<hbm>> -> memref<6x128xi32, #tpu.memory_space<hbm>>
    %dma_wait3A_119 = arith.constant 0 : i32
    %dma_wait3A_120 = arith.constant 0 : i32
    %dma_wait3A_121 = tpu.memref_slice %arg3[%dma_wait3A_119, %dma_wait3A_120] : memref<25352x128xi32, #tpu.memory_space<hbm>> -> memref<6x128xi32, #tpu.memory_space<hbm>>
    tpu.wait_dma2 semaphore(%arg13 : memref<!tpu.dma_semaphore, #tpu.memory_space<semaphore_mem>>) src(%dma_wait3A_121 : memref<6x128xi32, #tpu.memory_space<hbm>>) dst(%arg6 : memref<6x128xi32, #tpu.memory_space<vmem>>)
    %dma_wait3A_122 = arith.constant 0 : i32
    %dma_wait3A_123 = arith.constant 0 : i32
    %dma_wait3A_124 = tpu.memref_slice %arg4[%dma_wait3A_122, %dma_wait3A_123] : memref<25352x128xi32, #tpu.memory_space<hbm>> -> memref<6x128xi32, #tpu.memory_space<hbm>>
    %dma_wait3A_125 = arith.constant 0 : i32
    %dma_wait3A_126 = arith.constant 0 : i32
    %dma_wait3A_127 = tpu.memref_slice %arg4[%dma_wait3A_125, %dma_wait3A_126] : memref<25352x128xi32, #tpu.memory_space<hbm>> -> memref<6x128xi32, #tpu.memory_space<hbm>>
    tpu.wait_dma2 semaphore(%arg13 : memref<!tpu.dma_semaphore, #tpu.memory_space<semaphore_mem>>) src(%dma_wait3A_127 : memref<6x128xi32, #tpu.memory_space<hbm>>) dst(%arg7 : memref<6x128xi32, #tpu.memory_space<vmem>>)
    %barrier3A_128 = arith.constant 0 : index
    tpu.barrier barrier_id(%barrier3A_128)
    %mul3A_129 = arith.constant 6256 : i32
    %mul3A_130 = arith.muli %arg1, %mul3A_129 : i32
    "tpu.region"() ({
      %run_scoped3A = tpu.sem_alloc : memref<!tpu.dma_semaphore, #tpu.memory_space<semaphore_mem>>
      %dma_start3A_131 = arith.constant 0 : i32
      %dma_start3A_132 = tpu.memref_slice %arg5[%arg0, %mul3A_130, %dma_start3A_131] : memref<2x100096x16xf32, #tpu.memory_space<hbm>> -> memref<1x6256x16xf32, #tpu.memory_space<hbm>>
      %dma_start3A_133 = tpu.memref_squeeze %dma_start3A_132 : memref<1x6256x16xf32, #tpu.memory_space<hbm>> -> memref<6256x16xf32, #tpu.memory_space<hbm>>
      %dma_start3A_134 = arith.constant 0 : i32
      %dma_start3A_135 = tpu.memref_slice %arg12[%mul3A_130, %dma_start3A_134] : memref<100096x16xf32, #tpu.memory_space<vmem_shared>> -> memref<6256x16xf32, #tpu.memory_space<vmem_shared>>
      tpu.enqueue_dma source(%dma_start3A_135 : memref<6256x16xf32, #tpu.memory_space<vmem_shared>>) target(%dma_start3A_133 : memref<6256x16xf32, #tpu.memory_space<hbm>>) target_semaphore(%run_scoped3A : memref<!tpu.dma_semaphore, #tpu.memory_space<semaphore_mem>>)
      %dma_wait3A_136 = arith.constant 0 : i32
      %dma_wait3A_137 = tpu.memref_slice %arg5[%arg0, %mul3A_130, %dma_wait3A_136] : memref<2x100096x16xf32, #tpu.memory_space<hbm>> -> memref<1x6256x16xf32, #tpu.memory_space<hbm>>
      %dma_wait3A_138 = tpu.memref_squeeze %dma_wait3A_137 : memref<1x6256x16xf32, #tpu.memory_space<hbm>> -> memref<6256x16xf32, #tpu.memory_space<hbm>>
      %dma_wait3A_139 = arith.constant 0 : i32
      %dma_wait3A_140 = tpu.memref_slice %arg12[%mul3A_130, %dma_wait3A_139] : memref<100096x16xf32, #tpu.memory_space<vmem_shared>> -> memref<6256x16xf32, #tpu.memory_space<vmem_shared>>
      tpu.wait_dma2 semaphore(%run_scoped3A : memref<!tpu.dma_semaphore, #tpu.memory_space<semaphore_mem>>) src(%dma_wait3A_140 : memref<6256x16xf32, #tpu.memory_space<vmem_shared>>) dst(%dma_wait3A_138 : memref<6256x16xf32, #tpu.memory_space<hbm>>)
      tpu.yield
    }) : () -> ()
    return
  }
}

module attributes {stable_mosaic.version = 14 : i64} {
  func.func @_qp_body(%arg0: i32, %arg1: memref<2x4000x16xf32, #tpu.memory_space<vmem>>, %arg2: memref<4000x1xf32, #tpu.memory_space<vmem>>, %arg3: memref<4000x1xf32, #tpu.memory_space<vmem>>, %arg4: memref<4000x16xf32, #tpu.memory_space<vmem>>, %arg5: memref<16x16xf32, #tpu.memory_space<vmem>>, %arg6: memref<1x16xf32, #tpu.memory_space<vmem>>, %arg7: memref<16x16xf32, #tpu.memory_space<vmem>>, %arg8: memref<4000x16xf32, #tpu.memory_space<vmem>>) attributes {dimension_semantics = [#tpu.dimension_semantics<arbitrary>], iteration_bounds = array<i64: 25>, scalar_prefetch = 0 : i64, scratch_operands = 0 : i64, tpu.core_type = #tpu.core_type<tc>, window_params = [{transform_indices = @transform_0, window_bounds = array<i64: 2, 4000, 16>}, {transform_indices = @transform_1, window_bounds = array<i64: 4000, 1>}, {transform_indices = @transform_2, window_bounds = array<i64: 4000, 1>}, {transform_indices = @transform_3, window_bounds = array<i64: 4000, 16>}, {pipeline_mode = #tpu.pipeline_mode<synchronous>, transform_indices = @transform_4, window_bounds = array<i64: 16, 16>}, {pipeline_mode = #tpu.pipeline_mode<synchronous>, transform_indices = @transform_5, window_bounds = array<i64: 1, 16>}, {pipeline_mode = #tpu.pipeline_mode<synchronous>, transform_indices = @transform_6, window_bounds = array<i64: 16, 16>}, {transform_indices = @transform_7, window_bounds = array<i64: 4000, 16>}]} {
    %get3A = arith.constant 0 : index
    %get3A_0 = arith.constant 0 : index
    %get3A_1 = vector.load %arg2[%get3A, %get3A_0] : memref<4000x1xf32, #tpu.memory_space<vmem>>, vector<4000x1xf32>
    %get3A_2 = arith.constant 0 : index
    %get3A_3 = arith.constant 0 : index
    %get3A_4 = vector.load %arg3[%get3A_2, %get3A_3] : memref<4000x1xf32, #tpu.memory_space<vmem>>, vector<4000x1xf32>
    %add3A = arith.addf %get3A_1, %get3A_4 : vector<4000x1xf32>
    %max3A = arith.constant 1.000000e+00 : f32
    %max3A_5 = vector.broadcast %max3A : f32 to vector<4000x1xf32>
    %max3A_6 = arith.maximumf %add3A, %max3A_5 : vector<4000x1xf32>
    %get3A_7 = arith.constant 0 : index
    %get3A_8 = arith.constant 0 : index
    %get3A_9 = arith.constant 0 : index
    %get3A_10 = vector.load %arg1[%get3A_7, %get3A_8, %get3A_9] : memref<2x4000x16xf32, #tpu.memory_space<vmem>>, vector<1x4000x16xf32>
    %get3A_11 = vector.shape_cast %get3A_10 : vector<1x4000x16xf32> to vector<4000x16xf32>
    %get3A_12 = arith.constant 1 : index
    %get3A_13 = arith.constant 0 : index
    %get3A_14 = arith.constant 0 : index
    %get3A_15 = vector.load %arg1[%get3A_12, %get3A_13, %get3A_14] : memref<2x4000x16xf32, #tpu.memory_space<vmem>>, vector<1x4000x16xf32>
    %get3A_16 = vector.shape_cast %get3A_15 : vector<1x4000x16xf32> to vector<4000x16xf32>
    %add3A_17 = arith.addf %get3A_11, %get3A_16 : vector<4000x16xf32>
    %div3A = vector.broadcast %max3A_6 : vector<4000x1xf32> to vector<4000x16xf32>
    %div3A_18 = arith.divf %add3A_17, %div3A : vector<4000x16xf32>
    %get3A_19 = arith.constant 0 : index
    %get3A_20 = arith.constant 0 : index
    %get3A_21 = vector.load %arg5[%get3A_19, %get3A_20] : memref<16x16xf32, #tpu.memory_space<vmem>>, vector<16x16xf32>
    %convert_element_type3A = arith.truncf %div3A_18 : vector<4000x16xf32> to vector<4000x16xbf16>
    %convert_element_type3A_22 = arith.truncf %get3A_21 : vector<16x16xf32> to vector<16x16xbf16>
    %dot_general3A = arith.constant dense<0.000000e+00> : vector<4000x16xf32>
    %dot_general3A_23 = tpu.matmul %convert_element_type3A, %convert_element_type3A_22, %dot_general3A {dimension_numbers = #tpu.dot_dimension_numbers<[1], [0], [0], [1], [0, 0, 1, 1], [], []>, transpose_lhs_hint = false} : vector<4000x16xbf16>, vector<16x16xbf16>, vector<4000x16xf32> -> vector<4000x16xf32>
    %get3A_24 = arith.constant 0 : index
    %get3A_25 = arith.constant 0 : index
    %get3A_26 = vector.load %arg6[%get3A_24, %get3A_25] : memref<1x16xf32, #tpu.memory_space<vmem>>, vector<1x16xf32>
    %add3A_27 = vector.broadcast %get3A_26 : vector<1x16xf32> to vector<4000x16xf32>
    %add3A_28 = arith.addf %dot_general3A_23, %add3A_27 : vector<4000x16xf32>
    %get3A_29 = arith.constant 0 : index
    %get3A_30 = arith.constant 0 : index
    %get3A_31 = vector.load %arg4[%get3A_29, %get3A_30] : memref<4000x16xf32, #tpu.memory_space<vmem>>, vector<4000x16xf32>
    %get3A_32 = arith.constant 0 : index
    %get3A_33 = arith.constant 0 : index
    %get3A_34 = vector.load %arg7[%get3A_32, %get3A_33] : memref<16x16xf32, #tpu.memory_space<vmem>>, vector<16x16xf32>
    %convert_element_type3A_35 = arith.truncf %get3A_31 : vector<4000x16xf32> to vector<4000x16xbf16>
    %convert_element_type3A_36 = arith.truncf %get3A_34 : vector<16x16xf32> to vector<16x16xbf16>
    %dot_general3A_37 = arith.constant dense<0.000000e+00> : vector<4000x16xf32>
    %dot_general3A_38 = tpu.matmul %convert_element_type3A_35, %convert_element_type3A_36, %dot_general3A_37 {dimension_numbers = #tpu.dot_dimension_numbers<[1], [0], [0], [1], [0, 0, 1, 1], [], []>, transpose_lhs_hint = false} : vector<4000x16xbf16>, vector<16x16xbf16>, vector<4000x16xf32> -> vector<4000x16xf32>
    %add3A_39 = arith.addf %add3A_28, %dot_general3A_38 : vector<4000x16xf32>
    %max3A_40 = arith.constant 0.000000e+00 : f32
    %max3A_41 = vector.broadcast %max3A_40 : f32 to vector<4000x16xf32>
    %max3A_42 = arith.maximumf %add3A_39, %max3A_41 : vector<4000x16xf32>
    %swap3A = arith.constant 0 : index
    %swap3A_43 = arith.constant 0 : index
    %swap3A_44 = vector.load %arg8[%swap3A, %swap3A_43] : memref<4000x16xf32, #tpu.memory_space<vmem>>, vector<4000x16xf32>
    tpu.vector_store %arg8[%swap3A, %swap3A_43], %max3A_42 {strides = array<i32>} : memref<4000x16xf32, #tpu.memory_space<vmem>>, vector<4000x16xf32>,
    return
  }
  func.func @transform_0(%arg0: i32) -> (i32, i32, i32) {
    %c0_i32 = arith.constant 0 : i32
    %c0_i32_0 = arith.constant 0 : i32
    %c0_i32_1 = arith.constant 0 : i32
    return %c0_i32, %arg0, %c0_i32_0 : i32, i32, i32
  }
  func.func @transform_1(%arg0: i32) -> (i32, i32) {
    %c0_i32 = arith.constant 0 : i32
    %c0_i32_0 = arith.constant 0 : i32
    return %arg0, %c0_i32 : i32, i32
  }
  func.func @transform_2(%arg0: i32) -> (i32, i32) {
    %c0_i32 = arith.constant 0 : i32
    %c0_i32_0 = arith.constant 0 : i32
    return %arg0, %c0_i32 : i32, i32
  }
  func.func @transform_3(%arg0: i32) -> (i32, i32) {
    %c0_i32 = arith.constant 0 : i32
    %c0_i32_0 = arith.constant 0 : i32
    return %arg0, %c0_i32 : i32, i32
  }
  func.func @transform_4(%arg0: i32) -> (i32, i32) {
    %c0_i32 = arith.constant 0 : i32
    %c0_i32_0 = arith.constant 0 : i32
    %c0_i32_1 = arith.constant 0 : i32
    return %c0_i32, %c0_i32_0 : i32, i32
  }
  func.func @transform_5(%arg0: i32) -> (i32, i32) {
    %c0_i32 = arith.constant 0 : i32
    %c0_i32_0 = arith.constant 0 : i32
    %c0_i32_1 = arith.constant 0 : i32
    return %c0_i32, %c0_i32_0 : i32, i32
  }
  func.func @transform_6(%arg0: i32) -> (i32, i32) {
    %c0_i32 = arith.constant 0 : i32
    %c0_i32_0 = arith.constant 0 : i32
    %c0_i32_1 = arith.constant 0 : i32
    return %c0_i32, %c0_i32_0 : i32, i32
  }
  func.func @transform_7(%arg0: i32) -> (i32, i32) {
    %c0_i32 = arith.constant 0 : i32
    %c0_i32_0 = arith.constant 0 : i32
    return %arg0, %c0_i32 : i32, i32
  }
}

module attributes {stable_mosaic.version = 14 : i64} {
  func.func @_q2_body(%arg0: i32, %arg1: memref<2x4000x16xf32, #tpu.memory_space<vmem>>, %arg2: memref<4000x1xf32, #tpu.memory_space<vmem>>, %arg3: memref<4000x1xf32, #tpu.memory_space<vmem>>, %arg4: memref<4000x16xf32, #tpu.memory_space<vmem>>, %arg5: memref<16x16xf32, #tpu.memory_space<vmem>>, %arg6: memref<1x16xf32, #tpu.memory_space<vmem>>, %arg7: memref<16x16xf32, #tpu.memory_space<vmem>>, %arg8: memref<4000x16xf32, #tpu.memory_space<vmem>>) attributes {dimension_semantics = [#tpu.dimension_semantics<arbitrary>], iteration_bounds = array<i64: 25>, scalar_prefetch = 0 : i64, scratch_operands = 0 : i64, tpu.core_type = #tpu.core_type<tc>, window_params = [{transform_indices = @transform_0, window_bounds = array<i64: 2, 4000, 16>}, {transform_indices = @transform_1, window_bounds = array<i64: 4000, 1>}, {transform_indices = @transform_2, window_bounds = array<i64: 4000, 1>}, {transform_indices = @transform_3, window_bounds = array<i64: 4000, 16>}, {pipeline_mode = #tpu.pipeline_mode<synchronous>, transform_indices = @transform_4, window_bounds = array<i64: 16, 16>}, {pipeline_mode = #tpu.pipeline_mode<synchronous>, transform_indices = @transform_5, window_bounds = array<i64: 1, 16>}, {pipeline_mode = #tpu.pipeline_mode<synchronous>, transform_indices = @transform_6, window_bounds = array<i64: 16, 16>}, {transform_indices = @transform_7, window_bounds = array<i64: 4000, 16>}]} {
    %get3A = arith.constant 0 : index
    %get3A_0 = arith.constant 0 : index
    %get3A_1 = vector.load %arg2[%get3A, %get3A_0] : memref<4000x1xf32, #tpu.memory_space<vmem>>, vector<4000x1xf32>
    %get3A_2 = arith.constant 0 : index
    %get3A_3 = arith.constant 0 : index
    %get3A_4 = vector.load %arg3[%get3A_2, %get3A_3] : memref<4000x1xf32, #tpu.memory_space<vmem>>, vector<4000x1xf32>
    %add3A = arith.addf %get3A_1, %get3A_4 : vector<4000x1xf32>
    %max3A = arith.constant 1.000000e+00 : f32
    %max3A_5 = vector.broadcast %max3A : f32 to vector<4000x1xf32>
    %max3A_6 = arith.maximumf %add3A, %max3A_5 : vector<4000x1xf32>
    %get3A_7 = arith.constant 0 : index
    %get3A_8 = arith.constant 0 : index
    %get3A_9 = arith.constant 0 : index
    %get3A_10 = vector.load %arg1[%get3A_7, %get3A_8, %get3A_9] : memref<2x4000x16xf32, #tpu.memory_space<vmem>>, vector<1x4000x16xf32>
    %get3A_11 = vector.shape_cast %get3A_10 : vector<1x4000x16xf32> to vector<4000x16xf32>
    %get3A_12 = arith.constant 1 : index
    %get3A_13 = arith.constant 0 : index
    %get3A_14 = arith.constant 0 : index
    %get3A_15 = vector.load %arg1[%get3A_12, %get3A_13, %get3A_14] : memref<2x4000x16xf32, #tpu.memory_space<vmem>>, vector<1x4000x16xf32>
    %get3A_16 = vector.shape_cast %get3A_15 : vector<1x4000x16xf32> to vector<4000x16xf32>
    %add3A_17 = arith.addf %get3A_11, %get3A_16 : vector<4000x16xf32>
    %div3A = vector.broadcast %max3A_6 : vector<4000x1xf32> to vector<4000x16xf32>
    %div3A_18 = arith.divf %add3A_17, %div3A : vector<4000x16xf32>
    %get3A_19 = arith.constant 0 : index
    %get3A_20 = arith.constant 0 : index
    %get3A_21 = vector.load %arg5[%get3A_19, %get3A_20] : memref<16x16xf32, #tpu.memory_space<vmem>>, vector<16x16xf32>
    %convert_element_type3A = arith.truncf %div3A_18 : vector<4000x16xf32> to vector<4000x16xbf16>
    %convert_element_type3A_22 = arith.truncf %get3A_21 : vector<16x16xf32> to vector<16x16xbf16>
    %dot_general3A = arith.constant dense<0.000000e+00> : vector<4000x16xf32>
    %dot_general3A_23 = tpu.matmul %convert_element_type3A, %convert_element_type3A_22, %dot_general3A {dimension_numbers = #tpu.dot_dimension_numbers<[1], [0], [0], [1], [0, 0, 1, 1], [], []>, transpose_lhs_hint = false} : vector<4000x16xbf16>, vector<16x16xbf16>, vector<4000x16xf32> -> vector<4000x16xf32>
    %get3A_24 = arith.constant 0 : index
    %get3A_25 = arith.constant 0 : index
    %get3A_26 = vector.load %arg6[%get3A_24, %get3A_25] : memref<1x16xf32, #tpu.memory_space<vmem>>, vector<1x16xf32>
    %add3A_27 = vector.broadcast %get3A_26 : vector<1x16xf32> to vector<4000x16xf32>
    %add3A_28 = arith.addf %dot_general3A_23, %add3A_27 : vector<4000x16xf32>
    %get3A_29 = arith.constant 0 : index
    %get3A_30 = arith.constant 0 : index
    %get3A_31 = vector.load %arg4[%get3A_29, %get3A_30] : memref<4000x16xf32, #tpu.memory_space<vmem>>, vector<4000x16xf32>
    %get3A_32 = arith.constant 0 : index
    %get3A_33 = arith.constant 0 : index
    %get3A_34 = vector.load %arg7[%get3A_32, %get3A_33] : memref<16x16xf32, #tpu.memory_space<vmem>>, vector<16x16xf32>
    %convert_element_type3A_35 = arith.truncf %get3A_31 : vector<4000x16xf32> to vector<4000x16xbf16>
    %convert_element_type3A_36 = arith.truncf %get3A_34 : vector<16x16xf32> to vector<16x16xbf16>
    %dot_general3A_37 = arith.constant dense<0.000000e+00> : vector<4000x16xf32>
    %dot_general3A_38 = tpu.matmul %convert_element_type3A_35, %convert_element_type3A_36, %dot_general3A_37 {dimension_numbers = #tpu.dot_dimension_numbers<[1], [0], [0], [1], [0, 0, 1, 1], [], []>, transpose_lhs_hint = false} : vector<4000x16xbf16>, vector<16x16xbf16>, vector<4000x16xf32> -> vector<4000x16xf32>
    %add3A_39 = arith.addf %add3A_28, %dot_general3A_38 : vector<4000x16xf32>
    %swap3A = arith.constant 0 : index
    %swap3A_40 = arith.constant 0 : index
    %swap3A_41 = vector.load %arg8[%swap3A, %swap3A_40] : memref<4000x16xf32, #tpu.memory_space<vmem>>, vector<4000x16xf32>
    tpu.vector_store %arg8[%swap3A, %swap3A_40], %add3A_39 {strides = array<i32>} : memref<4000x16xf32, #tpu.memory_space<vmem>>, vector<4000x16xf32>,
    return
  }
  func.func @transform_0(%arg0: i32) -> (i32, i32, i32) {
    %c0_i32 = arith.constant 0 : i32
    %c0_i32_0 = arith.constant 0 : i32
    %c0_i32_1 = arith.constant 0 : i32
    return %c0_i32, %arg0, %c0_i32_0 : i32, i32, i32
  }
  func.func @transform_1(%arg0: i32) -> (i32, i32) {
    %c0_i32 = arith.constant 0 : i32
    %c0_i32_0 = arith.constant 0 : i32
    return %arg0, %c0_i32 : i32, i32
  }
  func.func @transform_2(%arg0: i32) -> (i32, i32) {
    %c0_i32 = arith.constant 0 : i32
    %c0_i32_0 = arith.constant 0 : i32
    return %arg0, %c0_i32 : i32, i32
  }
  func.func @transform_3(%arg0: i32) -> (i32, i32) {
    %c0_i32 = arith.constant 0 : i32
    %c0_i32_0 = arith.constant 0 : i32
    return %arg0, %c0_i32 : i32, i32
  }
  func.func @transform_4(%arg0: i32) -> (i32, i32) {
    %c0_i32 = arith.constant 0 : i32
    %c0_i32_0 = arith.constant 0 : i32
    %c0_i32_1 = arith.constant 0 : i32
    return %c0_i32, %c0_i32_0 : i32, i32
  }
  func.func @transform_5(%arg0: i32) -> (i32, i32) {
    %c0_i32 = arith.constant 0 : i32
    %c0_i32_0 = arith.constant 0 : i32
    %c0_i32_1 = arith.constant 0 : i32
    return %c0_i32, %c0_i32_0 : i32, i32
  }
  func.func @transform_6(%arg0: i32) -> (i32, i32) {
    %c0_i32 = arith.constant 0 : i32
    %c0_i32_0 = arith.constant 0 : i32
    %c0_i32_1 = arith.constant 0 : i32
    return %c0_i32, %c0_i32_0 : i32, i32
  }
  func.func @transform_7(%arg0: i32) -> (i32, i32) {
    %c0_i32 = arith.constant 0 : i32
    %c0_i32_0 = arith.constant 0 : i32
    return %arg0, %c0_i32 : i32, i32
  }
}

module attributes {stable_mosaic.version = 14 : i64} {
  func.func @_fin_body(%arg0: i32, %arg1: memref<1024x16xf32, #tpu.memory_space<vmem>>, %arg2: memref<1024x1xf32, #tpu.memory_space<vmem>>, %arg3: memref<16x1xf32, #tpu.memory_space<vmem>>, %arg4: memref<1x1xf32, #tpu.memory_space<vmem>>, %arg5: memref<1024x1xf32, #tpu.memory_space<vmem>>) attributes {dimension_semantics = [#tpu.dimension_semantics<arbitrary>], iteration_bounds = array<i64: 1>, scalar_prefetch = 0 : i64, scratch_operands = 0 : i64, tpu.core_type = #tpu.core_type<tc>, window_params = [{pipeline_mode = #tpu.pipeline_mode<synchronous>, transform_indices = @transform_0, window_bounds = array<i64: 1024, 16>}, {pipeline_mode = #tpu.pipeline_mode<synchronous>, transform_indices = @transform_1, window_bounds = array<i64: 1024, 1>}, {pipeline_mode = #tpu.pipeline_mode<synchronous>, transform_indices = @transform_2, window_bounds = array<i64: 16, 1>}, {pipeline_mode = #tpu.pipeline_mode<synchronous>, transform_indices = @transform_3, window_bounds = array<i64: 1, 1>}, {pipeline_mode = #tpu.pipeline_mode<synchronous>, transform_indices = @transform_4, window_bounds = array<i64: 1024, 1>}]} {
    %get3A = arith.constant 0 : index
    %get3A_0 = arith.constant 0 : index
    %get3A_1 = vector.load %arg2[%get3A, %get3A_0] : memref<1024x1xf32, #tpu.memory_space<vmem>>, vector<1024x1xf32>
    %max3A = arith.constant 1.000000e+00 : f32
    %max3A_2 = vector.broadcast %max3A : f32 to vector<1024x1xf32>
    %max3A_3 = arith.maximumf %get3A_1, %max3A_2 : vector<1024x1xf32>
    %get3A_4 = arith.constant 0 : index
    %get3A_5 = arith.constant 0 : index
    %get3A_6 = vector.load %arg1[%get3A_4, %get3A_5] : memref<1024x16xf32, #tpu.memory_space<vmem>>, vector<1024x16xf32>
    %div3A = vector.broadcast %max3A_3 : vector<1024x1xf32> to vector<1024x16xf32>
    %div3A_7 = arith.divf %get3A_6, %div3A : vector<1024x16xf32>
    %get3A_8 = arith.constant 0 : index
    %get3A_9 = arith.constant 0 : index
    %get3A_10 = vector.load %arg3[%get3A_8, %get3A_9] : memref<16x1xf32, #tpu.memory_space<vmem>>, vector<16x1xf32>
    %convert_element_type3A = arith.truncf %div3A_7 : vector<1024x16xf32> to vector<1024x16xbf16>
    %convert_element_type3A_11 = arith.truncf %get3A_10 : vector<16x1xf32> to vector<16x1xbf16>
    %dot_general3A = arith.constant dense<0.000000e+00> : vector<1024x1xf32>
    %dot_general3A_12 = tpu.matmul %convert_element_type3A, %convert_element_type3A_11, %dot_general3A {dimension_numbers = #tpu.dot_dimension_numbers<[1], [0], [0], [1], [0, 0, 1, 1], [], []>, transpose_lhs_hint = false} : vector<1024x16xbf16>, vector<16x1xbf16>, vector<1024x1xf32> -> vector<1024x1xf32>
    %get3A_13 = arith.constant 0 : index
    %get3A_14 = arith.constant 0 : index
    %get3A_15 = vector.load %arg4[%get3A_13, %get3A_14] : memref<1x1xf32, #tpu.memory_space<vmem>>, vector<1x1xf32>
    %get3A_16 = vector.extract %get3A_15[0, 0] : f32 from vector<1x1xf32>
    %add3A = vector.broadcast %get3A_16 : f32 to vector<1024x1xf32>
    %add3A_17 = arith.addf %dot_general3A_12, %add3A : vector<1024x1xf32>
    %swap3A = arith.constant 0 : index
    %swap3A_18 = arith.constant 0 : index
    %swap3A_19 = vector.load %arg5[%swap3A, %swap3A_18] : memref<1024x1xf32, #tpu.memory_space<vmem>>, vector<1024x1xf32>
    tpu.vector_store %arg5[%swap3A, %swap3A_18], %add3A_17 {strides = array<i32>} : memref<1024x1xf32, #tpu.memory_space<vmem>>, vector<1024x1xf32>,
    return
  }
  func.func @transform_0(%arg0: i32) -> (i32, i32) {
    %c0_i32 = arith.constant 0 : i32
    %c0_i32_0 = arith.constant 0 : i32
    %c0_i32_1 = arith.constant 0 : i32
    return %c0_i32, %c0_i32_0 : i32, i32
  }
  func.func @transform_1(%arg0: i32) -> (i32, i32) {
    %c0_i32 = arith.constant 0 : i32
    %c0_i32_0 = arith.constant 0 : i32
    %c0_i32_1 = arith.constant 0 : i32
    return %c0_i32, %c0_i32_0 : i32, i32
  }
  func.func @transform_2(%arg0: i32) -> (i32, i32) {
    %c0_i32 = arith.constant 0 : i32
    %c0_i32_0 = arith.constant 0 : i32
    %c0_i32_1 = arith.constant 0 : i32
    return %c0_i32, %c0_i32_0 : i32, i32
  }
  func.func @transform_3(%arg0: i32) -> (i32, i32) {
    %c0_i32 = arith.constant 0 : i32
    %c0_i32_0 = arith.constant 0 : i32
    %c0_i32_1 = arith.constant 0 : i32
    return %c0_i32, %c0_i32_0 : i32, i32
  }
  func.func @transform_4(%arg0: i32) -> (i32, i32) {
    %c0_i32 = arith.constant 0 : i32
    %c0_i32_0 = arith.constant 0 : i32
    %c0_i32_1 = arith.constant 0 : i32
    return %c0_i32, %c0_i32_0 : i32, i32
  }
}

</mosaic_0001>

<sc_bundles>
// kernel: kernel.11.cloned.1.call-start
scs
__scs_entry_jumppad:
0x0: {  	(pc) =	sbr.rel $0x88, $3  }
0x1: {  	(tag) =	ssettag $0x0;
	lr =	simm.s32 $0x1  }
0x2: {  	[smem:$0x3F96] =	sst lr;
	_ =	strace $0xD0000000  }
0x3: {  	_ = 	snop  }
0x4: {  	_ = 	snop  }
0x5: {  	_ = 	snop  }
0x6: {  	_ = 	snop  }
0x7: {  	_ = 	snop  }
__scs_overlays_trampoline_lowered:
0x8: {  	[smem:$0x3FA5] =	sst s0  }
0x9: {  	[smem:$0x3FA6] =	sst s1  }
0xa: {  	[smem:$0x3FA7] =	sst s2  }
0xb: {  	[smem:$0x3FA8] =	sst s3  }
0xc: {  	[smem:$0x3FA9] =	sst s4  }
0xd: {  	[smem:$0x3FAA] =	sst s5  }
0xe: {  	[smem:$0x3FAB] =	sst s6  }
0xf: {  	[smem:$0x3FAC] =	sst s7  }
0x10: {  	[smem:$0x3FAD] =	sst s8  }
0x11: {  	[smem:$0x3FAE] =	sst s9;
	s0 =	simm.s32 @!p0 $0x0  }
0x12: {  	s1 =	sld [smem:$0x3F94];
	s0 =	simm.s32 @p0 $0x1  }
0x13: {  	[smem:$0x3FAF] =	sst s0;
	s0 =	simm.s32 @!p1 $0x0  }
0x14: {  	s2 =	sld [smem:$0x3F93];
	s0 =	simm.s32 @p1 $0x1  }
0x15: {  	[smem:$0x3FB0] =	sst s0;
	s0 =	simm.s32 @!p2 $0x0  }
0x16: {  	s3 =	sld [smem:$0x3FDB];
	s0 =	simm.s32 @p2 $0x1  }
0x17: {  	s4 =	simm.s32 $0x1BF5;
	[smem:$0x3FB2] =	sst s0  }
0x18: {  	s0 =	sld [smem:$0x3F95];
	_ =	swait.ge [sflag:s4], $0x0  }
0x19: {  	s7 =	sld [smem:$0x3F96]  }
0x1a: {  	s8 =	sadd.s32 $0xFFFFE003, lr  }
0x1b: {  	s9 =	sadd.s32 $0xFFFFFEF7, lr;
	s5 =	simm.s32 $0xFFFFFFFF;
	p2 =	slt.u32 s8, $0xFFFFF086  }
0x1c: {  	p1 =	slt.u32 s9, $0xF7A;
	s5 =	simm.s32 @!p2 $0x0  }
0x1d: {  	s5 =	simm.s32 @p1 $0x1;
	p0 =	seq.s32 s7, s2  }
0x1e: {  	s7 =	smul.u32 @!p0 $0xF7A, s2;
	p2 =	seq.s32 @!p0 s5, $0x0  }
0x1f: {  	s9 =	smul.u32 $0xF7A, s1;
	s8 =	simm.s32 @!p0 $0x1BF5;
	p2 =	por !p2, p0  }
0x20: {  	[sflag:s8] =	ssyncset.s32 @!p0 $0xFFFFF086;
	s6 =	sadd.s32 @!p0 s3, s7;
	s7 =	simm.s32 @!p0 $0x108  }
0x21: {  	s3 =	sadd.s32 s3, s9;
	s6 =	sadd.s32 @!p0 $0x88, s6;
	s7 =	simm.s32 @p2 $0x1082  }
0x22: {  	[simem:s7], [sflag:s8] =	dma.local @!p0 [hbm:s6], $0xF7A  }
0x23: {  	s9 =	sor.u32 $0xD0000000, s2;
	s6 =	simm.s32 $0x108;
	_ =	swait.ge @!p0 [sflag:s8], $0x0  }
0x24: {  	s3 =	sadd.s32 $0x88, s3;
	s6 =	simm.s32 @!p1 $0x1082;
	[sflag:s4] =	ssyncset.s32 $0xFFFFF086  }
0x25: {  	[simem:s6], [sflag:s4] =	dma.local [hbm:s3], $0xF7A  }
0x26: {  	[smem:$0x3F96] =	sst s1;
	(tag) =	ssettag s2;
	_ =	strace s9  }
0x27: {  	s1 =	sld [smem:$0x3FA6]  }
0x28: {  	s2 =	sld [smem:$0x3FA7]  }
0x29: {  	s4 =	sld [smem:$0x3FA9]  }
0x2a: {  	p0 =	seq.s32 s5, $0x0;
	s5 =	sld [smem:$0x3FAA]  }
0x2b: {  	s6 =	sld [smem:$0x3FAB]  }
0x2c: {  	s7 =	sld [smem:$0x3FAC]  }
0x2d: {  	s3 =	simm.s32 $0x108;
	s8 =	sld [smem:$0x3FAD]  }
0x2e: {  	s3 =	simm.s32 @!p0 $0x1082;
	s9 =	sld [smem:$0x3FAE]  }
0x2f: {  	lr =	sadd.s32 s0, s3;
	s0 =	sld [smem:$0x3FA5]  }
0x30: {  	s3 =	sld [smem:$0x3FA8]  }
0x31: {  	[smem:$0x3FB1] =	sst s10  }
0x32: {  	s10 =	sld [smem:$0x3FAF];
	_ =	sdelay $0x3  }
0x33: {  	p0 =	seq.s32 s10, $0x1;
	s10 =	sld [smem:$0x3FB1];
	_ =	sdelay $0x3  }
0x34: {  	[smem:$0x3FB1] =	sst s10  }
0x35: {  	s10 =	sld [smem:$0x3FB0];
	_ =	sdelay $0x3  }
0x36: {  	p1 =	seq.s32 s10, $0x1;
	s10 =	sld [smem:$0x3FB1];
	_ =	sdelay $0x3  }
0x37: {  	[smem:$0x3FB1] =	sst s10  }
0x38: {  	s10 =	sld [smem:$0x3FB2]  }
0x39: {  	_ = 	snop;
	(pc) =	sbr.ind lr, $3  }
0x3a: {  	_ = 	snop  }
0x3b: {  	_ = 	snop  }
0x3c: {  	p2 =	seq.s32 s10, $0x1;
	s10 =	sld [smem:$0x3FB1]  }
0x3d: {  	_ =	shalt  }
0x3e: {  	_ =	shalt  }
0x3f: {  	_ =	shalt  }
0x40: {  	_ =	shalt  }
0x41: {  	_ =	shalt  }
0x42: {  	_ =	shalt  }
0x43: {  	_ =	shalt  }
0x44: {  	_ =	shalt  }
0x45: {  	_ =	shalt  }
0x46: {  	_ =	shalt  }
0x47: {  	_ =	shalt  }
0x48: {  	_ =	shalt  }
0x49: {  	_ =	shalt  }
0x4a: {  	_ =	shalt  }
0x4b: {  	_ =	shalt  }
0x4c: {  	_ =	shalt  }
0x4d: {  	_ =	shalt  }
0x4e: {  	_ =	shalt  }
0x4f: {  	_ =	shalt  }
0x50: {  	_ =	shalt  }
0x51: {  	_ =	shalt  }
0x52: {  	_ =	shalt  }
0x53: {  	_ =	shalt  }
0x54: {  	_ =	shalt  }
0x55: {  	_ =	shalt  }
0x56: {  	_ =	shalt  }
0x57: {  	_ =	shalt  }
0x58: {  	_ =	shalt  }
0x59: {  	_ =	shalt  }
0x5a: {  	_ =	shalt  }
0x5b: {  	_ =	shalt  }
0x5c: {  	_ =	shalt  }
0x5d: {  	_ =	shalt  }
0x5e: {  	_ =	shalt  }
0x5f: {  	_ =	shalt  }
0x60: {  	_ =	shalt  }
0x61: {  	_ =	shalt  }
0x62: {  	_ =	shalt  }
0x63: {  	_ =	shalt  }
0x64: {  	_ =	shalt  }
0x65: {  	_ =	shalt  }
0x66: {  	_ =	shalt  }
0x67: {  	_ =	shalt  }
0x68: {  	_ =	shalt  }
0x69: {  	_ =	shalt  }
0x6a: {  	_ =	shalt  }
0x6b: {  	_ =	shalt  }
0x6c: {  	_ =	shalt  }
0x6d: {  	_ =	shalt  }
0x6e: {  	_ =	shalt  }
0x6f: {  	_ =	shalt  }
0x70: {  	_ =	shalt  }
0x71: {  	_ =	shalt  }
0x72: {  	_ =	shalt  }
0x73: {  	_ =	shalt  }
0x74: {  	_ =	shalt  }
0x75: {  	_ =	shalt  }
0x76: {  	_ =	shalt  }
0x77: {  	_ =	shalt  }
0x78: {  	_ =	shalt  }
0x79: {  	_ =	shalt  }
0x7a: {  	_ =	shalt  }
0x7b: {  	_ =	shalt  }
0x7c: {  	_ =	shalt  }
0x7d: {  	_ =	shalt  }
0x7e: {  	_ =	shalt  }
0x7f: {  	_ =	shalt  }
0x80: {  	_ =	shalt  }
0x81: {  	_ =	shalt  }
0x82: {  	_ =	shalt  }
0x83: {  	_ =	shalt  }
0x84: {  	_ =	shalt  }
0x85: {  	_ =	shalt  }
0x86: {  	_ =	shalt  }
0x87: {  	_ =	shalt  }
.Lfunc_end0:
.L_simem_size_0:
called_computation.1_lowered:
.L_overlay_start_0:
0x88: {  	s2 =	sld [smem:$0x3FD9]  }
0x89: {  	s3 =	sld [smem:$0x3FFE];
	_ =	sdelay $0x1  }
0x8a: {  	s1 =	srdreg.scid  }
0x8b: {  	s0 =	sand.u32 $0x1, s1  }
0x8c: {  	s16 =	sshll.u32 s0, $0xA;
	s2 =	sadd.s32 s3, s2  }
0x8d: {  	s2 =	sadd.s32 s2, s16  }
0x8e: {  	[smem:$0x3FBD] =	sst s2  }
0x8f: {  	_ = 	snop  }
0x90: {  	(tm) =	ssettm $0x1  }
0x91: {  	s17 =	sld [smem:$0x3FFB];
	_ =	sdelay $0x3  }
0x92: {  	_ =	strace s17  }
0x93: {  	s2 =	sld [smem:$0x3FFC];
	_ =	sdelay $0x3  }
0x94: {  	_ =	strace s2  }
0x95: {  	s2 =	sld [smem:$0x3FFD];
	_ =	sdelay $0x3  }
0x96: {  	_ =	strace s2  }
0x97: {  	_ =	strace $0x8FFFFFFF  }
0x98: {  	s18 =	sld [smem:$0x3FDB];
	_ =	sdelay $0x1  }
0x99: {  	s19 =	simm.s32 $_scs_section_size  }
0x9a: {  	s4 =	simm.s32 $_size__tile_overlayer_lowered;
	s5 =	simm.s32 $_tile_overlayer_lowered  }
0x9b: {  	s22 =	simm.s32 $0x1BFF;
	s21 =	sshll.u32 s5, $0x1;
	s2 =	sadd.s32 s19, s18  }
0x9c: {  	s6 =	simm.s32 $0x0;
	s20 =	sshll.u32 s4, $0x1;
	s4 =	sadd.s32 s21, s2  }
0x9d: {  	[timem:s6], [sflag:s22] =	dma.local [hbm:s4], s20  }
0x9e: {  	_ =	swait.ge [sflag:s22], s20  }
0x9f: {  	s3 =	ssub.s32 $0x0, s20;
	[sflag:s22] =	ssyncset.done $0x0  }
0xa0: {  	[sflag:s22] =	ssyncadd.s32 s3;
	_ =	sdelay $0x1  }
0xa1: {  	s23 =	simm.s32 $0x1B8B  }
0xa2: {  	_ =	swait.ge [sflag:s23], $0x1  }
0xa3: {  	[sflag:s23] =	ssyncset.done $0x0  }
0xa4: {  	s25 =	simm.s32 $0x1B8E;
	s24 =	sld [smem:$0x3FFE];
	[sflag:s23] =	ssyncadd.s32 $0xFFFFFFFF  }
0xa5: {  	s26 =	simm.s32 $execute0_lowered;
	[smem:$0x3FD2] =	sst s25  }
0xa6: {  	s4 =	sshll.u32 s26, $0x1;
	_ =	strace $0x80000049;
	[dreg:$0x1] =	wrdreg $0xFFFFFFFF  }
0xa7: {  	s28 =	simm.s32 $_size_execute0_lowered;
	s2 =	sadd.s32 s2, s4;
	[dreg:$0x0] =	wrdreg $0x0  }
0xa8: {  	s4 =	sshll.u32 s28, $0x1;
	[dreg:$0x2] =	wrdreg s2  }
0xa9: {  	[dreg:$0x3] =	wrdreg s4  }
0xaa: {  	[dreg:$0x4] =	wrdreg $0xC0  }
0xab: {  	_ =	task [dreg:s6], $0x5FFFF  }
0xac: {  	[dreg:$0x1] =	wrdreg $0xFFFFFFFF  }
0xad: {  	[dreg:$0x0] =	wrdreg $0x60  }
0xae: {  	[dreg:$0x2] =	wrdreg s24  }
0xaf: {  	[dreg:$0x3] =	wrdreg $0x6C000  }
0xb0: {  	[dreg:$0x4] =	wrdreg $0x9  }
0xb1: {  	_ =	task.clear_ibuf [dreg:s6], $0x5FFFF;
	_ =	strace $0x90000049  }
0xb2: {  	s29 =	simm.s32 $0x9;
	_ =	strace $0x8000004B  }
0xb3: {  	_ =	swait.ge [sflag:s29], $0x1  }
0xb4: {  	[sflag:s29] =	ssyncadd.s32 $0xFFFFFFFF  }
0xb5: {  	_ =	strace $0x9000004B  }
0xb6: {  	_ =	sfence  }
0xb7: {  	s30 =	sld [smem:$0x0];
	_ =	sdelay $0x2  }
0xb8: {  	s31 =	sshll.u32 s1, $0xD;
	s1 =	sshrl.u32 s1, $0x2  }
0xb9: {  	s3 =	sand.u32 $0x4000, s31;
	s1 =	sadd.s32 s1, s30  }
0xba: {  	s0 =	sor.u32 s3, s0;
	s1 =	sshll.u32 s1, $0x11  }
0xbb: {  	s0 =	sor.u32 s1, s0  }
0xbc: {  	s0 =	sadd.s32 $0x8F2B, s0  }
0xbd: {  	[sflag:s0] =	ssyncadd.remote.s32 $0x1  }
0xbe: {  	_ =	sfence.sel $0xFFFF  }
0xbf: {  	[dreg:$0x0] =	wrdreg $0xFFFFFFFF;
	(pc) =	sbr.abs _section_cstart, $3  }
0xc0: {  	[dreg:$0x1] =	wrdreg $0xFFFFFFFF  }
0xc1: {  	_ =	task.clear_ibuf [dreg:s6], $0x2FFFF;
	_ =	strace $0x9FFFFFFF  }
0xc2: {  	(tm) =	ssettm $0x7FFFFFFF  }
0xc3: {  	_ =	shalt  }
tec
execute0_lowered:
.L_overlay_start_1:
0x0: {  	(tag) =	ssettag $0x1  }
0x1: {  	s9 =	stileid.u32  }
0x2: {  	s0 =	rddreg [dreg:$0x0];
	s3 =	srdreg.scid  }
0x3: {  	s2 =	rddreg [dreg:$0x1];
	s23 =	simm.s32 $0x100;
	s24 =	simm.s32 $0x180  }
0x4: {  	s26 =	simm.s32 $0x200;
	s10 =	simm.s32 $0x280;
	s12 =	simm.s32 $0x380  }
0x5: {  	s13 =	simm.s32 $0x400;
	s14 =	simm.s32 $0x480;
	s15 =	simm.s32 $0x500  }
0x6: {  	s16 =	simm.s32 $0x580;
	s5 =	sand.u32 $0x1, s3;
	s3 =	simm.s32 $0x0  }
0x7: {  	s17 =	simm.s32 $0x3680;
	s28 =	simm.s32 $0x3C00;
	[smem:$0x7FF] =	sst s3  }
0x8: {  	s1 =	smul.u32 $0x4A4, s9;
	_ =	strace $0x8000004A;
	[dreg:$0x4] =	wrdreg s23  }
0x9: {  	s29 =	simm.s32 $0x4400;
	s4 =	smul.u32 $0x18C, s9;
	[dreg:$0x5] =	wrdreg s24  }
0xa: {  	s30 =	simm.s32 $0x4C00;
	s6 =	smul.u32 $0x18700, s9;
	[dreg:$0x6] =	wrdreg s26  }
0xb: {  	s31 =	simm.s32 $0x5400;
	s21 =	smul.u32 $0x61C00, s9;
	[dreg:$0x7] =	wrdreg s10  }
0xc: {  	s9 =	simm.s32 $0x4A40;
	s7 =	smul.u32 $0x187000, s5;
	[dreg:$0x8] =	wrdreg s12  }
0xd: {  	p0 =	seq.s32 s5, $0x0;
	s20 =	ssub.s32 $0x2, s5;
	[dreg:$0x9] =	wrdreg s13  }
0xe: {  	s8 =	sadd.s32 $0x4A40, s4;
	s4 =	sadd.s32 $0x280800, s0;
	[dreg:$0xa] =	wrdreg s14  }
0xf: {  	s5 =	sshrl.u32 s20, $0x1;
	s11 =	sadd.s32 s6, s2;
	[dreg:$0xb] =	wrdreg s15  }
0x10: {  	s9 =	simm.s32 @!p0 $0x18C0;
	s22 =	sshrl.u32 s21, $0x2;
	[dreg:$0xc] =	wrdreg s16  }
0x11: {  	s13 =	simm.s32 $0x600;
	[dreg:$0xd] =	wrdreg s17;
	s15 =	simm.s32 $0x300  }
0x12: {  	s16 =	simm.s32 $0x1;
	s17 =	simm.s32 $0x80;
	s21 =	simm.s32 $0x3880  }
0x13: {  	s23 =	simm.s32 $0x3A00;
	s24 =	simm.s32 $0x3A80;
	[dreg:$0x3] =	wrdreg s9  }
0x14: {  	s26 =	simm.s32 $0x3B80;
	s12 =	simm.s32 $0x0;
	[dreg:$0x11] =	wrdreg s21  }
0x15: {  	s8 =	smov.u32 @p0 s1;
	s18 =	sadd.s32 s6, s7;
	[dreg:$0x13] =	wrdreg s23  }
0x16: {  	s21 =	simm.s32 $0x2600;
	[dreg:$0x14] =	wrdreg s24;
	s23 =	simm.s32 $0x3  }
0x17: {  	s24 =	simm.s32 $0x3600;
	[dreg:$0x16] =	wrdreg s26;
	s26 =	simm.s32 $0x2  }
0x18: {  	s6 =	simm.s32 $0x4;
	[dreg:$0x17] =	wrdreg s11;
	s19 =	sshll.u32 s8, $0x4  }
0x19: {  	s1 =	sshrl.u32 s18, $0x3;
	s18 =	simm.s32 $0x3700;
	s7 =	sadd.s32 s19, s0  }
0x1a: {  	s0 =	sadd.s32 s1, s0;
	[dreg:$0xe] =	wrdreg s18;
	s19 =	simm.s32 $0x3780  }
0x1b: {  	s1 =	ssub.s32 s20, s5;
	s20 =	simm.s32 $0x3800;
	[dreg:$0xf] =	wrdreg s19  }
0x1c: {  	s5 =	sadd.s32 s22, s2;
	s22 =	simm.s32 $0x3980;
	[dreg:$0x10] =	wrdreg s20  }
0x1d: {  	s8 =	simm.s32 $0x7;
	s25 =	sadd.s32 $0x61C0, s5;
	[dreg:$0x12] =	wrdreg s22  }
0x1e: {  	s18 =	simm.s32 $0xE00;
	s9 =	sadd.s32 $0xC380, s5;
	[dreg:$0x18] =	wrdreg s25  }
0x1f: {  	s5 =	sadd.s32 $0x12540, s5;
	s10 =	sadd.s32 $0x1BA400, s7;
	[dreg:$0x19] =	wrdreg s9  }
0x20: {  	s0 =	sadd.s32 $0x2C00, s0;
	s1 =	smax.u32 s1, $0x1;
	[dreg:$0x1a] =	wrdreg s5  }
0x21: {  	s19 =	simm.s32 $0x1600;
	s20 =	simm.s32 $0x1E00;
	[dreg:$0x1b] =	wrdreg s0  }
0x22: {  	s22 =	simm.s32 $0x2E00;
	s9 =	sadd.s32 $0x21D600, s7;
	[dreg:$0x1c] =	wrdreg s1  }
0x23: {  	s25 =	simm.s32 $0x3B00;
	s1 =	simm.s32 $0x5C00;
	s0 =	simm.s32 $0x6400  }
0x24: {  	v0 =	vimm.f32 $0.0e+00;
	s7 =	simm.s32 $0x5;
	[dreg:$0x15] =	wrdreg s25;
	s25 =	simm.s32 $0x3900  }
.LBB2_1:
0x25: {  	[dreg:$0x1d] =	wrdreg s12;
	s5 =	simm.s32 $0x40;
	s12 =	simm.s32 $0x0  }
.LBB2_2:
0x26: {  	p0 =	sne.s32 s5, $0x186C0;
	[tilespmem:s12+$0x600] =	vst v0;
	s12 =	smov.u32 s5;
	s5 =	sadd.s32 $0x40, s5  }
.Ltmp0:
0x27: {  	(pc) =	sbr.rel @p0 .LBB2_2-.Ltmp0, $2  }
0x28: {  	_ =	sdelay $0x2  }
0x29: {  	s12 =	sshra.s32 s12, $0x2  }
0x2a: {  	[tilespmem:s12+$0x600] =	vst v0  }
0x2b: {  	[spmem:s11] =	stream.linear.scatter [tilespmem:s13], [sflag:$0x7], $0x61C0, $0x38;
	[tilespmem:$0x1F300] =	vst v63  }
0x2c: {  	_ =	swait.ge [sflag:s8], $0x61C0  }
0x2d: {  	[sflag:s8] =	ssyncset.done $0x0  }
0x2e: {  	s5 =	rddreg [dreg:$0x18];
	[sflag:s8] =	ssyncadd.s32 $0xFFFF9E40  }
0x2f: {  	[spmem:s5] =	stream.linear.scatter [tilespmem:s13], [sflag:$0x7], $0x61C0, $0x38;
	[tilespmem:$0x1F300] =	vst v63  }
0x30: {  	_ =	swait.ge [sflag:s8], $0x61C0  }
0x31: {  	[sflag:s8] =	ssyncset.done $0x0  }
0x32: {  	s11 =	rddreg [dreg:$0x19];
	[sflag:s8] =	ssyncadd.s32 $0xFFFF9E40  }
0x33: {  	[spmem:s11] =	stream.linear.scatter [tilespmem:s13], [sflag:$0x7], $0x61C0, $0x38;
	[tilespmem:$0x1F300] =	vst v63  }
0x34: {  	_ =	swait.ge [sflag:s8], $0x61C0  }
0x35: {  	[sflag:s8] =	ssyncset.done $0x0  }
0x36: {  	s12 =	rddreg [dreg:$0x1a];
	[sflag:s8] =	ssyncadd.s32 $0xFFFF9E40  }
0x37: {  	[spmem:s12] =	stream.linear.scatter [tilespmem:s13], [sflag:$0x7], $0x61C0, $0x38;
	[tilespmem:$0x1F300] =	vst v63  }
0x38: {  	_ =	swait.ge [sflag:s8], $0x61C0  }
0x39: {  	[sflag:s8] =	ssyncset.done $0x0  }
0x3a: {  	[sflag:s8] =	ssyncadd.s32 $0xFFFF9E40  }
0x3b: {  	s14 =	simm.s32 $0x0;
	[bflag:$0x0] =	sbarrier.arrive $0xFFFF  }
0x3c: {  	[tilespmem:s14], [sflag:$0x1] =	stream.linear.gather [hbm4b:s9+s14], $0x300, $0x38;
	[tilespmem:$0x1F300] =	vst v63  }
0x3d: {  	_ = 	snop  }
0x3e: {  	[tilespmem:s15], [sflag:$0x1] =	stream.linear.gather [hbm4b:s10+s14], $0x300, $0x38;
	[tilespmem:$0x1F300] =	vst v63  }
0x3f: {  	_ =	swait.ge [sflag:s16], $0x300  }
0x40: {  	[sflag:s16] =	ssyncset.done $0x0  }
0x41: {  	[sflag:s16] =	ssyncadd.s32 $0xFFFFFD00  }
0x42: {  	_ =	swait.ge [sflag:s16], $0x300  }
0x43: {  	[sflag:s16] =	ssyncset.done $0x0  }
0x44: {  	[sflag:s16] =	ssyncadd.s32 $0xFFFFFD00  }
0x45: {  	[tilespmem:s13], [sflag:$0x3] =	stream.indirect.gather [hbm4b:s4+s17], $0x10, s3, s17, $0xb8;
	[tilespmem:$0x1F300] =	vst v63  }
0x46: {  	_ = 	snop  }
0x47: {  	[tilespmem:s18], [sflag:$0x3] =	stream.indirect.gather [hbm4b:s4+s17], $0x10, s17, s17, $0xb8;
	[tilespmem:$0x1F300] =	vst v63  }
0x48: {  	s8 =	rddreg [dreg:$0x4]  }
0x49: {  	[tilespmem:s19], [sflag:$0x3] =	stream.indirect.gather [hbm4b:s4+s17], $0x10, s8, s17, $0xb8;
	[tilespmem:$0x1F300] =	vst v63  }
0x4a: {  	s11 =	rddreg [dreg:$0x5]  }
0x4b: {  	[tilespmem:s20], [sflag:$0x3] =	stream.indirect.gather [hbm4b:s4+s17], $0x10, s11, s17, $0xb8;
	[tilespmem:$0x1F300] =	vst v63  }
0x4c: {  	s14 =	rddreg [dreg:$0x6]  }
0x4d: {  	[tilespmem:s21], [sflag:$0x3] =	stream.indirect.gather [hbm4b:s4+s17], $0x10, s14, s17, $0xb8;
	[tilespmem:$0x1F300] =	vst v63  }
0x4e: {  	s8 =	rddreg [dreg:$0x7]  }
0x4f: {  	[tilespmem:s22], [sflag:$0x3] =	stream.indirect.gather [hbm4b:s4+s17], $0x10, s8, s17, $0xb8;
	[tilespmem:$0x1F300] =	vst v63  }
0x50: {  	_ =	swait.ge [sflag:s23], $0x800  }
0x51: {  	[sflag:s23] =	ssyncset.done $0x0  }
0x52: {  	[sflag:s23] =	ssyncadd.s32 $0xFFFFF800  }
0x53: {  	_ =	swait.ge [sflag:s23], $0x800  }
0x54: {  	[sflag:s23] =	ssyncset.done $0x0  }
0x55: {  	[sflag:s23] =	ssyncadd.s32 $0xFFFFF800  }
0x56: {  	_ =	swait.ge [sflag:s23], $0x800  }
0x57: {  	[sflag:s23] =	ssyncset.done $0x0  }
0x58: {  	[sflag:s23] =	ssyncadd.s32 $0xFFFFF800  }
0x59: {  	_ =	swait.ge [sflag:s23], $0x800  }
0x5a: {  	[sflag:s23] =	ssyncset.done $0x0  }
0x5b: {  	[sflag:s23] =	ssyncadd.s32 $0xFFFFF800  }
0x5c: {  	_ =	swait.ge [sflag:s23], $0x800  }
0x5d: {  	[sflag:s23] =	ssyncset.done $0x0  }
0x5e: {  	[sflag:s23] =	ssyncadd.s32 $0xFFFFF800  }
0x5f: {  	_ =	swait.ge [sflag:s23], $0x800  }
0x60: {  	p0 =	por $0x1, $0x1;
	[sflag:s23] =	ssyncset.done $0x0  }
0x61: {  	s12 =	simm.s32 @!p0 $0x6;
	[sflag:s23] =	ssyncadd.s32 $0xFFFFF800  }
0x62: {  	_ =	swait.ge @!p0 [sflag:s12], $0x800  }
0x63: {  	[sflag:s12] =	ssyncset.done @!p0 $0x0  }
0x64: {  	[sflag:s12] =	ssyncadd.s32 @!p0 $0xFFFFF800  }
0x65: {  	_ =	swait.ge @!p0 [sflag:s12], $0x800  }
0x66: {  	[sflag:s12] =	ssyncset.done @!p0 $0x0  }
0x67: {  	[sflag:s12] =	ssyncadd.s32 @!p0 $0xFFFFF800  }
0x68: {  	_ =	swait.ge @!p0 [sflag:s12], $0x800  }
0x69: {  	[sflag:s12] =	ssyncset.done @!p0 $0x0  }
0x6a: {  	[sflag:s12] =	ssyncadd.s32 @!p0 $0xFFFFF800  }
0x6b: {  	_ =	swait.ge @!p0 [sflag:s12], $0x800  }
0x6c: {  	[sflag:s12] =	ssyncset.done @!p0 $0x0  }
0x6d: {  	[sflag:s12] =	ssyncadd.s32 @!p0 $0xFFFFF800  }
0x6e: {  	_ =	swait.ge @!p0 [sflag:s12], $0x800  }
0x6f: {  	[sflag:s12] =	ssyncset.done @!p0 $0x0  }
0x70: {  	[sflag:s12] =	ssyncadd.s32 @!p0 $0xFFFFF800  }
0x71: {  	_ =	swait.ge @!p0 [sflag:s12], $0x800  }
0x72: {  	s5 =	sadd.s32 $0x0, s9;
	[sflag:s12] =	ssyncset.done @!p0 $0x0  }
0x73: {  	s14 =	sadd.s32 $0x60, s5;
	[sflag:s12] =	ssyncadd.s32 @!p0 $0xFFFFF800;
	s12 =	sadd.s32 $0x0, s10  }
0x74: {  	[tilespmem:s24], [sflag:$0x2] =	stream.linear.gather [hbm4b:s14+s3], $0x300, $0x38;
	[tilespmem:$0x1F300] =	vst v63  }
0x75: {  	s11 =	sadd.s32 $0x60, s12  }
0x76: {  	[tilespmem:s25], [sflag:$0x2] =	stream.linear.gather [hbm4b:s11+s3], $0x300, $0x38;
	[tilespmem:$0x1F300] =	vst v63  }
0x77: {  	_ = 	snop  }
0x78: {  	[spmem:s2] =	stream.indirect.scatter.add.f32 [tilespmem:s13], [sflag:$0x5], $0x10, s15, s17, $0xb8;
	[tilespmem:$0x1F300] =	vst v63  }
0x79: {  	s8 =	rddreg [dreg:$0x8]  }
0x7a: {  	[spmem:s2] =	stream.indirect.scatter.add.f32 [tilespmem:s18], [sflag:$0x5], $0x10, s8, s17, $0xb8;
	[tilespmem:$0x1F300] =	vst v63  }
0x7b: {  	s11 =	rddreg [dreg:$0x9]  }
0x7c: {  	[spmem:s2] =	stream.indirect.scatter.add.f32 [tilespmem:s19], [sflag:$0x5], $0x10, s11, s17, $0xb8;
	[tilespmem:$0x1F300] =	vst v63  }
0x7d: {  	s8 =	rddreg [dreg:$0xa]  }
0x7e: {  	[spmem:s2] =	stream.indirect.scatter.add.f32 [tilespmem:s20], [sflag:$0x5], $0x10, s8, s17, $0xb8;
	[tilespmem:$0x1F300] =	vst v63  }
0x7f: {  	s11 =	rddreg [dreg:$0xb]  }
0x80: {  	[spmem:s2] =	stream.indirect.scatter.add.f32 [tilespmem:s21], [sflag:$0x5], $0x10, s11, s17, $0xb8;
	[tilespmem:$0x1F300] =	vst v63  }
0x81: {  	s8 =	rddreg [dreg:$0xc]  }
0x82: {  	[spmem:s2] =	stream.indirect.scatter.add.f32 [tilespmem:s22], [sflag:$0x5], $0x10, s8, s17, $0xb8;
	[tilespmem:$0x1F300] =	vst v63  }
0x83: {  	_ =	swait.ge [sflag:s26], $0x300  }
0x84: {  	[sflag:s26] =	ssyncset.done $0x0  }
0x85: {  	[sflag:s26] =	ssyncadd.s32 $0xFFFFFD00  }
0x86: {  	_ =	swait.ge [sflag:s26], $0x300  }
0x87: {  	[sflag:s26] =	ssyncset.done $0x0  }
0x88: {  	[sflag:s26] =	ssyncadd.s32 $0xFFFFFD00  }
0x89: {  	[tilespmem:s28], [sflag:$0x4] =	stream.indirect.gather [hbm4b:s4+s17], $0x10, s24, s17, $0xb8;
	[tilespmem:$0x1F300] =	vst v63  }
0x8a: {  	s8 =	rddreg [dreg:$0xd]  }
0x8b: {  	[tilespmem:s29], [sflag:$0x4] =	stream.indirect.gather [hbm4b:s4+s17], $0x10, s8, s17, $0xb8;
	[tilespmem:$0x1F300] =	vst v63  }
0x8c: {  	s14 =	rddreg [dreg:$0xe]  }
0x8d: {  	[tilespmem:s30], [sflag:$0x4] =	stream.indirect.gather [hbm4b:s4+s17], $0x10, s14, s17, $0xb8;
	[tilespmem:$0x1F300] =	vst v63  }
0x8e: {  	s8 =	rddreg [dreg:$0xf]  }
0x8f: {  	[tilespmem:s31], [sflag:$0x4] =	stream.indirect.gather [hbm4b:s4+s17], $0x10, s8, s17, $0xb8;
	[tilespmem:$0x1F300] =	vst v63  }
0x90: {  	s14 =	rddreg [dreg:$0x10]  }
0x91: {  	[tilespmem:s1], [sflag:$0x4] =	stream.indirect.gather [hbm4b:s4+s17], $0x10, s14, s17, $0xb8;
	[tilespmem:$0x1F300] =	vst v63  }
0x92: {  	s8 =	rddreg [dreg:$0x11]  }
0x93: {  	[tilespmem:s0], [sflag:$0x4] =	stream.indirect.gather [hbm4b:s4+s17], $0x10, s8, s17, $0xb8;
	[tilespmem:$0x1F300] =	vst v63  }
0x94: {  	_ =	swait.ge [sflag:s6], $0x800  }
0x95: {  	[sflag:s6] =	ssyncset.done $0x0  }
0x96: {  	[sflag:s6] =	ssyncadd.s32 $0xFFFFF800  }
0x97: {  	_ =	swait.ge [sflag:s6], $0x800  }
0x98: {  	[sflag:s6] =	ssyncset.done $0x0  }
0x99: {  	[sflag:s6] =	ssyncadd.s32 $0xFFFFF800  }
0x9a: {  	_ =	swait.ge [sflag:s6], $0x800  }
0x9b: {  	[sflag:s6] =	ssyncset.done $0x0  }
0x9c: {  	[sflag:s6] =	ssyncadd.s32 $0xFFFFF800  }
0x9d: {  	_ =	swait.ge [sflag:s6], $0x800  }
0x9e: {  	[sflag:s6] =	ssyncset.done $0x0  }
0x9f: {  	[sflag:s6] =	ssyncadd.s32 $0xFFFFF800  }
0xa0: {  	_ =	swait.ge [sflag:s6], $0x800  }
0xa1: {  	[sflag:s6] =	ssyncset.done $0x0  }
0xa2: {  	[sflag:s6] =	ssyncadd.s32 $0xFFFFF800  }
0xa3: {  	_ =	swait.ge [sflag:s6], $0x800  }
0xa4: {  	[sflag:s6] =	ssyncset.done $0x0  }
0xa5: {  	[sflag:s6] =	ssyncadd.s32 $0xFFFFF800  }
0xa6: {  	_ =	swait.ge [sflag:s7], $0x800  }
0xa7: {  	[sflag:s7] =	ssyncset.done $0x0  }
0xa8: {  	[sflag:s7] =	ssyncadd.s32 $0xFFFFF800  }
0xa9: {  	_ =	swait.ge [sflag:s7], $0x800  }
0xaa: {  	[sflag:s7] =	ssyncset.done $0x0  }
0xab: {  	[sflag:s7] =	ssyncadd.s32 $0xFFFFF800  }
0xac: {  	_ =	swait.ge [sflag:s7], $0x800  }
0xad: {  	[sflag:s7] =	ssyncset.done $0x0  }
0xae: {  	[sflag:s7] =	ssyncadd.s32 $0xFFFFF800  }
0xaf: {  	_ =	swait.ge [sflag:s7], $0x800  }
0xb0: {  	[sflag:s7] =	ssyncset.done $0x0  }
0xb1: {  	[sflag:s7] =	ssyncadd.s32 $0xFFFFF800  }
0xb2: {  	_ =	swait.ge [sflag:s7], $0x800  }
0xb3: {  	[sflag:s7] =	ssyncset.done $0x0  }
0xb4: {  	[sflag:s7] =	ssyncadd.s32 $0xFFFFF800  }
0xb5: {  	_ =	swait.ge [sflag:s7], $0x800  }
0xb6: {  	[sflag:s7] =	ssyncset.done $0x0  }
0xb7: {  	s5 =	sadd.s32 $0xC0, s5;
	[sflag:s7] =	ssyncadd.s32 $0xFFFFF800  }
0xb8: {  	[tilespmem:s3], [sflag:$0x1] =	stream.linear.gather [hbm4b:s5+s3], $0x300, $0x38;
	[tilespmem:$0x1F300] =	vst v63  }
0xb9: {  	s11 =	sadd.s32 $0xC0, s12  }
0xba: {  	[tilespmem:s15], [sflag:$0x1] =	stream.linear.gather [hbm4b:s11+s3], $0x300, $0x38;
	[tilespmem:$0x1F300] =	vst v63  }
0xbb: {  	_ = 	snop  }
0xbc: {  	[spmem:s2] =	stream.indirect.scatter.add.f32 [tilespmem:s28], [sflag:$0x6], $0x10, s25, s17, $0xb8;
	[tilespmem:$0x1F300] =	vst v63  }
0xbd: {  	s12 =	rddreg [dreg:$0x12]  }
0xbe: {  	[spmem:s2] =	stream.indirect.scatter.add.f32 [tilespmem:s29], [sflag:$0x6], $0x10, s12, s17, $0xb8;
	[tilespmem:$0x1F300] =	vst v63  }
0xbf: {  	s14 =	rddreg [dreg:$0x13]  }
0xc0: {  	[spmem:s2] =	stream.indirect.scatter.add.f32 [tilespmem:s30], [sflag:$0x6], $0x10, s14, s17, $0xb8;
	[tilespmem:$0x1F300] =	vst v63  }
0xc1: {  	s14 =	rddreg [dreg:$0x3]  }
0xc2: {  	p0 =	sne.s32 s14, $0xC0  }
.Ltmp1:
0xc3: {  	s8 =	rddreg [dreg:$0x14];
	(pc) =	sbr.rel @!p0 .LBB2_5-.Ltmp1, $4  }
0xc4: {  	[spmem:s2] =	stream.indirect.scatter.add.f32 [tilespmem:s31], [sflag:$0x6], $0x10, s8, s17, $0xb8;
	[tilespmem:$0x1F300] =	vst v63  }
0xc5: {  	s12 =	rddreg [dreg:$0x15]  }
0xc6: {  	[spmem:s2] =	stream.indirect.scatter.add.f32 [tilespmem:s1], [sflag:$0x6], $0x10, s12, s17, $0xb8;
	[tilespmem:$0x1F300] =	vst v63  }
0xc7: {  	s5 =	rddreg [dreg:$0x16];
	s12 =	simm.s32 $0xC0  }
.LBB2_4:
0xc8: {  	[spmem:s2] =	stream.indirect.scatter.add.f32 [tilespmem:s0], [sflag:$0x6], $0x10, s5, s17, $0xb8;
	[tilespmem:$0x1F300] =	vst v63  }
0xc9: {  	_ =	swait.ge [sflag:s16], $0x300  }
0xca: {  	[sflag:s16] =	ssyncset.done $0x0  }
0xcb: {  	[sflag:s16] =	ssyncadd.s32 $0xFFFFFD00  }
0xcc: {  	_ =	swait.ge [sflag:s16], $0x300  }
0xcd: {  	[sflag:s16] =	ssyncset.done $0x0  }
0xce: {  	[sflag:s16] =	ssyncadd.s32 $0xFFFFFD00  }
0xcf: {  	[tilespmem:s13], [sflag:$0x3] =	stream.indirect.gather [hbm4b:s4+s17], $0x10, s3, s17, $0xb8;
	[tilespmem:$0x1F300] =	vst v63  }
0xd0: {  	_ = 	snop  }
0xd1: {  	[tilespmem:s18], [sflag:$0x3] =	stream.indirect.gather [hbm4b:s4+s17], $0x10, s17, s17, $0xb8;
	[tilespmem:$0x1F300] =	vst v63  }
0xd2: {  	s8 =	rddreg [dreg:$0x4]  }
0xd3: {  	[tilespmem:s19], [sflag:$0x3] =	stream.indirect.gather [hbm4b:s4+s17], $0x10, s8, s17, $0xb8;
	[tilespmem:$0x1F300] =	vst v63  }
0xd4: {  	s11 =	rddreg [dreg:$0x5]  }
0xd5: {  	[tilespmem:s20], [sflag:$0x3] =	stream.indirect.gather [hbm4b:s4+s17], $0x10, s11, s17, $0xb8;
	[tilespmem:$0x1F300] =	vst v63  }
0xd6: {  	s5 =	rddreg [dreg:$0x6]  }
0xd7: {  	[tilespmem:s21], [sflag:$0x3] =	stream.indirect.gather [hbm4b:s4+s17], $0x10, s5, s17, $0xb8;
	[tilespmem:$0x1F300] =	vst v63  }
0xd8: {  	s8 =	rddreg [dreg:$0x7]  }
0xd9: {  	[tilespmem:s22], [sflag:$0x3] =	stream.indirect.gather [hbm4b:s4+s17], $0x10, s8, s17, $0xb8;
	[tilespmem:$0x1F300] =	vst v63  }
0xda: {  	_ =	swait.ge [sflag:s23], $0x800  }
0xdb: {  	[sflag:s23] =	ssyncset.done $0x0  }
0xdc: {  	[sflag:s23] =	ssyncadd.s32 $0xFFFFF800  }
0xdd: {  	_ =	swait.ge [sflag:s23], $0x800  }
0xde: {  	[sflag:s23] =	ssyncset.done $0x0  }
0xdf: {  	[sflag:s23] =	ssyncadd.s32 $0xFFFFF800  }
0xe0: {  	_ =	swait.ge [sflag:s23], $0x800  }
0xe1: {  	[sflag:s23] =	ssyncset.done $0x0  }
0xe2: {  	[sflag:s23] =	ssyncadd.s32 $0xFFFFF800  }
0xe3: {  	_ =	swait.ge [sflag:s23], $0x800  }
0xe4: {  	[sflag:s23] =	ssyncset.done $0x0  }
0xe5: {  	[sflag:s23] =	ssyncadd.s32 $0xFFFFF800  }
0xe6: {  	_ =	swait.ge [sflag:s23], $0x800  }
0xe7: {  	[sflag:s23] =	ssyncset.done $0x0  }
0xe8: {  	[sflag:s23] =	ssyncadd.s32 $0xFFFFF800  }
0xe9: {  	s14 =	smov.u32 s12;
	_ =	swait.ge [sflag:s23], $0x800  }
0xea: {  	p0 =	seq.s32 s14, $0x0;
	[sflag:s23] =	ssyncset.done $0x0  }
0xeb: {  	s11 =	simm.s32 @!p0 $0x6;
	[sflag:s23] =	ssyncadd.s32 $0xFFFFF800  }
0xec: {  	_ =	swait.ge @!p0 [sflag:s11], $0x800  }
0xed: {  	[sflag:s11] =	ssyncset.done @!p0 $0x0  }
0xee: {  	[sflag:s11] =	ssyncadd.s32 @!p0 $0xFFFFF800  }
0xef: {  	_ =	swait.ge @!p0 [sflag:s11], $0x800  }
0xf0: {  	[sflag:s11] =	ssyncset.done @!p0 $0x0  }
0xf1: {  	[sflag:s11] =	ssyncadd.s32 @!p0 $0xFFFFF800  }
0xf2: {  	_ =	swait.ge @!p0 [sflag:s11], $0x800  }
0xf3: {  	[sflag:s11] =	ssyncset.done @!p0 $0x0  }
0xf4: {  	[sflag:s11] =	ssyncadd.s32 @!p0 $0xFFFFF800  }
0xf5: {  	_ =	swait.ge @!p0 [sflag:s11], $0x800  }
0xf6: {  	[sflag:s11] =	ssyncset.done @!p0 $0x0  }
0xf7: {  	[sflag:s11] =	ssyncadd.s32 @!p0 $0xFFFFF800  }
0xf8: {  	_ =	swait.ge @!p0 [sflag:s11], $0x800  }
0xf9: {  	[sflag:s11] =	ssyncset.done @!p0 $0x0  }
0xfa: {  	[sflag:s11] =	ssyncadd.s32 @!p0 $0xFFFFF800  }
0xfb: {  	_ =	swait.ge @!p0 [sflag:s11], $0x800  }
0xfc: {  	s5 =	sadd.s32 s14, s9;
	[sflag:s11] =	ssyncset.done @!p0 $0x0  }
0xfd: {  	s14 =	sadd.s32 s14, s10;
	s8 =	sadd.s32 $0x60, s5;
	[sflag:s11] =	ssyncadd.s32 @!p0 $0xFFFFF800  }
0xfe: {  	[tilespmem:s24], [sflag:$0x2] =	stream.linear.gather [hbm4b:s8+s3], $0x300, $0x38;
	[tilespmem:$0x1F300] =	vst v63  }
0xff: {  	s8 =	sadd.s32 $0x60, s14  }
0x100: {  	[tilespmem:s25], [sflag:$0x2] =	stream.linear.gather [hbm4b:s8+s3], $0x300, $0x38;
	[tilespmem:$0x1F300] =	vst v63  }
0x101: {  	_ = 	snop  }
0x102: {  	[spmem:s2] =	stream.indirect.scatter.add.f32 [tilespmem:s13], [sflag:$0x5], $0x10, s15, s17, $0xb8;
	[tilespmem:$0x1F300] =	vst v63  }
0x103: {  	s11 =	rddreg [dreg:$0x8]  }
0x104: {  	[spmem:s2] =	stream.indirect.scatter.add.f32 [tilespmem:s18], [sflag:$0x5], $0x10, s11, s17, $0xb8;
	[tilespmem:$0x1F300] =	vst v63  }
0x105: {  	s8 =	rddreg [dreg:$0x9]  }
0x106: {  	[spmem:s2] =	stream.indirect.scatter.add.f32 [tilespmem:s19], [sflag:$0x5], $0x10, s8, s17, $0xb8;
	[tilespmem:$0x1F300] =	vst v63  }
0x107: {  	s11 =	rddreg [dreg:$0xa]  }
0x108: {  	[spmem:s2] =	stream.indirect.scatter.add.f32 [tilespmem:s20], [sflag:$0x5], $0x10, s11, s17, $0xb8;
	[tilespmem:$0x1F300] =	vst v63  }
0x109: {  	s8 =	rddreg [dreg:$0xb]  }
0x10a: {  	[spmem:s2] =	stream.indirect.scatter.add.f32 [tilespmem:s21], [sflag:$0x5], $0x10, s8, s17, $0xb8;
	[tilespmem:$0x1F300] =	vst v63  }
0x10b: {  	s11 =	rddreg [dreg:$0xc]  }
0x10c: {  	[spmem:s2] =	stream.indirect.scatter.add.f32 [tilespmem:s22], [sflag:$0x5], $0x10, s11, s17, $0xb8;
	[tilespmem:$0x1F300] =	vst v63  }
0x10d: {  	_ =	swait.ge [sflag:s26], $0x300  }
0x10e: {  	[sflag:s26] =	ssyncset.done $0x0  }
0x10f: {  	[sflag:s26] =	ssyncadd.s32 $0xFFFFFD00  }
0x110: {  	_ =	swait.ge [sflag:s26], $0x300  }
0x111: {  	[sflag:s26] =	ssyncset.done $0x0  }
0x112: {  	[sflag:s26] =	ssyncadd.s32 $0xFFFFFD00  }
0x113: {  	[tilespmem:s28], [sflag:$0x4] =	stream.indirect.gather [hbm4b:s4+s17], $0x10, s24, s17, $0xb8;
	[tilespmem:$0x1F300] =	vst v63  }
0x114: {  	s8 =	rddreg [dreg:$0xd]  }
0x115: {  	[tilespmem:s29], [sflag:$0x4] =	stream.indirect.gather [hbm4b:s4+s17], $0x10, s8, s17, $0xb8;
	[tilespmem:$0x1F300] =	vst v63  }
0x116: {  	s11 =	rddreg [dreg:$0xe]  }
0x117: {  	[tilespmem:s30], [sflag:$0x4] =	stream.indirect.gather [hbm4b:s4+s17], $0x10, s11, s17, $0xb8;
	[tilespmem:$0x1F300] =	vst v63  }
0x118: {  	s8 =	rddreg [dreg:$0xf]  }
0x119: {  	[tilespmem:s31], [sflag:$0x4] =	stream.indirect.gather [hbm4b:s4+s17], $0x10, s8, s17, $0xb8;
	[tilespmem:$0x1F300] =	vst v63  }
0x11a: {  	s11 =	rddreg [dreg:$0x10]  }
0x11b: {  	[tilespmem:s1], [sflag:$0x4] =	stream.indirect.gather [hbm4b:s4+s17], $0x10, s11, s17, $0xb8;
	[tilespmem:$0x1F300] =	vst v63  }
0x11c: {  	s8 =	rddreg [dreg:$0x11]  }
0x11d: {  	[tilespmem:s0], [sflag:$0x4] =	stream.indirect.gather [hbm4b:s4+s17], $0x10, s8, s17, $0xb8;
	[tilespmem:$0x1F300] =	vst v63  }
0x11e: {  	_ =	swait.ge [sflag:s6], $0x800  }
0x11f: {  	[sflag:s6] =	ssyncset.done $0x0  }
0x120: {  	[sflag:s6] =	ssyncadd.s32 $0xFFFFF800  }
0x121: {  	_ =	swait.ge [sflag:s6], $0x800  }
0x122: {  	[sflag:s6] =	ssyncset.done $0x0  }
0x123: {  	[sflag:s6] =	ssyncadd.s32 $0xFFFFF800  }
0x124: {  	_ =	swait.ge [sflag:s6], $0x800  }
0x125: {  	[sflag:s6] =	ssyncset.done $0x0  }
0x126: {  	[sflag:s6] =	ssyncadd.s32 $0xFFFFF800  }
0x127: {  	_ =	swait.ge [sflag:s6], $0x800  }
0x128: {  	[sflag:s6] =	ssyncset.done $0x0  }
0x129: {  	[sflag:s6] =	ssyncadd.s32 $0xFFFFF800  }
0x12a: {  	_ =	swait.ge [sflag:s6], $0x800  }
0x12b: {  	[sflag:s6] =	ssyncset.done $0x0  }
0x12c: {  	[sflag:s6] =	ssyncadd.s32 $0xFFFFF800  }
0x12d: {  	_ =	swait.ge [sflag:s6], $0x800  }
0x12e: {  	[sflag:s6] =	ssyncset.done $0x0  }
0x12f: {  	[sflag:s6] =	ssyncadd.s32 $0xFFFFF800  }
0x130: {  	_ =	swait.ge [sflag:s7], $0x800  }
0x131: {  	[sflag:s7] =	ssyncset.done $0x0  }
0x132: {  	[sflag:s7] =	ssyncadd.s32 $0xFFFFF800  }
0x133: {  	_ =	swait.ge [sflag:s7], $0x800  }
0x134: {  	[sflag:s7] =	ssyncset.done $0x0  }
0x135: {  	[sflag:s7] =	ssyncadd.s32 $0xFFFFF800  }
0x136: {  	_ =	swait.ge [sflag:s7], $0x800  }
0x137: {  	[sflag:s7] =	ssyncset.done $0x0  }
0x138: {  	[sflag:s7] =	ssyncadd.s32 $0xFFFFF800  }
0x139: {  	_ =	swait.ge [sflag:s7], $0x800  }
0x13a: {  	[sflag:s7] =	ssyncset.done $0x0  }
0x13b: {  	[sflag:s7] =	ssyncadd.s32 $0xFFFFF800  }
0x13c: {  	_ =	swait.ge [sflag:s7], $0x800  }
0x13d: {  	[sflag:s7] =	ssyncset.done $0x0  }
0x13e: {  	[sflag:s7] =	ssyncadd.s32 $0xFFFFF800  }
0x13f: {  	_ =	swait.ge [sflag:s7], $0x800  }
0x140: {  	[sflag:s7] =	ssyncset.done $0x0  }
0x141: {  	s5 =	sadd.s32 $0xC0, s5;
	[sflag:s7] =	ssyncadd.s32 $0xFFFFF800  }
0x142: {  	[tilespmem:s3], [sflag:$0x1] =	stream.linear.gather [hbm4b:s5+s3], $0x300, $0x38;
	[tilespmem:$0x1F300] =	vst v63  }
0x143: {  	s14 =	sadd.s32 $0xC0, s14  }
0x144: {  	[tilespmem:s15], [sflag:$0x1] =	stream.linear.gather [hbm4b:s14+s3], $0x300, $0x38;
	[tilespmem:$0x1F300] =	vst v63  }
0x145: {  	s12 =	sadd.s32 $0xC0, s12;
	s11 =	rddreg [dreg:$0x3]  }
0x146: {  	[spmem:s2] =	stream.indirect.scatter.add.f32 [tilespmem:s28], [sflag:$0x6], $0x10, s25, s17, $0xb8;
	[tilespmem:$0x1F300] =	vst v63  }
0x147: {  	p0 =	sne.s32 s11, s12;
	s11 =	rddreg [dreg:$0x12]  }
0x148: {  	[spmem:s2] =	stream.indirect.scatter.add.f32 [tilespmem:s29], [sflag:$0x6], $0x10, s11, s17, $0xb8;
	[tilespmem:$0x1F300] =	vst v63  }
0x149: {  	s14 =	rddreg [dreg:$0x13]  }
0x14a: {  	[spmem:s2] =	stream.indirect.scatter.add.f32 [tilespmem:s30], [sflag:$0x6], $0x10, s14, s17, $0xb8;
	[tilespmem:$0x1F300] =	vst v63  }
.Ltmp2:
0x14b: {  	s5 =	rddreg [dreg:$0x16];
	(pc) =	sbr.rel @p0 .LBB2_4-.Ltmp2, $4  }
0x14c: {  	s11 =	rddreg [dreg:$0x14]  }
0x14d: {  	[spmem:s2] =	stream.indirect.scatter.add.f32 [tilespmem:s31], [sflag:$0x6], $0x10, s11, s17, $0xb8;
	[tilespmem:$0x1F300] =	vst v63  }
0x14e: {  	s14 =	rddreg [dreg:$0x15]  }
0x14f: {  	[spmem:s2] =	stream.indirect.scatter.add.f32 [tilespmem:s1], [sflag:$0x6], $0x10, s14, s17, $0xb8;
	[tilespmem:$0x1F300] =	vst v63  }
.LBB2_5:
0x150: {  	[spmem:s2] =	stream.indirect.scatter.add.f32 [tilespmem:s0], [sflag:$0x6], $0x10, s5, s17, $0xb8;
	[tilespmem:$0x1F300] =	vst v63  }
0x151: {  	s12 =	simm.s32 $0x6  }
0x152: {  	_ =	swait.ge [sflag:s12], $0x800  }
0x153: {  	[sflag:s12] =	ssyncset.done $0x0  }
0x154: {  	[sflag:s12] =	ssyncadd.s32 $0xFFFFF800  }
0x155: {  	_ =	swait.ge [sflag:s12], $0x800  }
0x156: {  	[sflag:s12] =	ssyncset.done $0x0  }
0x157: {  	[sflag:s12] =	ssyncadd.s32 $0xFFFFF800  }
0x158: {  	_ =	swait.ge [sflag:s12], $0x800  }
0x159: {  	[sflag:s12] =	ssyncset.done $0x0  }
0x15a: {  	[sflag:s12] =	ssyncadd.s32 $0xFFFFF800  }
0x15b: {  	_ =	swait.ge [sflag:s12], $0x800  }
0x15c: {  	[sflag:s12] =	ssyncset.done $0x0  }
0x15d: {  	[sflag:s12] =	ssyncadd.s32 $0xFFFFF800  }
0x15e: {  	_ =	swait.ge [sflag:s12], $0x800  }
0x15f: {  	[sflag:s12] =	ssyncset.done $0x0  }
0x160: {  	[sflag:s12] =	ssyncadd.s32 $0xFFFFF800  }
0x161: {  	_ =	swait.ge [sflag:s12], $0x800  }
0x162: {  	[sflag:s12] =	ssyncset.done $0x0  }
0x163: {  	[sflag:s12] =	ssyncadd.s32 $0xFFFFF800  }
0x164: {  	_ =	swait.ge [sflag:s16], $0x300  }
0x165: {  	[sflag:s16] =	ssyncset.done $0x0  }
0x166: {  	[sflag:s16] =	ssyncadd.s32 $0xFFFFFD00  }
0x167: {  	_ =	swait.ge [sflag:s16], $0x300  }
0x168: {  	[sflag:s16] =	ssyncset.done $0x0  }
0x169: {  	[sflag:s16] =	ssyncadd.s32 $0xFFFFFD00  }
0x16a: {  	s14 =	stileid.u32;
	[bflag:$0x0] =	sbarrier.arrive $0xFFFF  }
0x16b: {  	s5 =	sshll.u32 s14, $0x6;
	s11 =	rddreg [dreg:$0x17]  }
0x16c: {  	s5 =	sor.u32 $0x1C07, s5;
	s12 =	rddreg [dreg:$0x1b];
	s8 =	sshrl.u32 s11, $0x3  }
0x16d: {  	[hbm:s12], [sflag:s5] =	dma.local [spmem:s8], $0x30E0  }
0x16e: {  	s8 =	simm.s32 $0x7  }
0x16f: {  	_ =	swait.ge [sflag:s8], $0x30E0  }
0x170: {  	s5 =	rddreg [dreg:$0x1d]  }
0x171: {  	s14 =	rddreg [dreg:$0x1c];
	s12 =	sadd.s32 $0x1, s5  }
0x172: {  	p0 =	sne.s32 s12, s14  }
.Ltmp3:
0x173: {  	_ = 	snop;
	(pc) =	sbr.rel @p0 .LBB2_1-.Ltmp3, $3  }
0x174: {  	_ =	sdelay $0x1  }
0x175: {  	[sflag:s8] =	ssyncset.done $0x0  }
0x176: {  	[sflag:s8] =	ssyncadd.s32 $0xFFFFCF20  }
0x177: {  	_ =	sfence.sel $0x180000  }
0x178: {  	[bflag:$0x0] =	sbarrier.arrive $0xFFFF  }
0x179: {  	_ =	strace $0x9000004A  }
0x17a: {  	s0 =	stileid.u32;
	[bflag:$0x2] =	sbarrier.arrive $0xFFFF  }
0x17b: {  	p0 =	sne.s32 s0, $0x0;
	s0 =	rddreg [dreg:$0x2]  }
0x17c: {  	s0 =	sadd.s32 @!p0 $0x100000, s0  }
0x17d: {  	[sflag:s0] =	ssyncadd.tile.s32 @!p0 $0x1;
	_ =	shalt  }
.Lfunc_end2:
_tile_overlayer_lowered:
.L_overlay_start_2:
0x17e: {  	(tag) =	ssettag $0x2  }
0x17f: {  	s0 =	rddreg [dreg:$0x0];
	s2 =	stileid.u32  }
0x180: {  	s1 =	rddreg [dreg:$0x1];
	p0 =	sne.s32 s2, $0x0  }
0x181: {  	s3 =	rddreg [dreg:$0x2];
	[bflag:$0x3] =	sbarrier.arrive $0xFFFF;
	s2 =	simm.s32 @!p0 $0x1C07  }
0x182: {  	[timem:s3], [sflag:s2] =	dma.local @!p0 [hbm:s0], s1  }
0x183: {  	s0 =	simm.s32 @!p0 $0x7  }
0x184: {  	_ =	swait.ge @!p0 [sflag:s0], s1  }
0x185: {  	s1 =	ssub.s32 @!p0 $0x0, s1;
	[sflag:s0] =	ssyncset.done @!p0 $0x0  }
0x186: {  	[sflag:s0] =	ssyncadd.s32 @!p0 s1  }
0x187: {  	[bflag:$0x3] =	sbarrier.arrive $0xFFFF  }
0x188: {  	_ =	shalt  }

// kernel: kernel.14.cloned.1.call-start
scs
__scs_entry_jumppad:
0x0: {  	(pc) =	sbr.rel $0x88, $3  }
0x1: {  	(tag) =	ssettag $0x0;
	lr =	simm.s32 $0x1  }
0x2: {  	[smem:$0x3F96] =	sst lr;
	_ =	strace $0xD0000000  }
0x3: {  	_ = 	snop  }
0x4: {  	_ = 	snop  }
0x5: {  	_ = 	snop  }
0x6: {  	_ = 	snop  }
0x7: {  	_ = 	snop  }
__scs_overlays_trampoline_lowered:
0x8: {  	[smem:$0x3FA5] =	sst s0  }
0x9: {  	[smem:$0x3FA6] =	sst s1  }
0xa: {  	[smem:$0x3FA7] =	sst s2  }
0xb: {  	[smem:$0x3FA8] =	sst s3  }
0xc: {  	[smem:$0x3FA9] =	sst s4  }
0xd: {  	[smem:$0x3FAA] =	sst s5  }
0xe: {  	[smem:$0x3FAB] =	sst s6  }
0xf: {  	[smem:$0x3FAC] =	sst s7  }
0x10: {  	[smem:$0x3FAD] =	sst s8  }
0x11: {  	[smem:$0x3FAE] =	sst s9;
	s0 =	simm.s32 @!p0 $0x0  }
0x12: {  	s1 =	sld [smem:$0x3F94];
	s0 =	simm.s32 @p0 $0x1  }
0x13: {  	[smem:$0x3FAF] =	sst s0;
	s0 =	simm.s32 @!p1 $0x0  }
0x14: {  	s2 =	sld [smem:$0x3F93];
	s0 =	simm.s32 @p1 $0x1  }
0x15: {  	[smem:$0x3FB0] =	sst s0;
	s0 =	simm.s32 @!p2 $0x0  }
0x16: {  	s3 =	sld [smem:$0x3FDB];
	s0 =	simm.s32 @p2 $0x1  }
0x17: {  	s4 =	simm.s32 $0x1BF5;
	[smem:$0x3FB2] =	sst s0  }
0x18: {  	s0 =	sld [smem:$0x3F95];
	_ =	swait.ge [sflag:s4], $0x0  }
0x19: {  	s7 =	sld [smem:$0x3F96]  }
0x1a: {  	s8 =	sadd.s32 $0xFFFFE003, lr  }
0x1b: {  	s9 =	sadd.s32 $0xFFFFFEF7, lr;
	s5 =	simm.s32 $0xFFFFFFFF;
	p2 =	slt.u32 s8, $0xFFFFF086  }
0x1c: {  	p1 =	slt.u32 s9, $0xF7A;
	s5 =	simm.s32 @!p2 $0x0  }
0x1d: {  	s5 =	simm.s32 @p1 $0x1;
	p0 =	seq.s32 s7, s2  }
0x1e: {  	s7 =	smul.u32 @!p0 $0xF7A, s2;
	p2 =	seq.s32 @!p0 s5, $0x0  }
0x1f: {  	s9 =	smul.u32 $0xF7A, s1;
	s8 =	simm.s32 @!p0 $0x1BF5;
	p2 =	por !p2, p0  }
0x20: {  	[sflag:s8] =	ssyncset.s32 @!p0 $0xFFFFF086;
	s6 =	sadd.s32 @!p0 s3, s7;
	s7 =	simm.s32 @!p0 $0x108  }
0x21: {  	s3 =	sadd.s32 s3, s9;
	s6 =	sadd.s32 @!p0 $0x88, s6;
	s7 =	simm.s32 @p2 $0x1082  }
0x22: {  	[simem:s7], [sflag:s8] =	dma.local @!p0 [hbm:s6], $0xF7A  }
0x23: {  	s9 =	sor.u32 $0xD0000000, s2;
	s6 =	simm.s32 $0x108;
	_ =	swait.ge @!p0 [sflag:s8], $0x0  }
0x24: {  	s3 =	sadd.s32 $0x88, s3;
	s6 =	simm.s32 @!p1 $0x1082;
	[sflag:s4] =	ssyncset.s32 $0xFFFFF086  }
0x25: {  	[simem:s6], [sflag:s4] =	dma.local [hbm:s3], $0xF7A  }
0x26: {  	[smem:$0x3F96] =	sst s1;
	(tag) =	ssettag s2;
	_ =	strace s9  }
0x27: {  	s1 =	sld [smem:$0x3FA6]  }
0x28: {  	s2 =	sld [smem:$0x3FA7]  }
0x29: {  	s4 =	sld [smem:$0x3FA9]  }
0x2a: {  	p0 =	seq.s32 s5, $0x0;
	s5 =	sld [smem:$0x3FAA]  }
0x2b: {  	s6 =	sld [smem:$0x3FAB]  }
0x2c: {  	s7 =	sld [smem:$0x3FAC]  }
0x2d: {  	s3 =	simm.s32 $0x108;
	s8 =	sld [smem:$0x3FAD]  }
0x2e: {  	s3 =	simm.s32 @!p0 $0x1082;
	s9 =	sld [smem:$0x3FAE]  }
0x2f: {  	lr =	sadd.s32 s0, s3;
	s0 =	sld [smem:$0x3FA5]  }
0x30: {  	s3 =	sld [smem:$0x3FA8]  }
0x31: {  	[smem:$0x3FB1] =	sst s10  }
0x32: {  	s10 =	sld [smem:$0x3FAF];
	_ =	sdelay $0x3  }
0x33: {  	p0 =	seq.s32 s10, $0x1;
	s10 =	sld [smem:$0x3FB1];
	_ =	sdelay $0x3  }
0x34: {  	[smem:$0x3FB1] =	sst s10  }
0x35: {  	s10 =	sld [smem:$0x3FB0];
	_ =	sdelay $0x3  }
0x36: {  	p1 =	seq.s32 s10, $0x1;
	s10 =	sld [smem:$0x3FB1];
	_ =	sdelay $0x3  }
0x37: {  	[smem:$0x3FB1] =	sst s10  }
0x38: {  	s10 =	sld [smem:$0x3FB2]  }
0x39: {  	_ = 	snop;
	(pc) =	sbr.ind lr, $3  }
0x3a: {  	_ = 	snop  }
0x3b: {  	_ = 	snop  }
0x3c: {  	p2 =	seq.s32 s10, $0x1;
	s10 =	sld [smem:$0x3FB1]  }
0x3d: {  	_ =	shalt  }
0x3e: {  	_ =	shalt  }
0x3f: {  	_ =	shalt  }
0x40: {  	_ =	shalt  }
0x41: {  	_ =	shalt  }
0x42: {  	_ =	shalt  }
0x43: {  	_ =	shalt  }
0x44: {  	_ =	shalt  }
0x45: {  	_ =	shalt  }
0x46: {  	_ =	shalt  }
0x47: {  	_ =	shalt  }
0x48: {  	_ =	shalt  }
0x49: {  	_ =	shalt  }
0x4a: {  	_ =	shalt  }
0x4b: {  	_ =	shalt  }
0x4c: {  	_ =	shalt  }
0x4d: {  	_ =	shalt  }
0x4e: {  	_ =	shalt  }
0x4f: {  	_ =	shalt  }
0x50: {  	_ =	shalt  }
0x51: {  	_ =	shalt  }
0x52: {  	_ =	shalt  }
0x53: {  	_ =	shalt  }
0x54: {  	_ =	shalt  }
0x55: {  	_ =	shalt  }
0x56: {  	_ =	shalt  }
0x57: {  	_ =	shalt  }
0x58: {  	_ =	shalt  }
0x59: {  	_ =	shalt  }
0x5a: {  	_ =	shalt  }
0x5b: {  	_ =	shalt  }
0x5c: {  	_ =	shalt  }
0x5d: {  	_ =	shalt  }
0x5e: {  	_ =	shalt  }
0x5f: {  	_ =	shalt  }
0x60: {  	_ =	shalt  }
0x61: {  	_ =	shalt  }
0x62: {  	_ =	shalt  }
0x63: {  	_ =	shalt  }
0x64: {  	_ =	shalt  }
0x65: {  	_ =	shalt  }
0x66: {  	_ =	shalt  }
0x67: {  	_ =	shalt  }
0x68: {  	_ =	shalt  }
0x69: {  	_ =	shalt  }
0x6a: {  	_ =	shalt  }
0x6b: {  	_ =	shalt  }
0x6c: {  	_ =	shalt  }
0x6d: {  	_ =	shalt  }
0x6e: {  	_ =	shalt  }
0x6f: {  	_ =	shalt  }
0x70: {  	_ =	shalt  }
0x71: {  	_ =	shalt  }
0x72: {  	_ =	shalt  }
0x73: {  	_ =	shalt  }
0x74: {  	_ =	shalt  }
0x75: {  	_ =	shalt  }
0x76: {  	_ =	shalt  }
0x77: {  	_ =	shalt  }
0x78: {  	_ =	shalt  }
0x79: {  	_ =	shalt  }
0x7a: {  	_ =	shalt  }
0x7b: {  	_ =	shalt  }
0x7c: {  	_ =	shalt  }
0x7d: {  	_ =	shalt  }
0x7e: {  	_ =	shalt  }
0x7f: {  	_ =	shalt  }
0x80: {  	_ =	shalt  }
0x81: {  	_ =	shalt  }
0x82: {  	_ =	shalt  }
0x83: {  	_ =	shalt  }
0x84: {  	_ =	shalt  }
0x85: {  	_ =	shalt  }
0x86: {  	_ =	shalt  }
0x87: {  	_ =	shalt  }
.Lfunc_end0:
.L_simem_size_0:
called_computation.2_lowered:
.L_overlay_start_0:
0x88: {  	s2 =	sld [smem:$0x3FD9]  }
0x89: {  	s3 =	sld [smem:$0x3FFE];
	_ =	sdelay $0x1  }
0x8a: {  	s1 =	srdreg.scid  }
0x8b: {  	s0 =	sand.u32 $0x1, s1  }
0x8c: {  	s17 =	sshll.u32 s0, $0xA;
	s2 =	sadd.s32 s3, s2  }
0x8d: {  	s2 =	sadd.s32 s2, s17  }
0x8e: {  	[smem:$0x3FBD] =	sst s2  }
0x8f: {  	_ = 	snop  }
0x90: {  	s2 =	sld [smem:$0x3FD0];
	(tm) =	ssettm $0x1  }
0x91: {  	s18 =	sld [smem:$0x3FFB];
	_ =	sdelay $0x3  }
0x92: {  	_ =	strace s18  }
0x93: {  	s3 =	sld [smem:$0x3FFC];
	_ =	sdelay $0x3  }
0x94: {  	_ =	strace s3  }
0x95: {  	s3 =	sld [smem:$0x3FFD];
	_ =	sdelay $0x3  }
0x96: {  	_ =	strace s3  }
0x97: {  	_ =	strace $0x8FFFFFFF  }
0x98: {  	s19 =	sld [smem:$0x3FDB];
	_ =	sdelay $0x1  }
0x99: {  	s4 =	simm.s32 $_scs_section_size  }
0x9a: {  	s5 =	simm.s32 $_size__tile_overlayer_lowered;
	s6 =	simm.s32 $_tile_overlayer_lowered  }
0x9b: {  	s22 =	simm.s32 $0x1BFF;
	s21 =	sshll.u32 s6, $0x1;
	s3 =	sadd.s32 s4, s19  }
0x9c: {  	s7 =	simm.s32 $0x0;
	s20 =	sshll.u32 s5, $0x1;
	s5 =	sadd.s32 s21, s3  }
0x9d: {  	[timem:s7], [sflag:s22] =	dma.local [hbm:s5], s20  }
0x9e: {  	_ =	swait.ge [sflag:s22], s20  }
0x9f: {  	s4 =	ssub.s32 $0x0, s20;
	[sflag:s22] =	ssyncset.done $0x0  }
0xa0: {  	[sflag:s22] =	ssyncadd.s32 s4;
	_ =	sdelay $0x1  }
0xa1: {  	s23 =	simm.s32 $0x1B8B  }
0xa2: {  	_ =	swait.ge [sflag:s23], $0x1  }
0xa3: {  	[sflag:s23] =	ssyncset.done $0x0  }
0xa4: {  	s25 =	simm.s32 $0x1B8E;
	s24 =	sld [smem:$0x3FFE];
	[sflag:s23] =	ssyncadd.s32 $0xFFFFFFFF  }
0xa5: {  	s26 =	simm.s32 $execute0_lowered;
	[smem:$0x3FD2] =	sst s25  }
0xa6: {  	s5 =	sshll.u32 s26, $0x1;
	_ =	strace $0x8000004C;
	[dreg:$0x1] =	wrdreg $0xFFFFFFFF  }
0xa7: {  	s28 =	simm.s32 $_size_execute0_lowered;
	s3 =	sadd.s32 s3, s5;
	[dreg:$0x0] =	wrdreg $0x0  }
0xa8: {  	s5 =	sshll.u32 s28, $0x1;
	[dreg:$0x2] =	wrdreg s3  }
0xa9: {  	[dreg:$0x3] =	wrdreg s5  }
0xaa: {  	[dreg:$0x4] =	wrdreg $0xC0  }
0xab: {  	_ =	task [dreg:s7], $0x5FFFF  }
0xac: {  	[dreg:$0x1] =	wrdreg $0xFFFFFFFF  }
0xad: {  	[dreg:$0x0] =	wrdreg $0x60  }
0xae: {  	[dreg:$0x2] =	wrdreg s24  }
0xaf: {  	[dreg:$0x3] =	wrdreg s2  }
0xb0: {  	[dreg:$0x4] =	wrdreg $0xD400  }
0xb1: {  	[dreg:$0x5] =	wrdreg $0x11400  }
0xb2: {  	[dreg:$0x6] =	wrdreg $0x9  }
0xb3: {  	_ =	task.clear_ibuf [dreg:s7], $0x7FFFF;
	_ =	strace $0x9000004C  }
0xb4: {  	s29 =	simm.s32 $0x9;
	_ =	strace $0x8000004E  }
0xb5: {  	_ =	swait.ge [sflag:s29], $0x1  }
0xb6: {  	[sflag:s29] =	ssyncadd.s32 $0xFFFFFFFF  }
0xb7: {  	_ =	strace $0x9000004E  }
0xb8: {  	_ =	sfence  }
0xb9: {  	s30 =	sld [smem:$0x0];
	_ =	sdelay $0x2  }
0xba: {  	s31 =	sshll.u32 s1, $0xD;
	s1 =	sshrl.u32 s1, $0x2  }
0xbb: {  	s3 =	sand.u32 $0x4000, s31;
	s1 =	sadd.s32 s1, s30  }
0xbc: {  	s0 =	sor.u32 s3, s0;
	s1 =	sshll.u32 s1, $0x11  }
0xbd: {  	s0 =	sor.u32 s1, s0  }
0xbe: {  	s0 =	sadd.s32 $0x8F2B, s0  }
0xbf: {  	[sflag:s0] =	ssyncadd.remote.s32 $0x1  }
0xc0: {  	_ =	sfence.sel $0xFFFF  }
0xc1: {  	[dreg:$0x0] =	wrdreg $0xFFFFFFFF;
	(pc) =	sbr.abs _section_cstart, $3  }
0xc2: {  	[dreg:$0x1] =	wrdreg $0xFFFFFFFF  }
0xc3: {  	_ =	task.clear_ibuf [dreg:s7], $0x2FFFF;
	_ =	strace $0x9FFFFFFF  }
0xc4: {  	(tm) =	ssettm $0x7FFFFFFF  }
0xc5: {  	_ =	shalt  }
tec
execute0_lowered:
.L_overlay_start_1:
0x0: {  	(tag) =	ssettag $0x1  }
0x1: {  	s1 =	srdreg.scid  }
0x2: {  	s1 =	sand.u32 $0x1, s1  }
0x3: {  	s5 =	rddreg [dreg:$0x0];
	p0 =	seq.s32 s1, $0x1  }
.Ltmp0:
0x4: {  	s4 =	rddreg [dreg:$0x1];
	(pc) =	sbr.rel @p0 .LBB2_6-.Ltmp0, $4  }
0x5: {  	s2 =	rddreg [dreg:$0x2]  }
0x6: {  	s3 =	rddreg [dreg:$0x3];
	s6 =	simm.s32 $0x0  }
0x7: {  	[smem:$0x7FF] =	sst s6  }
0x8: {  	s0 =	rddreg [dreg:$0x4];
	_ =	strace $0x8000004D;
	s1 =	stileid.u32  }
0x9: {  	v0 =	vimm.f32 $1.000000000e+00  }
0xa: {  	[tilespmem:$0x880] =	vst v0  }
0xb: {  	[tilespmem:$0x890] =	vst v0  }
0xc: {  	[tilespmem:$0x8A0] =	vst v0  }
0xd: {  	s9 =	sadd.s32 $0x2C00, s5;
	[tilespmem:$0x8B0] =	vst v0  }
0xe: {  	s11 =	sadd.s32 $0x2B1600, s5;
	s6 =	sshll.u32 s1, $0x7;
	s7 =	sshll.u32 s1, $0xA;
	[tilespmem:$0x8C0] =	vst v0  }
0xf: {  	s31 =	sshll.u32 s1, $0x6;
	s8 =	sshll.u32 s1, $0x3;
	s10 =	simm.s32 $0x0;
	[tilespmem:$0x8D0] =	vst v0  }
0x10: {  	s30 =	sadd.s32 s6, s5;
	s7 =	sadd.s32 s7, s2;
	s6 =	sadd.s32 s31, s3;
	[tilespmem:$0x8E0] =	vst v0  }
0x11: {  	s4 =	sadd.s32 s4, s8;
	[tilespmem:$0x8F0] =	vst v0;
	v0 =	vimm.f32 $0.0e+00;
	s8 =	simm.s32 $0x40;
	s5 =	sadd.s32 $0x34C00, s30  }
.LBB2_2:
0x12: {  	p0 =	sne.s32 s8, $0xFC0;
	[tilespmem:s10+$0x900] =	vst v0;
	s10 =	smov.u32 s8;
	s8 =	sadd.s32 $0x40, s8  }
.Ltmp1:
0x13: {  	(pc) =	sbr.rel @p0 .LBB2_2-.Ltmp1, $2  }
0x14: {  	_ =	sdelay $0x2  }
0x15: {  	s10 =	sshra.s32 s10, $0x2  }
0x16: {  	[tilespmem:s10+$0x900] =	vst v0;
	v63 =	vimm.f32 $0.0e+00  }
0x17: {  	[tilespmem:$0xD00] =	vst v63  }
0x18: {  	[tilespmem:$0xD10] =	vst v63  }
0x19: {  	[tilespmem:$0xD20] =	vst v63  }
0x1a: {  	s8 =	simm.s32 $0x900;
	[tilespmem:$0xD30] =	vst v63  }
0x1b: {  	[spmem:s7] =	stream.linear.scatter [tilespmem:s8], [sflag:$0x1], $0x400, $0x38;
	[tilespmem:$0x1180] =	vst v63  }
0x1c: {  	s8 =	simm.s32 $0x1  }
0x1d: {  	_ =	swait.ge [sflag:s8], $0x400  }
0x1e: {  	[sflag:s8] =	ssyncset.done $0x0  }
0x1f: {  	s30 =	simm.s32 $0xD00;
	[sflag:s8] =	ssyncadd.s32 $0xFFFFFC00  }
0x20: {  	[spmem:s6] =	stream.linear.scatter [tilespmem:s30], [sflag:$0x1], $0x40, $0x38;
	[tilespmem:$0x1180] =	vst v63  }
0x21: {  	_ =	swait.ge [sflag:s8], $0x40  }
0x22: {  	s31 =	smul.u32 $0x3200, s1;
	[sflag:s8] =	ssyncset.done $0x0  }
0x23: {  	s12 =	smul.u32 $0x320, s1;
	[sflag:s8] =	ssyncadd.s32 $0xFFFFFFC0  }
0x24: {  	s10 =	simm.s32 $0x0;
	s9 =	sadd.s32 s31, s9;
	[bflag:$0x0] =	sbarrier.arrive $0xFFFF  }
0x25: {  	[tilespmem:s10], [sflag:$0x1] =	stream.linear.gather [hbm4b:s9+s10], $0x800, $0x38;
	[tilespmem:$0x1180] =	vst v63  }
0x26: {  	_ =	swait.ge [sflag:s8], $0x800  }
0x27: {  	s11 =	sadd.s32 s12, s11;
	[sflag:s8] =	ssyncset.done $0x0  }
0x28: {  	s12 =	simm.s32 $0x800;
	s13 =	sadd.s32 $0x0, s11;
	[sflag:s8] =	ssyncadd.s32 $0xFFFFF800  }
0x29: {  	[tilespmem:s12], [sflag:$0x1] =	stream.linear.gather [hbm4b:s13+s10], $0x80, $0x38;
	[tilespmem:$0x1180] =	vst v63  }
0x2a: {  	_ =	swait.ge [sflag:s8], $0x80  }
0x2b: {  	[sflag:s8] =	ssyncset.done $0x0  }
0x2c: {  	s13 =	simm.s32 $0x80;
	[sflag:s8] =	ssyncadd.s32 $0xFFFFFF80  }
0x2d: {  	[spmem:s2] =	stream.indirect.scatter.add.f32 [tilespmem:s10], [sflag:$0x1], $0x10, s12, s13, $0xb8;
	[tilespmem:$0x1180] =	vst v63  }
0x2e: {  	_ =	swait.ge [sflag:s8], $0x800  }
0x2f: {  	[sflag:s8] =	ssyncset.done $0x0  }
0x30: {  	s14 =	simm.s32 $0x880;
	[sflag:s8] =	ssyncadd.s32 $0xFFFFF800  }
0x31: {  	[spmem:s3] =	stream.indirect.scatter.add.f32 [tilespmem:s14], [sflag:$0x1], $0x1, s12, s13, $0xb8;
	[tilespmem:$0x1180] =	vst v63  }
0x32: {  	_ =	swait.ge [sflag:s8], $0x80  }
0x33: {  	s15 =	simm.s32 $0x10;
	[sflag:s8] =	ssyncset.done $0x0  }
.LBB2_4:
0x34: {  	p0 =	sne.s32 s15, $0x310;
	[sflag:s8] =	ssyncadd.s32 $0xFFFFFF80;
	s9 =	sadd.s32 $0x100, s9  }
0x35: {  	[tilespmem:s10], [sflag:$0x1] =	stream.linear.gather [hbm4b:s9+s10], $0x800, $0x38;
	[tilespmem:$0x1180] =	vst v63  }
0x36: {  	s16 =	smov.u32 s15;
	s15 =	sadd.s32 $0x10, s15;
	_ =	swait.ge [sflag:s8], $0x800  }
0x37: {  	[sflag:s8] =	ssyncset.done $0x0  }
0x38: {  	s16 =	sadd.s32 s16, s11;
	[sflag:s8] =	ssyncadd.s32 $0xFFFFF800  }
0x39: {  	[tilespmem:s12], [sflag:$0x1] =	stream.linear.gather [hbm4b:s16+s10], $0x80, $0x38;
	[tilespmem:$0x1180] =	vst v63  }
0x3a: {  	_ =	swait.ge [sflag:s8], $0x80  }
0x3b: {  	[sflag:s8] =	ssyncset.done $0x0  }
0x3c: {  	[sflag:s8] =	ssyncadd.s32 $0xFFFFFF80  }
0x3d: {  	[spmem:s2] =	stream.indirect.scatter.add.f32 [tilespmem:s10], [sflag:$0x1], $0x10, s12, s13, $0xb8;
	[tilespmem:$0x1180] =	vst v63  }
0x3e: {  	_ =	swait.ge [sflag:s8], $0x800  }
.Ltmp2:
0x3f: {  	[sflag:s8] =	ssyncset.done $0x0;
	(pc) =	sbr.rel @p0 .LBB2_4-.Ltmp2, $4  }
0x40: {  	[sflag:s8] =	ssyncadd.s32 $0xFFFFF800  }
0x41: {  	[spmem:s3] =	stream.indirect.scatter.add.f32 [tilespmem:s14], [sflag:$0x1], $0x1, s12, s13, $0xb8;
	[tilespmem:$0x1180] =	vst v63  }
0x42: {  	_ =	swait.ge [sflag:s8], $0x80  }
0x43: {  	[sflag:s8] =	ssyncset.done $0x0  }
0x44: {  	[sflag:s8] =	ssyncadd.s32 $0xFFFFFF80  }
0x45: {  	s2 =	simm.s32 $0x900;
	s3 =	simm.s32 $0x1;
	[bflag:$0x0] =	sbarrier.arrive $0xFFFF  }
0x46: {  	[tilespmem:s2], [sflag:$0x1] =	stream.linear.gather [spmem:s7], $0x400, $0x38;
	[tilespmem:$0x1180] =	vst v63  }
0x47: {  	_ =	swait.ge [sflag:s3], $0x400  }
0x48: {  	[sflag:s3] =	ssyncset.done $0x0  }
0x49: {  	s30 =	simm.s32 $0xD00;
	[sflag:s3] =	ssyncadd.s32 $0xFFFFFC00  }
0x4a: {  	[tilespmem:s30], [sflag:$0x1] =	stream.linear.gather [spmem:s6], $0x40, $0x38;
	[tilespmem:$0x1180] =	vst v63  }
0x4b: {  	_ =	swait.ge [sflag:s3], $0x40  }
0x4c: {  	[sflag:s3] =	ssyncset.done $0x0  }
0x4d: {  	s31 =	simm.s32 $0x0;
	[sflag:s3] =	ssyncadd.s32 $0xFFFFFFC0  }
0x4e: {  	[hbm4b:s5+s31] =	stream.linear.scatter [tilespmem:s2], [sflag:$0x1], $0x400, $0x38;
	[tilespmem:$0x1180] =	vst v63  }
0x4f: {  	_ =	swait.ge [sflag:s3], $0x400  }
0x50: {  	[sflag:s3] =	ssyncset.done $0x0  }
0x51: {  	[sflag:s3] =	ssyncadd.s32 $0xFFFFFC00  }
0x52: {  	[hbm4b:s4+s31] =	stream.linear.scatter [tilespmem:s30], [sflag:$0x1], $0x40, $0x38;
	[tilespmem:$0x1180] =	vst v63  }
0x53: {  	_ =	swait.ge [sflag:s3], $0x40  }
0x54: {  	[sflag:s3] =	ssyncset.done $0x0  }
0x55: {  	[sflag:s3] =	ssyncadd.s32 $0xFFFFFFC0  }
.LBB2_6:
0x56: {  	_ =	sfence.sel $0x180000  }
0x57: {  	[bflag:$0x0] =	sbarrier.arrive $0xFFFF  }
0x58: {  	p0 =	sne.s32 s1, $0x0;
	_ =	strace $0x9000004D  }
0x59: {  	s0 =	sadd.s32 @!p0 $0x100000, s0;
	[bflag:$0x2] =	sbarrier.arrive $0xFFFF  }
0x5a: {  	[sflag:s0] =	ssyncadd.tile.s32 @!p0 $0x1;
	_ =	shalt  }
.Lfunc_end2:
_tile_overlayer_lowered:
.L_overlay_start_2:
0x5b: {  	(tag) =	ssettag $0x2  }
0x5c: {  	s0 =	rddreg [dreg:$0x0];
	s2 =	stileid.u32  }
0x5d: {  	s1 =	rddreg [dreg:$0x1];
	p0 =	sne.s32 s2, $0x0  }
0x5e: {  	s3 =	rddreg [dreg:$0x2];
	[bflag:$0x3] =	sbarrier.arrive $0xFFFF;
	s2 =	simm.s32 @!p0 $0x1C01  }
0x5f: {  	[timem:s3], [sflag:s2] =	dma.local @!p0 [hbm:s0], s1  }
0x60: {  	s0 =	simm.s32 @!p0 $0x1  }
0x61: {  	_ =	swait.ge @!p0 [sflag:s0], s1  }
0x62: {  	s1 =	ssub.s32 @!p0 $0x0, s1;
	[sflag:s0] =	ssyncset.done @!p0 $0x0  }
0x63: {  	[sflag:s0] =	ssyncadd.s32 @!p0 s1  }
0x64: {  	[bflag:$0x3] =	sbarrier.arrive $0xFFFF  }
0x65: {  	_ =	shalt  }

// kernel: kernel.8.cloned.1.call-start
scs
__scs_entry_jumppad:
0x0: {  	(pc) =	sbr.rel $0x88, $3  }
0x1: {  	(tag) =	ssettag $0x0;
	lr =	simm.s32 $0x1  }
0x2: {  	[smem:$0x3F96] =	sst lr;
	_ =	strace $0xD0000000  }
0x3: {  	_ = 	snop  }
0x4: {  	_ = 	snop  }
0x5: {  	_ = 	snop  }
0x6: {  	_ = 	snop  }
0x7: {  	_ = 	snop  }
__scs_overlays_trampoline_lowered:
0x8: {  	[smem:$0x3FA5] =	sst s0  }
0x9: {  	[smem:$0x3FA6] =	sst s1  }
0xa: {  	[smem:$0x3FA7] =	sst s2  }
0xb: {  	[smem:$0x3FA8] =	sst s3  }
0xc: {  	[smem:$0x3FA9] =	sst s4  }
0xd: {  	[smem:$0x3FAA] =	sst s5  }
0xe: {  	[smem:$0x3FAB] =	sst s6  }
0xf: {  	[smem:$0x3FAC] =	sst s7  }
0x10: {  	[smem:$0x3FAD] =	sst s8  }
0x11: {  	[smem:$0x3FAE] =	sst s9;
	s0 =	simm.s32 @!p0 $0x0  }
0x12: {  	s1 =	sld [smem:$0x3F94];
	s0 =	simm.s32 @p0 $0x1  }
0x13: {  	[smem:$0x3FAF] =	sst s0;
	s0 =	simm.s32 @!p1 $0x0  }
0x14: {  	s2 =	sld [smem:$0x3F93];
	s0 =	simm.s32 @p1 $0x1  }
0x15: {  	[smem:$0x3FB0] =	sst s0;
	s0 =	simm.s32 @!p2 $0x0  }
0x16: {  	s3 =	sld [smem:$0x3FDB];
	s0 =	simm.s32 @p2 $0x1  }
0x17: {  	s4 =	simm.s32 $0x1BF5;
	[smem:$0x3FB2] =	sst s0  }
0x18: {  	s0 =	sld [smem:$0x3F95];
	_ =	swait.ge [sflag:s4], $0x0  }
0x19: {  	s7 =	sld [smem:$0x3F96]  }
0x1a: {  	s8 =	sadd.s32 $0xFFFFE003, lr  }
0x1b: {  	s9 =	sadd.s32 $0xFFFFFEF7, lr;
	s5 =	simm.s32 $0xFFFFFFFF;
	p2 =	slt.u32 s8, $0xFFFFF086  }
0x1c: {  	p1 =	slt.u32 s9, $0xF7A;
	s5 =	simm.s32 @!p2 $0x0  }
0x1d: {  	s5 =	simm.s32 @p1 $0x1;
	p0 =	seq.s32 s7, s2  }
0x1e: {  	s7 =	smul.u32 @!p0 $0xF7A, s2;
	p2 =	seq.s32 @!p0 s5, $0x0  }
0x1f: {  	s9 =	smul.u32 $0xF7A, s1;
	s8 =	simm.s32 @!p0 $0x1BF5;
	p2 =	por !p2, p0  }
0x20: {  	[sflag:s8] =	ssyncset.s32 @!p0 $0xFFFFF086;
	s6 =	sadd.s32 @!p0 s3, s7;
	s7 =	simm.s32 @!p0 $0x108  }
0x21: {  	s3 =	sadd.s32 s3, s9;
	s6 =	sadd.s32 @!p0 $0x88, s6;
	s7 =	simm.s32 @p2 $0x1082  }
0x22: {  	[simem:s7], [sflag:s8] =	dma.local @!p0 [hbm:s6], $0xF7A  }
0x23: {  	s9 =	sor.u32 $0xD0000000, s2;
	s6 =	simm.s32 $0x108;
	_ =	swait.ge @!p0 [sflag:s8], $0x0  }
0x24: {  	s3 =	sadd.s32 $0x88, s3;
	s6 =	simm.s32 @!p1 $0x1082;
	[sflag:s4] =	ssyncset.s32 $0xFFFFF086  }
0x25: {  	[simem:s6], [sflag:s4] =	dma.local [hbm:s3], $0xF7A  }
0x26: {  	[smem:$0x3F96] =	sst s1;
	(tag) =	ssettag s2;
	_ =	strace s9  }
0x27: {  	s1 =	sld [smem:$0x3FA6]  }
0x28: {  	s2 =	sld [smem:$0x3FA7]  }
0x29: {  	s4 =	sld [smem:$0x3FA9]  }
0x2a: {  	p0 =	seq.s32 s5, $0x0;
	s5 =	sld [smem:$0x3FAA]  }
0x2b: {  	s6 =	sld [smem:$0x3FAB]  }
0x2c: {  	s7 =	sld [smem:$0x3FAC]  }
0x2d: {  	s3 =	simm.s32 $0x108;
	s8 =	sld [smem:$0x3FAD]  }
0x2e: {  	s3 =	simm.s32 @!p0 $0x1082;
	s9 =	sld [smem:$0x3FAE]  }
0x2f: {  	lr =	sadd.s32 s0, s3;
	s0 =	sld [smem:$0x3FA5]  }
0x30: {  	s3 =	sld [smem:$0x3FA8]  }
0x31: {  	[smem:$0x3FB1] =	sst s10  }
0x32: {  	s10 =	sld [smem:$0x3FAF];
	_ =	sdelay $0x3  }
0x33: {  	p0 =	seq.s32 s10, $0x1;
	s10 =	sld [smem:$0x3FB1];
	_ =	sdelay $0x3  }
0x34: {  	[smem:$0x3FB1] =	sst s10  }
0x35: {  	s10 =	sld [smem:$0x3FB0];
	_ =	sdelay $0x3  }
0x36: {  	p1 =	seq.s32 s10, $0x1;
	s10 =	sld [smem:$0x3FB1];
	_ =	sdelay $0x3  }
0x37: {  	[smem:$0x3FB1] =	sst s10  }
0x38: {  	s10 =	sld [smem:$0x3FB2]  }
0x39: {  	_ = 	snop;
	(pc) =	sbr.ind lr, $3  }
0x3a: {  	_ = 	snop  }
0x3b: {  	_ = 	snop  }
0x3c: {  	p2 =	seq.s32 s10, $0x1;
	s10 =	sld [smem:$0x3FB1]  }
0x3d: {  	_ =	shalt  }
0x3e: {  	_ =	shalt  }
0x3f: {  	_ =	shalt  }
0x40: {  	_ =	shalt  }
0x41: {  	_ =	shalt  }
0x42: {  	_ =	shalt  }
0x43: {  	_ =	shalt  }
0x44: {  	_ =	shalt  }
0x45: {  	_ =	shalt  }
0x46: {  	_ =	shalt  }
0x47: {  	_ =	shalt  }
0x48: {  	_ =	shalt  }
0x49: {  	_ =	shalt  }
0x4a: {  	_ =	shalt  }
0x4b: {  	_ =	shalt  }
0x4c: {  	_ =	shalt  }
0x4d: {  	_ =	shalt  }
0x4e: {  	_ =	shalt  }
0x4f: {  	_ =	shalt  }
0x50: {  	_ =	shalt  }
0x51: {  	_ =	shalt  }
0x52: {  	_ =	shalt  }
0x53: {  	_ =	shalt  }
0x54: {  	_ =	shalt  }
0x55: {  	_ =	shalt  }
0x56: {  	_ =	shalt  }
0x57: {  	_ =	shalt  }
0x58: {  	_ =	shalt  }
0x59: {  	_ =	shalt  }
0x5a: {  	_ =	shalt  }
0x5b: {  	_ =	shalt  }
0x5c: {  	_ =	shalt  }
0x5d: {  	_ =	shalt  }
0x5e: {  	_ =	shalt  }
0x5f: {  	_ =	shalt  }
0x60: {  	_ =	shalt  }
0x61: {  	_ =	shalt  }
0x62: {  	_ =	shalt  }
0x63: {  	_ =	shalt  }
0x64: {  	_ =	shalt  }
0x65: {  	_ =	shalt  }
0x66: {  	_ =	shalt  }
0x67: {  	_ =	shalt  }
0x68: {  	_ =	shalt  }
0x69: {  	_ =	shalt  }
0x6a: {  	_ =	shalt  }
0x6b: {  	_ =	shalt  }
0x6c: {  	_ =	shalt  }
0x6d: {  	_ =	shalt  }
0x6e: {  	_ =	shalt  }
0x6f: {  	_ =	shalt  }
0x70: {  	_ =	shalt  }
0x71: {  	_ =	shalt  }
0x72: {  	_ =	shalt  }
0x73: {  	_ =	shalt  }
0x74: {  	_ =	shalt  }
0x75: {  	_ =	shalt  }
0x76: {  	_ =	shalt  }
0x77: {  	_ =	shalt  }
0x78: {  	_ =	shalt  }
0x79: {  	_ =	shalt  }
0x7a: {  	_ =	shalt  }
0x7b: {  	_ =	shalt  }
0x7c: {  	_ =	shalt  }
0x7d: {  	_ =	shalt  }
0x7e: {  	_ =	shalt  }
0x7f: {  	_ =	shalt  }
0x80: {  	_ =	shalt  }
0x81: {  	_ =	shalt  }
0x82: {  	_ =	shalt  }
0x83: {  	_ =	shalt  }
0x84: {  	_ =	shalt  }
0x85: {  	_ =	shalt  }
0x86: {  	_ =	shalt  }
0x87: {  	_ =	shalt  }
.Lfunc_end0:
.L_simem_size_0:
called_computation_lowered:
.L_overlay_start_0:
0x88: {  	s2 =	sld [smem:$0x3FD9]  }
0x89: {  	s3 =	sld [smem:$0x3FFE];
	_ =	sdelay $0x1  }
0x8a: {  	s1 =	srdreg.scid  }
0x8b: {  	s0 =	sand.u32 $0x1, s1  }
0x8c: {  	s16 =	sshll.u32 s0, $0xA;
	s2 =	sadd.s32 s3, s2  }
0x8d: {  	s2 =	sadd.s32 s2, s16  }
0x8e: {  	[smem:$0x3FBD] =	sst s2  }
0x8f: {  	_ = 	snop  }
0x90: {  	(tm) =	ssettm $0x1  }
0x91: {  	s17 =	sld [smem:$0x3FFB];
	_ =	sdelay $0x3  }
0x92: {  	_ =	strace s17  }
0x93: {  	s2 =	sld [smem:$0x3FFC];
	_ =	sdelay $0x3  }
0x94: {  	_ =	strace s2  }
0x95: {  	s2 =	sld [smem:$0x3FFD];
	_ =	sdelay $0x3  }
0x96: {  	_ =	strace s2  }
0x97: {  	_ =	strace $0x8FFFFFFF  }
0x98: {  	s18 =	sld [smem:$0x3FDB];
	_ =	sdelay $0x1  }
0x99: {  	s19 =	simm.s32 $_scs_section_size  }
0x9a: {  	s4 =	simm.s32 $_size__tile_overlayer_lowered;
	s5 =	simm.s32 $_tile_overlayer_lowered  }
0x9b: {  	s22 =	simm.s32 $0x1BFF;
	s21 =	sshll.u32 s5, $0x1;
	s2 =	sadd.s32 s19, s18  }
0x9c: {  	s6 =	simm.s32 $0x0;
	s20 =	sshll.u32 s4, $0x1;
	s4 =	sadd.s32 s21, s2  }
0x9d: {  	[timem:s6], [sflag:s22] =	dma.local [hbm:s4], s20  }
0x9e: {  	_ =	swait.ge [sflag:s22], s20  }
0x9f: {  	s3 =	ssub.s32 $0x0, s20;
	[sflag:s22] =	ssyncset.done $0x0  }
0xa0: {  	[sflag:s22] =	ssyncadd.s32 s3;
	_ =	sdelay $0x1  }
0xa1: {  	s23 =	simm.s32 $0x1B8B  }
0xa2: {  	_ =	swait.ge [sflag:s23], $0x1  }
0xa3: {  	[sflag:s23] =	ssyncset.done $0x0  }
0xa4: {  	s25 =	simm.s32 $0x1B8E;
	s24 =	sld [smem:$0x3FFE];
	[sflag:s23] =	ssyncadd.s32 $0xFFFFFFFF  }
0xa5: {  	s26 =	simm.s32 $execute0_lowered;
	[smem:$0x3FD2] =	sst s25  }
0xa6: {  	s4 =	sshll.u32 s26, $0x1;
	_ =	strace $0x80000046;
	[dreg:$0x1] =	wrdreg $0xFFFFFFFF  }
0xa7: {  	s28 =	simm.s32 $_size_execute0_lowered;
	s2 =	sadd.s32 s2, s4;
	[dreg:$0x0] =	wrdreg $0x0  }
0xa8: {  	s4 =	sshll.u32 s28, $0x1;
	[dreg:$0x2] =	wrdreg s2  }
0xa9: {  	[dreg:$0x3] =	wrdreg s4  }
0xaa: {  	[dreg:$0x4] =	wrdreg $0xC0  }
0xab: {  	_ =	task [dreg:s6], $0x5FFFF  }
0xac: {  	[dreg:$0x1] =	wrdreg $0xFFFFFFFF  }
0xad: {  	[dreg:$0x0] =	wrdreg $0x60  }
0xae: {  	[dreg:$0x2] =	wrdreg s24  }
0xaf: {  	[dreg:$0x3] =	wrdreg $0x48000  }
0xb0: {  	[dreg:$0x4] =	wrdreg $0x1DBC00  }
0xb1: {  	[dreg:$0x5] =	wrdreg $0x9  }
0xb2: {  	_ =	task.clear_ibuf [dreg:s6], $0x6FFFF;
	_ =	strace $0x90000046  }
0xb3: {  	s29 =	simm.s32 $0x9;
	_ =	strace $0x80000048  }
0xb4: {  	_ =	swait.ge [sflag:s29], $0x1  }
0xb5: {  	[sflag:s29] =	ssyncadd.s32 $0xFFFFFFFF  }
0xb6: {  	_ =	strace $0x90000048  }
0xb7: {  	_ =	sfence  }
0xb8: {  	s30 =	sld [smem:$0x0];
	_ =	sdelay $0x2  }
0xb9: {  	s31 =	sshll.u32 s1, $0xD;
	s1 =	sshrl.u32 s1, $0x2  }
0xba: {  	s3 =	sand.u32 $0x4000, s31;
	s1 =	sadd.s32 s1, s30  }
0xbb: {  	s0 =	sor.u32 s3, s0;
	s1 =	sshll.u32 s1, $0x11  }
0xbc: {  	s0 =	sor.u32 s1, s0  }
0xbd: {  	s0 =	sadd.s32 $0x8F2B, s0  }
0xbe: {  	[sflag:s0] =	ssyncadd.remote.s32 $0x1  }
0xbf: {  	_ =	sfence.sel $0xFFFF  }
0xc0: {  	[dreg:$0x0] =	wrdreg $0xFFFFFFFF;
	(pc) =	sbr.abs _section_cstart, $3  }
0xc1: {  	[dreg:$0x1] =	wrdreg $0xFFFFFFFF  }
0xc2: {  	_ =	task.clear_ibuf [dreg:s6], $0x2FFFF;
	_ =	strace $0x9FFFFFFF  }
0xc3: {  	(tm) =	ssettm $0x7FFFFFFF  }
tec
execute0_lowered:
.L_overlay_start_1:
0x0: {  	(tag) =	ssettag $0x1  }
0x1: {  	s0 =	rddreg [dreg:$0x0]  }
0x2: {  	s2 =	rddreg [dreg:$0x1]  }
0x3: {  	s3 =	rddreg [dreg:$0x2]  }
0x4: {  	s4 =	simm.s32 $0x0;
	s11 =	stileid.u32;
	s5 =	srdreg.scid  }
0x5: {  	s28 =	simm.s32 $0x400;
	s31 =	simm.s32 $0x9;
	s16 =	simm.s32 $0x100  }
0x6: {  	s18 =	simm.s32 $0x180;
	s21 =	simm.s32 $0x1;
	s19 =	simm.s32 $0x2480  }
0x7: {  	s22 =	simm.s32 $0x80;
	s20 =	simm.s32 $0x2500;
	s1 =	smul.u32 $0x438, s11  }
0x8: {  	s30 =	simm.s32 $0x1CF00;
	s29 =	simm.s32 $0x200;
	s6 =	smul.u32 $0x1F8, s11  }
0x9: {  	[smem:$0x7FF] =	sst s4;
	s7 =	sand.u32 $0x1, s5;
	s8 =	smul.u32 $0x18700, s11  }
0xa: {  	s24 =	smul.u32 $0x1870, s11;
	_ =	strace $0x80000047;
	[dreg:$0x5] =	wrdreg s16  }
0xb: {  	s5 =	sadd.s32 $0x189600, s0;
	s11 =	smul.u32 $0x61C00, s11;
	[dreg:$0x6] =	wrdreg s18  }
0xc: {  	p0 =	seq.s32 s7, $0x0;
	s9 =	smul.u32 $0x187000, s7;
	[dreg:$0x7] =	wrdreg s19  }
0xd: {  	s10 =	smul.u32 $0x18700, s7;
	s7 =	ssub.s32 $0x2, s7;
	[dreg:$0x8] =	wrdreg s20  }
0xe: {  	s16 =	simm.s32 $0x7;
	s18 =	simm.s32 $0x3800;
	s6 =	sadd.s32 $0x4380, s6  }
0xf: {  	s12 =	sshrl.u32 s7, $0x1;
	s11 =	sshrl.u32 s11, $0x2;
	s17 =	sadd.s32 s8, s2  }
0x10: {  	s23 =	sadd.s32 s24, s3;
	s6 =	smov.u32 @p0 s1;
	s9 =	sadd.s32 s8, s9  }
0x11: {  	s10 =	sadd.s32 s24, s10;
	s7 =	ssub.s32 s7, s12;
	s25 =	sadd.s32 s11, s2  }
0x12: {  	s1 =	simm.s32 $0x4380;
	s13 =	sadd.s32 $0xC40, s23;
	[dreg:$0xa] =	wrdreg s17  }
0x13: {  	s8 =	simm.s32 $0x2600;
	[dreg:$0xe] =	wrdreg s23;
	s6 =	sshll.u32 s6, $0x4  }
0x14: {  	s9 =	sshrl.u32 s9, $0x3;
	s26 =	sadd.s32 $0x61C0, s25;
	[dreg:$0xf] =	wrdreg s13  }
0x15: {  	s10 =	sshrl.u32 s10, $0x3;
	s11 =	sadd.s32 $0xC380, s25;
	[dreg:$0xb] =	wrdreg s26  }
0x16: {  	s12 =	sadd.s32 $0x12540, s25;
	s1 =	simm.s32 @!p0 $0x1F80;
	[dreg:$0xc] =	wrdreg s11  }
0x17: {  	s15 =	smax.u32 s7, $0x1;
	s7 =	simm.s32 $0x2;
	[dreg:$0xd] =	wrdreg s12  }
0x18: {  	s6 =	sadd.s32 s6, s0;
	s9 =	sadd.s32 s9, s0;
	[dreg:$0x4] =	wrdreg s1  }
0x19: {  	s0 =	sadd.s32 s10, s0;
	[dreg:$0x12] =	wrdreg s15;
	s1 =	simm.s32 $0x200  }
0x1a: {  	s26 =	simm.s32 $0x2580;
	s15 =	simm.s32 $0x5;
	s24 =	sadd.s32 $0x21D600, s6  }
0x1b: {  	s25 =	sadd.s32 $0x1BA400, s6;
	s14 =	sadd.s32 $0x286A00, s9;
	[dreg:$0x9] =	wrdreg s26  }
0x1c: {  	s0 =	sadd.s32 $0x280800, s0;
	s26 =	simm.s32 $0x3;
	[dreg:$0x10] =	wrdreg s14  }
0x1d: {  	v0 =	vimm.f32 $0.0e+00;
	v1 =	vimm.f32 $1.000000000e+00;
	[dreg:$0x11] =	wrdreg s0;
	s14 =	simm.s32 $0x4;
	s0 =	simm.s32 $0x0  }
.LBB2_1:
0x1e: {  	s12 =	simm.s32 $0x40;
	s13 =	simm.s32 $0x0  }
.LBB2_2:
0x1f: {  	p0 =	sne.s32 s12, $0x186C0;
	[tilespmem:s13+$0x400] =	vst v0;
	s13 =	smov.u32 s12;
	s12 =	sadd.s32 $0x40, s12  }
.Ltmp0:
0x20: {  	(pc) =	sbr.rel @p0 .LBB2_2-.Ltmp0, $2  }
0x21: {  	_ =	sdelay $0x2  }
0x22: {  	s13 =	sshra.s32 s13, $0x2  }
0x23: {  	[dreg:$0x13] =	wrdreg s0;
	[tilespmem:s13+$0x400] =	vst v0  }
0x24: {  	[spmem:s17] =	stream.linear.scatter [tilespmem:s28], [sflag:$0x9], $0x61C0, $0x38;
	[tilespmem:$0x1F438] =	vst v63  }
0x25: {  	_ =	swait.ge [sflag:s31], $0x61C0  }
0x26: {  	[sflag:s31] =	ssyncset.done $0x0  }
0x27: {  	s12 =	rddreg [dreg:$0xb];
	[sflag:s31] =	ssyncadd.s32 $0xFFFF9E40  }
0x28: {  	[spmem:s12] =	stream.linear.scatter [tilespmem:s28], [sflag:$0x9], $0x61C0, $0x38;
	[tilespmem:$0x1F438] =	vst v63  }
0x29: {  	_ =	swait.ge [sflag:s31], $0x61C0  }
0x2a: {  	[sflag:s31] =	ssyncset.done $0x0  }
0x2b: {  	s19 =	rddreg [dreg:$0xc];
	[sflag:s31] =	ssyncadd.s32 $0xFFFF9E40  }
0x2c: {  	[spmem:s19] =	stream.linear.scatter [tilespmem:s28], [sflag:$0x9], $0x61C0, $0x38;
	[tilespmem:$0x1F438] =	vst v63  }
0x2d: {  	_ =	swait.ge [sflag:s31], $0x61C0  }
0x2e: {  	[sflag:s31] =	ssyncset.done $0x0  }
0x2f: {  	s20 =	rddreg [dreg:$0xd];
	[sflag:s31] =	ssyncadd.s32 $0xFFFF9E40  }
0x30: {  	[spmem:s20] =	stream.linear.scatter [tilespmem:s28], [sflag:$0x9], $0x61C0, $0x38;
	[tilespmem:$0x1F438] =	vst v63  }
0x31: {  	_ =	swait.ge [sflag:s31], $0x61C0  }
0x32: {  	[sflag:s31] =	ssyncset.done $0x0  }
0x33: {  	s13 =	simm.s32 $0x0;
	s12 =	simm.s32 $0x40;
	[sflag:s31] =	ssyncadd.s32 $0xFFFF9E40  }
.LBB2_4:
0x34: {  	p0 =	sne.s32 s12, $0x30C0;
	[tilespmem:s13+$0x1CF80] =	vst v0;
	s13 =	smov.u32 s12;
	s12 =	sadd.s32 $0x40, s12  }
.Ltmp1:
0x35: {  	(pc) =	sbr.rel @p0 .LBB2_4-.Ltmp1, $2  }
0x36: {  	_ =	sdelay $0x2  }
0x37: {  	s13 =	sshra.s32 s13, $0x2  }
0x38: {  	[tilespmem:s13+$0x1CF80] =	vst v0;
	s6 =	simm.s32 $0x1CF80  }
0x39: {  	[spmem:s23] =	stream.linear.scatter [tilespmem:s6], [sflag:$0x9], $0xC40, $0x38;
	[tilespmem:$0x1F438] =	vst v63  }
0x3a: {  	_ =	swait.ge [sflag:s31], $0xC40  }
0x3b: {  	[sflag:s31] =	ssyncset.done $0x0  }
0x3c: {  	s12 =	rddreg [dreg:$0xf];
	[sflag:s31] =	ssyncadd.s32 $0xFFFFF3C0  }
0x3d: {  	[spmem:s12] =	stream.linear.scatter [tilespmem:s6], [sflag:$0x9], $0xC40, $0x38;
	[tilespmem:$0x1F438] =	vst v63  }
0x3e: {  	_ =	swait.ge [sflag:s31], $0xC40  }
0x3f: {  	[sflag:s31] =	ssyncset.done $0x0  }
0x40: {  	[sflag:s31] =	ssyncadd.s32 $0xFFFFF3C0  }
0x41: {  	[tilespmem:$0x1CF00] =	vst v1  }
0x42: {  	[tilespmem:$0x1CF10] =	vst v1  }
0x43: {  	[tilespmem:$0x1CF20] =	vst v1  }
0x44: {  	[tilespmem:$0x1CF30] =	vst v1  }
0x45: {  	[tilespmem:$0x1CF40] =	vst v1  }
0x46: {  	[tilespmem:$0x1CF50] =	vst v1  }
0x47: {  	[tilespmem:$0x1CF60] =	vst v1  }
0x48: {  	[tilespmem:$0x1CF70] =	vst v1  }
0x49: {  	s9 =	simm.s32 $0x0;
	[bflag:$0x0] =	sbarrier.arrive $0xFFFF  }
0x4a: {  	[tilespmem:s9], [sflag:$0x1] =	stream.linear.gather [hbm4b:s24+s9], $0x200, $0x38;
	[tilespmem:$0x1F438] =	vst v63  }
0x4b: {  	_ = 	snop  }
0x4c: {  	[tilespmem:s1], [sflag:$0x1] =	stream.linear.gather [hbm4b:s25+s9], $0x200, $0x38;
	[tilespmem:$0x1F438] =	vst v63  }
0x4d: {  	_ =	swait.ge [sflag:s21], $0x200  }
0x4e: {  	[sflag:s21] =	ssyncset.done $0x0  }
0x4f: {  	[sflag:s21] =	ssyncadd.s32 $0xFFFFFE00  }
0x50: {  	_ =	swait.ge [sflag:s21], $0x200  }
0x51: {  	[sflag:s21] =	ssyncset.done $0x0  }
0x52: {  	[sflag:s21] =	ssyncadd.s32 $0xFFFFFE00  }
0x53: {  	[tilespmem:s28], [sflag:$0x3] =	stream.indirect.gather [hbm4b:s5+s22], $0x10, s4, s22, $0xb8;
	[tilespmem:$0x1F438] =	vst v63  }
0x54: {  	s0 =	simm.s32 $0xC00  }
0x55: {  	[tilespmem:s0], [sflag:$0x3] =	stream.indirect.gather [hbm4b:s5+s22], $0x10, s22, s22, $0xb8;
	[tilespmem:$0x1F438] =	vst v63  }
0x56: {  	s6 =	simm.s32 $0x1400;
	s10 =	rddreg [dreg:$0x5]  }
0x57: {  	[tilespmem:s6], [sflag:$0x3] =	stream.indirect.gather [hbm4b:s5+s22], $0x10, s10, s22, $0xb8;
	[tilespmem:$0x1F438] =	vst v63  }
0x58: {  	s9 =	simm.s32 $0x1C00;
	s11 =	rddreg [dreg:$0x6]  }
0x59: {  	[tilespmem:s9], [sflag:$0x3] =	stream.indirect.gather [hbm4b:s5+s22], $0x10, s11, s22, $0xb8;
	[tilespmem:$0x1F438] =	vst v63  }
0x5a: {  	_ =	swait.ge [sflag:s26], $0x800  }
0x5b: {  	[sflag:s26] =	ssyncset.done $0x0  }
0x5c: {  	[sflag:s26] =	ssyncadd.s32 $0xFFFFF800  }
0x5d: {  	_ =	swait.ge [sflag:s26], $0x800  }
0x5e: {  	[sflag:s26] =	ssyncset.done $0x0  }
0x5f: {  	[sflag:s26] =	ssyncadd.s32 $0xFFFFF800  }
0x60: {  	_ =	swait.ge [sflag:s26], $0x800  }
0x61: {  	[sflag:s26] =	ssyncset.done $0x0  }
0x62: {  	[sflag:s26] =	ssyncadd.s32 $0xFFFFF800  }
0x63: {  	_ =	swait.ge [sflag:s26], $0x800  }
0x64: {  	p0 =	por $0x1, $0x1;
	[sflag:s26] =	ssyncset.done $0x0  }
0x65: {  	s12 =	simm.s32 @!p0 $0x6;
	[sflag:s26] =	ssyncadd.s32 $0xFFFFF800  }
0x66: {  	_ =	swait.ge @!p0 [sflag:s12], $0x800  }
0x67: {  	[sflag:s12] =	ssyncset.done @!p0 $0x0  }
0x68: {  	s13 =	simm.s32 @!p0 $0x8;
	[sflag:s12] =	ssyncadd.s32 @!p0 $0xFFFFF800  }
0x69: {  	_ =	swait.ge @!p0 [sflag:s13], $0x80  }
0x6a: {  	[sflag:s13] =	ssyncset.done @!p0 $0x0  }
0x6b: {  	[sflag:s13] =	ssyncadd.s32 @!p0 $0xFFFFFF80  }
0x6c: {  	_ =	swait.ge @!p0 [sflag:s12], $0x800  }
0x6d: {  	[sflag:s12] =	ssyncset.done @!p0 $0x0  }
0x6e: {  	[sflag:s12] =	ssyncadd.s32 @!p0 $0xFFFFF800  }
0x6f: {  	_ =	swait.ge @!p0 [sflag:s13], $0x80  }
0x70: {  	[sflag:s13] =	ssyncset.done @!p0 $0x0  }
0x71: {  	[sflag:s13] =	ssyncadd.s32 @!p0 $0xFFFFFF80  }
0x72: {  	_ =	swait.ge @!p0 [sflag:s12], $0x800  }
0x73: {  	[sflag:s12] =	ssyncset.done @!p0 $0x0  }
0x74: {  	[sflag:s12] =	ssyncadd.s32 @!p0 $0xFFFFF800  }
0x75: {  	_ =	swait.ge @!p0 [sflag:s13], $0x80  }
0x76: {  	[sflag:s13] =	ssyncset.done @!p0 $0x0  }
0x77: {  	[sflag:s13] =	ssyncadd.s32 @!p0 $0xFFFFFF80  }
0x78: {  	_ =	swait.ge @!p0 [sflag:s12], $0x800  }
0x79: {  	[sflag:s12] =	ssyncset.done @!p0 $0x0  }
0x7a: {  	[sflag:s12] =	ssyncadd.s32 @!p0 $0xFFFFF800  }
0x7b: {  	s19 =	sadd.s32 $0x0, s24;
	_ =	swait.ge @!p0 [sflag:s13], $0x80  }
0x7c: {  	s17 =	sadd.s32 $0x40, s19;
	[sflag:s13] =	ssyncset.done @!p0 $0x0  }
0x7d: {  	s10 =	simm.s32 $0x2400;
	[sflag:s13] =	ssyncadd.s32 @!p0 $0xFFFFFF80;
	s13 =	sadd.s32 $0x0, s25  }
0x7e: {  	[tilespmem:s10], [sflag:$0x2] =	stream.linear.gather [hbm4b:s17+s4], $0x200, $0x38;
	[tilespmem:$0x1F438] =	vst v63  }
0x7f: {  	s12 =	sadd.s32 $0x40, s13  }
0x80: {  	[tilespmem:s8], [sflag:$0x2] =	stream.linear.gather [hbm4b:s12+s4], $0x200, $0x38;
	[tilespmem:$0x1F438] =	vst v63  }
0x81: {  	_ = 	snop  }
0x82: {  	[spmem:s2] =	stream.indirect.scatter.add.f32 [tilespmem:s28], [sflag:$0x5], $0x10, s1, s22, $0xb8;
	[tilespmem:$0x1F438] =	vst v63  }
0x83: {  	_ = 	snop  }
0x84: {  	[spmem:s3] =	stream.indirect.scatter.add.f32 [tilespmem:s30], [sflag:$0x7], $0x1, s1, s22, $0xb8;
	[tilespmem:$0x1F438] =	vst v63  }
0x85: {  	s11 =	simm.s32 $0x280  }
0x86: {  	[spmem:s2] =	stream.indirect.scatter.add.f32 [tilespmem:s0], [sflag:$0x5], $0x10, s11, s22, $0xb8;
	[tilespmem:$0x1F438] =	vst v63  }
0x87: {  	_ = 	snop  }
0x88: {  	[spmem:s3] =	stream.indirect.scatter.add.f32 [tilespmem:s30], [sflag:$0x7], $0x1, s11, s22, $0xb8;
	[tilespmem:$0x1F438] =	vst v63  }
0x89: {  	s20 =	simm.s32 $0x300  }
0x8a: {  	[spmem:s2] =	stream.indirect.scatter.add.f32 [tilespmem:s6], [sflag:$0x5], $0x10, s20, s22, $0xb8;
	[tilespmem:$0x1F438] =	vst v63  }
0x8b: {  	_ = 	snop  }
0x8c: {  	[spmem:s3] =	stream.indirect.scatter.add.f32 [tilespmem:s30], [sflag:$0x7], $0x1, s20, s22, $0xb8;
	[tilespmem:$0x1F438] =	vst v63  }
0x8d: {  	s23 =	simm.s32 $0x380  }
0x8e: {  	[spmem:s2] =	stream.indirect.scatter.add.f32 [tilespmem:s9], [sflag:$0x5], $0x10, s23, s22, $0xb8;
	[tilespmem:$0x1F438] =	vst v63  }
0x8f: {  	_ = 	snop  }
0x90: {  	[spmem:s3] =	stream.indirect.scatter.add.f32 [tilespmem:s30], [sflag:$0x7], $0x1, s23, s22, $0xb8;
	[tilespmem:$0x1F438] =	vst v63  }
0x91: {  	_ =	swait.ge [sflag:s7], $0x200  }
0x92: {  	[sflag:s7] =	ssyncset.done $0x0  }
0x93: {  	[sflag:s7] =	ssyncadd.s32 $0xFFFFFE00  }
0x94: {  	_ =	swait.ge [sflag:s7], $0x200  }
0x95: {  	[sflag:s7] =	ssyncset.done $0x0  }
0x96: {  	s28 =	simm.s32 $0x2800;
	[sflag:s7] =	ssyncadd.s32 $0xFFFFFE00  }
0x97: {  	[tilespmem:s28], [sflag:$0x4] =	stream.indirect.gather [hbm4b:s5+s22], $0x10, s10, s22, $0xb8;
	[tilespmem:$0x1F438] =	vst v63  }
0x98: {  	s6 =	rddreg [dreg:$0x7];
	s10 =	simm.s32 $0x3000  }
0x99: {  	[tilespmem:s10], [sflag:$0x4] =	stream.indirect.gather [hbm4b:s5+s22], $0x10, s6, s22, $0xb8;
	[tilespmem:$0x1F438] =	vst v63  }
0x9a: {  	s9 =	rddreg [dreg:$0x8]  }
0x9b: {  	[tilespmem:s18], [sflag:$0x4] =	stream.indirect.gather [hbm4b:s5+s22], $0x10, s9, s22, $0xb8;
	[tilespmem:$0x1F438] =	vst v63  }
0x9c: {  	s0 =	simm.s32 $0x4000;
	s11 =	rddreg [dreg:$0x9]  }
0x9d: {  	[tilespmem:s0], [sflag:$0x4] =	stream.indirect.gather [hbm4b:s5+s22], $0x10, s11, s22, $0xb8;
	[tilespmem:$0x1F438] =	vst v63  }
0x9e: {  	_ =	swait.ge [sflag:s14], $0x800  }
0x9f: {  	[sflag:s14] =	ssyncset.done $0x0  }
0xa0: {  	[sflag:s14] =	ssyncadd.s32 $0xFFFFF800  }
0xa1: {  	_ =	swait.ge [sflag:s14], $0x800  }
0xa2: {  	[sflag:s14] =	ssyncset.done $0x0  }
0xa3: {  	[sflag:s14] =	ssyncadd.s32 $0xFFFFF800  }
0xa4: {  	_ =	swait.ge [sflag:s14], $0x800  }
0xa5: {  	[sflag:s14] =	ssyncset.done $0x0  }
0xa6: {  	[sflag:s14] =	ssyncadd.s32 $0xFFFFF800  }
0xa7: {  	_ =	swait.ge [sflag:s14], $0x800  }
0xa8: {  	[sflag:s14] =	ssyncset.done $0x0  }
0xa9: {  	[sflag:s14] =	ssyncadd.s32 $0xFFFFF800  }
0xaa: {  	_ =	swait.ge [sflag:s15], $0x800  }
0xab: {  	[sflag:s15] =	ssyncset.done $0x0  }
0xac: {  	[sflag:s15] =	ssyncadd.s32 $0xFFFFF800  }
0xad: {  	_ =	swait.ge [sflag:s16], $0x80  }
0xae: {  	[sflag:s16] =	ssyncset.done $0x0  }
0xaf: {  	[sflag:s16] =	ssyncadd.s32 $0xFFFFFF80  }
0xb0: {  	_ =	swait.ge [sflag:s15], $0x800  }
0xb1: {  	[sflag:s15] =	ssyncset.done $0x0  }
0xb2: {  	[sflag:s15] =	ssyncadd.s32 $0xFFFFF800  }
0xb3: {  	_ =	swait.ge [sflag:s16], $0x80  }
0xb4: {  	[sflag:s16] =	ssyncset.done $0x0  }
0xb5: {  	[sflag:s16] =	ssyncadd.s32 $0xFFFFFF80  }
0xb6: {  	_ =	swait.ge [sflag:s15], $0x800  }
0xb7: {  	[sflag:s15] =	ssyncset.done $0x0  }
0xb8: {  	[sflag:s15] =	ssyncadd.s32 $0xFFFFF800  }
0xb9: {  	_ =	swait.ge [sflag:s16], $0x80  }
0xba: {  	[sflag:s16] =	ssyncset.done $0x0  }
0xbb: {  	[sflag:s16] =	ssyncadd.s32 $0xFFFFFF80  }
0xbc: {  	_ =	swait.ge [sflag:s15], $0x800  }
0xbd: {  	[sflag:s15] =	ssyncset.done $0x0  }
0xbe: {  	[sflag:s15] =	ssyncadd.s32 $0xFFFFF800  }
0xbf: {  	_ =	swait.ge [sflag:s16], $0x80  }
0xc0: {  	[sflag:s16] =	ssyncset.done $0x0  }
0xc1: {  	s19 =	sadd.s32 $0x80, s19;
	[sflag:s16] =	ssyncadd.s32 $0xFFFFFF80  }
0xc2: {  	[tilespmem:s4], [sflag:$0x1] =	stream.linear.gather [hbm4b:s19+s4], $0x200, $0x38;
	[tilespmem:$0x1F438] =	vst v63  }
0xc3: {  	s20 =	sadd.s32 $0x80, s13  }
0xc4: {  	[tilespmem:s1], [sflag:$0x1] =	stream.linear.gather [hbm4b:s20+s4], $0x200, $0x38;
	[tilespmem:$0x1F438] =	vst v63  }
0xc5: {  	_ = 	snop  }
0xc6: {  	[spmem:s2] =	stream.indirect.scatter.add.f32 [tilespmem:s28], [sflag:$0x6], $0x10, s8, s22, $0xb8;
	[tilespmem:$0x1F438] =	vst v63  }
0xc7: {  	_ = 	snop  }
0xc8: {  	[spmem:s3] =	stream.indirect.scatter.add.f32 [tilespmem:s30], [sflag:$0x8], $0x1, s8, s22, $0xb8;
	[tilespmem:$0x1F438] =	vst v63  }
0xc9: {  	s1 =	simm.s32 $0x2680  }
0xca: {  	[spmem:s2] =	stream.indirect.scatter.add.f32 [tilespmem:s10], [sflag:$0x6], $0x10, s1, s22, $0xb8;
	[tilespmem:$0x1F438] =	vst v63  }
0xcb: {  	s23 =	rddreg [dreg:$0x4]  }
0xcc: {  	[spmem:s3] =	stream.indirect.scatter.add.f32 [tilespmem:s30], [sflag:$0x8], $0x1, s1, s22, $0xb8;
	[tilespmem:$0x1F438] =	vst v63  }
0xcd: {  	p0 =	sne.s32 s23, $0x80;
	s8 =	simm.s32 $0x2700  }
0xce: {  	[spmem:s2] =	stream.indirect.scatter.add.f32 [tilespmem:s18], [sflag:$0x6], $0x10, s8, s22, $0xb8;
	[tilespmem:$0x1F438] =	vst v63  }
.Ltmp2:
0xcf: {  	_ = 	snop;
	(pc) =	sbr.rel @!p0 .LBB2_7-.Ltmp2, $4  }
0xd0: {  	s31 =	simm.s32 $0x400  }
0xd1: {  	[spmem:s3] =	stream.indirect.scatter.add.f32 [tilespmem:s30], [sflag:$0x8], $0x1, s8, s22, $0xb8;
	[tilespmem:$0x1F438] =	vst v63  }
0xd2: {  	s12 =	simm.s32 $0x80;
	s13 =	simm.s32 $0x2780;
	s9 =	simm.s32 $0x2600  }
0xd3: {  	[spmem:s2] =	stream.indirect.scatter.add.f32 [tilespmem:s0], [sflag:$0x6], $0x10, s13, s22, $0xb8;
	[tilespmem:$0x1F438] =	vst v63  }
.LBB2_6:
0xd4: {  	[spmem:s3] =	stream.indirect.scatter.add.f32 [tilespmem:s30], [sflag:$0x8], $0x1, s13, s22, $0xb8;
	[tilespmem:$0x1F438] =	vst v63  }
0xd5: {  	_ =	swait.ge [sflag:s21], $0x200  }
0xd6: {  	[sflag:s21] =	ssyncset.done $0x0  }
0xd7: {  	[sflag:s21] =	ssyncadd.s32 $0xFFFFFE00  }
0xd8: {  	_ =	swait.ge [sflag:s21], $0x200  }
0xd9: {  	[sflag:s21] =	ssyncset.done $0x0  }
0xda: {  	[sflag:s21] =	ssyncadd.s32 $0xFFFFFE00  }
0xdb: {  	[tilespmem:s31], [sflag:$0x3] =	stream.indirect.gather [hbm4b:s5+s22], $0x10, s4, s22, $0xb8;
	[tilespmem:$0x1F438] =	vst v63  }
0xdc: {  	s20 =	simm.s32 $0xC00  }
0xdd: {  	[tilespmem:s20], [sflag:$0x3] =	stream.indirect.gather [hbm4b:s5+s22], $0x10, s22, s22, $0xb8;
	[tilespmem:$0x1F438] =	vst v63  }
0xde: {  	s11 =	simm.s32 $0x1400;
	s19 =	rddreg [dreg:$0x5]  }
0xdf: {  	[tilespmem:s11], [sflag:$0x3] =	stream.indirect.gather [hbm4b:s5+s22], $0x10, s19, s22, $0xb8;
	[tilespmem:$0x1F438] =	vst v63  }
0xe0: {  	s23 =	rddreg [dreg:$0x6];
	s19 =	simm.s32 $0x1C00  }
0xe1: {  	[tilespmem:s19], [sflag:$0x3] =	stream.indirect.gather [hbm4b:s5+s22], $0x10, s23, s22, $0xb8;
	[tilespmem:$0x1F438] =	vst v63  }
0xe2: {  	_ =	swait.ge [sflag:s26], $0x800  }
0xe3: {  	[sflag:s26] =	ssyncset.done $0x0  }
0xe4: {  	[sflag:s26] =	ssyncadd.s32 $0xFFFFF800  }
0xe5: {  	_ =	swait.ge [sflag:s26], $0x800  }
0xe6: {  	[sflag:s26] =	ssyncset.done $0x0  }
0xe7: {  	[sflag:s26] =	ssyncadd.s32 $0xFFFFF800  }
0xe8: {  	_ =	swait.ge [sflag:s26], $0x800  }
0xe9: {  	[sflag:s26] =	ssyncset.done $0x0  }
0xea: {  	[sflag:s26] =	ssyncadd.s32 $0xFFFFF800  }
0xeb: {  	s17 =	smov.u32 s12;
	_ =	swait.ge [sflag:s26], $0x800  }
0xec: {  	p0 =	seq.s32 s17, $0x0;
	[sflag:s26] =	ssyncset.done $0x0  }
0xed: {  	s13 =	simm.s32 @!p0 $0x6;
	[sflag:s26] =	ssyncadd.s32 $0xFFFFF800  }
0xee: {  	_ =	swait.ge @!p0 [sflag:s13], $0x800  }
0xef: {  	[sflag:s13] =	ssyncset.done @!p0 $0x0  }
0xf0: {  	s23 =	simm.s32 @!p0 $0x8;
	[sflag:s13] =	ssyncadd.s32 @!p0 $0xFFFFF800  }
0xf1: {  	_ =	swait.ge @!p0 [sflag:s23], $0x80  }
0xf2: {  	[sflag:s23] =	ssyncset.done @!p0 $0x0  }
0xf3: {  	[sflag:s23] =	ssyncadd.s32 @!p0 $0xFFFFFF80  }
0xf4: {  	_ =	swait.ge @!p0 [sflag:s13], $0x800  }
0xf5: {  	[sflag:s13] =	ssyncset.done @!p0 $0x0  }
0xf6: {  	[sflag:s13] =	ssyncadd.s32 @!p0 $0xFFFFF800  }
0xf7: {  	_ =	swait.ge @!p0 [sflag:s23], $0x80  }
0xf8: {  	[sflag:s23] =	ssyncset.done @!p0 $0x0  }
0xf9: {  	[sflag:s23] =	ssyncadd.s32 @!p0 $0xFFFFFF80  }
0xfa: {  	_ =	swait.ge @!p0 [sflag:s13], $0x800  }
0xfb: {  	[sflag:s13] =	ssyncset.done @!p0 $0x0  }
0xfc: {  	[sflag:s13] =	ssyncadd.s32 @!p0 $0xFFFFF800  }
0xfd: {  	_ =	swait.ge @!p0 [sflag:s23], $0x80  }
0xfe: {  	[sflag:s23] =	ssyncset.done @!p0 $0x0  }
0xff: {  	[sflag:s23] =	ssyncadd.s32 @!p0 $0xFFFFFF80  }
0x100: {  	_ =	swait.ge @!p0 [sflag:s13], $0x800  }
0x101: {  	[sflag:s13] =	ssyncset.done @!p0 $0x0  }
0x102: {  	[sflag:s13] =	ssyncadd.s32 @!p0 $0xFFFFF800  }
0x103: {  	_ =	swait.ge @!p0 [sflag:s23], $0x80  }
0x104: {  	s6 =	simm.s32 $0x2400;
	s13 =	sadd.s32 s17, s24;
	[sflag:s23] =	ssyncset.done @!p0 $0x0  }
0x105: {  	s17 =	sadd.s32 s17, s25;
	[sflag:s23] =	ssyncadd.s32 @!p0 $0xFFFFFF80;
	s23 =	sadd.s32 $0x40, s13  }
0x106: {  	[tilespmem:s6], [sflag:$0x2] =	stream.linear.gather [hbm4b:s23+s4], $0x200, $0x38;
	[tilespmem:$0x1F438] =	vst v63  }
0x107: {  	s23 =	sadd.s32 $0x40, s17  }
0x108: {  	[tilespmem:s9], [sflag:$0x2] =	stream.linear.gather [hbm4b:s23+s4], $0x200, $0x38;
	[tilespmem:$0x1F438] =	vst v63  }
0x109: {  	_ = 	snop  }
0x10a: {  	[spmem:s2] =	stream.indirect.scatter.add.f32 [tilespmem:s31], [sflag:$0x5], $0x10, s29, s22, $0xb8;
	[tilespmem:$0x1F438] =	vst v63  }
0x10b: {  	_ = 	snop  }
0x10c: {  	[spmem:s3] =	stream.indirect.scatter.add.f32 [tilespmem:s30], [sflag:$0x7], $0x1, s29, s22, $0xb8;
	[tilespmem:$0x1F438] =	vst v63  }
0x10d: {  	s23 =	simm.s32 $0x280  }
0x10e: {  	[spmem:s2] =	stream.indirect.scatter.add.f32 [tilespmem:s20], [sflag:$0x5], $0x10, s23, s22, $0xb8;
	[tilespmem:$0x1F438] =	vst v63  }
0x10f: {  	_ = 	snop  }
0x110: {  	[spmem:s3] =	stream.indirect.scatter.add.f32 [tilespmem:s30], [sflag:$0x7], $0x1, s23, s22, $0xb8;
	[tilespmem:$0x1F438] =	vst v63  }
0x111: {  	s23 =	simm.s32 $0x300  }
0x112: {  	[spmem:s2] =	stream.indirect.scatter.add.f32 [tilespmem:s11], [sflag:$0x5], $0x10, s23, s22, $0xb8;
	[tilespmem:$0x1F438] =	vst v63  }
0x113: {  	_ = 	snop  }
0x114: {  	[spmem:s3] =	stream.indirect.scatter.add.f32 [tilespmem:s30], [sflag:$0x7], $0x1, s23, s22, $0xb8;
	[tilespmem:$0x1F438] =	vst v63  }
0x115: {  	s23 =	simm.s32 $0x380  }
0x116: {  	[spmem:s2] =	stream.indirect.scatter.add.f32 [tilespmem:s19], [sflag:$0x5], $0x10, s23, s22, $0xb8;
	[tilespmem:$0x1F438] =	vst v63  }
0x117: {  	_ = 	snop  }
0x118: {  	[spmem:s3] =	stream.indirect.scatter.add.f32 [tilespmem:s30], [sflag:$0x7], $0x1, s23, s22, $0xb8;
	[tilespmem:$0x1F438] =	vst v63  }
0x119: {  	_ =	swait.ge [sflag:s7], $0x200  }
0x11a: {  	[sflag:s7] =	ssyncset.done $0x0  }
0x11b: {  	[sflag:s7] =	ssyncadd.s32 $0xFFFFFE00  }
0x11c: {  	_ =	swait.ge [sflag:s7], $0x200  }
0x11d: {  	[sflag:s7] =	ssyncset.done $0x0  }
0x11e: {  	[sflag:s7] =	ssyncadd.s32 $0xFFFFFE00  }
0x11f: {  	[tilespmem:s28], [sflag:$0x4] =	stream.indirect.gather [hbm4b:s5+s22], $0x10, s6, s22, $0xb8;
	[tilespmem:$0x1F438] =	vst v63  }
0x120: {  	s19 =	rddreg [dreg:$0x7]  }
0x121: {  	[tilespmem:s10], [sflag:$0x4] =	stream.indirect.gather [hbm4b:s5+s22], $0x10, s19, s22, $0xb8;
	[tilespmem:$0x1F438] =	vst v63  }
0x122: {  	s6 =	rddreg [dreg:$0x8]  }
0x123: {  	[tilespmem:s18], [sflag:$0x4] =	stream.indirect.gather [hbm4b:s5+s22], $0x10, s6, s22, $0xb8;
	[tilespmem:$0x1F438] =	vst v63  }
0x124: {  	s11 =	rddreg [dreg:$0x9]  }
0x125: {  	[tilespmem:s0], [sflag:$0x4] =	stream.indirect.gather [hbm4b:s5+s22], $0x10, s11, s22, $0xb8;
	[tilespmem:$0x1F438] =	vst v63  }
0x126: {  	_ =	swait.ge [sflag:s14], $0x800  }
0x127: {  	[sflag:s14] =	ssyncset.done $0x0  }
0x128: {  	[sflag:s14] =	ssyncadd.s32 $0xFFFFF800  }
0x129: {  	_ =	swait.ge [sflag:s14], $0x800  }
0x12a: {  	[sflag:s14] =	ssyncset.done $0x0  }
0x12b: {  	[sflag:s14] =	ssyncadd.s32 $0xFFFFF800  }
0x12c: {  	_ =	swait.ge [sflag:s14], $0x800  }
0x12d: {  	[sflag:s14] =	ssyncset.done $0x0  }
0x12e: {  	[sflag:s14] =	ssyncadd.s32 $0xFFFFF800  }
0x12f: {  	_ =	swait.ge [sflag:s14], $0x800  }
0x130: {  	[sflag:s14] =	ssyncset.done $0x0  }
0x131: {  	[sflag:s14] =	ssyncadd.s32 $0xFFFFF800  }
0x132: {  	_ =	swait.ge [sflag:s15], $0x800  }
0x133: {  	[sflag:s15] =	ssyncset.done $0x0  }
0x134: {  	[sflag:s15] =	ssyncadd.s32 $0xFFFFF800  }
0x135: {  	_ =	swait.ge [sflag:s16], $0x80  }
0x136: {  	[sflag:s16] =	ssyncset.done $0x0  }
0x137: {  	[sflag:s16] =	ssyncadd.s32 $0xFFFFFF80  }
0x138: {  	_ =	swait.ge [sflag:s15], $0x800  }
0x139: {  	[sflag:s15] =	ssyncset.done $0x0  }
0x13a: {  	[sflag:s15] =	ssyncadd.s32 $0xFFFFF800  }
0x13b: {  	_ =	swait.ge [sflag:s16], $0x80  }
0x13c: {  	[sflag:s16] =	ssyncset.done $0x0  }
0x13d: {  	[sflag:s16] =	ssyncadd.s32 $0xFFFFFF80  }
0x13e: {  	_ =	swait.ge [sflag:s15], $0x800  }
0x13f: {  	[sflag:s15] =	ssyncset.done $0x0  }
0x140: {  	[sflag:s15] =	ssyncadd.s32 $0xFFFFF800  }
0x141: {  	_ =	swait.ge [sflag:s16], $0x80  }
0x142: {  	[sflag:s16] =	ssyncset.done $0x0  }
0x143: {  	[sflag:s16] =	ssyncadd.s32 $0xFFFFFF80  }
0x144: {  	_ =	swait.ge [sflag:s15], $0x800  }
0x145: {  	[sflag:s15] =	ssyncset.done $0x0  }
0x146: {  	[sflag:s15] =	ssyncadd.s32 $0xFFFFF800  }
0x147: {  	_ =	swait.ge [sflag:s16], $0x80  }
0x148: {  	[sflag:s16] =	ssyncset.done $0x0  }
0x149: {  	s13 =	sadd.s32 $0x80, s13;
	s20 =	smov.u32 s24;
	[sflag:s16] =	ssyncadd.s32 $0xFFFFFF80  }
0x14a: {  	[tilespmem:s4], [sflag:$0x1] =	stream.linear.gather [hbm4b:s13+s4], $0x200, $0x38;
	[tilespmem:$0x1F438] =	vst v63  }
0x14b: {  	s24 =	smov.u32 s20;
	s20 =	sadd.s32 $0x80, s17;
	s28 =	smov.u32 s25  }
0x14c: {  	[tilespmem:s29], [sflag:$0x1] =	stream.linear.gather [hbm4b:s20+s4], $0x200, $0x38;
	[tilespmem:$0x1F438] =	vst v63  }
0x14d: {  	s25 =	smov.u32 s28;
	s28 =	simm.s32 $0x2800  }
0x14e: {  	[spmem:s2] =	stream.indirect.scatter.add.f32 [tilespmem:s28], [sflag:$0x6], $0x10, s9, s22, $0xb8;
	[tilespmem:$0x1F438] =	vst v63  }
0x14f: {  	_ = 	snop  }
0x150: {  	[spmem:s3] =	stream.indirect.scatter.add.f32 [tilespmem:s30], [sflag:$0x8], $0x1, s9, s22, $0xb8;
	[tilespmem:$0x1F438] =	vst v63  }
0x151: {  	_ = 	snop  }
0x152: {  	[spmem:s2] =	stream.indirect.scatter.add.f32 [tilespmem:s10], [sflag:$0x6], $0x10, s1, s22, $0xb8;
	[tilespmem:$0x1F438] =	vst v63  }
0x153: {  	s12 =	sadd.s32 $0x80, s12;
	s19 =	rddreg [dreg:$0x4]  }
0x154: {  	[spmem:s3] =	stream.indirect.scatter.add.f32 [tilespmem:s30], [sflag:$0x8], $0x1, s1, s22, $0xb8;
	[tilespmem:$0x1F438] =	vst v63  }
0x155: {  	p0 =	sne.s32 s19, s12  }
0x156: {  	[spmem:s2] =	stream.indirect.scatter.add.f32 [tilespmem:s18], [sflag:$0x6], $0x10, s8, s22, $0xb8;
	[tilespmem:$0x1F438] =	vst v63  }
.Ltmp3:
0x157: {  	_ = 	snop;
	(pc) =	sbr.rel @p0 .LBB2_6-.Ltmp3, $4  }
0x158: {  	_ = 	snop  }
0x159: {  	[spmem:s3] =	stream.indirect.scatter.add.f32 [tilespmem:s30], [sflag:$0x8], $0x1, s8, s22, $0xb8;
	[tilespmem:$0x1F438] =	vst v63  }
0x15a: {  	s13 =	simm.s32 $0x2780  }
0x15b: {  	[spmem:s2] =	stream.indirect.scatter.add.f32 [tilespmem:s0], [sflag:$0x6], $0x10, s13, s22, $0xb8;
	[tilespmem:$0x1F438] =	vst v63  }
.LBB2_7:
0x15c: {  	[spmem:s3] =	stream.indirect.scatter.add.f32 [tilespmem:s30], [sflag:$0x8], $0x1, s13, s22, $0xb8;
	[tilespmem:$0x1F438] =	vst v63  }
0x15d: {  	s0 =	simm.s32 $0x6  }
0x15e: {  	_ =	swait.ge [sflag:s0], $0x800  }
0x15f: {  	[sflag:s0] =	ssyncset.done $0x0  }
0x160: {  	s1 =	simm.s32 $0x8;
	[sflag:s0] =	ssyncadd.s32 $0xFFFFF800  }
0x161: {  	_ =	swait.ge [sflag:s1], $0x80  }
0x162: {  	[sflag:s1] =	ssyncset.done $0x0  }
0x163: {  	[sflag:s1] =	ssyncadd.s32 $0xFFFFFF80  }
0x164: {  	_ =	swait.ge [sflag:s0], $0x800  }
0x165: {  	[sflag:s0] =	ssyncset.done $0x0  }
0x166: {  	[sflag:s0] =	ssyncadd.s32 $0xFFFFF800  }
0x167: {  	_ =	swait.ge [sflag:s1], $0x80  }
0x168: {  	[sflag:s1] =	ssyncset.done $0x0  }
0x169: {  	[sflag:s1] =	ssyncadd.s32 $0xFFFFFF80  }
0x16a: {  	_ =	swait.ge [sflag:s0], $0x800  }
0x16b: {  	[sflag:s0] =	ssyncset.done $0x0  }
0x16c: {  	[sflag:s0] =	ssyncadd.s32 $0xFFFFF800  }
0x16d: {  	_ =	swait.ge [sflag:s1], $0x80  }
0x16e: {  	[sflag:s1] =	ssyncset.done $0x0  }
0x16f: {  	[sflag:s1] =	ssyncadd.s32 $0xFFFFFF80  }
0x170: {  	_ =	swait.ge [sflag:s0], $0x800  }
0x171: {  	[sflag:s0] =	ssyncset.done $0x0  }
0x172: {  	[sflag:s0] =	ssyncadd.s32 $0xFFFFF800  }
0x173: {  	_ =	swait.ge [sflag:s1], $0x80  }
0x174: {  	[sflag:s1] =	ssyncset.done $0x0  }
0x175: {  	[sflag:s1] =	ssyncadd.s32 $0xFFFFFF80  }
0x176: {  	_ =	swait.ge [sflag:s21], $0x200  }
0x177: {  	[sflag:s21] =	ssyncset.done $0x0  }
0x178: {  	[sflag:s21] =	ssyncadd.s32 $0xFFFFFE00  }
0x179: {  	_ =	swait.ge [sflag:s21], $0x200  }
0x17a: {  	[sflag:s21] =	ssyncset.done $0x0  }
0x17b: {  	[sflag:s21] =	ssyncadd.s32 $0xFFFFFE00  }
0x17c: {  	s12 =	stileid.u32;
	[bflag:$0x0] =	sbarrier.arrive $0xFFFF  }
0x17d: {  	s31 =	simm.s32 $0x9;
	s12 =	sshll.u32 s12, $0x6;
	s17 =	rddreg [dreg:$0xa]  }
0x17e: {  	s12 =	sor.u32 $0x1C09, s12;
	s23 =	rddreg [dreg:$0x10];
	s10 =	sshrl.u32 s17, $0x3  }
0x17f: {  	[hbm:s23], [sflag:s12] =	dma.local [spmem:s10], $0x30E0  }
0x180: {  	_ =	swait.ge [sflag:s31], $0x30E0  }
0x181: {  	[sflag:s31] =	ssyncset.done $0x0;
	s23 =	rddreg [dreg:$0xe]  }
0x182: {  	s28 =	rddreg [dreg:$0x11];
	[sflag:s31] =	ssyncadd.s32 $0xFFFFCF20;
	s11 =	sshrl.u32 s23, $0x3  }
0x183: {  	[hbm:s28], [sflag:s12] =	dma.local [spmem:s11], $0x30E  }
0x184: {  	_ =	swait.ge [sflag:s31], $0x30E  }
0x185: {  	s19 =	rddreg [dreg:$0x13]  }
0x186: {  	s20 =	rddreg [dreg:$0x12];
	s0 =	sadd.s32 $0x1, s19  }
0x187: {  	p0 =	sne.s32 s0, s20  }
.Ltmp4:
0x188: {  	_ = 	snop;
	(pc) =	sbr.rel @p0 .LBB2_1-.Ltmp4, $3  }
0x189: {  	_ =	sdelay $0x1  }
0x18a: {  	s8 =	simm.s32 $0x2600;
	[sflag:s31] =	ssyncset.done $0x0  }
0x18b: {  	s1 =	simm.s32 $0x200;
	s28 =	simm.s32 $0x400;
	[sflag:s31] =	ssyncadd.s32 $0xFFFFFCF2  }
0x18c: {  	_ =	sfence.sel $0x180000  }
0x18d: {  	[bflag:$0x0] =	sbarrier.arrive $0xFFFF  }
0x18e: {  	_ =	strace $0x90000047  }
0x18f: {  	s0 =	stileid.u32;
	[bflag:$0x2] =	sbarrier.arrive $0xFFFF  }
0x190: {  	p0 =	sne.s32 s0, $0x0;
	s0 =	rddreg [dreg:$0x3]  }
0x191: {  	s0 =	sadd.s32 @!p0 $0x100000, s0  }
0x192: {  	[sflag:s0] =	ssyncadd.tile.s32 @!p0 $0x1;
	_ =	shalt  }
.Lfunc_end2:
_tile_overlayer_lowered:
.L_overlay_start_2:
0x193: {  	(tag) =	ssettag $0x2  }
0x194: {  	s0 =	rddreg [dreg:$0x0];
	s2 =	stileid.u32  }
0x195: {  	s1 =	rddreg [dreg:$0x1];
	p0 =	sne.s32 s2, $0x0  }
0x196: {  	s3 =	rddreg [dreg:$0x2];
	[bflag:$0x3] =	sbarrier.arrive $0xFFFF;
	s2 =	simm.s32 @!p0 $0x1C09  }
0x197: {  	[timem:s3], [sflag:s2] =	dma.local @!p0 [hbm:s0], s1  }
0x198: {  	s0 =	simm.s32 @!p0 $0x9  }
0x199: {  	_ =	swait.ge @!p0 [sflag:s0], s1  }
0x19a: {  	s1 =	ssub.s32 @!p0 $0x0, s1;
	[sflag:s0] =	ssyncset.done @!p0 $0x0  }
0x19b: {  	[sflag:s0] =	ssyncadd.s32 @!p0 s1  }
0x19c: {  	[bflag:$0x3] =	sbarrier.arrive $0xFFFF  }
0x19d: {  	_ =	shalt  }

</sc_bundles>
